<compile_context>
chip_gen: v7x
topology: tpu7x:2x2x1
jax: 0.10.2.dev20260603
libtpu: 0.0.44.dev20260713+nightly
codegen_flags: <defaults>
</compile_context>

<pallas_src>
import functools

import jax
import jax.numpy as jnp
from jax import lax
from jax.experimental import pallas as pl
from jax.experimental.pallas import tpu as pltpu
from jax.experimental.pallas import tpu_sc as plsc

N = 10000
E = 320000
D = 128
LG = 16
NC = 2
NS = 16
NW = NC * NS
PER_W = E // NW
K = 80
STEPS = PER_W // K
KS = 64
NCH = E // KS
SCH = 8
NSC = NCH // SCH
HR = N // NC
AROWS = 5056
NSLAB = AROWS // KS

f32 = jnp.float32



def _proj_body(nf_ref, ws_ref, wd_ref, sp_ref, dp_ref):
    nf = nf_ref[...]
    sp_ref[...] = jnp.dot(nf, ws_ref[...], preferred_element_type=f32)
    dp_ref[...] = jnp.dot(nf, wd_ref[...], preferred_element_type=f32)


def _node_proj(nf, ws, wd):
    bn = 2000
    return pl.pallas_call(
        _proj_body,
        grid=(N // bn,),
        in_specs=[pl.BlockSpec((bn, D), lambda i: (i, 0)),
                  pl.BlockSpec((D, D), lambda i: (0, 0)),
                  pl.BlockSpec((D, D), lambda i: (0, 0))],
        out_specs=[pl.BlockSpec((bn, D), lambda i: (i, 0)),
                   pl.BlockSpec((bn, D), lambda i: (i, 0))],
        out_shape=[jax.ShapeDtypeStruct((N, D), f32)] * 2,
        compiler_params=pltpu.CompilerParams(
            dimension_semantics=("parallel",)),
    )(nf, ws, wd)



def _gather_body(sproj, dproj, src_idx, dst_idx, out,
                 si0, di0, si1, di1, si2, di2,
                 srow0, drow0, srow1, drow1, srow2, drow2,
                 sa0, sb0, sa1, sb1, sa2, sb2):
    c = lax.axis_index("c")
    s = lax.axis_index("s")
    wid = s * NC + c
    base = wid * PER_W
    si = (si0, si1, si2)
    di = (di0, di1, di2)
    srow = (srow0, srow1, srow2)
    drow = (drow0, drow1, drow2)
    sa = (sa0, sa1, sa2)
    sb = (sb0, sb1, sb2)

    def issue(b, off):
        pltpu.sync_copy(src_idx.at[pl.ds(off, K)], si[b])
        pltpu.sync_copy(dst_idx.at[pl.ds(off, K)], di[b])
        pltpu.async_copy(sproj.at[si[b]], srow[b], sa[b])
        pltpu.async_copy(dproj.at[di[b]], drow[b], sb[b])

    def consume(b, off):
        pltpu.make_async_copy(sproj.at[si[b]], srow[b], sa[b]).wait()
        pltpu.make_async_copy(dproj.at[di[b]], drow[b], sb[b]).wait()

        @pl.loop(0, K)
        def _row(r):
            for j in range(D // LG):
                sl = pl.ds(j * LG, LG)
                srow[b][r, sl] = srow[b][r, sl] + drow[b][r, sl]

        pltpu.sync_copy(srow[b], out.at[pl.ds(off, K)])

    def off_at(t):
        return pl.multiple_of(base + t * K, 8)

    issue(0, off_at(0))
    issue(1, off_at(1))

    @pl.loop(0, (STEPS - 2) // 3)
    def _step(p):
        t0 = 3 * p
        for d in range(3):
            issue((d + 2) % 3, off_at(t0 + d + 2))
            consume(d, off_at(t0 + d))

    consume(0, off_at(STEPS - 2))
    consume(1, off_at(STEPS - 1))


def _edge_gather(sproj, dproj, src_idx, dst_idx):
    mesh = plsc.VectorSubcoreMesh(core_axis_name="c", subcore_axis_name="s")
    return pl.kernel(
        _gather_body,
        out_type=jax.ShapeDtypeStruct((E, D), f32),
        mesh=mesh,
        scratch_types=(
            [pltpu.VMEM((K,), jnp.int32)] * 6
            + [pltpu.VMEM((K, D), f32)] * 6
            + [pltpu.SemaphoreType.DMA] * 6
        ),
    )(sproj, dproj, src_idx, dst_idx)



def _edge_body(gs_ref, ef_ref, w1m, b1, w2, b2, ew1, eb1, ew2, eb2,
               msg_ref, eo_ref):
    ef = ef_ref[...]
    h1 = gs_ref[...] + jnp.dot(ef, w1m[...], preferred_element_type=f32) + b1[...]
    h1 = h1 * jax.nn.sigmoid(h1)
    m = jnp.dot(h1, w2[...], preferred_element_type=f32) + b2[...]
    msg_ref[...] = m
    h2 = jnp.dot(m, ew1[...], preferred_element_type=f32) + eb1[...]
    h2 = h2 * jax.nn.sigmoid(h2)
    eo_ref[...] = ef + jnp.dot(h2, ew2[...], preferred_element_type=f32) + eb2[...]


def _edge_mlp(gsum, ef, w1m, b1, w2, b2, ew1, eb1, ew2, eb2):
    be = 2560
    full = lambda i: (0, 0)
    return pl.pallas_call(
        _edge_body,
        grid=(E // be,),
        in_specs=[pl.BlockSpec((be, D), lambda i: (i, 0)),
                  pl.BlockSpec((be, D), lambda i: (i, 0)),
                  pl.BlockSpec((D, D), full),
                  pl.BlockSpec((1, D), full),
                  pl.BlockSpec((D, D), full),
                  pl.BlockSpec((1, D), full),
                  pl.BlockSpec((D, D), full),
                  pl.BlockSpec((1, D), full),
                  pl.BlockSpec((D, D), full),
                  pl.BlockSpec((1, D), full)],
        out_specs=[pl.BlockSpec((be, D), lambda i: (i, 0)),
                   pl.BlockSpec((be, D), lambda i: (i, 0))],
        out_shape=[jax.ShapeDtypeStruct((E, D), f32)] * 2,
        compiler_params=pltpu.CompilerParams(
            dimension_semantics=("parallel",)),
    )(gsum, ef, w1m, b1, w2, b2, ew1, eb1, ew2, eb2)



def _scatter_body(msg, dst_idx, aggp,
                  mbuf, ibuf, icbuf, agg_sh):
    c = lax.axis_index("c")
    s = lax.axis_index("s")
    nbase = c * HR

    @pl.loop(0, KS)
    def _init(r):
        for j in range(D // LG):
            mbuf[r, pl.ds(j * LG, LG)] = jnp.zeros((LG,), f32)

    for q in range(-(-NSLAB // NS)):
        slab = s + q * NS

        @pl.when(slab < NSLAB)
        def _zslab():
            zo = pl.multiple_of(slab * KS, 8)
            pltpu.sync_copy(mbuf, agg_sh.at[pl.ds(zo, KS)])

    plsc.subcore_barrier()

    @pl.loop(0, -(-NCH // NS))
    def _step(q):
        ch = q * NS + s

        @pl.when(ch < NCH)
        def _chunk():
            off = pl.multiple_of(ch * KS, 8)
            pltpu.sync_copy(dst_idx.at[pl.ds(off, KS)], ibuf)
            pltpu.sync_copy(msg.at[pl.ds(off, KS)], mbuf)

            @pl.loop(0, KS // LG)
            def _tx(j):
                sl = pl.ds(j * LG, LG)
                v = ibuf[sl]
                rel = v - nbase
                ok = (rel >= 0) & (rel < HR)
                icbuf[sl] = jnp.where(ok, rel, -1)

            pltpu.sync_copy(
                mbuf, agg_sh.at[plsc.Indices(icbuf, ignored_value=-1)],
                add=True)

    plsc.subcore_barrier()

    for q in range(-(-NSLAB // NS)):
        slab = s + q * NS

        @pl.when(slab < NSLAB)
        def _wslab():
            wo = pl.multiple_of(slab * KS, 8)
            pltpu.sync_copy(agg_sh.at[pl.ds(wo, KS)], aggp.at[c, pl.ds(wo, KS)])


def _scatter(msg, dst_idx):
    mesh = plsc.VectorSubcoreMesh(core_axis_name="c", subcore_axis_name="s")
    return pl.kernel(
        _scatter_body,
        out_type=jax.ShapeDtypeStruct((NC, AROWS, D), f32),
        mesh=mesh,
        scratch_types=[
            pltpu.VMEM((KS, D), f32),
            pltpu.VMEM((KS,), jnp.int32),
            pltpu.VMEM((KS,), jnp.int32),
            pltpu.VMEM_SHARED((AROWS, D), f32),
        ],
    )(msg, dst_idx)



def _count_body(dst_idx, cntp, obuf, ibuf, icbuf, sem, cnt_sh):
    c = lax.axis_index("c")
    s = lax.axis_index("s")
    nbase = c * HR

    @pl.loop(0, KS)
    def _init(r):
        for j in range(D // LG):
            obuf[r, pl.ds(j * LG, LG)] = jnp.zeros((LG,), f32)

    for q in range(-(-NSLAB // NS)):
        slab = s + q * NS

        @pl.when(slab < NSLAB)
        def _zslab():
            zo = pl.multiple_of(slab * KS, 8)
            pltpu.sync_copy(obuf, cnt_sh.at[pl.ds(zo, KS)])

    @pl.loop(0, KS)
    def _setones(r):
        for j in range(D // LG):
            obuf[r, pl.ds(j * LG, LG)] = jnp.ones((LG,), f32)

    plsc.subcore_barrier()

    @pl.loop(0, -(-NSC // NS))
    def _step(q):
        sc_i = q * NS + s

        @pl.when(sc_i < NSC)
        def _chunk():
            off = pl.multiple_of(sc_i * SCH * KS, 8)
            pltpu.sync_copy(dst_idx.at[pl.ds(off, SCH * KS)], ibuf)

            @pl.loop(0, SCH)
            def _tx(jj):
                for k in range(KS // LG):
                    v = ibuf[pl.ds(jj * KS + k * LG, LG)]
                    rel = v - nbase
                    ok = (rel >= 0) & (rel < HR)
                    icbuf[jj, pl.ds(k * LG, LG)] = (
                        jnp.where(ok, rel, HR + (v & (LG - 1))))

            for j in range(SCH):
                pltpu.async_copy(obuf, cnt_sh.at[icbuf.at[j]], sem, add=True)
            for j in range(SCH):
                pltpu.make_async_copy(
                    obuf, cnt_sh.at[icbuf.at[j]], sem).wait()

    plsc.subcore_barrier()

    for q in range(-(-NSLAB // NS)):
        slab = s + q * NS

        @pl.when(slab < NSLAB)
        def _wslab():
            wo = pl.multiple_of(slab * KS, 8)
            pltpu.sync_copy(cnt_sh.at[pl.ds(wo, KS)], cntp.at[c, pl.ds(wo, KS)])


def _count(dst_idx):
    mesh = plsc.VectorSubcoreMesh(core_axis_name="c", subcore_axis_name="s")
    return pl.kernel(
        _count_body,
        out_type=jax.ShapeDtypeStruct((NC, AROWS, D), f32),
        mesh=mesh,
        scratch_types=[
            pltpu.VMEM((KS, D), f32),
            pltpu.VMEM((SCH * KS,), jnp.int32),
            pltpu.VMEM((SCH, KS), jnp.int32),
            pltpu.SemaphoreType.DMA,
            pltpu.VMEM_SHARED((AROWS, D), f32),
        ],
    )(dst_idx)



def _node_body(aggp, cntp, nf, w1, b1, w2, b2, g, bta, out):
    cnt = jnp.maximum(cntp[:, 0:1], 1.0)
    agg = aggp[...] / cnt
    h = jnp.dot(agg, w1[...], preferred_element_type=f32) + b1[...]
    h = h * jax.nn.sigmoid(h)
    x = nf[...] + jnp.dot(h, w2[...], preferred_element_type=f32) + b2[...]
    mu = jnp.mean(x, axis=-1, keepdims=True)
    var = jnp.mean((x - mu) ** 2, axis=-1, keepdims=True)
    out[...] = (x - mu) * lax.rsqrt(var + 1e-5) * g[...] + bta[...]


def _node_mlp(aggp, cntp, nf, w1, b1, w2, b2, g, bta):
    bn = 2000
    full = lambda i: (0, 0)
    return pl.pallas_call(
        _node_body,
        grid=(N // bn,),
        in_specs=[pl.BlockSpec((bn, D), lambda i: (i, 0)),
                  pl.BlockSpec((bn, D), lambda i: (i, 0)),
                  pl.BlockSpec((bn, D), lambda i: (i, 0)),
                  pl.BlockSpec((D, D), full),
                  pl.BlockSpec((1, D), full),
                  pl.BlockSpec((D, D), full),
                  pl.BlockSpec((1, D), full),
                  pl.BlockSpec((1, D), full),
                  pl.BlockSpec((1, D), full)],
        out_specs=pl.BlockSpec((bn, D), lambda i: (i, 0)),
        out_shape=jax.ShapeDtypeStruct((N, D), f32),
        compiler_params=pltpu.CompilerParams(
            dimension_semantics=("parallel",)),
    )(aggp, cntp, nf, w1, b1, w2, b2, g, bta)



def kernel(node_feat, edge_feat, edge_index, node_mask, edge_mask,
           tW1, tb1, tW2, tb2, nW1, nb1, nW2, nb2, eW1, eb1, eW2, eb2,
           gamma, beta):
    nf = node_feat[0]
    ef = edge_feat[0]
    src = edge_index[0, 0]
    dst = edge_index[0, 1]

    sproj, dproj = _node_proj(nf, tW1[:D], tW1[2 * D:])
    gsum = _edge_gather(sproj, dproj, src, dst)
    cntp = _count(dst)
    msg, edge_out = _edge_mlp(
        gsum, ef, tW1[D:2 * D], tb1.reshape(1, D), tW2, tb2.reshape(1, D),
        eW1, eb1.reshape(1, D), eW2, eb2.reshape(1, D))
    aggp = _scatter(msg, dst)
    agg_full = jnp.concatenate([aggp[0, :HR], aggp[1, :HR]], axis=0)
    cnt_full = jnp.concatenate([cntp[0, :HR], cntp[1, :HR]], axis=0)
    node_out = _node_mlp(
        agg_full, cnt_full,
        nf, nW1, nb1.reshape(1, D), nW2, nb2.reshape(1, D),
        gamma.reshape(1, D), beta.reshape(1, D))
    return (node_out[None], edge_out[None])

# --- scband reference (transcript-rebuilt; emitter-appended) ---
"""Pipeline reference for scband-triplet-gcnlayer-2963527434557 (READ-ONLY COPY).

The authoritative reference and input builder live on the scoring server;
editing this copy changes nothing except your own understanding.
"""

import jax, jax.numpy as jnp
import numpy as np

B, N, E, D = 1, 10000, 320000, 128


def _lin_params(k, fin, fout):
    kw, kb = jax.random.split(k)
    W = jax.random.normal(kw, (fin, fout), dtype=jnp.float32) / np.sqrt(fin)
    b = jax.random.normal(kb, (fout,), dtype=jnp.float32) * 0.01
    return W, b


def setup_inputs(seed: int = 0) -> dict:
    key = jax.random.key(seed)
    ks = jax.random.split(key, 12)
    node_feat = jax.random.normal(ks[0], (B, N, D), dtype=jnp.float32)
    edge_feat = jax.random.normal(ks[1], (B, E, D), dtype=jnp.float32)
    edge_index = jax.random.randint(ks[2], (B, 2, E), 0, N, dtype=jnp.int32)
    node_mask = jnp.ones((B, N), dtype=bool)
    edge_mask = jnp.ones((B, E), dtype=bool)
    tW1, tb1 = _lin_params(ks[3], 3 * D, D)
    tW2, tb2 = _lin_params(ks[4], D, D)
    nW1, nb1 = _lin_params(ks[5], D, D)
    nW2, nb2 = _lin_params(ks[6], D, D)
    eW1, eb1 = _lin_params(ks[7], D, D)
    eW2, eb2 = _lin_params(ks[8], D, D)
    gamma = jnp.ones((D,), dtype=jnp.float32)
    beta = jnp.zeros((D,), dtype=jnp.float32)
    return {
        "node_feat": node_feat, "edge_feat": edge_feat, "edge_index": edge_index,
        "node_mask": node_mask, "edge_mask": edge_mask,
        "tW1": tW1, "tb1": tb1, "tW2": tW2, "tb2": tb2,
        "nW1": nW1, "nb1": nb1, "nW2": nW2, "nb2": nb2,
        "eW1": eW1, "eb1": eb1, "eW2": eW2, "eb2": eb2,
        "gamma": gamma, "beta": beta,
    }


def _silu(x):
    return x * jax.nn.sigmoid(x)


def _mlp(x, W1, b1, W2, b2):
    return _silu(x @ W1 + b1) @ W2 + b2


def reference(node_feat, edge_feat, edge_index, node_mask, edge_mask,
              tW1, tb1, tW2, tb2, nW1, nb1, nW2, nb2, eW1, eb1, eW2, eb2,
              gamma, beta):
    src_idx = edge_index[:, 0, :]
    dst_idx = edge_index[:, 1, :]
    src_g = jnp.broadcast_to(src_idx[:, :, None], (B, E, D))
    dst_g = jnp.broadcast_to(dst_idx[:, :, None], (B, E, D))
    src_feat = jnp.take_along_axis(node_feat, src_g, axis=1)
    dst_feat = jnp.take_along_axis(node_feat, dst_g, axis=1)
    triplet = jnp.concatenate([src_feat, edge_feat, dst_feat], axis=-1)
    em = edge_mask[:, :, None].astype(jnp.float32)
    msg = _mlp(triplet, tW1, tb1, tW2, tb2) * em
    edge_out = edge_feat + _mlp(msg, eW1, eb1, eW2, eb2)
    bidx = jnp.broadcast_to(jnp.arange(B)[:, None], (B, E))
    agg = jnp.zeros((B, N, D), dtype=jnp.float32).at[bidx, dst_idx].add(msg)
    counts = jnp.zeros((B, N), dtype=jnp.float32).at[bidx, dst_idx].add(edge_mask.astype(jnp.float32))
    counts = jnp.clip(counts, 1.0)[:, :, None]
    agg = agg / counts
    nm = node_mask[:, :, None].astype(jnp.float32)
    node_out = node_feat + _mlp(agg, nW1, nb1, nW2, nb2) * nm
    mean = jnp.mean(node_out, axis=-1, keepdims=True)
    var = jnp.var(node_out, axis=-1, keepdims=True)
    node_out = (node_out - mean) / jnp.sqrt(var + 1e-5) * gamma + beta
    return (node_out, edge_out)

if __name__ == "__main__":
    import jax
    _d = setup_inputs()
    print(jax.jit(kernel)(*tuple(_d.values())))

</pallas_src>

<mosaic_0001>
#map = affine_map<(d0, d1) -> (0)>
#map1 = affine_map<(d0, d1) -> (0, 0, 0)>
module attributes {stable_mosaic.version = 14 : i64} {
  func.func @_count_body(%arg0: i32, %arg1: i32, %arg2: memref<320000xi32, #tpu.memory_space<hbm>>, %arg3: memref<2x5056x128xf32, #tpu.memory_space<hbm>>, %arg4: memref<64x128xf32, #tpu.memory_space<vmem>>, %arg5: memref<512xi32, #tpu.memory_space<vmem>>, %arg6: memref<8x64xi32, #tpu.memory_space<vmem>>, %arg7: memref<!tpu.dma_semaphore, #tpu.memory_space<semaphore_mem>>, %arg8: memref<5056x128xf32, #tpu.memory_space<vmem_shared>>) attributes {dimension_semantics = [#tpu.dimension_semantics<core_parallel>, #tpu.dimension_semantics<subcore_parallel>], iteration_bounds = array<i64: 2, 16>, scalar_prefetch = 0 : i64, scratch_operands = 5 : i64, tpu.core_type = #tpu.core_type<sc_vector_subcore>, window_params = [{transform_indices = #map}, {transform_indices = #map1}]} {
    %mul3A = arith.constant 5000 : i32
    %mul3A_0 = arith.muli %arg0, %mul3A : i32
    %scan3A = arith.constant 0 : i32
    %scan3A_1 = arith.constant 64 : i32
    %scan3A_2 = arith.addi %scan3A, %scan3A_1 : i32
    %scan3A_3 = arith.constant 1 : i32
    scf.for %scan3A_82 = %scan3A to %scan3A_2 step %scan3A_3  : i32 {
      %mul3A_83 = arith.constant 1 : i32
      %mul3A_84 = arith.muli %scan3A_82, %mul3A_83 : i32
      %add3A_85 = arith.constant 0 : i32
      %add3A_86 = arith.addi %add3A_85, %mul3A_84 : i32
      %broadcast_in_dim3A = arith.constant 0.000000e+00 : f32
      %broadcast_in_dim3A_87 = vector.broadcast %broadcast_in_dim3A : f32 to vector<16xf32>
      %swap3A = arith.index_cast %add3A_86 : i32 to index
      %swap3A_88 = arith.constant 0 : index
      %swap3A_89 = tpu.vector_load %arg4[%swap3A, %swap3A_88] {strides = array<i32>} : memref<64x128xf32, #tpu.memory_space<vmem>>, vector<1x16xf32>,
      %swap3A_90 = vector.shape_cast %swap3A_89 : vector<1x16xf32> to vector<16xf32>
      %swap3A_91 = vector.shape_cast %broadcast_in_dim3A_87 : vector<16xf32> to vector<1x16xf32>
      tpu.vector_store %arg4[%swap3A, %swap3A_88], %swap3A_91 {strides = array<i32>} : memref<64x128xf32, #tpu.memory_space<vmem>>, vector<1x16xf32>,
      %broadcast_in_dim3A_92 = arith.constant 0.000000e+00 : f32
      %broadcast_in_dim3A_93 = vector.broadcast %broadcast_in_dim3A_92 : f32 to vector<16xf32>
      %swap3A_94 = arith.index_cast %add3A_86 : i32 to index
      %swap3A_95 = arith.constant 16 : index
      %swap3A_96 = tpu.vector_load %arg4[%swap3A_94, %swap3A_95] {strides = array<i32>} : memref<64x128xf32, #tpu.memory_space<vmem>>, vector<1x16xf32>,
      %swap3A_97 = vector.shape_cast %swap3A_96 : vector<1x16xf32> to vector<16xf32>
      %swap3A_98 = vector.shape_cast %broadcast_in_dim3A_93 : vector<16xf32> to vector<1x16xf32>
      tpu.vector_store %arg4[%swap3A_94, %swap3A_95], %swap3A_98 {strides = array<i32>} : memref<64x128xf32, #tpu.memory_space<vmem>>, vector<1x16xf32>,
      %broadcast_in_dim3A_99 = arith.constant 0.000000e+00 : f32
      %broadcast_in_dim3A_100 = vector.broadcast %broadcast_in_dim3A_99 : f32 to vector<16xf32>
      %swap3A_101 = arith.index_cast %add3A_86 : i32 to index
      %swap3A_102 = arith.constant 32 : index
      %swap3A_103 = tpu.vector_load %arg4[%swap3A_101, %swap3A_102] {strides = array<i32>} : memref<64x128xf32, #tpu.memory_space<vmem>>, vector<1x16xf32>,
      %swap3A_104 = vector.shape_cast %swap3A_103 : vector<1x16xf32> to vector<16xf32>
      %swap3A_105 = vector.shape_cast %broadcast_in_dim3A_100 : vector<16xf32> to vector<1x16xf32>
      tpu.vector_store %arg4[%swap3A_101, %swap3A_102], %swap3A_105 {strides = array<i32>} : memref<64x128xf32, #tpu.memory_space<vmem>>, vector<1x16xf32>,
      %broadcast_in_dim3A_106 = arith.constant 0.000000e+00 : f32
      %broadcast_in_dim3A_107 = vector.broadcast %broadcast_in_dim3A_106 : f32 to vector<16xf32>
      %swap3A_108 = arith.index_cast %add3A_86 : i32 to index
      %swap3A_109 = arith.constant 48 : index
      %swap3A_110 = tpu.vector_load %arg4[%swap3A_108, %swap3A_109] {strides = array<i32>} : memref<64x128xf32, #tpu.memory_space<vmem>>, vector<1x16xf32>,
      %swap3A_111 = vector.shape_cast %swap3A_110 : vector<1x16xf32> to vector<16xf32>
      %swap3A_112 = vector.shape_cast %broadcast_in_dim3A_107 : vector<16xf32> to vector<1x16xf32>
      tpu.vector_store %arg4[%swap3A_108, %swap3A_109], %swap3A_112 {strides = array<i32>} : memref<64x128xf32, #tpu.memory_space<vmem>>, vector<1x16xf32>,
      %broadcast_in_dim3A_113 = arith.constant 0.000000e+00 : f32
      %broadcast_in_dim3A_114 = vector.broadcast %broadcast_in_dim3A_113 : f32 to vector<16xf32>
      %swap3A_115 = arith.index_cast %add3A_86 : i32 to index
      %swap3A_116 = arith.constant 64 : index
      %swap3A_117 = tpu.vector_load %arg4[%swap3A_115, %swap3A_116] {strides = array<i32>} : memref<64x128xf32, #tpu.memory_space<vmem>>, vector<1x16xf32>,
      %swap3A_118 = vector.shape_cast %swap3A_117 : vector<1x16xf32> to vector<16xf32>
      %swap3A_119 = vector.shape_cast %broadcast_in_dim3A_114 : vector<16xf32> to vector<1x16xf32>
      tpu.vector_store %arg4[%swap3A_115, %swap3A_116], %swap3A_119 {strides = array<i32>} : memref<64x128xf32, #tpu.memory_space<vmem>>, vector<1x16xf32>,
      %broadcast_in_dim3A_120 = arith.constant 0.000000e+00 : f32
      %broadcast_in_dim3A_121 = vector.broadcast %broadcast_in_dim3A_120 : f32 to vector<16xf32>
      %swap3A_122 = arith.index_cast %add3A_86 : i32 to index
      %swap3A_123 = arith.constant 80 : index
      %swap3A_124 = tpu.vector_load %arg4[%swap3A_122, %swap3A_123] {strides = array<i32>} : memref<64x128xf32, #tpu.memory_space<vmem>>, vector<1x16xf32>,
      %swap3A_125 = vector.shape_cast %swap3A_124 : vector<1x16xf32> to vector<16xf32>
      %swap3A_126 = vector.shape_cast %broadcast_in_dim3A_121 : vector<16xf32> to vector<1x16xf32>
      tpu.vector_store %arg4[%swap3A_122, %swap3A_123], %swap3A_126 {strides = array<i32>} : memref<64x128xf32, #tpu.memory_space<vmem>>, vector<1x16xf32>,
      %broadcast_in_dim3A_127 = arith.constant 0.000000e+00 : f32
      %broadcast_in_dim3A_128 = vector.broadcast %broadcast_in_dim3A_127 : f32 to vector<16xf32>
      %swap3A_129 = arith.index_cast %add3A_86 : i32 to index
      %swap3A_130 = arith.constant 96 : index
      %swap3A_131 = tpu.vector_load %arg4[%swap3A_129, %swap3A_130] {strides = array<i32>} : memref<64x128xf32, #tpu.memory_space<vmem>>, vector<1x16xf32>,
      %swap3A_132 = vector.shape_cast %swap3A_131 : vector<1x16xf32> to vector<16xf32>
      %swap3A_133 = vector.shape_cast %broadcast_in_dim3A_128 : vector<16xf32> to vector<1x16xf32>
      tpu.vector_store %arg4[%swap3A_129, %swap3A_130], %swap3A_133 {strides = array<i32>} : memref<64x128xf32, #tpu.memory_space<vmem>>, vector<1x16xf32>,
      %broadcast_in_dim3A_134 = arith.constant 0.000000e+00 : f32
      %broadcast_in_dim3A_135 = vector.broadcast %broadcast_in_dim3A_134 : f32 to vector<16xf32>
      %swap3A_136 = arith.index_cast %add3A_86 : i32 to index
      %swap3A_137 = arith.constant 112 : index
      %swap3A_138 = tpu.vector_load %arg4[%swap3A_136, %swap3A_137] {strides = array<i32>} : memref<64x128xf32, #tpu.memory_space<vmem>>, vector<1x16xf32>,
      %swap3A_139 = vector.shape_cast %swap3A_138 : vector<1x16xf32> to vector<16xf32>
      %swap3A_140 = vector.shape_cast %broadcast_in_dim3A_135 : vector<16xf32> to vector<1x16xf32>
      tpu.vector_store %arg4[%swap3A_136, %swap3A_137], %swap3A_140 {strides = array<i32>} : memref<64x128xf32, #tpu.memory_space<vmem>>, vector<1x16xf32>,
    }
    %scan3A_4 = arith.constant 64 : i32
    %add3A = arith.constant 0 : i32
    %add3A_5 = arith.addi %arg1, %add3A : i32
    %lt3A = arith.constant 79 : i32
    %lt3A_6 = arith.cmpi slt, %add3A_5, %lt3A : i32
    %convert_element_type3A = arith.extui %lt3A_6 : i1 to i32
    %cond3A = arith.constant 0 : i32
    %cond3A_7 = arith.cmpi ne, %convert_element_type3A, %cond3A : i32
    scf.if %cond3A_7 {
      %mul3A_82 = arith.constant 64 : i32
      %mul3A_83 = arith.muli %add3A_5, %mul3A_82 : i32
      %multiple_of3A = tpu.assume_multiple %mul3A_83, 8 : i32
      "tpu.region"() ({
        %run_scoped3A = tpu.sem_alloc : memref<!tpu.dma_semaphore, #tpu.memory_space<semaphore_mem>>
        %dma_start3A = arith.constant 0 : i32
        %dma_start3A_84 = tpu.memref_slice %arg8[%multiple_of3A, %dma_start3A] : memref<5056x128xf32, #tpu.memory_space<vmem_shared>> -> memref<64x128xf32, #tpu.memory_space<vmem_shared>>
        %dma_start3A_85 = arith.constant 0 : i32
        %dma_start3A_86 = tpu.memref_slice %arg8[%multiple_of3A, %dma_start3A_85] : memref<5056x128xf32, #tpu.memory_space<vmem_shared>> -> memref<64x128xf32, #tpu.memory_space<vmem_shared>>
        tpu.enqueue_dma source(%arg4 : memref<64x128xf32, #tpu.memory_space<vmem>>) target(%dma_start3A_86 : memref<64x128xf32, #tpu.memory_space<vmem_shared>>) target_semaphore(%run_scoped3A : memref<!tpu.dma_semaphore, #tpu.memory_space<semaphore_mem>>)
        %dma_wait3A = arith.constant 0 : i32
        %dma_wait3A_87 = tpu.memref_slice %arg8[%multiple_of3A, %dma_wait3A] : memref<5056x128xf32, #tpu.memory_space<vmem_shared>> -> memref<64x128xf32, #tpu.memory_space<vmem_shared>>
        %dma_wait3A_88 = arith.constant 0 : i32
        %dma_wait3A_89 = tpu.memref_slice %arg8[%multiple_of3A, %dma_wait3A_88] : memref<5056x128xf32, #tpu.memory_space<vmem_shared>> -> memref<64x128xf32, #tpu.memory_space<vmem_shared>>
        tpu.wait_dma2 semaphore(%run_scoped3A : memref<!tpu.dma_semaphore, #tpu.memory_space<semaphore_mem>>) src(%arg4 : memref<64x128xf32, #tpu.memory_space<vmem>>) dst(%dma_wait3A_89 : memref<64x128xf32, #tpu.memory_space<vmem_shared>>)
        tpu.yield
      }) : () -> ()
    } else {
    }
    %add3A_8 = arith.constant 16 : i32
    %add3A_9 = arith.addi %arg1, %add3A_8 : i32
    %lt3A_10 = arith.constant 79 : i32
    %lt3A_11 = arith.cmpi slt, %add3A_9, %lt3A_10 : i32
    %convert_element_type3A_12 = arith.extui %lt3A_11 : i1 to i32
    %cond3A_13 = arith.constant 0 : i32
    %cond3A_14 = arith.cmpi ne, %convert_element_type3A_12, %cond3A_13 : i32
    scf.if %cond3A_14 {
      %mul3A_82 = arith.constant 64 : i32
      %mul3A_83 = arith.muli %add3A_9, %mul3A_82 : i32
      %multiple_of3A = tpu.assume_multiple %mul3A_83, 8 : i32
      "tpu.region"() ({
        %run_scoped3A = tpu.sem_alloc : memref<!tpu.dma_semaphore, #tpu.memory_space<semaphore_mem>>
        %dma_start3A = arith.constant 0 : i32
        %dma_start3A_84 = tpu.memref_slice %arg8[%multiple_of3A, %dma_start3A] : memref<5056x128xf32, #tpu.memory_space<vmem_shared>> -> memref<64x128xf32, #tpu.memory_space<vmem_shared>>
        %dma_start3A_85 = arith.constant 0 : i32
        %dma_start3A_86 = tpu.memref_slice %arg8[%multiple_of3A, %dma_start3A_85] : memref<5056x128xf32, #tpu.memory_space<vmem_shared>> -> memref<64x128xf32, #tpu.memory_space<vmem_shared>>
        tpu.enqueue_dma source(%arg4 : memref<64x128xf32, #tpu.memory_space<vmem>>) target(%dma_start3A_86 : memref<64x128xf32, #tpu.memory_space<vmem_shared>>) target_semaphore(%run_scoped3A : memref<!tpu.dma_semaphore, #tpu.memory_space<semaphore_mem>>)
        %dma_wait3A = arith.constant 0 : i32
        %dma_wait3A_87 = tpu.memref_slice %arg8[%multiple_of3A, %dma_wait3A] : memref<5056x128xf32, #tpu.memory_space<vmem_shared>> -> memref<64x128xf32, #tpu.memory_space<vmem_shared>>
        %dma_wait3A_88 = arith.constant 0 : i32
        %dma_wait3A_89 = tpu.memref_slice %arg8[%multiple_of3A, %dma_wait3A_88] : memref<5056x128xf32, #tpu.memory_space<vmem_shared>> -> memref<64x128xf32, #tpu.memory_space<vmem_shared>>
        tpu.wait_dma2 semaphore(%run_scoped3A : memref<!tpu.dma_semaphore, #tpu.memory_space<semaphore_mem>>) src(%arg4 : memref<64x128xf32, #tpu.memory_space<vmem>>) dst(%dma_wait3A_89 : memref<64x128xf32, #tpu.memory_space<vmem_shared>>)
        tpu.yield
      }) : () -> ()
    } else {
    }
    %add3A_15 = arith.constant 32 : i32
    %add3A_16 = arith.addi %arg1, %add3A_15 : i32
    %lt3A_17 = arith.constant 79 : i32
    %lt3A_18 = arith.cmpi slt, %add3A_16, %lt3A_17 : i32
    %convert_element_type3A_19 = arith.extui %lt3A_18 : i1 to i32
    %cond3A_20 = arith.constant 0 : i32
    %cond3A_21 = arith.cmpi ne, %convert_element_type3A_19, %cond3A_20 : i32
    scf.if %cond3A_21 {
      %mul3A_82 = arith.constant 64 : i32
      %mul3A_83 = arith.muli %add3A_16, %mul3A_82 : i32
      %multiple_of3A = tpu.assume_multiple %mul3A_83, 8 : i32
      "tpu.region"() ({
        %run_scoped3A = tpu.sem_alloc : memref<!tpu.dma_semaphore, #tpu.memory_space<semaphore_mem>>
        %dma_start3A = arith.constant 0 : i32
        %dma_start3A_84 = tpu.memref_slice %arg8[%multiple_of3A, %dma_start3A] : memref<5056x128xf32, #tpu.memory_space<vmem_shared>> -> memref<64x128xf32, #tpu.memory_space<vmem_shared>>
        %dma_start3A_85 = arith.constant 0 : i32
        %dma_start3A_86 = tpu.memref_slice %arg8[%multiple_of3A, %dma_start3A_85] : memref<5056x128xf32, #tpu.memory_space<vmem_shared>> -> memref<64x128xf32, #tpu.memory_space<vmem_shared>>
        tpu.enqueue_dma source(%arg4 : memref<64x128xf32, #tpu.memory_space<vmem>>) target(%dma_start3A_86 : memref<64x128xf32, #tpu.memory_space<vmem_shared>>) target_semaphore(%run_scoped3A : memref<!tpu.dma_semaphore, #tpu.memory_space<semaphore_mem>>)
        %dma_wait3A = arith.constant 0 : i32
        %dma_wait3A_87 = tpu.memref_slice %arg8[%multiple_of3A, %dma_wait3A] : memref<5056x128xf32, #tpu.memory_space<vmem_shared>> -> memref<64x128xf32, #tpu.memory_space<vmem_shared>>
        %dma_wait3A_88 = arith.constant 0 : i32
        %dma_wait3A_89 = tpu.memref_slice %arg8[%multiple_of3A, %dma_wait3A_88] : memref<5056x128xf32, #tpu.memory_space<vmem_shared>> -> memref<64x128xf32, #tpu.memory_space<vmem_shared>>
        tpu.wait_dma2 semaphore(%run_scoped3A : memref<!tpu.dma_semaphore, #tpu.memory_space<semaphore_mem>>) src(%arg4 : memref<64x128xf32, #tpu.memory_space<vmem>>) dst(%dma_wait3A_89 : memref<64x128xf32, #tpu.memory_space<vmem_shared>>)
        tpu.yield
      }) : () -> ()
    } else {
    }
    %add3A_22 = arith.constant 48 : i32
    %add3A_23 = arith.addi %arg1, %add3A_22 : i32
    %lt3A_24 = arith.constant 79 : i32
    %lt3A_25 = arith.cmpi slt, %add3A_23, %lt3A_24 : i32
    %convert_element_type3A_26 = arith.extui %lt3A_25 : i1 to i32
    %cond3A_27 = arith.constant 0 : i32
    %cond3A_28 = arith.cmpi ne, %convert_element_type3A_26, %cond3A_27 : i32
    scf.if %cond3A_28 {
      %mul3A_82 = arith.constant 64 : i32
      %mul3A_83 = arith.muli %add3A_23, %mul3A_82 : i32
      %multiple_of3A = tpu.assume_multiple %mul3A_83, 8 : i32
      "tpu.region"() ({
        %run_scoped3A = tpu.sem_alloc : memref<!tpu.dma_semaphore, #tpu.memory_space<semaphore_mem>>
        %dma_start3A = arith.constant 0 : i32
        %dma_start3A_84 = tpu.memref_slice %arg8[%multiple_of3A, %dma_start3A] : memref<5056x128xf32, #tpu.memory_space<vmem_shared>> -> memref<64x128xf32, #tpu.memory_space<vmem_shared>>
        %dma_start3A_85 = arith.constant 0 : i32
        %dma_start3A_86 = tpu.memref_slice %arg8[%multiple_of3A, %dma_start3A_85] : memref<5056x128xf32, #tpu.memory_space<vmem_shared>> -> memref<64x128xf32, #tpu.memory_space<vmem_shared>>
        tpu.enqueue_dma source(%arg4 : memref<64x128xf32, #tpu.memory_space<vmem>>) target(%dma_start3A_86 : memref<64x128xf32, #tpu.memory_space<vmem_shared>>) target_semaphore(%run_scoped3A : memref<!tpu.dma_semaphore, #tpu.memory_space<semaphore_mem>>)
        %dma_wait3A = arith.constant 0 : i32
        %dma_wait3A_87 = tpu.memref_slice %arg8[%multiple_of3A, %dma_wait3A] : memref<5056x128xf32, #tpu.memory_space<vmem_shared>> -> memref<64x128xf32, #tpu.memory_space<vmem_shared>>
        %dma_wait3A_88 = arith.constant 0 : i32
        %dma_wait3A_89 = tpu.memref_slice %arg8[%multiple_of3A, %dma_wait3A_88] : memref<5056x128xf32, #tpu.memory_space<vmem_shared>> -> memref<64x128xf32, #tpu.memory_space<vmem_shared>>
        tpu.wait_dma2 semaphore(%run_scoped3A : memref<!tpu.dma_semaphore, #tpu.memory_space<semaphore_mem>>) src(%arg4 : memref<64x128xf32, #tpu.memory_space<vmem>>) dst(%dma_wait3A_89 : memref<64x128xf32, #tpu.memory_space<vmem_shared>>)
        tpu.yield
      }) : () -> ()
    } else {
    }
    %add3A_29 = arith.constant 64 : i32
    %add3A_30 = arith.addi %arg1, %add3A_29 : i32
    %lt3A_31 = arith.constant 79 : i32
    %lt3A_32 = arith.cmpi slt, %add3A_30, %lt3A_31 : i32
    %convert_element_type3A_33 = arith.extui %lt3A_32 : i1 to i32
    %cond3A_34 = arith.constant 0 : i32
    %cond3A_35 = arith.cmpi ne, %convert_element_type3A_33, %cond3A_34 : i32
    scf.if %cond3A_35 {
      %mul3A_82 = arith.constant 64 : i32
      %mul3A_83 = arith.muli %add3A_30, %mul3A_82 : i32
      %multiple_of3A = tpu.assume_multiple %mul3A_83, 8 : i32
      "tpu.region"() ({
        %run_scoped3A = tpu.sem_alloc : memref<!tpu.dma_semaphore, #tpu.memory_space<semaphore_mem>>
        %dma_start3A = arith.constant 0 : i32
        %dma_start3A_84 = tpu.memref_slice %arg8[%multiple_of3A, %dma_start3A] : memref<5056x128xf32, #tpu.memory_space<vmem_shared>> -> memref<64x128xf32, #tpu.memory_space<vmem_shared>>
        %dma_start3A_85 = arith.constant 0 : i32
        %dma_start3A_86 = tpu.memref_slice %arg8[%multiple_of3A, %dma_start3A_85] : memref<5056x128xf32, #tpu.memory_space<vmem_shared>> -> memref<64x128xf32, #tpu.memory_space<vmem_shared>>
        tpu.enqueue_dma source(%arg4 : memref<64x128xf32, #tpu.memory_space<vmem>>) target(%dma_start3A_86 : memref<64x128xf32, #tpu.memory_space<vmem_shared>>) target_semaphore(%run_scoped3A : memref<!tpu.dma_semaphore, #tpu.memory_space<semaphore_mem>>)
        %dma_wait3A = arith.constant 0 : i32
        %dma_wait3A_87 = tpu.memref_slice %arg8[%multiple_of3A, %dma_wait3A] : memref<5056x128xf32, #tpu.memory_space<vmem_shared>> -> memref<64x128xf32, #tpu.memory_space<vmem_shared>>
        %dma_wait3A_88 = arith.constant 0 : i32
        %dma_wait3A_89 = tpu.memref_slice %arg8[%multiple_of3A, %dma_wait3A_88] : memref<5056x128xf32, #tpu.memory_space<vmem_shared>> -> memref<64x128xf32, #tpu.memory_space<vmem_shared>>
        tpu.wait_dma2 semaphore(%run_scoped3A : memref<!tpu.dma_semaphore, #tpu.memory_space<semaphore_mem>>) src(%arg4 : memref<64x128xf32, #tpu.memory_space<vmem>>) dst(%dma_wait3A_89 : memref<64x128xf32, #tpu.memory_space<vmem_shared>>)
        tpu.yield
      }) : () -> ()
    } else {
    }
    %scan3A_36 = arith.constant 0 : i32
    %scan3A_37 = arith.constant 64 : i32
    %scan3A_38 = arith.addi %scan3A_36, %scan3A_37 : i32
    %scan3A_39 = arith.constant 1 : i32
    scf.for %scan3A_82 = %scan3A_36 to %scan3A_38 step %scan3A_39  : i32 {
      %mul3A_83 = arith.constant 1 : i32
      %mul3A_84 = arith.muli %scan3A_82, %mul3A_83 : i32
      %add3A_85 = arith.constant 0 : i32
      %add3A_86 = arith.addi %add3A_85, %mul3A_84 : i32
      %broadcast_in_dim3A = arith.constant 1.000000e+00 : f32
      %broadcast_in_dim3A_87 = vector.broadcast %broadcast_in_dim3A : f32 to vector<16xf32>
      %swap3A = arith.index_cast %add3A_86 : i32 to index
      %swap3A_88 = arith.constant 0 : index
      %swap3A_89 = tpu.vector_load %arg4[%swap3A, %swap3A_88] {strides = array<i32>} : memref<64x128xf32, #tpu.memory_space<vmem>>, vector<1x16xf32>,
      %swap3A_90 = vector.shape_cast %swap3A_89 : vector<1x16xf32> to vector<16xf32>
      %swap3A_91 = vector.shape_cast %broadcast_in_dim3A_87 : vector<16xf32> to vector<1x16xf32>
      tpu.vector_store %arg4[%swap3A, %swap3A_88], %swap3A_91 {strides = array<i32>} : memref<64x128xf32, #tpu.memory_space<vmem>>, vector<1x16xf32>,
      %broadcast_in_dim3A_92 = arith.constant 1.000000e+00 : f32
      %broadcast_in_dim3A_93 = vector.broadcast %broadcast_in_dim3A_92 : f32 to vector<16xf32>
      %swap3A_94 = arith.index_cast %add3A_86 : i32 to index
      %swap3A_95 = arith.constant 16 : index
      %swap3A_96 = tpu.vector_load %arg4[%swap3A_94, %swap3A_95] {strides = array<i32>} : memref<64x128xf32, #tpu.memory_space<vmem>>, vector<1x16xf32>,
      %swap3A_97 = vector.shape_cast %swap3A_96 : vector<1x16xf32> to vector<16xf32>
      %swap3A_98 = vector.shape_cast %broadcast_in_dim3A_93 : vector<16xf32> to vector<1x16xf32>
      tpu.vector_store %arg4[%swap3A_94, %swap3A_95], %swap3A_98 {strides = array<i32>} : memref<64x128xf32, #tpu.memory_space<vmem>>, vector<1x16xf32>,
      %broadcast_in_dim3A_99 = arith.constant 1.000000e+00 : f32
      %broadcast_in_dim3A_100 = vector.broadcast %broadcast_in_dim3A_99 : f32 to vector<16xf32>
      %swap3A_101 = arith.index_cast %add3A_86 : i32 to index
      %swap3A_102 = arith.constant 32 : index
      %swap3A_103 = tpu.vector_load %arg4[%swap3A_101, %swap3A_102] {strides = array<i32>} : memref<64x128xf32, #tpu.memory_space<vmem>>, vector<1x16xf32>,
      %swap3A_104 = vector.shape_cast %swap3A_103 : vector<1x16xf32> to vector<16xf32>
      %swap3A_105 = vector.shape_cast %broadcast_in_dim3A_100 : vector<16xf32> to vector<1x16xf32>
      tpu.vector_store %arg4[%swap3A_101, %swap3A_102], %swap3A_105 {strides = array<i32>} : memref<64x128xf32, #tpu.memory_space<vmem>>, vector<1x16xf32>,
      %broadcast_in_dim3A_106 = arith.constant 1.000000e+00 : f32
      %broadcast_in_dim3A_107 = vector.broadcast %broadcast_in_dim3A_106 : f32 to vector<16xf32>
      %swap3A_108 = arith.index_cast %add3A_86 : i32 to index
      %swap3A_109 = arith.constant 48 : index
      %swap3A_110 = tpu.vector_load %arg4[%swap3A_108, %swap3A_109] {strides = array<i32>} : memref<64x128xf32, #tpu.memory_space<vmem>>, vector<1x16xf32>,
      %swap3A_111 = vector.shape_cast %swap3A_110 : vector<1x16xf32> to vector<16xf32>
      %swap3A_112 = vector.shape_cast %broadcast_in_dim3A_107 : vector<16xf32> to vector<1x16xf32>
      tpu.vector_store %arg4[%swap3A_108, %swap3A_109], %swap3A_112 {strides = array<i32>} : memref<64x128xf32, #tpu.memory_space<vmem>>, vector<1x16xf32>,
      %broadcast_in_dim3A_113 = arith.constant 1.000000e+00 : f32
      %broadcast_in_dim3A_114 = vector.broadcast %broadcast_in_dim3A_113 : f32 to vector<16xf32>
      %swap3A_115 = arith.index_cast %add3A_86 : i32 to index
      %swap3A_116 = arith.constant 64 : index
      %swap3A_117 = tpu.vector_load %arg4[%swap3A_115, %swap3A_116] {strides = array<i32>} : memref<64x128xf32, #tpu.memory_space<vmem>>, vector<1x16xf32>,
      %swap3A_118 = vector.shape_cast %swap3A_117 : vector<1x16xf32> to vector<16xf32>
      %swap3A_119 = vector.shape_cast %broadcast_in_dim3A_114 : vector<16xf32> to vector<1x16xf32>
      tpu.vector_store %arg4[%swap3A_115, %swap3A_116], %swap3A_119 {strides = array<i32>} : memref<64x128xf32, #tpu.memory_space<vmem>>, vector<1x16xf32>,
      %broadcast_in_dim3A_120 = arith.constant 1.000000e+00 : f32
      %broadcast_in_dim3A_121 = vector.broadcast %broadcast_in_dim3A_120 : f32 to vector<16xf32>
      %swap3A_122 = arith.index_cast %add3A_86 : i32 to index
      %swap3A_123 = arith.constant 80 : index
      %swap3A_124 = tpu.vector_load %arg4[%swap3A_122, %swap3A_123] {strides = array<i32>} : memref<64x128xf32, #tpu.memory_space<vmem>>, vector<1x16xf32>,
      %swap3A_125 = vector.shape_cast %swap3A_124 : vector<1x16xf32> to vector<16xf32>
      %swap3A_126 = vector.shape_cast %broadcast_in_dim3A_121 : vector<16xf32> to vector<1x16xf32>
      tpu.vector_store %arg4[%swap3A_122, %swap3A_123], %swap3A_126 {strides = array<i32>} : memref<64x128xf32, #tpu.memory_space<vmem>>, vector<1x16xf32>,
      %broadcast_in_dim3A_127 = arith.constant 1.000000e+00 : f32
      %broadcast_in_dim3A_128 = vector.broadcast %broadcast_in_dim3A_127 : f32 to vector<16xf32>
      %swap3A_129 = arith.index_cast %add3A_86 : i32 to index
      %swap3A_130 = arith.constant 96 : index
      %swap3A_131 = tpu.vector_load %arg4[%swap3A_129, %swap3A_130] {strides = array<i32>} : memref<64x128xf32, #tpu.memory_space<vmem>>, vector<1x16xf32>,
      %swap3A_132 = vector.shape_cast %swap3A_131 : vector<1x16xf32> to vector<16xf32>
      %swap3A_133 = vector.shape_cast %broadcast_in_dim3A_128 : vector<16xf32> to vector<1x16xf32>
      tpu.vector_store %arg4[%swap3A_129, %swap3A_130], %swap3A_133 {strides = array<i32>} : memref<64x128xf32, #tpu.memory_space<vmem>>, vector<1x16xf32>,
      %broadcast_in_dim3A_134 = arith.constant 1.000000e+00 : f32
      %broadcast_in_dim3A_135 = vector.broadcast %broadcast_in_dim3A_134 : f32 to vector<16xf32>
      %swap3A_136 = arith.index_cast %add3A_86 : i32 to index
      %swap3A_137 = arith.constant 112 : index
      %swap3A_138 = tpu.vector_load %arg4[%swap3A_136, %swap3A_137] {strides = array<i32>} : memref<64x128xf32, #tpu.memory_space<vmem>>, vector<1x16xf32>,
      %swap3A_139 = vector.shape_cast %swap3A_138 : vector<1x16xf32> to vector<16xf32>
      %swap3A_140 = vector.shape_cast %broadcast_in_dim3A_135 : vector<16xf32> to vector<1x16xf32>
      tpu.vector_store %arg4[%swap3A_136, %swap3A_137], %swap3A_140 {strides = array<i32>} : memref<64x128xf32, #tpu.memory_space<vmem>>, vector<1x16xf32>,
    }
    %scan3A_40 = arith.constant 64 : i32
    %barrier3A = arith.constant 0 : index
    tpu.barrier barrier_id(%barrier3A)
    %scan3A_41 = arith.constant 0 : i32
    %scan3A_42 = arith.constant 40 : i32
    %scan3A_43 = arith.addi %scan3A_41, %scan3A_42 : i32
    %scan3A_44 = arith.constant 1 : i32
    scf.for %scan3A_82 = %scan3A_41 to %scan3A_43 step %scan3A_44  : i32 {
      %mul3A_83 = arith.constant 1 : i32
      %mul3A_84 = arith.muli %scan3A_82, %mul3A_83 : i32
      %add3A_85 = arith.constant 0 : i32
      %add3A_86 = arith.addi %add3A_85, %mul3A_84 : i32
      %mul3A_87 = arith.constant 16 : i32
      %mul3A_88 = arith.muli %add3A_86, %mul3A_87 : i32
      %add3A_89 = arith.addi %mul3A_88, %arg1 : i32
      %lt3A_90 = arith.constant 625 : i32
      %lt3A_91 = arith.cmpi slt, %add3A_89, %lt3A_90 : i32
      %convert_element_type3A_92 = arith.extui %lt3A_91 : i1 to i32
      %cond3A_93 = arith.constant 0 : i32
      %cond3A_94 = arith.cmpi ne, %convert_element_type3A_92, %cond3A_93 : i32
      scf.if %cond3A_94 {
        %mul3A_95 = arith.constant 8 : i32
        %mul3A_96 = arith.muli %add3A_89, %mul3A_95 : i32
        %mul3A_97 = arith.constant 64 : i32
        %mul3A_98 = arith.muli %mul3A_96, %mul3A_97 : i32
        %multiple_of3A = tpu.assume_multiple %mul3A_98, 8 : i32
        "tpu.region"() ({
          %run_scoped3A = tpu.sem_alloc : memref<!tpu.dma_semaphore, #tpu.memory_space<semaphore_mem>>
          %dma_start3A_214 = tpu.memref_slice %arg2[%multiple_of3A] : memref<320000xi32, #tpu.memory_space<hbm>> -> memref<512xi32, #tpu.memory_space<hbm>>
          %dma_start3A_215 = tpu.memref_slice %arg2[%multiple_of3A] : memref<320000xi32, #tpu.memory_space<hbm>> -> memref<512xi32, #tpu.memory_space<hbm>>
          tpu.enqueue_dma source(%dma_start3A_215 : memref<512xi32, #tpu.memory_space<hbm>>) target(%arg5 : memref<512xi32, #tpu.memory_space<vmem>>) target_semaphore(%run_scoped3A : memref<!tpu.dma_semaphore, #tpu.memory_space<semaphore_mem>>)
          %dma_wait3A_216 = tpu.memref_slice %arg2[%multiple_of3A] : memref<320000xi32, #tpu.memory_space<hbm>> -> memref<512xi32, #tpu.memory_space<hbm>>
          %dma_wait3A_217 = tpu.memref_slice %arg2[%multiple_of3A] : memref<320000xi32, #tpu.memory_space<hbm>> -> memref<512xi32, #tpu.memory_space<hbm>>
          tpu.wait_dma2 semaphore(%run_scoped3A : memref<!tpu.dma_semaphore, #tpu.memory_space<semaphore_mem>>) src(%dma_wait3A_217 : memref<512xi32, #tpu.memory_space<hbm>>) dst(%arg5 : memref<512xi32, #tpu.memory_space<vmem>>)
          tpu.yield
        }) : () -> ()
        %scan3A_99 = arith.constant 0 : i32
        %scan3A_100 = arith.constant 8 : i32
        %scan3A_101 = arith.addi %scan3A_99, %scan3A_100 : i32
        %scan3A_102 = arith.constant 1 : i32
        scf.for %scan3A_214 = %scan3A_99 to %scan3A_101 step %scan3A_102  : i32 {
          %mul3A_215 = arith.constant 1 : i32
          %mul3A_216 = arith.muli %scan3A_214, %mul3A_215 : i32
          %add3A_217 = arith.constant 0 : i32
          %add3A_218 = arith.addi %add3A_217, %mul3A_216 : i32
          %mul3A_219 = arith.constant 64 : i32
          %mul3A_220 = arith.muli %add3A_218, %mul3A_219 : i32
          %add3A_221 = arith.constant 0 : i32
          %add3A_222 = arith.addi %mul3A_220, %add3A_221 : i32
          %get3A = arith.index_cast %add3A_222 : i32 to index
          %get3A_223 = tpu.vector_load %arg5[%get3A] {strides = array<i32>} : memref<512xi32, #tpu.memory_space<vmem>>, vector<16xi32>,
          %get3A_224 = vector.shape_cast %get3A_223 : vector<16xi32> to vector<16xi32>
          %sub3A = vector.broadcast %mul3A_0 : i32 to vector<16xi32>
          %sub3A_225 = arith.subi %get3A_224, %sub3A : vector<16xi32>
          %ge3A = arith.constant 0 : i32
          %ge3A_226 = vector.broadcast %ge3A : i32 to vector<16xi32>
          %ge3A_227 = arith.cmpi sge, %sub3A_225, %ge3A_226 : vector<16xi32>
          %lt3A_228 = arith.constant 5000 : i32
          %lt3A_229 = vector.broadcast %lt3A_228 : i32 to vector<16xi32>
          %lt3A_230 = arith.cmpi slt, %sub3A_225, %lt3A_229 : vector<16xi32>
          %and3A = arith.andi %ge3A_227, %lt3A_230 : vector<16xi1>
          %and3A_231 = arith.constant 15 : i32
          %and3A_232 = vector.broadcast %and3A_231 : i32 to vector<16xi32>
          %and3A_233 = arith.andi %get3A_224, %and3A_232 : vector<16xi32>
          %add3A_234 = arith.constant 5000 : i32
          %add3A_235 = vector.broadcast %add3A_234 : i32 to vector<16xi32>
          %add3A_236 = arith.addi %add3A_235, %and3A_233 : vector<16xi32>
          %select_n3A = arith.select %and3A, %sub3A_225, %add3A_236 : vector<16xi1>, vector<16xi32>
          %swap3A = arith.index_cast %add3A_218 : i32 to index
          %swap3A_237 = arith.constant 0 : index
          %swap3A_238 = tpu.vector_load %arg6[%swap3A, %swap3A_237] {strides = array<i32>} : memref<8x64xi32, #tpu.memory_space<vmem>>, vector<1x16xi32>,
          %swap3A_239 = vector.shape_cast %swap3A_238 : vector<1x16xi32> to vector<16xi32>
          %swap3A_240 = vector.shape_cast %select_n3A : vector<16xi32> to vector<1x16xi32>
          tpu.vector_store %arg6[%swap3A, %swap3A_237], %swap3A_240 {strides = array<i32>} : memref<8x64xi32, #tpu.memory_space<vmem>>, vector<1x16xi32>,
          %mul3A_241 = arith.constant 64 : i32
          %mul3A_242 = arith.muli %add3A_218, %mul3A_241 : i32
          %add3A_243 = arith.constant 16 : i32
          %add3A_244 = arith.addi %mul3A_242, %add3A_243 : i32
          %get3A_245 = arith.index_cast %add3A_244 : i32 to index
          %get3A_246 = tpu.vector_load %arg5[%get3A_245] {strides = array<i32>} : memref<512xi32, #tpu.memory_space<vmem>>, vector<16xi32>,
          %get3A_247 = vector.shape_cast %get3A_246 : vector<16xi32> to vector<16xi32>
          %sub3A_248 = vector.broadcast %mul3A_0 : i32 to vector<16xi32>
          %sub3A_249 = arith.subi %get3A_247, %sub3A_248 : vector<16xi32>
          %ge3A_250 = arith.constant 0 : i32
          %ge3A_251 = vector.broadcast %ge3A_250 : i32 to vector<16xi32>
          %ge3A_252 = arith.cmpi sge, %sub3A_249, %ge3A_251 : vector<16xi32>
          %lt3A_253 = arith.constant 5000 : i32
          %lt3A_254 = vector.broadcast %lt3A_253 : i32 to vector<16xi32>
          %lt3A_255 = arith.cmpi slt, %sub3A_249, %lt3A_254 : vector<16xi32>
          %and3A_256 = arith.andi %ge3A_252, %lt3A_255 : vector<16xi1>
          %and3A_257 = arith.constant 15 : i32
          %and3A_258 = vector.broadcast %and3A_257 : i32 to vector<16xi32>
          %and3A_259 = arith.andi %get3A_247, %and3A_258 : vector<16xi32>
          %add3A_260 = arith.constant 5000 : i32
          %add3A_261 = vector.broadcast %add3A_260 : i32 to vector<16xi32>
          %add3A_262 = arith.addi %add3A_261, %and3A_259 : vector<16xi32>
          %select_n3A_263 = arith.select %and3A_256, %sub3A_249, %add3A_262 : vector<16xi1>, vector<16xi32>
          %swap3A_264 = arith.index_cast %add3A_218 : i32 to index
          %swap3A_265 = arith.constant 16 : index
          %swap3A_266 = tpu.vector_load %arg6[%swap3A_264, %swap3A_265] {strides = array<i32>} : memref<8x64xi32, #tpu.memory_space<vmem>>, vector<1x16xi32>,
          %swap3A_267 = vector.shape_cast %swap3A_266 : vector<1x16xi32> to vector<16xi32>
          %swap3A_268 = vector.shape_cast %select_n3A_263 : vector<16xi32> to vector<1x16xi32>
          tpu.vector_store %arg6[%swap3A_264, %swap3A_265], %swap3A_268 {strides = array<i32>} : memref<8x64xi32, #tpu.memory_space<vmem>>, vector<1x16xi32>,
          %mul3A_269 = arith.constant 64 : i32
          %mul3A_270 = arith.muli %add3A_218, %mul3A_269 : i32
          %add3A_271 = arith.constant 32 : i32
          %add3A_272 = arith.addi %mul3A_270, %add3A_271 : i32
          %get3A_273 = arith.index_cast %add3A_272 : i32 to index
          %get3A_274 = tpu.vector_load %arg5[%get3A_273] {strides = array<i32>} : memref<512xi32, #tpu.memory_space<vmem>>, vector<16xi32>,
          %get3A_275 = vector.shape_cast %get3A_274 : vector<16xi32> to vector<16xi32>
          %sub3A_276 = vector.broadcast %mul3A_0 : i32 to vector<16xi32>
          %sub3A_277 = arith.subi %get3A_275, %sub3A_276 : vector<16xi32>
          %ge3A_278 = arith.constant 0 : i32
          %ge3A_279 = vector.broadcast %ge3A_278 : i32 to vector<16xi32>
          %ge3A_280 = arith.cmpi sge, %sub3A_277, %ge3A_279 : vector<16xi32>
          %lt3A_281 = arith.constant 5000 : i32
          %lt3A_282 = vector.broadcast %lt3A_281 : i32 to vector<16xi32>
          %lt3A_283 = arith.cmpi slt, %sub3A_277, %lt3A_282 : vector<16xi32>
          %and3A_284 = arith.andi %ge3A_280, %lt3A_283 : vector<16xi1>
          %and3A_285 = arith.constant 15 : i32
          %and3A_286 = vector.broadcast %and3A_285 : i32 to vector<16xi32>
          %and3A_287 = arith.andi %get3A_275, %and3A_286 : vector<16xi32>
          %add3A_288 = arith.constant 5000 : i32
          %add3A_289 = vector.broadcast %add3A_288 : i32 to vector<16xi32>
          %add3A_290 = arith.addi %add3A_289, %and3A_287 : vector<16xi32>
          %select_n3A_291 = arith.select %and3A_284, %sub3A_277, %add3A_290 : vector<16xi1>, vector<16xi32>
          %swap3A_292 = arith.index_cast %add3A_218 : i32 to index
          %swap3A_293 = arith.constant 32 : index
          %swap3A_294 = tpu.vector_load %arg6[%swap3A_292, %swap3A_293] {strides = array<i32>} : memref<8x64xi32, #tpu.memory_space<vmem>>, vector<1x16xi32>,
          %swap3A_295 = vector.shape_cast %swap3A_294 : vector<1x16xi32> to vector<16xi32>
          %swap3A_296 = vector.shape_cast %select_n3A_291 : vector<16xi32> to vector<1x16xi32>
          tpu.vector_store %arg6[%swap3A_292, %swap3A_293], %swap3A_296 {strides = array<i32>} : memref<8x64xi32, #tpu.memory_space<vmem>>, vector<1x16xi32>,
          %mul3A_297 = arith.constant 64 : i32
          %mul3A_298 = arith.muli %add3A_218, %mul3A_297 : i32
          %add3A_299 = arith.constant 48 : i32
          %add3A_300 = arith.addi %mul3A_298, %add3A_299 : i32
          %get3A_301 = arith.index_cast %add3A_300 : i32 to index
          %get3A_302 = tpu.vector_load %arg5[%get3A_301] {strides = array<i32>} : memref<512xi32, #tpu.memory_space<vmem>>, vector<16xi32>,
          %get3A_303 = vector.shape_cast %get3A_302 : vector<16xi32> to vector<16xi32>
          %sub3A_304 = vector.broadcast %mul3A_0 : i32 to vector<16xi32>
          %sub3A_305 = arith.subi %get3A_303, %sub3A_304 : vector<16xi32>
          %ge3A_306 = arith.constant 0 : i32
          %ge3A_307 = vector.broadcast %ge3A_306 : i32 to vector<16xi32>
          %ge3A_308 = arith.cmpi sge, %sub3A_305, %ge3A_307 : vector<16xi32>
          %lt3A_309 = arith.constant 5000 : i32
          %lt3A_310 = vector.broadcast %lt3A_309 : i32 to vector<16xi32>
          %lt3A_311 = arith.cmpi slt, %sub3A_305, %lt3A_310 : vector<16xi32>
          %and3A_312 = arith.andi %ge3A_308, %lt3A_311 : vector<16xi1>
          %and3A_313 = arith.constant 15 : i32
          %and3A_314 = vector.broadcast %and3A_313 : i32 to vector<16xi32>
          %and3A_315 = arith.andi %get3A_303, %and3A_314 : vector<16xi32>
          %add3A_316 = arith.constant 5000 : i32
          %add3A_317 = vector.broadcast %add3A_316 : i32 to vector<16xi32>
          %add3A_318 = arith.addi %add3A_317, %and3A_315 : vector<16xi32>
          %select_n3A_319 = arith.select %and3A_312, %sub3A_305, %add3A_318 : vector<16xi1>, vector<16xi32>
          %swap3A_320 = arith.index_cast %add3A_218 : i32 to index
          %swap3A_321 = arith.constant 48 : index
          %swap3A_322 = tpu.vector_load %arg6[%swap3A_320, %swap3A_321] {strides = array<i32>} : memref<8x64xi32, #tpu.memory_space<vmem>>, vector<1x16xi32>,
          %swap3A_323 = vector.shape_cast %swap3A_322 : vector<1x16xi32> to vector<16xi32>
          %swap3A_324 = vector.shape_cast %select_n3A_319 : vector<16xi32> to vector<1x16xi32>
          tpu.vector_store %arg6[%swap3A_320, %swap3A_321], %swap3A_324 {strides = array<i32>} : memref<8x64xi32, #tpu.memory_space<vmem>>, vector<1x16xi32>,
        }
        %scan3A_103 = arith.constant 8 : i32
        %dma_start3A = arith.constant 0 : i32
        %dma_start3A_104 = arith.constant 0 : i32
        %dma_start3A_105 = tpu.memref_slice %arg6[%dma_start3A, %dma_start3A_104] : memref<8x64xi32, #tpu.memory_space<vmem>> -> memref<1x64xi32, #tpu.memory_space<vmem>>
        %dma_start3A_106 = tpu.memref_squeeze %dma_start3A_105 : memref<1x64xi32, #tpu.memory_space<vmem>> -> memref<64xi32, #tpu.memory_space<vmem>>
        %dma_start3A_107 = arith.constant 0 : i32
        %dma_start3A_108 = arith.constant 0 : i32
        %dma_start3A_109 = tpu.memref_slice %arg8[%dma_start3A_107, %dma_start3A_108] : memref<5056x128xf32, #tpu.memory_space<vmem_shared>> -> memref<5056x128xf32, #tpu.memory_space<vmem_shared>>
        tpu.enqueue_indirect_dma source(%arg4 : memref<64x128xf32, #tpu.memory_space<vmem>>) target(%dma_start3A_109 : memref<5056x128xf32, #tpu.memory_space<vmem_shared>>) offsets(%dma_start3A_106 : memref<64xi32, #tpu.memory_space<vmem>>) semaphore(%arg7 : memref<!tpu.dma_semaphore, #tpu.memory_space<semaphore_mem>>) {add = true}
        %dma_start3A_110 = arith.constant 1 : i32
        %dma_start3A_111 = arith.constant 0 : i32
        %dma_start3A_112 = tpu.memref_slice %arg6[%dma_start3A_110, %dma_start3A_111] : memref<8x64xi32, #tpu.memory_space<vmem>> -> memref<1x64xi32, #tpu.memory_space<vmem>>
        %dma_start3A_113 = tpu.memref_squeeze %dma_start3A_112 : memref<1x64xi32, #tpu.memory_space<vmem>> -> memref<64xi32, #tpu.memory_space<vmem>>
        %dma_start3A_114 = arith.constant 0 : i32
        %dma_start3A_115 = arith.constant 0 : i32
        %dma_start3A_116 = tpu.memref_slice %arg8[%dma_start3A_114, %dma_start3A_115] : memref<5056x128xf32, #tpu.memory_space<vmem_shared>> -> memref<5056x128xf32, #tpu.memory_space<vmem_shared>>
        tpu.enqueue_indirect_dma source(%arg4 : memref<64x128xf32, #tpu.memory_space<vmem>>) target(%dma_start3A_116 : memref<5056x128xf32, #tpu.memory_space<vmem_shared>>) offsets(%dma_start3A_113 : memref<64xi32, #tpu.memory_space<vmem>>) semaphore(%arg7 : memref<!tpu.dma_semaphore, #tpu.memory_space<semaphore_mem>>) {add = true}
        %dma_start3A_117 = arith.constant 2 : i32
        %dma_start3A_118 = arith.constant 0 : i32
        %dma_start3A_119 = tpu.memref_slice %arg6[%dma_start3A_117, %dma_start3A_118] : memref<8x64xi32, #tpu.memory_space<vmem>> -> memref<1x64xi32, #tpu.memory_space<vmem>>
        %dma_start3A_120 = tpu.memref_squeeze %dma_start3A_119 : memref<1x64xi32, #tpu.memory_space<vmem>> -> memref<64xi32, #tpu.memory_space<vmem>>
        %dma_start3A_121 = arith.constant 0 : i32
        %dma_start3A_122 = arith.constant 0 : i32
        %dma_start3A_123 = tpu.memref_slice %arg8[%dma_start3A_121, %dma_start3A_122] : memref<5056x128xf32, #tpu.memory_space<vmem_shared>> -> memref<5056x128xf32, #tpu.memory_space<vmem_shared>>
        tpu.enqueue_indirect_dma source(%arg4 : memref<64x128xf32, #tpu.memory_space<vmem>>) target(%dma_start3A_123 : memref<5056x128xf32, #tpu.memory_space<vmem_shared>>) offsets(%dma_start3A_120 : memref<64xi32, #tpu.memory_space<vmem>>) semaphore(%arg7 : memref<!tpu.dma_semaphore, #tpu.memory_space<semaphore_mem>>) {add = true}
        %dma_start3A_124 = arith.constant 3 : i32
        %dma_start3A_125 = arith.constant 0 : i32
        %dma_start3A_126 = tpu.memref_slice %arg6[%dma_start3A_124, %dma_start3A_125] : memref<8x64xi32, #tpu.memory_space<vmem>> -> memref<1x64xi32, #tpu.memory_space<vmem>>
        %dma_start3A_127 = tpu.memref_squeeze %dma_start3A_126 : memref<1x64xi32, #tpu.memory_space<vmem>> -> memref<64xi32, #tpu.memory_space<vmem>>
        %dma_start3A_128 = arith.constant 0 : i32
        %dma_start3A_129 = arith.constant 0 : i32
        %dma_start3A_130 = tpu.memref_slice %arg8[%dma_start3A_128, %dma_start3A_129] : memref<5056x128xf32, #tpu.memory_space<vmem_shared>> -> memref<5056x128xf32, #tpu.memory_space<vmem_shared>>
        tpu.enqueue_indirect_dma source(%arg4 : memref<64x128xf32, #tpu.memory_space<vmem>>) target(%dma_start3A_130 : memref<5056x128xf32, #tpu.memory_space<vmem_shared>>) offsets(%dma_start3A_127 : memref<64xi32, #tpu.memory_space<vmem>>) semaphore(%arg7 : memref<!tpu.dma_semaphore, #tpu.memory_space<semaphore_mem>>) {add = true}
        %dma_start3A_131 = arith.constant 4 : i32
        %dma_start3A_132 = arith.constant 0 : i32
        %dma_start3A_133 = tpu.memref_slice %arg6[%dma_start3A_131, %dma_start3A_132] : memref<8x64xi32, #tpu.memory_space<vmem>> -> memref<1x64xi32, #tpu.memory_space<vmem>>
        %dma_start3A_134 = tpu.memref_squeeze %dma_start3A_133 : memref<1x64xi32, #tpu.memory_space<vmem>> -> memref<64xi32, #tpu.memory_space<vmem>>
        %dma_start3A_135 = arith.constant 0 : i32
        %dma_start3A_136 = arith.constant 0 : i32
        %dma_start3A_137 = tpu.memref_slice %arg8[%dma_start3A_135, %dma_start3A_136] : memref<5056x128xf32, #tpu.memory_space<vmem_shared>> -> memref<5056x128xf32, #tpu.memory_space<vmem_shared>>
        tpu.enqueue_indirect_dma source(%arg4 : memref<64x128xf32, #tpu.memory_space<vmem>>) target(%dma_start3A_137 : memref<5056x128xf32, #tpu.memory_space<vmem_shared>>) offsets(%dma_start3A_134 : memref<64xi32, #tpu.memory_space<vmem>>) semaphore(%arg7 : memref<!tpu.dma_semaphore, #tpu.memory_space<semaphore_mem>>) {add = true}
        %dma_start3A_138 = arith.constant 5 : i32
        %dma_start3A_139 = arith.constant 0 : i32
        %dma_start3A_140 = tpu.memref_slice %arg6[%dma_start3A_138, %dma_start3A_139] : memref<8x64xi32, #tpu.memory_space<vmem>> -> memref<1x64xi32, #tpu.memory_space<vmem>>
        %dma_start3A_141 = tpu.memref_squeeze %dma_start3A_140 : memref<1x64xi32, #tpu.memory_space<vmem>> -> memref<64xi32, #tpu.memory_space<vmem>>
        %dma_start3A_142 = arith.constant 0 : i32
        %dma_start3A_143 = arith.constant 0 : i32
        %dma_start3A_144 = tpu.memref_slice %arg8[%dma_start3A_142, %dma_start3A_143] : memref<5056x128xf32, #tpu.memory_space<vmem_shared>> -> memref<5056x128xf32, #tpu.memory_space<vmem_shared>>
        tpu.enqueue_indirect_dma source(%arg4 : memref<64x128xf32, #tpu.memory_space<vmem>>) target(%dma_start3A_144 : memref<5056x128xf32, #tpu.memory_space<vmem_shared>>) offsets(%dma_start3A_141 : memref<64xi32, #tpu.memory_space<vmem>>) semaphore(%arg7 : memref<!tpu.dma_semaphore, #tpu.memory_space<semaphore_mem>>) {add = true}
        %dma_start3A_145 = arith.constant 6 : i32
        %dma_start3A_146 = arith.constant 0 : i32
        %dma_start3A_147 = tpu.memref_slice %arg6[%dma_start3A_145, %dma_start3A_146] : memref<8x64xi32, #tpu.memory_space<vmem>> -> memref<1x64xi32, #tpu.memory_space<vmem>>
        %dma_start3A_148 = tpu.memref_squeeze %dma_start3A_147 : memref<1x64xi32, #tpu.memory_space<vmem>> -> memref<64xi32, #tpu.memory_space<vmem>>
        %dma_start3A_149 = arith.constant 0 : i32
        %dma_start3A_150 = arith.constant 0 : i32
        %dma_start3A_151 = tpu.memref_slice %arg8[%dma_start3A_149, %dma_start3A_150] : memref<5056x128xf32, #tpu.memory_space<vmem_shared>> -> memref<5056x128xf32, #tpu.memory_space<vmem_shared>>
        tpu.enqueue_indirect_dma source(%arg4 : memref<64x128xf32, #tpu.memory_space<vmem>>) target(%dma_start3A_151 : memref<5056x128xf32, #tpu.memory_space<vmem_shared>>) offsets(%dma_start3A_148 : memref<64xi32, #tpu.memory_space<vmem>>) semaphore(%arg7 : memref<!tpu.dma_semaphore, #tpu.memory_space<semaphore_mem>>) {add = true}
        %dma_start3A_152 = arith.constant 7 : i32
        %dma_start3A_153 = arith.constant 0 : i32
        %dma_start3A_154 = tpu.memref_slice %arg6[%dma_start3A_152, %dma_start3A_153] : memref<8x64xi32, #tpu.memory_space<vmem>> -> memref<1x64xi32, #tpu.memory_space<vmem>>
        %dma_start3A_155 = tpu.memref_squeeze %dma_start3A_154 : memref<1x64xi32, #tpu.memory_space<vmem>> -> memref<64xi32, #tpu.memory_space<vmem>>
        %dma_start3A_156 = arith.constant 0 : i32
        %dma_start3A_157 = arith.constant 0 : i32
        %dma_start3A_158 = tpu.memref_slice %arg8[%dma_start3A_156, %dma_start3A_157] : memref<5056x128xf32, #tpu.memory_space<vmem_shared>> -> memref<5056x128xf32, #tpu.memory_space<vmem_shared>>
        tpu.enqueue_indirect_dma source(%arg4 : memref<64x128xf32, #tpu.memory_space<vmem>>) target(%dma_start3A_158 : memref<5056x128xf32, #tpu.memory_space<vmem_shared>>) offsets(%dma_start3A_155 : memref<64xi32, #tpu.memory_space<vmem>>) semaphore(%arg7 : memref<!tpu.dma_semaphore, #tpu.memory_space<semaphore_mem>>) {add = true}
        %dma_wait3A = arith.constant 0 : i32
        %dma_wait3A_159 = arith.constant 0 : i32
        %dma_wait3A_160 = tpu.memref_slice %arg6[%dma_wait3A, %dma_wait3A_159] : memref<8x64xi32, #tpu.memory_space<vmem>> -> memref<1x64xi32, #tpu.memory_space<vmem>>
        %dma_wait3A_161 = tpu.memref_squeeze %dma_wait3A_160 : memref<1x64xi32, #tpu.memory_space<vmem>> -> memref<64xi32, #tpu.memory_space<vmem>>
        %dma_wait3A_162 = arith.constant 0 : i32
        %dma_wait3A_163 = arith.constant 0 : i32
        %dma_wait3A_164 = tpu.memref_slice %arg8[%dma_wait3A_162, %dma_wait3A_163] : memref<5056x128xf32, #tpu.memory_space<vmem_shared>> -> memref<5056x128xf32, #tpu.memory_space<vmem_shared>>
        tpu.wait_indirect_dma semaphore(%arg7 : memref<!tpu.dma_semaphore, #tpu.memory_space<semaphore_mem>>) src(%arg4 : memref<64x128xf32, #tpu.memory_space<vmem>>) dst(%dma_wait3A_164 : memref<5056x128xf32, #tpu.memory_space<vmem_shared>>)
        %dma_wait3A_165 = arith.constant 1 : i32
        %dma_wait3A_166 = arith.constant 0 : i32
        %dma_wait3A_167 = tpu.memref_slice %arg6[%dma_wait3A_165, %dma_wait3A_166] : memref<8x64xi32, #tpu.memory_space<vmem>> -> memref<1x64xi32, #tpu.memory_space<vmem>>
        %dma_wait3A_168 = tpu.memref_squeeze %dma_wait3A_167 : memref<1x64xi32, #tpu.memory_space<vmem>> -> memref<64xi32, #tpu.memory_space<vmem>>
        %dma_wait3A_169 = arith.constant 0 : i32
        %dma_wait3A_170 = arith.constant 0 : i32
        %dma_wait3A_171 = tpu.memref_slice %arg8[%dma_wait3A_169, %dma_wait3A_170] : memref<5056x128xf32, #tpu.memory_space<vmem_shared>> -> memref<5056x128xf32, #tpu.memory_space<vmem_shared>>
        tpu.wait_indirect_dma semaphore(%arg7 : memref<!tpu.dma_semaphore, #tpu.memory_space<semaphore_mem>>) src(%arg4 : memref<64x128xf32, #tpu.memory_space<vmem>>) dst(%dma_wait3A_171 : memref<5056x128xf32, #tpu.memory_space<vmem_shared>>)
        %dma_wait3A_172 = arith.constant 2 : i32
        %dma_wait3A_173 = arith.constant 0 : i32
        %dma_wait3A_174 = tpu.memref_slice %arg6[%dma_wait3A_172, %dma_wait3A_173] : memref<8x64xi32, #tpu.memory_space<vmem>> -> memref<1x64xi32, #tpu.memory_space<vmem>>
        %dma_wait3A_175 = tpu.memref_squeeze %dma_wait3A_174 : memref<1x64xi32, #tpu.memory_space<vmem>> -> memref<64xi32, #tpu.memory_space<vmem>>
        %dma_wait3A_176 = arith.constant 0 : i32
        %dma_wait3A_177 = arith.constant 0 : i32
        %dma_wait3A_178 = tpu.memref_slice %arg8[%dma_wait3A_176, %dma_wait3A_177] : memref<5056x128xf32, #tpu.memory_space<vmem_shared>> -> memref<5056x128xf32, #tpu.memory_space<vmem_shared>>
        tpu.wait_indirect_dma semaphore(%arg7 : memref<!tpu.dma_semaphore, #tpu.memory_space<semaphore_mem>>) src(%arg4 : memref<64x128xf32, #tpu.memory_space<vmem>>) dst(%dma_wait3A_178 : memref<5056x128xf32, #tpu.memory_space<vmem_shared>>)
        %dma_wait3A_179 = arith.constant 3 : i32
        %dma_wait3A_180 = arith.constant 0 : i32
        %dma_wait3A_181 = tpu.memref_slice %arg6[%dma_wait3A_179, %dma_wait3A_180] : memref<8x64xi32, #tpu.memory_space<vmem>> -> memref<1x64xi32, #tpu.memory_space<vmem>>
        %dma_wait3A_182 = tpu.memref_squeeze %dma_wait3A_181 : memref<1x64xi32, #tpu.memory_space<vmem>> -> memref<64xi32, #tpu.memory_space<vmem>>
        %dma_wait3A_183 = arith.constant 0 : i32
        %dma_wait3A_184 = arith.constant 0 : i32
        %dma_wait3A_185 = tpu.memref_slice %arg8[%dma_wait3A_183, %dma_wait3A_184] : memref<5056x128xf32, #tpu.memory_space<vmem_shared>> -> memref<5056x128xf32, #tpu.memory_space<vmem_shared>>
        tpu.wait_indirect_dma semaphore(%arg7 : memref<!tpu.dma_semaphore, #tpu.memory_space<semaphore_mem>>) src(%arg4 : memref<64x128xf32, #tpu.memory_space<vmem>>) dst(%dma_wait3A_185 : memref<5056x128xf32, #tpu.memory_space<vmem_shared>>)
        %dma_wait3A_186 = arith.constant 4 : i32
        %dma_wait3A_187 = arith.constant 0 : i32
        %dma_wait3A_188 = tpu.memref_slice %arg6[%dma_wait3A_186, %dma_wait3A_187] : memref<8x64xi32, #tpu.memory_space<vmem>> -> memref<1x64xi32, #tpu.memory_space<vmem>>
        %dma_wait3A_189 = tpu.memref_squeeze %dma_wait3A_188 : memref<1x64xi32, #tpu.memory_space<vmem>> -> memref<64xi32, #tpu.memory_space<vmem>>
        %dma_wait3A_190 = arith.constant 0 : i32
        %dma_wait3A_191 = arith.constant 0 : i32
        %dma_wait3A_192 = tpu.memref_slice %arg8[%dma_wait3A_190, %dma_wait3A_191] : memref<5056x128xf32, #tpu.memory_space<vmem_shared>> -> memref<5056x128xf32, #tpu.memory_space<vmem_shared>>
        tpu.wait_indirect_dma semaphore(%arg7 : memref<!tpu.dma_semaphore, #tpu.memory_space<semaphore_mem>>) src(%arg4 : memref<64x128xf32, #tpu.memory_space<vmem>>) dst(%dma_wait3A_192 : memref<5056x128xf32, #tpu.memory_space<vmem_shared>>)
        %dma_wait3A_193 = arith.constant 5 : i32
        %dma_wait3A_194 = arith.constant 0 : i32
        %dma_wait3A_195 = tpu.memref_slice %arg6[%dma_wait3A_193, %dma_wait3A_194] : memref<8x64xi32, #tpu.memory_space<vmem>> -> memref<1x64xi32, #tpu.memory_space<vmem>>
        %dma_wait3A_196 = tpu.memref_squeeze %dma_wait3A_195 : memref<1x64xi32, #tpu.memory_space<vmem>> -> memref<64xi32, #tpu.memory_space<vmem>>
        %dma_wait3A_197 = arith.constant 0 : i32
        %dma_wait3A_198 = arith.constant 0 : i32
        %dma_wait3A_199 = tpu.memref_slice %arg8[%dma_wait3A_197, %dma_wait3A_198] : memref<5056x128xf32, #tpu.memory_space<vmem_shared>> -> memref<5056x128xf32, #tpu.memory_space<vmem_shared>>
        tpu.wait_indirect_dma semaphore(%arg7 : memref<!tpu.dma_semaphore, #tpu.memory_space<semaphore_mem>>) src(%arg4 : memref<64x128xf32, #tpu.memory_space<vmem>>) dst(%dma_wait3A_199 : memref<5056x128xf32, #tpu.memory_space<vmem_shared>>)
        %dma_wait3A_200 = arith.constant 6 : i32
        %dma_wait3A_201 = arith.constant 0 : i32
        %dma_wait3A_202 = tpu.memref_slice %arg6[%dma_wait3A_200, %dma_wait3A_201] : memref<8x64xi32, #tpu.memory_space<vmem>> -> memref<1x64xi32, #tpu.memory_space<vmem>>
        %dma_wait3A_203 = tpu.memref_squeeze %dma_wait3A_202 : memref<1x64xi32, #tpu.memory_space<vmem>> -> memref<64xi32, #tpu.memory_space<vmem>>
        %dma_wait3A_204 = arith.constant 0 : i32
        %dma_wait3A_205 = arith.constant 0 : i32
        %dma_wait3A_206 = tpu.memref_slice %arg8[%dma_wait3A_204, %dma_wait3A_205] : memref<5056x128xf32, #tpu.memory_space<vmem_shared>> -> memref<5056x128xf32, #tpu.memory_space<vmem_shared>>
        tpu.wait_indirect_dma semaphore(%arg7 : memref<!tpu.dma_semaphore, #tpu.memory_space<semaphore_mem>>) src(%arg4 : memref<64x128xf32, #tpu.memory_space<vmem>>) dst(%dma_wait3A_206 : memref<5056x128xf32, #tpu.memory_space<vmem_shared>>)
        %dma_wait3A_207 = arith.constant 7 : i32
        %dma_wait3A_208 = arith.constant 0 : i32
        %dma_wait3A_209 = tpu.memref_slice %arg6[%dma_wait3A_207, %dma_wait3A_208] : memref<8x64xi32, #tpu.memory_space<vmem>> -> memref<1x64xi32, #tpu.memory_space<vmem>>
        %dma_wait3A_210 = tpu.memref_squeeze %dma_wait3A_209 : memref<1x64xi32, #tpu.memory_space<vmem>> -> memref<64xi32, #tpu.memory_space<vmem>>
        %dma_wait3A_211 = arith.constant 0 : i32
        %dma_wait3A_212 = arith.constant 0 : i32
        %dma_wait3A_213 = tpu.memref_slice %arg8[%dma_wait3A_211, %dma_wait3A_212] : memref<5056x128xf32, #tpu.memory_space<vmem_shared>> -> memref<5056x128xf32, #tpu.memory_space<vmem_shared>>
        tpu.wait_indirect_dma semaphore(%arg7 : memref<!tpu.dma_semaphore, #tpu.memory_space<semaphore_mem>>) src(%arg4 : memref<64x128xf32, #tpu.memory_space<vmem>>) dst(%dma_wait3A_213 : memref<5056x128xf32, #tpu.memory_space<vmem_shared>>)
      } else {
      }
    }
    %scan3A_45 = arith.constant 40 : i32
    %barrier3A_46 = arith.constant 0 : index
    tpu.barrier barrier_id(%barrier3A_46)
    %add3A_47 = arith.constant 0 : i32
    %add3A_48 = arith.addi %arg1, %add3A_47 : i32
    %lt3A_49 = arith.constant 79 : i32
    %lt3A_50 = arith.cmpi slt, %add3A_48, %lt3A_49 : i32
    %convert_element_type3A_51 = arith.extui %lt3A_50 : i1 to i32
    %cond3A_52 = arith.constant 0 : i32
    %cond3A_53 = arith.cmpi ne, %convert_element_type3A_51, %cond3A_52 : i32
    scf.if %cond3A_53 {
      %mul3A_82 = arith.constant 64 : i32
      %mul3A_83 = arith.muli %add3A_48, %mul3A_82 : i32
      %multiple_of3A = tpu.assume_multiple %mul3A_83, 8 : i32
      "tpu.region"() ({
        %run_scoped3A = tpu.sem_alloc : memref<!tpu.dma_semaphore, #tpu.memory_space<semaphore_mem>>
        %dma_start3A = arith.constant 0 : i32
        %dma_start3A_84 = tpu.memref_slice %arg3[%arg0, %multiple_of3A, %dma_start3A] : memref<2x5056x128xf32, #tpu.memory_space<hbm>> -> memref<1x64x128xf32, #tpu.memory_space<hbm>>
        %dma_start3A_85 = tpu.memref_squeeze %dma_start3A_84 : memref<1x64x128xf32, #tpu.memory_space<hbm>> -> memref<64x128xf32, #tpu.memory_space<hbm>>
        %dma_start3A_86 = arith.constant 0 : i32
        %dma_start3A_87 = tpu.memref_slice %arg8[%multiple_of3A, %dma_start3A_86] : memref<5056x128xf32, #tpu.memory_space<vmem_shared>> -> memref<64x128xf32, #tpu.memory_space<vmem_shared>>
        tpu.enqueue_dma source(%dma_start3A_87 : memref<64x128xf32, #tpu.memory_space<vmem_shared>>) target(%dma_start3A_85 : memref<64x128xf32, #tpu.memory_space<hbm>>) target_semaphore(%run_scoped3A : memref<!tpu.dma_semaphore, #tpu.memory_space<semaphore_mem>>)
        %dma_wait3A = arith.constant 0 : i32
        %dma_wait3A_88 = tpu.memref_slice %arg3[%arg0, %multiple_of3A, %dma_wait3A] : memref<2x5056x128xf32, #tpu.memory_space<hbm>> -> memref<1x64x128xf32, #tpu.memory_space<hbm>>
        %dma_wait3A_89 = tpu.memref_squeeze %dma_wait3A_88 : memref<1x64x128xf32, #tpu.memory_space<hbm>> -> memref<64x128xf32, #tpu.memory_space<hbm>>
        %dma_wait3A_90 = arith.constant 0 : i32
        %dma_wait3A_91 = tpu.memref_slice %arg8[%multiple_of3A, %dma_wait3A_90] : memref<5056x128xf32, #tpu.memory_space<vmem_shared>> -> memref<64x128xf32, #tpu.memory_space<vmem_shared>>
        tpu.wait_dma2 semaphore(%run_scoped3A : memref<!tpu.dma_semaphore, #tpu.memory_space<semaphore_mem>>) src(%dma_wait3A_91 : memref<64x128xf32, #tpu.memory_space<vmem_shared>>) dst(%dma_wait3A_89 : memref<64x128xf32, #tpu.memory_space<hbm>>)
        tpu.yield
      }) : () -> ()
    } else {
    }
    %add3A_54 = arith.constant 16 : i32
    %add3A_55 = arith.addi %arg1, %add3A_54 : i32
    %lt3A_56 = arith.constant 79 : i32
    %lt3A_57 = arith.cmpi slt, %add3A_55, %lt3A_56 : i32
    %convert_element_type3A_58 = arith.extui %lt3A_57 : i1 to i32
    %cond3A_59 = arith.constant 0 : i32
    %cond3A_60 = arith.cmpi ne, %convert_element_type3A_58, %cond3A_59 : i32
    scf.if %cond3A_60 {
      %mul3A_82 = arith.constant 64 : i32
      %mul3A_83 = arith.muli %add3A_55, %mul3A_82 : i32
      %multiple_of3A = tpu.assume_multiple %mul3A_83, 8 : i32
      "tpu.region"() ({
        %run_scoped3A = tpu.sem_alloc : memref<!tpu.dma_semaphore, #tpu.memory_space<semaphore_mem>>
        %dma_start3A = arith.constant 0 : i32
        %dma_start3A_84 = tpu.memref_slice %arg3[%arg0, %multiple_of3A, %dma_start3A] : memref<2x5056x128xf32, #tpu.memory_space<hbm>> -> memref<1x64x128xf32, #tpu.memory_space<hbm>>
        %dma_start3A_85 = tpu.memref_squeeze %dma_start3A_84 : memref<1x64x128xf32, #tpu.memory_space<hbm>> -> memref<64x128xf32, #tpu.memory_space<hbm>>
        %dma_start3A_86 = arith.constant 0 : i32
        %dma_start3A_87 = tpu.memref_slice %arg8[%multiple_of3A, %dma_start3A_86] : memref<5056x128xf32, #tpu.memory_space<vmem_shared>> -> memref<64x128xf32, #tpu.memory_space<vmem_shared>>
        tpu.enqueue_dma source(%dma_start3A_87 : memref<64x128xf32, #tpu.memory_space<vmem_shared>>) target(%dma_start3A_85 : memref<64x128xf32, #tpu.memory_space<hbm>>) target_semaphore(%run_scoped3A : memref<!tpu.dma_semaphore, #tpu.memory_space<semaphore_mem>>)
        %dma_wait3A = arith.constant 0 : i32
        %dma_wait3A_88 = tpu.memref_slice %arg3[%arg0, %multiple_of3A, %dma_wait3A] : memref<2x5056x128xf32, #tpu.memory_space<hbm>> -> memref<1x64x128xf32, #tpu.memory_space<hbm>>
        %dma_wait3A_89 = tpu.memref_squeeze %dma_wait3A_88 : memref<1x64x128xf32, #tpu.memory_space<hbm>> -> memref<64x128xf32, #tpu.memory_space<hbm>>
        %dma_wait3A_90 = arith.constant 0 : i32
        %dma_wait3A_91 = tpu.memref_slice %arg8[%multiple_of3A, %dma_wait3A_90] : memref<5056x128xf32, #tpu.memory_space<vmem_shared>> -> memref<64x128xf32, #tpu.memory_space<vmem_shared>>
        tpu.wait_dma2 semaphore(%run_scoped3A : memref<!tpu.dma_semaphore, #tpu.memory_space<semaphore_mem>>) src(%dma_wait3A_91 : memref<64x128xf32, #tpu.memory_space<vmem_shared>>) dst(%dma_wait3A_89 : memref<64x128xf32, #tpu.memory_space<hbm>>)
        tpu.yield
      }) : () -> ()
    } else {
    }
    %add3A_61 = arith.constant 32 : i32
    %add3A_62 = arith.addi %arg1, %add3A_61 : i32
    %lt3A_63 = arith.constant 79 : i32
    %lt3A_64 = arith.cmpi slt, %add3A_62, %lt3A_63 : i32
    %convert_element_type3A_65 = arith.extui %lt3A_64 : i1 to i32
    %cond3A_66 = arith.constant 0 : i32
    %cond3A_67 = arith.cmpi ne, %convert_element_type3A_65, %cond3A_66 : i32
    scf.if %cond3A_67 {
      %mul3A_82 = arith.constant 64 : i32
      %mul3A_83 = arith.muli %add3A_62, %mul3A_82 : i32
      %multiple_of3A = tpu.assume_multiple %mul3A_83, 8 : i32
      "tpu.region"() ({
        %run_scoped3A = tpu.sem_alloc : memref<!tpu.dma_semaphore, #tpu.memory_space<semaphore_mem>>
        %dma_start3A = arith.constant 0 : i32
        %dma_start3A_84 = tpu.memref_slice %arg3[%arg0, %multiple_of3A, %dma_start3A] : memref<2x5056x128xf32, #tpu.memory_space<hbm>> -> memref<1x64x128xf32, #tpu.memory_space<hbm>>
        %dma_start3A_85 = tpu.memref_squeeze %dma_start3A_84 : memref<1x64x128xf32, #tpu.memory_space<hbm>> -> memref<64x128xf32, #tpu.memory_space<hbm>>
        %dma_start3A_86 = arith.constant 0 : i32
        %dma_start3A_87 = tpu.memref_slice %arg8[%multiple_of3A, %dma_start3A_86] : memref<5056x128xf32, #tpu.memory_space<vmem_shared>> -> memref<64x128xf32, #tpu.memory_space<vmem_shared>>
        tpu.enqueue_dma source(%dma_start3A_87 : memref<64x128xf32, #tpu.memory_space<vmem_shared>>) target(%dma_start3A_85 : memref<64x128xf32, #tpu.memory_space<hbm>>) target_semaphore(%run_scoped3A : memref<!tpu.dma_semaphore, #tpu.memory_space<semaphore_mem>>)
        %dma_wait3A = arith.constant 0 : i32
        %dma_wait3A_88 = tpu.memref_slice %arg3[%arg0, %multiple_of3A, %dma_wait3A] : memref<2x5056x128xf32, #tpu.memory_space<hbm>> -> memref<1x64x128xf32, #tpu.memory_space<hbm>>
        %dma_wait3A_89 = tpu.memref_squeeze %dma_wait3A_88 : memref<1x64x128xf32, #tpu.memory_space<hbm>> -> memref<64x128xf32, #tpu.memory_space<hbm>>
        %dma_wait3A_90 = arith.constant 0 : i32
        %dma_wait3A_91 = tpu.memref_slice %arg8[%multiple_of3A, %dma_wait3A_90] : memref<5056x128xf32, #tpu.memory_space<vmem_shared>> -> memref<64x128xf32, #tpu.memory_space<vmem_shared>>
        tpu.wait_dma2 semaphore(%run_scoped3A : memref<!tpu.dma_semaphore, #tpu.memory_space<semaphore_mem>>) src(%dma_wait3A_91 : memref<64x128xf32, #tpu.memory_space<vmem_shared>>) dst(%dma_wait3A_89 : memref<64x128xf32, #tpu.memory_space<hbm>>)
        tpu.yield
      }) : () -> ()
    } else {
    }
    %add3A_68 = arith.constant 48 : i32
    %add3A_69 = arith.addi %arg1, %add3A_68 : i32
    %lt3A_70 = arith.constant 79 : i32
    %lt3A_71 = arith.cmpi slt, %add3A_69, %lt3A_70 : i32
    %convert_element_type3A_72 = arith.extui %lt3A_71 : i1 to i32
    %cond3A_73 = arith.constant 0 : i32
    %cond3A_74 = arith.cmpi ne, %convert_element_type3A_72, %cond3A_73 : i32
    scf.if %cond3A_74 {
      %mul3A_82 = arith.constant 64 : i32
      %mul3A_83 = arith.muli %add3A_69, %mul3A_82 : i32
      %multiple_of3A = tpu.assume_multiple %mul3A_83, 8 : i32
      "tpu.region"() ({
        %run_scoped3A = tpu.sem_alloc : memref<!tpu.dma_semaphore, #tpu.memory_space<semaphore_mem>>
        %dma_start3A = arith.constant 0 : i32
        %dma_start3A_84 = tpu.memref_slice %arg3[%arg0, %multiple_of3A, %dma_start3A] : memref<2x5056x128xf32, #tpu.memory_space<hbm>> -> memref<1x64x128xf32, #tpu.memory_space<hbm>>
        %dma_start3A_85 = tpu.memref_squeeze %dma_start3A_84 : memref<1x64x128xf32, #tpu.memory_space<hbm>> -> memref<64x128xf32, #tpu.memory_space<hbm>>
        %dma_start3A_86 = arith.constant 0 : i32
        %dma_start3A_87 = tpu.memref_slice %arg8[%multiple_of3A, %dma_start3A_86] : memref<5056x128xf32, #tpu.memory_space<vmem_shared>> -> memref<64x128xf32, #tpu.memory_space<vmem_shared>>
        tpu.enqueue_dma source(%dma_start3A_87 : memref<64x128xf32, #tpu.memory_space<vmem_shared>>) target(%dma_start3A_85 : memref<64x128xf32, #tpu.memory_space<hbm>>) target_semaphore(%run_scoped3A : memref<!tpu.dma_semaphore, #tpu.memory_space<semaphore_mem>>)
        %dma_wait3A = arith.constant 0 : i32
        %dma_wait3A_88 = tpu.memref_slice %arg3[%arg0, %multiple_of3A, %dma_wait3A] : memref<2x5056x128xf32, #tpu.memory_space<hbm>> -> memref<1x64x128xf32, #tpu.memory_space<hbm>>
        %dma_wait3A_89 = tpu.memref_squeeze %dma_wait3A_88 : memref<1x64x128xf32, #tpu.memory_space<hbm>> -> memref<64x128xf32, #tpu.memory_space<hbm>>
        %dma_wait3A_90 = arith.constant 0 : i32
        %dma_wait3A_91 = tpu.memref_slice %arg8[%multiple_of3A, %dma_wait3A_90] : memref<5056x128xf32, #tpu.memory_space<vmem_shared>> -> memref<64x128xf32, #tpu.memory_space<vmem_shared>>
        tpu.wait_dma2 semaphore(%run_scoped3A : memref<!tpu.dma_semaphore, #tpu.memory_space<semaphore_mem>>) src(%dma_wait3A_91 : memref<64x128xf32, #tpu.memory_space<vmem_shared>>) dst(%dma_wait3A_89 : memref<64x128xf32, #tpu.memory_space<hbm>>)
        tpu.yield
      }) : () -> ()
    } else {
    }
    %add3A_75 = arith.constant 64 : i32
    %add3A_76 = arith.addi %arg1, %add3A_75 : i32
    %lt3A_77 = arith.constant 79 : i32
    %lt3A_78 = arith.cmpi slt, %add3A_76, %lt3A_77 : i32
    %convert_element_type3A_79 = arith.extui %lt3A_78 : i1 to i32
    %cond3A_80 = arith.constant 0 : i32
    %cond3A_81 = arith.cmpi ne, %convert_element_type3A_79, %cond3A_80 : i32
    scf.if %cond3A_81 {
      %mul3A_82 = arith.constant 64 : i32
      %mul3A_83 = arith.muli %add3A_76, %mul3A_82 : i32
      %multiple_of3A = tpu.assume_multiple %mul3A_83, 8 : i32
      "tpu.region"() ({
        %run_scoped3A = tpu.sem_alloc : memref<!tpu.dma_semaphore, #tpu.memory_space<semaphore_mem>>
        %dma_start3A = arith.constant 0 : i32
        %dma_start3A_84 = tpu.memref_slice %arg3[%arg0, %multiple_of3A, %dma_start3A] : memref<2x5056x128xf32, #tpu.memory_space<hbm>> -> memref<1x64x128xf32, #tpu.memory_space<hbm>>
        %dma_start3A_85 = tpu.memref_squeeze %dma_start3A_84 : memref<1x64x128xf32, #tpu.memory_space<hbm>> -> memref<64x128xf32, #tpu.memory_space<hbm>>
        %dma_start3A_86 = arith.constant 0 : i32
        %dma_start3A_87 = tpu.memref_slice %arg8[%multiple_of3A, %dma_start3A_86] : memref<5056x128xf32, #tpu.memory_space<vmem_shared>> -> memref<64x128xf32, #tpu.memory_space<vmem_shared>>
        tpu.enqueue_dma source(%dma_start3A_87 : memref<64x128xf32, #tpu.memory_space<vmem_shared>>) target(%dma_start3A_85 : memref<64x128xf32, #tpu.memory_space<hbm>>) target_semaphore(%run_scoped3A : memref<!tpu.dma_semaphore, #tpu.memory_space<semaphore_mem>>)
        %dma_wait3A = arith.constant 0 : i32
        %dma_wait3A_88 = tpu.memref_slice %arg3[%arg0, %multiple_of3A, %dma_wait3A] : memref<2x5056x128xf32, #tpu.memory_space<hbm>> -> memref<1x64x128xf32, #tpu.memory_space<hbm>>
        %dma_wait3A_89 = tpu.memref_squeeze %dma_wait3A_88 : memref<1x64x128xf32, #tpu.memory_space<hbm>> -> memref<64x128xf32, #tpu.memory_space<hbm>>
        %dma_wait3A_90 = arith.constant 0 : i32
        %dma_wait3A_91 = tpu.memref_slice %arg8[%multiple_of3A, %dma_wait3A_90] : memref<5056x128xf32, #tpu.memory_space<vmem_shared>> -> memref<64x128xf32, #tpu.memory_space<vmem_shared>>
        tpu.wait_dma2 semaphore(%run_scoped3A : memref<!tpu.dma_semaphore, #tpu.memory_space<semaphore_mem>>) src(%dma_wait3A_91 : memref<64x128xf32, #tpu.memory_space<vmem_shared>>) dst(%dma_wait3A_89 : memref<64x128xf32, #tpu.memory_space<hbm>>)
        tpu.yield
      }) : () -> ()
    } else {
    }
    return
  }
}

#map = affine_map<(d0, d1) -> (0, 0)>
#map1 = affine_map<(d0, d1) -> (0)>
#map2 = affine_map<(d0, d1) -> (0, 0, 0)>
module attributes {stable_mosaic.version = 14 : i64} {
  func.func @_scatter_body(%arg0: i32, %arg1: i32, %arg2: memref<320000x128xf32, #tpu.memory_space<hbm>>, %arg3: memref<320000xi32, #tpu.memory_space<hbm>>, %arg4: memref<2x5056x128xf32, #tpu.memory_space<hbm>>, %arg5: memref<64x128xf32, #tpu.memory_space<vmem>>, %arg6: memref<64xi32, #tpu.memory_space<vmem>>, %arg7: memref<64xi32, #tpu.memory_space<vmem>>, %arg8: memref<5056x128xf32, #tpu.memory_space<vmem_shared>>) attributes {dimension_semantics = [#tpu.dimension_semantics<core_parallel>, #tpu.dimension_semantics<subcore_parallel>], iteration_bounds = array<i64: 2, 16>, scalar_prefetch = 0 : i64, scratch_operands = 4 : i64, tpu.core_type = #tpu.core_type<sc_vector_subcore>, window_params = [{transform_indices = #map}, {transform_indices = #map1}, {transform_indices = #map2}]} {
    %mul3A = arith.constant 5000 : i32
    %mul3A_0 = arith.muli %arg0, %mul3A : i32
    %scan3A = arith.constant 0 : i32
    %scan3A_1 = arith.constant 64 : i32
    %scan3A_2 = arith.addi %scan3A, %scan3A_1 : i32
    %scan3A_3 = arith.constant 1 : i32
    scf.for %scan3A_77 = %scan3A to %scan3A_2 step %scan3A_3  : i32 {
      %mul3A_78 = arith.constant 1 : i32
      %mul3A_79 = arith.muli %scan3A_77, %mul3A_78 : i32
      %add3A_80 = arith.constant 0 : i32
      %add3A_81 = arith.addi %add3A_80, %mul3A_79 : i32
      %broadcast_in_dim3A = arith.constant 0.000000e+00 : f32
      %broadcast_in_dim3A_82 = vector.broadcast %broadcast_in_dim3A : f32 to vector<16xf32>
      %swap3A = arith.index_cast %add3A_81 : i32 to index
      %swap3A_83 = arith.constant 0 : index
      %swap3A_84 = tpu.vector_load %arg5[%swap3A, %swap3A_83] {strides = array<i32>} : memref<64x128xf32, #tpu.memory_space<vmem>>, vector<1x16xf32>,
      %swap3A_85 = vector.shape_cast %swap3A_84 : vector<1x16xf32> to vector<16xf32>
      %swap3A_86 = vector.shape_cast %broadcast_in_dim3A_82 : vector<16xf32> to vector<1x16xf32>
      tpu.vector_store %arg5[%swap3A, %swap3A_83], %swap3A_86 {strides = array<i32>} : memref<64x128xf32, #tpu.memory_space<vmem>>, vector<1x16xf32>,
      %broadcast_in_dim3A_87 = arith.constant 0.000000e+00 : f32
      %broadcast_in_dim3A_88 = vector.broadcast %broadcast_in_dim3A_87 : f32 to vector<16xf32>
      %swap3A_89 = arith.index_cast %add3A_81 : i32 to index
      %swap3A_90 = arith.constant 16 : index
      %swap3A_91 = tpu.vector_load %arg5[%swap3A_89, %swap3A_90] {strides = array<i32>} : memref<64x128xf32, #tpu.memory_space<vmem>>, vector<1x16xf32>,
      %swap3A_92 = vector.shape_cast %swap3A_91 : vector<1x16xf32> to vector<16xf32>
      %swap3A_93 = vector.shape_cast %broadcast_in_dim3A_88 : vector<16xf32> to vector<1x16xf32>
      tpu.vector_store %arg5[%swap3A_89, %swap3A_90], %swap3A_93 {strides = array<i32>} : memref<64x128xf32, #tpu.memory_space<vmem>>, vector<1x16xf32>,
      %broadcast_in_dim3A_94 = arith.constant 0.000000e+00 : f32
      %broadcast_in_dim3A_95 = vector.broadcast %broadcast_in_dim3A_94 : f32 to vector<16xf32>
      %swap3A_96 = arith.index_cast %add3A_81 : i32 to index
      %swap3A_97 = arith.constant 32 : index
      %swap3A_98 = tpu.vector_load %arg5[%swap3A_96, %swap3A_97] {strides = array<i32>} : memref<64x128xf32, #tpu.memory_space<vmem>>, vector<1x16xf32>,
      %swap3A_99 = vector.shape_cast %swap3A_98 : vector<1x16xf32> to vector<16xf32>
      %swap3A_100 = vector.shape_cast %broadcast_in_dim3A_95 : vector<16xf32> to vector<1x16xf32>
      tpu.vector_store %arg5[%swap3A_96, %swap3A_97], %swap3A_100 {strides = array<i32>} : memref<64x128xf32, #tpu.memory_space<vmem>>, vector<1x16xf32>,
      %broadcast_in_dim3A_101 = arith.constant 0.000000e+00 : f32
      %broadcast_in_dim3A_102 = vector.broadcast %broadcast_in_dim3A_101 : f32 to vector<16xf32>
      %swap3A_103 = arith.index_cast %add3A_81 : i32 to index
      %swap3A_104 = arith.constant 48 : index
      %swap3A_105 = tpu.vector_load %arg5[%swap3A_103, %swap3A_104] {strides = array<i32>} : memref<64x128xf32, #tpu.memory_space<vmem>>, vector<1x16xf32>,
      %swap3A_106 = vector.shape_cast %swap3A_105 : vector<1x16xf32> to vector<16xf32>
      %swap3A_107 = vector.shape_cast %broadcast_in_dim3A_102 : vector<16xf32> to vector<1x16xf32>
      tpu.vector_store %arg5[%swap3A_103, %swap3A_104], %swap3A_107 {strides = array<i32>} : memref<64x128xf32, #tpu.memory_space<vmem>>, vector<1x16xf32>,
      %broadcast_in_dim3A_108 = arith.constant 0.000000e+00 : f32
      %broadcast_in_dim3A_109 = vector.broadcast %broadcast_in_dim3A_108 : f32 to vector<16xf32>
      %swap3A_110 = arith.index_cast %add3A_81 : i32 to index
      %swap3A_111 = arith.constant 64 : index
      %swap3A_112 = tpu.vector_load %arg5[%swap3A_110, %swap3A_111] {strides = array<i32>} : memref<64x128xf32, #tpu.memory_space<vmem>>, vector<1x16xf32>,
      %swap3A_113 = vector.shape_cast %swap3A_112 : vector<1x16xf32> to vector<16xf32>
      %swap3A_114 = vector.shape_cast %broadcast_in_dim3A_109 : vector<16xf32> to vector<1x16xf32>
      tpu.vector_store %arg5[%swap3A_110, %swap3A_111], %swap3A_114 {strides = array<i32>} : memref<64x128xf32, #tpu.memory_space<vmem>>, vector<1x16xf32>,
      %broadcast_in_dim3A_115 = arith.constant 0.000000e+00 : f32
      %broadcast_in_dim3A_116 = vector.broadcast %broadcast_in_dim3A_115 : f32 to vector<16xf32>
      %swap3A_117 = arith.index_cast %add3A_81 : i32 to index
      %swap3A_118 = arith.constant 80 : index
      %swap3A_119 = tpu.vector_load %arg5[%swap3A_117, %swap3A_118] {strides = array<i32>} : memref<64x128xf32, #tpu.memory_space<vmem>>, vector<1x16xf32>,
      %swap3A_120 = vector.shape_cast %swap3A_119 : vector<1x16xf32> to vector<16xf32>
      %swap3A_121 = vector.shape_cast %broadcast_in_dim3A_116 : vector<16xf32> to vector<1x16xf32>
      tpu.vector_store %arg5[%swap3A_117, %swap3A_118], %swap3A_121 {strides = array<i32>} : memref<64x128xf32, #tpu.memory_space<vmem>>, vector<1x16xf32>,
      %broadcast_in_dim3A_122 = arith.constant 0.000000e+00 : f32
      %broadcast_in_dim3A_123 = vector.broadcast %broadcast_in_dim3A_122 : f32 to vector<16xf32>
      %swap3A_124 = arith.index_cast %add3A_81 : i32 to index
      %swap3A_125 = arith.constant 96 : index
      %swap3A_126 = tpu.vector_load %arg5[%swap3A_124, %swap3A_125] {strides = array<i32>} : memref<64x128xf32, #tpu.memory_space<vmem>>, vector<1x16xf32>,
      %swap3A_127 = vector.shape_cast %swap3A_126 : vector<1x16xf32> to vector<16xf32>
      %swap3A_128 = vector.shape_cast %broadcast_in_dim3A_123 : vector<16xf32> to vector<1x16xf32>
      tpu.vector_store %arg5[%swap3A_124, %swap3A_125], %swap3A_128 {strides = array<i32>} : memref<64x128xf32, #tpu.memory_space<vmem>>, vector<1x16xf32>,
      %broadcast_in_dim3A_129 = arith.constant 0.000000e+00 : f32
      %broadcast_in_dim3A_130 = vector.broadcast %broadcast_in_dim3A_129 : f32 to vector<16xf32>
      %swap3A_131 = arith.index_cast %add3A_81 : i32 to index
      %swap3A_132 = arith.constant 112 : index
      %swap3A_133 = tpu.vector_load %arg5[%swap3A_131, %swap3A_132] {strides = array<i32>} : memref<64x128xf32, #tpu.memory_space<vmem>>, vector<1x16xf32>,
      %swap3A_134 = vector.shape_cast %swap3A_133 : vector<1x16xf32> to vector<16xf32>
      %swap3A_135 = vector.shape_cast %broadcast_in_dim3A_130 : vector<16xf32> to vector<1x16xf32>
      tpu.vector_store %arg5[%swap3A_131, %swap3A_132], %swap3A_135 {strides = array<i32>} : memref<64x128xf32, #tpu.memory_space<vmem>>, vector<1x16xf32>,
    }
    %scan3A_4 = arith.constant 64 : i32
    %add3A = arith.constant 0 : i32
    %add3A_5 = arith.addi %arg1, %add3A : i32
    %lt3A = arith.constant 79 : i32
    %lt3A_6 = arith.cmpi slt, %add3A_5, %lt3A : i32
    %convert_element_type3A = arith.extui %lt3A_6 : i1 to i32
    %cond3A = arith.constant 0 : i32
    %cond3A_7 = arith.cmpi ne, %convert_element_type3A, %cond3A : i32
    scf.if %cond3A_7 {
      %mul3A_77 = arith.constant 64 : i32
      %mul3A_78 = arith.muli %add3A_5, %mul3A_77 : i32
      %multiple_of3A = tpu.assume_multiple %mul3A_78, 8 : i32
      "tpu.region"() ({
        %run_scoped3A = tpu.sem_alloc : memref<!tpu.dma_semaphore, #tpu.memory_space<semaphore_mem>>
        %dma_start3A = arith.constant 0 : i32
        %dma_start3A_79 = tpu.memref_slice %arg8[%multiple_of3A, %dma_start3A] : memref<5056x128xf32, #tpu.memory_space<vmem_shared>> -> memref<64x128xf32, #tpu.memory_space<vmem_shared>>
        %dma_start3A_80 = arith.constant 0 : i32
        %dma_start3A_81 = tpu.memref_slice %arg8[%multiple_of3A, %dma_start3A_80] : memref<5056x128xf32, #tpu.memory_space<vmem_shared>> -> memref<64x128xf32, #tpu.memory_space<vmem_shared>>
        tpu.enqueue_dma source(%arg5 : memref<64x128xf32, #tpu.memory_space<vmem>>) target(%dma_start3A_81 : memref<64x128xf32, #tpu.memory_space<vmem_shared>>) target_semaphore(%run_scoped3A : memref<!tpu.dma_semaphore, #tpu.memory_space<semaphore_mem>>)
        %dma_wait3A = arith.constant 0 : i32
        %dma_wait3A_82 = tpu.memref_slice %arg8[%multiple_of3A, %dma_wait3A] : memref<5056x128xf32, #tpu.memory_space<vmem_shared>> -> memref<64x128xf32, #tpu.memory_space<vmem_shared>>
        %dma_wait3A_83 = arith.constant 0 : i32
        %dma_wait3A_84 = tpu.memref_slice %arg8[%multiple_of3A, %dma_wait3A_83] : memref<5056x128xf32, #tpu.memory_space<vmem_shared>> -> memref<64x128xf32, #tpu.memory_space<vmem_shared>>
        tpu.wait_dma2 semaphore(%run_scoped3A : memref<!tpu.dma_semaphore, #tpu.memory_space<semaphore_mem>>) src(%arg5 : memref<64x128xf32, #tpu.memory_space<vmem>>) dst(%dma_wait3A_84 : memref<64x128xf32, #tpu.memory_space<vmem_shared>>)
        tpu.yield
      }) : () -> ()
    } else {
    }
    %add3A_8 = arith.constant 16 : i32
    %add3A_9 = arith.addi %arg1, %add3A_8 : i32
    %lt3A_10 = arith.constant 79 : i32
    %lt3A_11 = arith.cmpi slt, %add3A_9, %lt3A_10 : i32
    %convert_element_type3A_12 = arith.extui %lt3A_11 : i1 to i32
    %cond3A_13 = arith.constant 0 : i32
    %cond3A_14 = arith.cmpi ne, %convert_element_type3A_12, %cond3A_13 : i32
    scf.if %cond3A_14 {
      %mul3A_77 = arith.constant 64 : i32
      %mul3A_78 = arith.muli %add3A_9, %mul3A_77 : i32
      %multiple_of3A = tpu.assume_multiple %mul3A_78, 8 : i32
      "tpu.region"() ({
        %run_scoped3A = tpu.sem_alloc : memref<!tpu.dma_semaphore, #tpu.memory_space<semaphore_mem>>
        %dma_start3A = arith.constant 0 : i32
        %dma_start3A_79 = tpu.memref_slice %arg8[%multiple_of3A, %dma_start3A] : memref<5056x128xf32, #tpu.memory_space<vmem_shared>> -> memref<64x128xf32, #tpu.memory_space<vmem_shared>>
        %dma_start3A_80 = arith.constant 0 : i32
        %dma_start3A_81 = tpu.memref_slice %arg8[%multiple_of3A, %dma_start3A_80] : memref<5056x128xf32, #tpu.memory_space<vmem_shared>> -> memref<64x128xf32, #tpu.memory_space<vmem_shared>>
        tpu.enqueue_dma source(%arg5 : memref<64x128xf32, #tpu.memory_space<vmem>>) target(%dma_start3A_81 : memref<64x128xf32, #tpu.memory_space<vmem_shared>>) target_semaphore(%run_scoped3A : memref<!tpu.dma_semaphore, #tpu.memory_space<semaphore_mem>>)
        %dma_wait3A = arith.constant 0 : i32
        %dma_wait3A_82 = tpu.memref_slice %arg8[%multiple_of3A, %dma_wait3A] : memref<5056x128xf32, #tpu.memory_space<vmem_shared>> -> memref<64x128xf32, #tpu.memory_space<vmem_shared>>
        %dma_wait3A_83 = arith.constant 0 : i32
        %dma_wait3A_84 = tpu.memref_slice %arg8[%multiple_of3A, %dma_wait3A_83] : memref<5056x128xf32, #tpu.memory_space<vmem_shared>> -> memref<64x128xf32, #tpu.memory_space<vmem_shared>>
        tpu.wait_dma2 semaphore(%run_scoped3A : memref<!tpu.dma_semaphore, #tpu.memory_space<semaphore_mem>>) src(%arg5 : memref<64x128xf32, #tpu.memory_space<vmem>>) dst(%dma_wait3A_84 : memref<64x128xf32, #tpu.memory_space<vmem_shared>>)
        tpu.yield
      }) : () -> ()
    } else {
    }
    %add3A_15 = arith.constant 32 : i32
    %add3A_16 = arith.addi %arg1, %add3A_15 : i32
    %lt3A_17 = arith.constant 79 : i32
    %lt3A_18 = arith.cmpi slt, %add3A_16, %lt3A_17 : i32
    %convert_element_type3A_19 = arith.extui %lt3A_18 : i1 to i32
    %cond3A_20 = arith.constant 0 : i32
    %cond3A_21 = arith.cmpi ne, %convert_element_type3A_19, %cond3A_20 : i32
    scf.if %cond3A_21 {
      %mul3A_77 = arith.constant 64 : i32
      %mul3A_78 = arith.muli %add3A_16, %mul3A_77 : i32
      %multiple_of3A = tpu.assume_multiple %mul3A_78, 8 : i32
      "tpu.region"() ({
        %run_scoped3A = tpu.sem_alloc : memref<!tpu.dma_semaphore, #tpu.memory_space<semaphore_mem>>
        %dma_start3A = arith.constant 0 : i32
        %dma_start3A_79 = tpu.memref_slice %arg8[%multiple_of3A, %dma_start3A] : memref<5056x128xf32, #tpu.memory_space<vmem_shared>> -> memref<64x128xf32, #tpu.memory_space<vmem_shared>>
        %dma_start3A_80 = arith.constant 0 : i32
        %dma_start3A_81 = tpu.memref_slice %arg8[%multiple_of3A, %dma_start3A_80] : memref<5056x128xf32, #tpu.memory_space<vmem_shared>> -> memref<64x128xf32, #tpu.memory_space<vmem_shared>>
        tpu.enqueue_dma source(%arg5 : memref<64x128xf32, #tpu.memory_space<vmem>>) target(%dma_start3A_81 : memref<64x128xf32, #tpu.memory_space<vmem_shared>>) target_semaphore(%run_scoped3A : memref<!tpu.dma_semaphore, #tpu.memory_space<semaphore_mem>>)
        %dma_wait3A = arith.constant 0 : i32
        %dma_wait3A_82 = tpu.memref_slice %arg8[%multiple_of3A, %dma_wait3A] : memref<5056x128xf32, #tpu.memory_space<vmem_shared>> -> memref<64x128xf32, #tpu.memory_space<vmem_shared>>
        %dma_wait3A_83 = arith.constant 0 : i32
        %dma_wait3A_84 = tpu.memref_slice %arg8[%multiple_of3A, %dma_wait3A_83] : memref<5056x128xf32, #tpu.memory_space<vmem_shared>> -> memref<64x128xf32, #tpu.memory_space<vmem_shared>>
        tpu.wait_dma2 semaphore(%run_scoped3A : memref<!tpu.dma_semaphore, #tpu.memory_space<semaphore_mem>>) src(%arg5 : memref<64x128xf32, #tpu.memory_space<vmem>>) dst(%dma_wait3A_84 : memref<64x128xf32, #tpu.memory_space<vmem_shared>>)
        tpu.yield
      }) : () -> ()
    } else {
    }
    %add3A_22 = arith.constant 48 : i32
    %add3A_23 = arith.addi %arg1, %add3A_22 : i32
    %lt3A_24 = arith.constant 79 : i32
    %lt3A_25 = arith.cmpi slt, %add3A_23, %lt3A_24 : i32
    %convert_element_type3A_26 = arith.extui %lt3A_25 : i1 to i32
    %cond3A_27 = arith.constant 0 : i32
    %cond3A_28 = arith.cmpi ne, %convert_element_type3A_26, %cond3A_27 : i32
    scf.if %cond3A_28 {
      %mul3A_77 = arith.constant 64 : i32
      %mul3A_78 = arith.muli %add3A_23, %mul3A_77 : i32
      %multiple_of3A = tpu.assume_multiple %mul3A_78, 8 : i32
      "tpu.region"() ({
        %run_scoped3A = tpu.sem_alloc : memref<!tpu.dma_semaphore, #tpu.memory_space<semaphore_mem>>
        %dma_start3A = arith.constant 0 : i32
        %dma_start3A_79 = tpu.memref_slice %arg8[%multiple_of3A, %dma_start3A] : memref<5056x128xf32, #tpu.memory_space<vmem_shared>> -> memref<64x128xf32, #tpu.memory_space<vmem_shared>>
        %dma_start3A_80 = arith.constant 0 : i32
        %dma_start3A_81 = tpu.memref_slice %arg8[%multiple_of3A, %dma_start3A_80] : memref<5056x128xf32, #tpu.memory_space<vmem_shared>> -> memref<64x128xf32, #tpu.memory_space<vmem_shared>>
        tpu.enqueue_dma source(%arg5 : memref<64x128xf32, #tpu.memory_space<vmem>>) target(%dma_start3A_81 : memref<64x128xf32, #tpu.memory_space<vmem_shared>>) target_semaphore(%run_scoped3A : memref<!tpu.dma_semaphore, #tpu.memory_space<semaphore_mem>>)
        %dma_wait3A = arith.constant 0 : i32
        %dma_wait3A_82 = tpu.memref_slice %arg8[%multiple_of3A, %dma_wait3A] : memref<5056x128xf32, #tpu.memory_space<vmem_shared>> -> memref<64x128xf32, #tpu.memory_space<vmem_shared>>
        %dma_wait3A_83 = arith.constant 0 : i32
        %dma_wait3A_84 = tpu.memref_slice %arg8[%multiple_of3A, %dma_wait3A_83] : memref<5056x128xf32, #tpu.memory_space<vmem_shared>> -> memref<64x128xf32, #tpu.memory_space<vmem_shared>>
        tpu.wait_dma2 semaphore(%run_scoped3A : memref<!tpu.dma_semaphore, #tpu.memory_space<semaphore_mem>>) src(%arg5 : memref<64x128xf32, #tpu.memory_space<vmem>>) dst(%dma_wait3A_84 : memref<64x128xf32, #tpu.memory_space<vmem_shared>>)
        tpu.yield
      }) : () -> ()
    } else {
    }
    %add3A_29 = arith.constant 64 : i32
    %add3A_30 = arith.addi %arg1, %add3A_29 : i32
    %lt3A_31 = arith.constant 79 : i32
    %lt3A_32 = arith.cmpi slt, %add3A_30, %lt3A_31 : i32
    %convert_element_type3A_33 = arith.extui %lt3A_32 : i1 to i32
    %cond3A_34 = arith.constant 0 : i32
    %cond3A_35 = arith.cmpi ne, %convert_element_type3A_33, %cond3A_34 : i32
    scf.if %cond3A_35 {
      %mul3A_77 = arith.constant 64 : i32
      %mul3A_78 = arith.muli %add3A_30, %mul3A_77 : i32
      %multiple_of3A = tpu.assume_multiple %mul3A_78, 8 : i32
      "tpu.region"() ({
        %run_scoped3A = tpu.sem_alloc : memref<!tpu.dma_semaphore, #tpu.memory_space<semaphore_mem>>
        %dma_start3A = arith.constant 0 : i32
        %dma_start3A_79 = tpu.memref_slice %arg8[%multiple_of3A, %dma_start3A] : memref<5056x128xf32, #tpu.memory_space<vmem_shared>> -> memref<64x128xf32, #tpu.memory_space<vmem_shared>>
        %dma_start3A_80 = arith.constant 0 : i32
        %dma_start3A_81 = tpu.memref_slice %arg8[%multiple_of3A, %dma_start3A_80] : memref<5056x128xf32, #tpu.memory_space<vmem_shared>> -> memref<64x128xf32, #tpu.memory_space<vmem_shared>>
        tpu.enqueue_dma source(%arg5 : memref<64x128xf32, #tpu.memory_space<vmem>>) target(%dma_start3A_81 : memref<64x128xf32, #tpu.memory_space<vmem_shared>>) target_semaphore(%run_scoped3A : memref<!tpu.dma_semaphore, #tpu.memory_space<semaphore_mem>>)
        %dma_wait3A = arith.constant 0 : i32
        %dma_wait3A_82 = tpu.memref_slice %arg8[%multiple_of3A, %dma_wait3A] : memref<5056x128xf32, #tpu.memory_space<vmem_shared>> -> memref<64x128xf32, #tpu.memory_space<vmem_shared>>
        %dma_wait3A_83 = arith.constant 0 : i32
        %dma_wait3A_84 = tpu.memref_slice %arg8[%multiple_of3A, %dma_wait3A_83] : memref<5056x128xf32, #tpu.memory_space<vmem_shared>> -> memref<64x128xf32, #tpu.memory_space<vmem_shared>>
        tpu.wait_dma2 semaphore(%run_scoped3A : memref<!tpu.dma_semaphore, #tpu.memory_space<semaphore_mem>>) src(%arg5 : memref<64x128xf32, #tpu.memory_space<vmem>>) dst(%dma_wait3A_84 : memref<64x128xf32, #tpu.memory_space<vmem_shared>>)
        tpu.yield
      }) : () -> ()
    } else {
    }
    %barrier3A = arith.constant 0 : index
    tpu.barrier barrier_id(%barrier3A)
    %scan3A_36 = arith.constant 0 : i32
    %scan3A_37 = arith.constant 313 : i32
    %scan3A_38 = arith.addi %scan3A_36, %scan3A_37 : i32
    %scan3A_39 = arith.constant 1 : i32
    scf.for %scan3A_77 = %scan3A_36 to %scan3A_38 step %scan3A_39  : i32 {
      %mul3A_78 = arith.constant 1 : i32
      %mul3A_79 = arith.muli %scan3A_77, %mul3A_78 : i32
      %add3A_80 = arith.constant 0 : i32
      %add3A_81 = arith.addi %add3A_80, %mul3A_79 : i32
      %mul3A_82 = arith.constant 16 : i32
      %mul3A_83 = arith.muli %add3A_81, %mul3A_82 : i32
      %add3A_84 = arith.addi %mul3A_83, %arg1 : i32
      %lt3A_85 = arith.constant 5000 : i32
      %lt3A_86 = arith.cmpi slt, %add3A_84, %lt3A_85 : i32
      %convert_element_type3A_87 = arith.extui %lt3A_86 : i1 to i32
      %cond3A_88 = arith.constant 0 : i32
      %cond3A_89 = arith.cmpi ne, %convert_element_type3A_87, %cond3A_88 : i32
      scf.if %cond3A_89 {
        %mul3A_90 = arith.constant 64 : i32
        %mul3A_91 = arith.muli %add3A_84, %mul3A_90 : i32
        %multiple_of3A = tpu.assume_multiple %mul3A_91, 8 : i32
        "tpu.region"() ({
          %run_scoped3A = tpu.sem_alloc : memref<!tpu.dma_semaphore, #tpu.memory_space<semaphore_mem>>
          %dma_start3A = tpu.memref_slice %arg3[%multiple_of3A] : memref<320000xi32, #tpu.memory_space<hbm>> -> memref<64xi32, #tpu.memory_space<hbm>>
          %dma_start3A_97 = tpu.memref_slice %arg3[%multiple_of3A] : memref<320000xi32, #tpu.memory_space<hbm>> -> memref<64xi32, #tpu.memory_space<hbm>>
          tpu.enqueue_dma source(%dma_start3A_97 : memref<64xi32, #tpu.memory_space<hbm>>) target(%arg6 : memref<64xi32, #tpu.memory_space<vmem>>) target_semaphore(%run_scoped3A : memref<!tpu.dma_semaphore, #tpu.memory_space<semaphore_mem>>)
          %dma_wait3A = tpu.memref_slice %arg3[%multiple_of3A] : memref<320000xi32, #tpu.memory_space<hbm>> -> memref<64xi32, #tpu.memory_space<hbm>>
          %dma_wait3A_98 = tpu.memref_slice %arg3[%multiple_of3A] : memref<320000xi32, #tpu.memory_space<hbm>> -> memref<64xi32, #tpu.memory_space<hbm>>
          tpu.wait_dma2 semaphore(%run_scoped3A : memref<!tpu.dma_semaphore, #tpu.memory_space<semaphore_mem>>) src(%dma_wait3A_98 : memref<64xi32, #tpu.memory_space<hbm>>) dst(%arg6 : memref<64xi32, #tpu.memory_space<vmem>>)
          tpu.yield
        }) : () -> ()
        "tpu.region"() ({
          %run_scoped3A = tpu.sem_alloc : memref<!tpu.dma_semaphore, #tpu.memory_space<semaphore_mem>>
          %dma_start3A = arith.constant 0 : i32
          %dma_start3A_97 = tpu.memref_slice %arg2[%multiple_of3A, %dma_start3A] : memref<320000x128xf32, #tpu.memory_space<hbm>> -> memref<64x128xf32, #tpu.memory_space<hbm>>
          %dma_start3A_98 = arith.constant 0 : i32
          %dma_start3A_99 = tpu.memref_slice %arg2[%multiple_of3A, %dma_start3A_98] : memref<320000x128xf32, #tpu.memory_space<hbm>> -> memref<64x128xf32, #tpu.memory_space<hbm>>
          tpu.enqueue_dma source(%dma_start3A_99 : memref<64x128xf32, #tpu.memory_space<hbm>>) target(%arg5 : memref<64x128xf32, #tpu.memory_space<vmem>>) target_semaphore(%run_scoped3A : memref<!tpu.dma_semaphore, #tpu.memory_space<semaphore_mem>>)
          %dma_wait3A = arith.constant 0 : i32
          %dma_wait3A_100 = tpu.memref_slice %arg2[%multiple_of3A, %dma_wait3A] : memref<320000x128xf32, #tpu.memory_space<hbm>> -> memref<64x128xf32, #tpu.memory_space<hbm>>
          %dma_wait3A_101 = arith.constant 0 : i32
          %dma_wait3A_102 = tpu.memref_slice %arg2[%multiple_of3A, %dma_wait3A_101] : memref<320000x128xf32, #tpu.memory_space<hbm>> -> memref<64x128xf32, #tpu.memory_space<hbm>>
          tpu.wait_dma2 semaphore(%run_scoped3A : memref<!tpu.dma_semaphore, #tpu.memory_space<semaphore_mem>>) src(%dma_wait3A_102 : memref<64x128xf32, #tpu.memory_space<hbm>>) dst(%arg5 : memref<64x128xf32, #tpu.memory_space<vmem>>)
          tpu.yield
        }) : () -> ()
        %scan3A_92 = arith.constant 0 : i32
        %scan3A_93 = arith.constant 4 : i32
        %scan3A_94 = arith.addi %scan3A_92, %scan3A_93 : i32
        %scan3A_95 = arith.constant 1 : i32
        scf.for %scan3A_97 = %scan3A_92 to %scan3A_94 step %scan3A_95  : i32 {
          %mul3A_98 = arith.constant 1 : i32
          %mul3A_99 = arith.muli %scan3A_97, %mul3A_98 : i32
          %add3A_100 = arith.constant 0 : i32
          %add3A_101 = arith.addi %add3A_100, %mul3A_99 : i32
          %mul3A_102 = arith.constant 16 : i32
          %mul3A_103 = arith.muli %add3A_101, %mul3A_102 : i32
          %get3A = arith.index_cast %mul3A_103 : i32 to index
          %get3A_104 = tpu.vector_load %arg6[%get3A] {strides = array<i32>} : memref<64xi32, #tpu.memory_space<vmem>>, vector<16xi32>,
          %get3A_105 = vector.shape_cast %get3A_104 : vector<16xi32> to vector<16xi32>
          %sub3A = vector.broadcast %mul3A_0 : i32 to vector<16xi32>
          %sub3A_106 = arith.subi %get3A_105, %sub3A : vector<16xi32>
          %ge3A = arith.constant 0 : i32
          %ge3A_107 = vector.broadcast %ge3A : i32 to vector<16xi32>
          %ge3A_108 = arith.cmpi sge, %sub3A_106, %ge3A_107 : vector<16xi32>
          %lt3A_109 = arith.constant 5000 : i32
          %lt3A_110 = vector.broadcast %lt3A_109 : i32 to vector<16xi32>
          %lt3A_111 = arith.cmpi slt, %sub3A_106, %lt3A_110 : vector<16xi32>
          %and3A = arith.andi %ge3A_108, %lt3A_111 : vector<16xi1>
          %jit3A = arith.constant -1 : i32
          %broadcast_in_dim3A = vector.broadcast %jit3A : i32 to vector<16xi32>
          %select_n3A = arith.select %and3A, %sub3A_106, %broadcast_in_dim3A : vector<16xi1>, vector<16xi32>
          %swap3A = arith.index_cast %mul3A_103 : i32 to index
          %swap3A_112 = tpu.vector_load %arg7[%swap3A] {strides = array<i32>} : memref<64xi32, #tpu.memory_space<vmem>>, vector<16xi32>,
          %swap3A_113 = vector.shape_cast %swap3A_112 : vector<16xi32> to vector<16xi32>
          %swap3A_114 = vector.shape_cast %select_n3A : vector<16xi32> to vector<16xi32>
          tpu.vector_store %arg7[%swap3A], %swap3A_114 {strides = array<i32>} : memref<64xi32, #tpu.memory_space<vmem>>, vector<16xi32>,
        }
        %scan3A_96 = arith.constant 4 : i32
        "tpu.region"() ({
          %run_scoped3A = tpu.sem_alloc : memref<!tpu.dma_semaphore, #tpu.memory_space<semaphore_mem>>
          %dma_start3A = arith.constant 0 : i32
          %dma_start3A_97 = arith.constant 0 : i32
          %dma_start3A_98 = tpu.memref_slice %arg8[%dma_start3A, %dma_start3A_97] : memref<5056x128xf32, #tpu.memory_space<vmem_shared>> -> memref<5056x128xf32, #tpu.memory_space<vmem_shared>>
          %dma_start3A_99 = arith.constant -1 : i32
          tpu.enqueue_indirect_dma source(%arg5 : memref<64x128xf32, #tpu.memory_space<vmem>>) target(%dma_start3A_98 : memref<5056x128xf32, #tpu.memory_space<vmem_shared>>) offsets(%arg7 : memref<64xi32, #tpu.memory_space<vmem>>) offset_filter(%dma_start3A_99) semaphore(%run_scoped3A : memref<!tpu.dma_semaphore, #tpu.memory_space<semaphore_mem>>) {add = true}
          %dma_wait3A = arith.constant 0 : i32
          %dma_wait3A_100 = arith.constant 0 : i32
          %dma_wait3A_101 = tpu.memref_slice %arg8[%dma_wait3A, %dma_wait3A_100] : memref<5056x128xf32, #tpu.memory_space<vmem_shared>> -> memref<5056x128xf32, #tpu.memory_space<vmem_shared>>
          tpu.wait_indirect_dma semaphore(%run_scoped3A : memref<!tpu.dma_semaphore, #tpu.memory_space<semaphore_mem>>) src(%arg5 : memref<64x128xf32, #tpu.memory_space<vmem>>) dst(%dma_wait3A_101 : memref<5056x128xf32, #tpu.memory_space<vmem_shared>>)
          tpu.yield
        }) : () -> ()
      } else {
      }
    }
    %scan3A_40 = arith.constant 313 : i32
    %barrier3A_41 = arith.constant 0 : index
    tpu.barrier barrier_id(%barrier3A_41)
    %add3A_42 = arith.constant 0 : i32
    %add3A_43 = arith.addi %arg1, %add3A_42 : i32
    %lt3A_44 = arith.constant 79 : i32
    %lt3A_45 = arith.cmpi slt, %add3A_43, %lt3A_44 : i32
    %convert_element_type3A_46 = arith.extui %lt3A_45 : i1 to i32
    %cond3A_47 = arith.constant 0 : i32
    %cond3A_48 = arith.cmpi ne, %convert_element_type3A_46, %cond3A_47 : i32
    scf.if %cond3A_48 {
      %mul3A_77 = arith.constant 64 : i32
      %mul3A_78 = arith.muli %add3A_43, %mul3A_77 : i32
      %multiple_of3A = tpu.assume_multiple %mul3A_78, 8 : i32
      "tpu.region"() ({
        %run_scoped3A = tpu.sem_alloc : memref<!tpu.dma_semaphore, #tpu.memory_space<semaphore_mem>>
        %dma_start3A = arith.constant 0 : i32
        %dma_start3A_79 = tpu.memref_slice %arg4[%arg0, %multiple_of3A, %dma_start3A] : memref<2x5056x128xf32, #tpu.memory_space<hbm>> -> memref<1x64x128xf32, #tpu.memory_space<hbm>>
        %dma_start3A_80 = tpu.memref_squeeze %dma_start3A_79 : memref<1x64x128xf32, #tpu.memory_space<hbm>> -> memref<64x128xf32, #tpu.memory_space<hbm>>
        %dma_start3A_81 = arith.constant 0 : i32
        %dma_start3A_82 = tpu.memref_slice %arg8[%multiple_of3A, %dma_start3A_81] : memref<5056x128xf32, #tpu.memory_space<vmem_shared>> -> memref<64x128xf32, #tpu.memory_space<vmem_shared>>
        tpu.enqueue_dma source(%dma_start3A_82 : memref<64x128xf32, #tpu.memory_space<vmem_shared>>) target(%dma_start3A_80 : memref<64x128xf32, #tpu.memory_space<hbm>>) target_semaphore(%run_scoped3A : memref<!tpu.dma_semaphore, #tpu.memory_space<semaphore_mem>>)
        %dma_wait3A = arith.constant 0 : i32
        %dma_wait3A_83 = tpu.memref_slice %arg4[%arg0, %multiple_of3A, %dma_wait3A] : memref<2x5056x128xf32, #tpu.memory_space<hbm>> -> memref<1x64x128xf32, #tpu.memory_space<hbm>>
        %dma_wait3A_84 = tpu.memref_squeeze %dma_wait3A_83 : memref<1x64x128xf32, #tpu.memory_space<hbm>> -> memref<64x128xf32, #tpu.memory_space<hbm>>
        %dma_wait3A_85 = arith.constant 0 : i32
        %dma_wait3A_86 = tpu.memref_slice %arg8[%multiple_of3A, %dma_wait3A_85] : memref<5056x128xf32, #tpu.memory_space<vmem_shared>> -> memref<64x128xf32, #tpu.memory_space<vmem_shared>>
        tpu.wait_dma2 semaphore(%run_scoped3A : memref<!tpu.dma_semaphore, #tpu.memory_space<semaphore_mem>>) src(%dma_wait3A_86 : memref<64x128xf32, #tpu.memory_space<vmem_shared>>) dst(%dma_wait3A_84 : memref<64x128xf32, #tpu.memory_space<hbm>>)
        tpu.yield
      }) : () -> ()
    } else {
    }
    %add3A_49 = arith.constant 16 : i32
    %add3A_50 = arith.addi %arg1, %add3A_49 : i32
    %lt3A_51 = arith.constant 79 : i32
    %lt3A_52 = arith.cmpi slt, %add3A_50, %lt3A_51 : i32
    %convert_element_type3A_53 = arith.extui %lt3A_52 : i1 to i32
    %cond3A_54 = arith.constant 0 : i32
    %cond3A_55 = arith.cmpi ne, %convert_element_type3A_53, %cond3A_54 : i32
    scf.if %cond3A_55 {
      %mul3A_77 = arith.constant 64 : i32
      %mul3A_78 = arith.muli %add3A_50, %mul3A_77 : i32
      %multiple_of3A = tpu.assume_multiple %mul3A_78, 8 : i32
      "tpu.region"() ({
        %run_scoped3A = tpu.sem_alloc : memref<!tpu.dma_semaphore, #tpu.memory_space<semaphore_mem>>
        %dma_start3A = arith.constant 0 : i32
        %dma_start3A_79 = tpu.memref_slice %arg4[%arg0, %multiple_of3A, %dma_start3A] : memref<2x5056x128xf32, #tpu.memory_space<hbm>> -> memref<1x64x128xf32, #tpu.memory_space<hbm>>
        %dma_start3A_80 = tpu.memref_squeeze %dma_start3A_79 : memref<1x64x128xf32, #tpu.memory_space<hbm>> -> memref<64x128xf32, #tpu.memory_space<hbm>>
        %dma_start3A_81 = arith.constant 0 : i32
        %dma_start3A_82 = tpu.memref_slice %arg8[%multiple_of3A, %dma_start3A_81] : memref<5056x128xf32, #tpu.memory_space<vmem_shared>> -> memref<64x128xf32, #tpu.memory_space<vmem_shared>>
        tpu.enqueue_dma source(%dma_start3A_82 : memref<64x128xf32, #tpu.memory_space<vmem_shared>>) target(%dma_start3A_80 : memref<64x128xf32, #tpu.memory_space<hbm>>) target_semaphore(%run_scoped3A : memref<!tpu.dma_semaphore, #tpu.memory_space<semaphore_mem>>)
        %dma_wait3A = arith.constant 0 : i32
        %dma_wait3A_83 = tpu.memref_slice %arg4[%arg0, %multiple_of3A, %dma_wait3A] : memref<2x5056x128xf32, #tpu.memory_space<hbm>> -> memref<1x64x128xf32, #tpu.memory_space<hbm>>
        %dma_wait3A_84 = tpu.memref_squeeze %dma_wait3A_83 : memref<1x64x128xf32, #tpu.memory_space<hbm>> -> memref<64x128xf32, #tpu.memory_space<hbm>>
        %dma_wait3A_85 = arith.constant 0 : i32
        %dma_wait3A_86 = tpu.memref_slice %arg8[%multiple_of3A, %dma_wait3A_85] : memref<5056x128xf32, #tpu.memory_space<vmem_shared>> -> memref<64x128xf32, #tpu.memory_space<vmem_shared>>
        tpu.wait_dma2 semaphore(%run_scoped3A : memref<!tpu.dma_semaphore, #tpu.memory_space<semaphore_mem>>) src(%dma_wait3A_86 : memref<64x128xf32, #tpu.memory_space<vmem_shared>>) dst(%dma_wait3A_84 : memref<64x128xf32, #tpu.memory_space<hbm>>)
        tpu.yield
      }) : () -> ()
    } else {
    }
    %add3A_56 = arith.constant 32 : i32
    %add3A_57 = arith.addi %arg1, %add3A_56 : i32
    %lt3A_58 = arith.constant 79 : i32
    %lt3A_59 = arith.cmpi slt, %add3A_57, %lt3A_58 : i32
    %convert_element_type3A_60 = arith.extui %lt3A_59 : i1 to i32
    %cond3A_61 = arith.constant 0 : i32
    %cond3A_62 = arith.cmpi ne, %convert_element_type3A_60, %cond3A_61 : i32
    scf.if %cond3A_62 {
      %mul3A_77 = arith.constant 64 : i32
      %mul3A_78 = arith.muli %add3A_57, %mul3A_77 : i32
      %multiple_of3A = tpu.assume_multiple %mul3A_78, 8 : i32
      "tpu.region"() ({
        %run_scoped3A = tpu.sem_alloc : memref<!tpu.dma_semaphore, #tpu.memory_space<semaphore_mem>>
        %dma_start3A = arith.constant 0 : i32
        %dma_start3A_79 = tpu.memref_slice %arg4[%arg0, %multiple_of3A, %dma_start3A] : memref<2x5056x128xf32, #tpu.memory_space<hbm>> -> memref<1x64x128xf32, #tpu.memory_space<hbm>>
        %dma_start3A_80 = tpu.memref_squeeze %dma_start3A_79 : memref<1x64x128xf32, #tpu.memory_space<hbm>> -> memref<64x128xf32, #tpu.memory_space<hbm>>
        %dma_start3A_81 = arith.constant 0 : i32
        %dma_start3A_82 = tpu.memref_slice %arg8[%multiple_of3A, %dma_start3A_81] : memref<5056x128xf32, #tpu.memory_space<vmem_shared>> -> memref<64x128xf32, #tpu.memory_space<vmem_shared>>
        tpu.enqueue_dma source(%dma_start3A_82 : memref<64x128xf32, #tpu.memory_space<vmem_shared>>) target(%dma_start3A_80 : memref<64x128xf32, #tpu.memory_space<hbm>>) target_semaphore(%run_scoped3A : memref<!tpu.dma_semaphore, #tpu.memory_space<semaphore_mem>>)
        %dma_wait3A = arith.constant 0 : i32
        %dma_wait3A_83 = tpu.memref_slice %arg4[%arg0, %multiple_of3A, %dma_wait3A] : memref<2x5056x128xf32, #tpu.memory_space<hbm>> -> memref<1x64x128xf32, #tpu.memory_space<hbm>>
        %dma_wait3A_84 = tpu.memref_squeeze %dma_wait3A_83 : memref<1x64x128xf32, #tpu.memory_space<hbm>> -> memref<64x128xf32, #tpu.memory_space<hbm>>
        %dma_wait3A_85 = arith.constant 0 : i32
        %dma_wait3A_86 = tpu.memref_slice %arg8[%multiple_of3A, %dma_wait3A_85] : memref<5056x128xf32, #tpu.memory_space<vmem_shared>> -> memref<64x128xf32, #tpu.memory_space<vmem_shared>>
        tpu.wait_dma2 semaphore(%run_scoped3A : memref<!tpu.dma_semaphore, #tpu.memory_space<semaphore_mem>>) src(%dma_wait3A_86 : memref<64x128xf32, #tpu.memory_space<vmem_shared>>) dst(%dma_wait3A_84 : memref<64x128xf32, #tpu.memory_space<hbm>>)
        tpu.yield
      }) : () -> ()
    } else {
    }
    %add3A_63 = arith.constant 48 : i32
    %add3A_64 = arith.addi %arg1, %add3A_63 : i32
    %lt3A_65 = arith.constant 79 : i32
    %lt3A_66 = arith.cmpi slt, %add3A_64, %lt3A_65 : i32
    %convert_element_type3A_67 = arith.extui %lt3A_66 : i1 to i32
    %cond3A_68 = arith.constant 0 : i32
    %cond3A_69 = arith.cmpi ne, %convert_element_type3A_67, %cond3A_68 : i32
    scf.if %cond3A_69 {
      %mul3A_77 = arith.constant 64 : i32
      %mul3A_78 = arith.muli %add3A_64, %mul3A_77 : i32
      %multiple_of3A = tpu.assume_multiple %mul3A_78, 8 : i32
      "tpu.region"() ({
        %run_scoped3A = tpu.sem_alloc : memref<!tpu.dma_semaphore, #tpu.memory_space<semaphore_mem>>
        %dma_start3A = arith.constant 0 : i32
        %dma_start3A_79 = tpu.memref_slice %arg4[%arg0, %multiple_of3A, %dma_start3A] : memref<2x5056x128xf32, #tpu.memory_space<hbm>> -> memref<1x64x128xf32, #tpu.memory_space<hbm>>
        %dma_start3A_80 = tpu.memref_squeeze %dma_start3A_79 : memref<1x64x128xf32, #tpu.memory_space<hbm>> -> memref<64x128xf32, #tpu.memory_space<hbm>>
        %dma_start3A_81 = arith.constant 0 : i32
        %dma_start3A_82 = tpu.memref_slice %arg8[%multiple_of3A, %dma_start3A_81] : memref<5056x128xf32, #tpu.memory_space<vmem_shared>> -> memref<64x128xf32, #tpu.memory_space<vmem_shared>>
        tpu.enqueue_dma source(%dma_start3A_82 : memref<64x128xf32, #tpu.memory_space<vmem_shared>>) target(%dma_start3A_80 : memref<64x128xf32, #tpu.memory_space<hbm>>) target_semaphore(%run_scoped3A : memref<!tpu.dma_semaphore, #tpu.memory_space<semaphore_mem>>)
        %dma_wait3A = arith.constant 0 : i32
        %dma_wait3A_83 = tpu.memref_slice %arg4[%arg0, %multiple_of3A, %dma_wait3A] : memref<2x5056x128xf32, #tpu.memory_space<hbm>> -> memref<1x64x128xf32, #tpu.memory_space<hbm>>
        %dma_wait3A_84 = tpu.memref_squeeze %dma_wait3A_83 : memref<1x64x128xf32, #tpu.memory_space<hbm>> -> memref<64x128xf32, #tpu.memory_space<hbm>>
        %dma_wait3A_85 = arith.constant 0 : i32
        %dma_wait3A_86 = tpu.memref_slice %arg8[%multiple_of3A, %dma_wait3A_85] : memref<5056x128xf32, #tpu.memory_space<vmem_shared>> -> memref<64x128xf32, #tpu.memory_space<vmem_shared>>
        tpu.wait_dma2 semaphore(%run_scoped3A : memref<!tpu.dma_semaphore, #tpu.memory_space<semaphore_mem>>) src(%dma_wait3A_86 : memref<64x128xf32, #tpu.memory_space<vmem_shared>>) dst(%dma_wait3A_84 : memref<64x128xf32, #tpu.memory_space<hbm>>)
        tpu.yield
      }) : () -> ()
    } else {
    }
    %add3A_70 = arith.constant 64 : i32
    %add3A_71 = arith.addi %arg1, %add3A_70 : i32
    %lt3A_72 = arith.constant 79 : i32
    %lt3A_73 = arith.cmpi slt, %add3A_71, %lt3A_72 : i32
    %convert_element_type3A_74 = arith.extui %lt3A_73 : i1 to i32
    %cond3A_75 = arith.constant 0 : i32
    %cond3A_76 = arith.cmpi ne, %convert_element_type3A_74, %cond3A_75 : i32
    scf.if %cond3A_76 {
      %mul3A_77 = arith.constant 64 : i32
      %mul3A_78 = arith.muli %add3A_71, %mul3A_77 : i32
      %multiple_of3A = tpu.assume_multiple %mul3A_78, 8 : i32
      "tpu.region"() ({
        %run_scoped3A = tpu.sem_alloc : memref<!tpu.dma_semaphore, #tpu.memory_space<semaphore_mem>>
        %dma_start3A = arith.constant 0 : i32
        %dma_start3A_79 = tpu.memref_slice %arg4[%arg0, %multiple_of3A, %dma_start3A] : memref<2x5056x128xf32, #tpu.memory_space<hbm>> -> memref<1x64x128xf32, #tpu.memory_space<hbm>>
        %dma_start3A_80 = tpu.memref_squeeze %dma_start3A_79 : memref<1x64x128xf32, #tpu.memory_space<hbm>> -> memref<64x128xf32, #tpu.memory_space<hbm>>
        %dma_start3A_81 = arith.constant 0 : i32
        %dma_start3A_82 = tpu.memref_slice %arg8[%multiple_of3A, %dma_start3A_81] : memref<5056x128xf32, #tpu.memory_space<vmem_shared>> -> memref<64x128xf32, #tpu.memory_space<vmem_shared>>
        tpu.enqueue_dma source(%dma_start3A_82 : memref<64x128xf32, #tpu.memory_space<vmem_shared>>) target(%dma_start3A_80 : memref<64x128xf32, #tpu.memory_space<hbm>>) target_semaphore(%run_scoped3A : memref<!tpu.dma_semaphore, #tpu.memory_space<semaphore_mem>>)
        %dma_wait3A = arith.constant 0 : i32
        %dma_wait3A_83 = tpu.memref_slice %arg4[%arg0, %multiple_of3A, %dma_wait3A] : memref<2x5056x128xf32, #tpu.memory_space<hbm>> -> memref<1x64x128xf32, #tpu.memory_space<hbm>>
        %dma_wait3A_84 = tpu.memref_squeeze %dma_wait3A_83 : memref<1x64x128xf32, #tpu.memory_space<hbm>> -> memref<64x128xf32, #tpu.memory_space<hbm>>
        %dma_wait3A_85 = arith.constant 0 : i32
        %dma_wait3A_86 = tpu.memref_slice %arg8[%multiple_of3A, %dma_wait3A_85] : memref<5056x128xf32, #tpu.memory_space<vmem_shared>> -> memref<64x128xf32, #tpu.memory_space<vmem_shared>>
        tpu.wait_dma2 semaphore(%run_scoped3A : memref<!tpu.dma_semaphore, #tpu.memory_space<semaphore_mem>>) src(%dma_wait3A_86 : memref<64x128xf32, #tpu.memory_space<vmem_shared>>) dst(%dma_wait3A_84 : memref<64x128xf32, #tpu.memory_space<hbm>>)
        tpu.yield
      }) : () -> ()
    } else {
    }
    return
  }
}

#map = affine_map<(d0, d1) -> (0, 0)>
#map1 = affine_map<(d0, d1) -> (0)>
module attributes {stable_mosaic.version = 14 : i64} {
  func.func @_gather_body(%arg0: i32, %arg1: i32, %arg2: memref<10000x128xf32, #tpu.memory_space<hbm>>, %arg3: memref<10000x128xf32, #tpu.memory_space<hbm>>, %arg4: memref<320000xi32, #tpu.memory_space<hbm>>, %arg5: memref<320000xi32, #tpu.memory_space<hbm>>, %arg6: memref<320000x128xf32, #tpu.memory_space<hbm>>, %arg7: memref<80xi32, #tpu.memory_space<vmem>>, %arg8: memref<80xi32, #tpu.memory_space<vmem>>, %arg9: memref<80xi32, #tpu.memory_space<vmem>>, %arg10: memref<80xi32, #tpu.memory_space<vmem>>, %arg11: memref<80xi32, #tpu.memory_space<vmem>>, %arg12: memref<80xi32, #tpu.memory_space<vmem>>, %arg13: memref<80x128xf32, #tpu.memory_space<vmem>>, %arg14: memref<80x128xf32, #tpu.memory_space<vmem>>, %arg15: memref<80x128xf32, #tpu.memory_space<vmem>>, %arg16: memref<80x128xf32, #tpu.memory_space<vmem>>, %arg17: memref<80x128xf32, #tpu.memory_space<vmem>>, %arg18: memref<80x128xf32, #tpu.memory_space<vmem>>, %arg19: memref<!tpu.dma_semaphore, #tpu.memory_space<semaphore_mem>>, %arg20: memref<!tpu.dma_semaphore, #tpu.memory_space<semaphore_mem>>, %arg21: memref<!tpu.dma_semaphore, #tpu.memory_space<semaphore_mem>>, %arg22: memref<!tpu.dma_semaphore, #tpu.memory_space<semaphore_mem>>, %arg23: memref<!tpu.dma_semaphore, #tpu.memory_space<semaphore_mem>>, %arg24: memref<!tpu.dma_semaphore, #tpu.memory_space<semaphore_mem>>) attributes {dimension_semantics = [#tpu.dimension_semantics<core_parallel>, #tpu.dimension_semantics<subcore_parallel>], iteration_bounds = array<i64: 2, 16>, scalar_prefetch = 0 : i64, scratch_operands = 18 : i64, tpu.core_type = #tpu.core_type<sc_vector_subcore>, window_params = [{transform_indices = #map}, {transform_indices = #map}, {transform_indices = #map1}, {transform_indices = #map1}, {transform_indices = #map}]} {
    %mul3A = arith.constant 2 : i32
    %mul3A_0 = arith.muli %arg1, %mul3A : i32
    %add3A = arith.addi %mul3A_0, %arg0 : i32
    %mul3A_1 = arith.constant 10000 : i32
    %mul3A_2 = arith.muli %add3A, %mul3A_1 : i32
    %add3A_3 = arith.constant 0 : i32
    %add3A_4 = arith.addi %mul3A_2, %add3A_3 : i32
    %multiple_of3A = tpu.assume_multiple %add3A_4, 8 : i32
    "tpu.region"() ({
      %run_scoped3A = tpu.sem_alloc : memref<!tpu.dma_semaphore, #tpu.memory_space<semaphore_mem>>
      %dma_start3A_50 = tpu.memref_slice %arg4[%multiple_of3A] : memref<320000xi32, #tpu.memory_space<hbm>> -> memref<80xi32, #tpu.memory_space<hbm>>
      %dma_start3A_51 = tpu.memref_slice %arg4[%multiple_of3A] : memref<320000xi32, #tpu.memory_space<hbm>> -> memref<80xi32, #tpu.memory_space<hbm>>
      tpu.enqueue_dma source(%dma_start3A_51 : memref<80xi32, #tpu.memory_space<hbm>>) target(%arg7 : memref<80xi32, #tpu.memory_space<vmem>>) target_semaphore(%run_scoped3A : memref<!tpu.dma_semaphore, #tpu.memory_space<semaphore_mem>>)
      %dma_wait3A_52 = tpu.memref_slice %arg4[%multiple_of3A] : memref<320000xi32, #tpu.memory_space<hbm>> -> memref<80xi32, #tpu.memory_space<hbm>>
      %dma_wait3A_53 = tpu.memref_slice %arg4[%multiple_of3A] : memref<320000xi32, #tpu.memory_space<hbm>> -> memref<80xi32, #tpu.memory_space<hbm>>
      tpu.wait_dma2 semaphore(%run_scoped3A : memref<!tpu.dma_semaphore, #tpu.memory_space<semaphore_mem>>) src(%dma_wait3A_53 : memref<80xi32, #tpu.memory_space<hbm>>) dst(%arg7 : memref<80xi32, #tpu.memory_space<vmem>>)
      tpu.yield
    }) : () -> ()
    "tpu.region"() ({
      %run_scoped3A = tpu.sem_alloc : memref<!tpu.dma_semaphore, #tpu.memory_space<semaphore_mem>>
      %dma_start3A_50 = tpu.memref_slice %arg5[%multiple_of3A] : memref<320000xi32, #tpu.memory_space<hbm>> -> memref<80xi32, #tpu.memory_space<hbm>>
      %dma_start3A_51 = tpu.memref_slice %arg5[%multiple_of3A] : memref<320000xi32, #tpu.memory_space<hbm>> -> memref<80xi32, #tpu.memory_space<hbm>>
      tpu.enqueue_dma source(%dma_start3A_51 : memref<80xi32, #tpu.memory_space<hbm>>) target(%arg8 : memref<80xi32, #tpu.memory_space<vmem>>) target_semaphore(%run_scoped3A : memref<!tpu.dma_semaphore, #tpu.memory_space<semaphore_mem>>)
      %dma_wait3A_52 = tpu.memref_slice %arg5[%multiple_of3A] : memref<320000xi32, #tpu.memory_space<hbm>> -> memref<80xi32, #tpu.memory_space<hbm>>
      %dma_wait3A_53 = tpu.memref_slice %arg5[%multiple_of3A] : memref<320000xi32, #tpu.memory_space<hbm>> -> memref<80xi32, #tpu.memory_space<hbm>>
      tpu.wait_dma2 semaphore(%run_scoped3A : memref<!tpu.dma_semaphore, #tpu.memory_space<semaphore_mem>>) src(%dma_wait3A_53 : memref<80xi32, #tpu.memory_space<hbm>>) dst(%arg8 : memref<80xi32, #tpu.memory_space<vmem>>)
      tpu.yield
    }) : () -> ()
    %dma_start3A = arith.constant 0 : i32
    %dma_start3A_5 = arith.constant 0 : i32
    %dma_start3A_6 = tpu.memref_slice %arg2[%dma_start3A, %dma_start3A_5] : memref<10000x128xf32, #tpu.memory_space<hbm>> -> memref<10000x128xf32, #tpu.memory_space<hbm>>
    tpu.enqueue_indirect_dma source(%dma_start3A_6 : memref<10000x128xf32, #tpu.memory_space<hbm>>) target(%arg13 : memref<80x128xf32, #tpu.memory_space<vmem>>) offsets(%arg7 : memref<80xi32, #tpu.memory_space<vmem>>) semaphore(%arg19 : memref<!tpu.dma_semaphore, #tpu.memory_space<semaphore_mem>>)
    %dma_start3A_7 = arith.constant 0 : i32
    %dma_start3A_8 = arith.constant 0 : i32
    %dma_start3A_9 = tpu.memref_slice %arg3[%dma_start3A_7, %dma_start3A_8] : memref<10000x128xf32, #tpu.memory_space<hbm>> -> memref<10000x128xf32, #tpu.memory_space<hbm>>
    tpu.enqueue_indirect_dma source(%dma_start3A_9 : memref<10000x128xf32, #tpu.memory_space<hbm>>) target(%arg14 : memref<80x128xf32, #tpu.memory_space<vmem>>) offsets(%arg8 : memref<80xi32, #tpu.memory_space<vmem>>) semaphore(%arg20 : memref<!tpu.dma_semaphore, #tpu.memory_space<semaphore_mem>>)
    %add3A_10 = arith.constant 80 : i32
    %add3A_11 = arith.addi %mul3A_2, %add3A_10 : i32
    %multiple_of3A_12 = tpu.assume_multiple %add3A_11, 8 : i32
    "tpu.region"() ({
      %run_scoped3A = tpu.sem_alloc : memref<!tpu.dma_semaphore, #tpu.memory_space<semaphore_mem>>
      %dma_start3A_50 = tpu.memref_slice %arg4[%multiple_of3A_12] : memref<320000xi32, #tpu.memory_space<hbm>> -> memref<80xi32, #tpu.memory_space<hbm>>
      %dma_start3A_51 = tpu.memref_slice %arg4[%multiple_of3A_12] : memref<320000xi32, #tpu.memory_space<hbm>> -> memref<80xi32, #tpu.memory_space<hbm>>
      tpu.enqueue_dma source(%dma_start3A_51 : memref<80xi32, #tpu.memory_space<hbm>>) target(%arg9 : memref<80xi32, #tpu.memory_space<vmem>>) target_semaphore(%run_scoped3A : memref<!tpu.dma_semaphore, #tpu.memory_space<semaphore_mem>>)
      %dma_wait3A_52 = tpu.memref_slice %arg4[%multiple_of3A_12] : memref<320000xi32, #tpu.memory_space<hbm>> -> memref<80xi32, #tpu.memory_space<hbm>>
      %dma_wait3A_53 = tpu.memref_slice %arg4[%multiple_of3A_12] : memref<320000xi32, #tpu.memory_space<hbm>> -> memref<80xi32, #tpu.memory_space<hbm>>
      tpu.wait_dma2 semaphore(%run_scoped3A : memref<!tpu.dma_semaphore, #tpu.memory_space<semaphore_mem>>) src(%dma_wait3A_53 : memref<80xi32, #tpu.memory_space<hbm>>) dst(%arg9 : memref<80xi32, #tpu.memory_space<vmem>>)
      tpu.yield
    }) : () -> ()
    "tpu.region"() ({
      %run_scoped3A = tpu.sem_alloc : memref<!tpu.dma_semaphore, #tpu.memory_space<semaphore_mem>>
      %dma_start3A_50 = tpu.memref_slice %arg5[%multiple_of3A_12] : memref<320000xi32, #tpu.memory_space<hbm>> -> memref<80xi32, #tpu.memory_space<hbm>>
      %dma_start3A_51 = tpu.memref_slice %arg5[%multiple_of3A_12] : memref<320000xi32, #tpu.memory_space<hbm>> -> memref<80xi32, #tpu.memory_space<hbm>>
      tpu.enqueue_dma source(%dma_start3A_51 : memref<80xi32, #tpu.memory_space<hbm>>) target(%arg10 : memref<80xi32, #tpu.memory_space<vmem>>) target_semaphore(%run_scoped3A : memref<!tpu.dma_semaphore, #tpu.memory_space<semaphore_mem>>)
      %dma_wait3A_52 = tpu.memref_slice %arg5[%multiple_of3A_12] : memref<320000xi32, #tpu.memory_space<hbm>> -> memref<80xi32, #tpu.memory_space<hbm>>
      %dma_wait3A_53 = tpu.memref_slice %arg5[%multiple_of3A_12] : memref<320000xi32, #tpu.memory_space<hbm>> -> memref<80xi32, #tpu.memory_space<hbm>>
      tpu.wait_dma2 semaphore(%run_scoped3A : memref<!tpu.dma_semaphore, #tpu.memory_space<semaphore_mem>>) src(%dma_wait3A_53 : memref<80xi32, #tpu.memory_space<hbm>>) dst(%arg10 : memref<80xi32, #tpu.memory_space<vmem>>)
      tpu.yield
    }) : () -> ()
    %dma_start3A_13 = arith.constant 0 : i32
    %dma_start3A_14 = arith.constant 0 : i32
    %dma_start3A_15 = tpu.memref_slice %arg2[%dma_start3A_13, %dma_start3A_14] : memref<10000x128xf32, #tpu.memory_space<hbm>> -> memref<10000x128xf32, #tpu.memory_space<hbm>>
    tpu.enqueue_indirect_dma source(%dma_start3A_15 : memref<10000x128xf32, #tpu.memory_space<hbm>>) target(%arg15 : memref<80x128xf32, #tpu.memory_space<vmem>>) offsets(%arg9 : memref<80xi32, #tpu.memory_space<vmem>>) semaphore(%arg21 : memref<!tpu.dma_semaphore, #tpu.memory_space<semaphore_mem>>)
    %dma_start3A_16 = arith.constant 0 : i32
    %dma_start3A_17 = arith.constant 0 : i32
    %dma_start3A_18 = tpu.memref_slice %arg3[%dma_start3A_16, %dma_start3A_17] : memref<10000x128xf32, #tpu.memory_space<hbm>> -> memref<10000x128xf32, #tpu.memory_space<hbm>>
    tpu.enqueue_indirect_dma source(%dma_start3A_18 : memref<10000x128xf32, #tpu.memory_space<hbm>>) target(%arg16 : memref<80x128xf32, #tpu.memory_space<vmem>>) offsets(%arg10 : memref<80xi32, #tpu.memory_space<vmem>>) semaphore(%arg22 : memref<!tpu.dma_semaphore, #tpu.memory_space<semaphore_mem>>)
    %scan3A = arith.constant 0 : i32
    %scan3A_19 = arith.constant 41 : i32
    %scan3A_20 = arith.addi %scan3A, %scan3A_19 : i32
    %scan3A_21 = arith.constant 1 : i32
    scf.for %scan3A_50 = %scan3A to %scan3A_20 step %scan3A_21  : i32 {
      %mul3A_51 = arith.constant 1 : i32
      %mul3A_52 = arith.muli %scan3A_50, %mul3A_51 : i32
      %add3A_53 = arith.constant 0 : i32
      %add3A_54 = arith.addi %add3A_53, %mul3A_52 : i32
      %mul3A_55 = arith.constant 3 : i32
      %mul3A_56 = arith.muli %mul3A_55, %add3A_54 : i32
      %add3A_57 = arith.constant 0 : i32
      %add3A_58 = arith.addi %mul3A_56, %add3A_57 : i32
      %add3A_59 = arith.constant 2 : i32
      %add3A_60 = arith.addi %add3A_58, %add3A_59 : i32
      %mul3A_61 = arith.constant 80 : i32
      %mul3A_62 = arith.muli %add3A_60, %mul3A_61 : i32
      %add3A_63 = arith.addi %mul3A_2, %mul3A_62 : i32
      %multiple_of3A_64 = tpu.assume_multiple %add3A_63, 8 : i32
      "tpu.region"() ({
        %run_scoped3A = tpu.sem_alloc : memref<!tpu.dma_semaphore, #tpu.memory_space<semaphore_mem>>
        %dma_start3A_150 = tpu.memref_slice %arg4[%multiple_of3A_64] : memref<320000xi32, #tpu.memory_space<hbm>> -> memref<80xi32, #tpu.memory_space<hbm>>
        %dma_start3A_151 = tpu.memref_slice %arg4[%multiple_of3A_64] : memref<320000xi32, #tpu.memory_space<hbm>> -> memref<80xi32, #tpu.memory_space<hbm>>
        tpu.enqueue_dma source(%dma_start3A_151 : memref<80xi32, #tpu.memory_space<hbm>>) target(%arg11 : memref<80xi32, #tpu.memory_space<vmem>>) target_semaphore(%run_scoped3A : memref<!tpu.dma_semaphore, #tpu.memory_space<semaphore_mem>>)
        %dma_wait3A_152 = tpu.memref_slice %arg4[%multiple_of3A_64] : memref<320000xi32, #tpu.memory_space<hbm>> -> memref<80xi32, #tpu.memory_space<hbm>>
        %dma_wait3A_153 = tpu.memref_slice %arg4[%multiple_of3A_64] : memref<320000xi32, #tpu.memory_space<hbm>> -> memref<80xi32, #tpu.memory_space<hbm>>
        tpu.wait_dma2 semaphore(%run_scoped3A : memref<!tpu.dma_semaphore, #tpu.memory_space<semaphore_mem>>) src(%dma_wait3A_153 : memref<80xi32, #tpu.memory_space<hbm>>) dst(%arg11 : memref<80xi32, #tpu.memory_space<vmem>>)
        tpu.yield
      }) : () -> ()
      "tpu.region"() ({
        %run_scoped3A = tpu.sem_alloc : memref<!tpu.dma_semaphore, #tpu.memory_space<semaphore_mem>>
        %dma_start3A_150 = tpu.memref_slice %arg5[%multiple_of3A_64] : memref<320000xi32, #tpu.memory_space<hbm>> -> memref<80xi32, #tpu.memory_space<hbm>>
        %dma_start3A_151 = tpu.memref_slice %arg5[%multiple_of3A_64] : memref<320000xi32, #tpu.memory_space<hbm>> -> memref<80xi32, #tpu.memory_space<hbm>>
        tpu.enqueue_dma source(%dma_start3A_151 : memref<80xi32, #tpu.memory_space<hbm>>) target(%arg12 : memref<80xi32, #tpu.memory_space<vmem>>) target_semaphore(%run_scoped3A : memref<!tpu.dma_semaphore, #tpu.memory_space<semaphore_mem>>)
        %dma_wait3A_152 = tpu.memref_slice %arg5[%multiple_of3A_64] : memref<320000xi32, #tpu.memory_space<hbm>> -> memref<80xi32, #tpu.memory_space<hbm>>
        %dma_wait3A_153 = tpu.memref_slice %arg5[%multiple_of3A_64] : memref<320000xi32, #tpu.memory_space<hbm>> -> memref<80xi32, #tpu.memory_space<hbm>>
        tpu.wait_dma2 semaphore(%run_scoped3A : memref<!tpu.dma_semaphore, #tpu.memory_space<semaphore_mem>>) src(%dma_wait3A_153 : memref<80xi32, #tpu.memory_space<hbm>>) dst(%arg12 : memref<80xi32, #tpu.memory_space<vmem>>)
        tpu.yield
      }) : () -> ()
      %dma_start3A_65 = arith.constant 0 : i32
      %dma_start3A_66 = arith.constant 0 : i32
      %dma_start3A_67 = tpu.memref_slice %arg2[%dma_start3A_65, %dma_start3A_66] : memref<10000x128xf32, #tpu.memory_space<hbm>> -> memref<10000x128xf32, #tpu.memory_space<hbm>>
      tpu.enqueue_indirect_dma source(%dma_start3A_67 : memref<10000x128xf32, #tpu.memory_space<hbm>>) target(%arg17 : memref<80x128xf32, #tpu.memory_space<vmem>>) offsets(%arg11 : memref<80xi32, #tpu.memory_space<vmem>>) semaphore(%arg23 : memref<!tpu.dma_semaphore, #tpu.memory_space<semaphore_mem>>)
      %dma_start3A_68 = arith.constant 0 : i32
      %dma_start3A_69 = arith.constant 0 : i32
      %dma_start3A_70 = tpu.memref_slice %arg3[%dma_start3A_68, %dma_start3A_69] : memref<10000x128xf32, #tpu.memory_space<hbm>> -> memref<10000x128xf32, #tpu.memory_space<hbm>>
      tpu.enqueue_indirect_dma source(%dma_start3A_70 : memref<10000x128xf32, #tpu.memory_space<hbm>>) target(%arg18 : memref<80x128xf32, #tpu.memory_space<vmem>>) offsets(%arg12 : memref<80xi32, #tpu.memory_space<vmem>>) semaphore(%arg24 : memref<!tpu.dma_semaphore, #tpu.memory_space<semaphore_mem>>)
      %add3A_71 = arith.constant 0 : i32
      %add3A_72 = arith.addi %mul3A_56, %add3A_71 : i32
      %mul3A_73 = arith.constant 80 : i32
      %mul3A_74 = arith.muli %add3A_72, %mul3A_73 : i32
      %add3A_75 = arith.addi %mul3A_2, %mul3A_74 : i32
      %multiple_of3A_76 = tpu.assume_multiple %add3A_75, 8 : i32
      %dma_wait3A_77 = arith.constant 0 : i32
      %dma_wait3A_78 = arith.constant 0 : i32
      %dma_wait3A_79 = tpu.memref_slice %arg2[%dma_wait3A_77, %dma_wait3A_78] : memref<10000x128xf32, #tpu.memory_space<hbm>> -> memref<10000x128xf32, #tpu.memory_space<hbm>>
      tpu.wait_indirect_dma semaphore(%arg19 : memref<!tpu.dma_semaphore, #tpu.memory_space<semaphore_mem>>) src(%dma_wait3A_79 : memref<10000x128xf32, #tpu.memory_space<hbm>>) dst(%arg13 : memref<80x128xf32, #tpu.memory_space<vmem>>)
      %dma_wait3A_80 = arith.constant 0 : i32
      %dma_wait3A_81 = arith.constant 0 : i32
      %dma_wait3A_82 = tpu.memref_slice %arg3[%dma_wait3A_80, %dma_wait3A_81] : memref<10000x128xf32, #tpu.memory_space<hbm>> -> memref<10000x128xf32, #tpu.memory_space<hbm>>
      tpu.wait_indirect_dma semaphore(%arg20 : memref<!tpu.dma_semaphore, #tpu.memory_space<semaphore_mem>>) src(%dma_wait3A_82 : memref<10000x128xf32, #tpu.memory_space<hbm>>) dst(%arg14 : memref<80x128xf32, #tpu.memory_space<vmem>>)
      %scan3A_83 = arith.constant 0 : i32
      %scan3A_84 = arith.constant 80 : i32
      %scan3A_85 = arith.addi %scan3A_83, %scan3A_84 : i32
      %scan3A_86 = arith.constant 1 : i32
      scf.for %scan3A_150 = %scan3A_83 to %scan3A_85 step %scan3A_86  : i32 {
        %mul3A_151 = arith.constant 1 : i32
        %mul3A_152 = arith.muli %scan3A_150, %mul3A_151 : i32
        %add3A_153 = arith.constant 0 : i32
        %add3A_154 = arith.addi %add3A_153, %mul3A_152 : i32
        %get3A = arith.index_cast %add3A_154 : i32 to index
        %get3A_155 = arith.constant 0 : index
        %get3A_156 = tpu.vector_load %arg13[%get3A, %get3A_155] {strides = array<i32>} : memref<80x128xf32, #tpu.memory_space<vmem>>, vector<1x16xf32>,
        %get3A_157 = vector.shape_cast %get3A_156 : vector<1x16xf32> to vector<16xf32>
        %get3A_158 = arith.index_cast %add3A_154 : i32 to index
        %get3A_159 = arith.constant 0 : index
        %get3A_160 = tpu.vector_load %arg14[%get3A_158, %get3A_159] {strides = array<i32>} : memref<80x128xf32, #tpu.memory_space<vmem>>, vector<1x16xf32>,
        %get3A_161 = vector.shape_cast %get3A_160 : vector<1x16xf32> to vector<16xf32>
        %add3A_162 = arith.addf %get3A_157, %get3A_161 : vector<16xf32>
        %swap3A = arith.index_cast %add3A_154 : i32 to index
        %swap3A_163 = arith.constant 0 : index
        %swap3A_164 = tpu.vector_load %arg13[%swap3A, %swap3A_163] {strides = array<i32>} : memref<80x128xf32, #tpu.memory_space<vmem>>, vector<1x16xf32>,
        %swap3A_165 = vector.shape_cast %swap3A_164 : vector<1x16xf32> to vector<16xf32>
        %swap3A_166 = vector.shape_cast %add3A_162 : vector<16xf32> to vector<1x16xf32>
        tpu.vector_store %arg13[%swap3A, %swap3A_163], %swap3A_166 {strides = array<i32>} : memref<80x128xf32, #tpu.memory_space<vmem>>, vector<1x16xf32>,
        %get3A_167 = arith.index_cast %add3A_154 : i32 to index
        %get3A_168 = arith.constant 16 : index
        %get3A_169 = tpu.vector_load %arg13[%get3A_167, %get3A_168] {strides = array<i32>} : memref<80x128xf32, #tpu.memory_space<vmem>>, vector<1x16xf32>,
        %get3A_170 = vector.shape_cast %get3A_169 : vector<1x16xf32> to vector<16xf32>
        %get3A_171 = arith.index_cast %add3A_154 : i32 to index
        %get3A_172 = arith.constant 16 : index
        %get3A_173 = tpu.vector_load %arg14[%get3A_171, %get3A_172] {strides = array<i32>} : memref<80x128xf32, #tpu.memory_space<vmem>>, vector<1x16xf32>,
        %get3A_174 = vector.shape_cast %get3A_173 : vector<1x16xf32> to vector<16xf32>
        %add3A_175 = arith.addf %get3A_170, %get3A_174 : vector<16xf32>
        %swap3A_176 = arith.index_cast %add3A_154 : i32 to index
        %swap3A_177 = arith.constant 16 : index
        %swap3A_178 = tpu.vector_load %arg13[%swap3A_176, %swap3A_177] {strides = array<i32>} : memref<80x128xf32, #tpu.memory_space<vmem>>, vector<1x16xf32>,
        %swap3A_179 = vector.shape_cast %swap3A_178 : vector<1x16xf32> to vector<16xf32>
        %swap3A_180 = vector.shape_cast %add3A_175 : vector<16xf32> to vector<1x16xf32>
        tpu.vector_store %arg13[%swap3A_176, %swap3A_177], %swap3A_180 {strides = array<i32>} : memref<80x128xf32, #tpu.memory_space<vmem>>, vector<1x16xf32>,
        %get3A_181 = arith.index_cast %add3A_154 : i32 to index
        %get3A_182 = arith.constant 32 : index
        %get3A_183 = tpu.vector_load %arg13[%get3A_181, %get3A_182] {strides = array<i32>} : memref<80x128xf32, #tpu.memory_space<vmem>>, vector<1x16xf32>,
        %get3A_184 = vector.shape_cast %get3A_183 : vector<1x16xf32> to vector<16xf32>
        %get3A_185 = arith.index_cast %add3A_154 : i32 to index
        %get3A_186 = arith.constant 32 : index
        %get3A_187 = tpu.vector_load %arg14[%get3A_185, %get3A_186] {strides = array<i32>} : memref<80x128xf32, #tpu.memory_space<vmem>>, vector<1x16xf32>,
        %get3A_188 = vector.shape_cast %get3A_187 : vector<1x16xf32> to vector<16xf32>
        %add3A_189 = arith.addf %get3A_184, %get3A_188 : vector<16xf32>
        %swap3A_190 = arith.index_cast %add3A_154 : i32 to index
        %swap3A_191 = arith.constant 32 : index
        %swap3A_192 = tpu.vector_load %arg13[%swap3A_190, %swap3A_191] {strides = array<i32>} : memref<80x128xf32, #tpu.memory_space<vmem>>, vector<1x16xf32>,
        %swap3A_193 = vector.shape_cast %swap3A_192 : vector<1x16xf32> to vector<16xf32>
        %swap3A_194 = vector.shape_cast %add3A_189 : vector<16xf32> to vector<1x16xf32>
        tpu.vector_store %arg13[%swap3A_190, %swap3A_191], %swap3A_194 {strides = array<i32>} : memref<80x128xf32, #tpu.memory_space<vmem>>, vector<1x16xf32>,
        %get3A_195 = arith.index_cast %add3A_154 : i32 to index
        %get3A_196 = arith.constant 48 : index
        %get3A_197 = tpu.vector_load %arg13[%get3A_195, %get3A_196] {strides = array<i32>} : memref<80x128xf32, #tpu.memory_space<vmem>>, vector<1x16xf32>,
        %get3A_198 = vector.shape_cast %get3A_197 : vector<1x16xf32> to vector<16xf32>
        %get3A_199 = arith.index_cast %add3A_154 : i32 to index
        %get3A_200 = arith.constant 48 : index
        %get3A_201 = tpu.vector_load %arg14[%get3A_199, %get3A_200] {strides = array<i32>} : memref<80x128xf32, #tpu.memory_space<vmem>>, vector<1x16xf32>,
        %get3A_202 = vector.shape_cast %get3A_201 : vector<1x16xf32> to vector<16xf32>
        %add3A_203 = arith.addf %get3A_198, %get3A_202 : vector<16xf32>
        %swap3A_204 = arith.index_cast %add3A_154 : i32 to index
        %swap3A_205 = arith.constant 48 : index
        %swap3A_206 = tpu.vector_load %arg13[%swap3A_204, %swap3A_205] {strides = array<i32>} : memref<80x128xf32, #tpu.memory_space<vmem>>, vector<1x16xf32>,
        %swap3A_207 = vector.shape_cast %swap3A_206 : vector<1x16xf32> to vector<16xf32>
        %swap3A_208 = vector.shape_cast %add3A_203 : vector<16xf32> to vector<1x16xf32>
        tpu.vector_store %arg13[%swap3A_204, %swap3A_205], %swap3A_208 {strides = array<i32>} : memref<80x128xf32, #tpu.memory_space<vmem>>, vector<1x16xf32>,
        %get3A_209 = arith.index_cast %add3A_154 : i32 to index
        %get3A_210 = arith.constant 64 : index
        %get3A_211 = tpu.vector_load %arg13[%get3A_209, %get3A_210] {strides = array<i32>} : memref<80x128xf32, #tpu.memory_space<vmem>>, vector<1x16xf32>,
        %get3A_212 = vector.shape_cast %get3A_211 : vector<1x16xf32> to vector<16xf32>
        %get3A_213 = arith.index_cast %add3A_154 : i32 to index
        %get3A_214 = arith.constant 64 : index
        %get3A_215 = tpu.vector_load %arg14[%get3A_213, %get3A_214] {strides = array<i32>} : memref<80x128xf32, #tpu.memory_space<vmem>>, vector<1x16xf32>,
        %get3A_216 = vector.shape_cast %get3A_215 : vector<1x16xf32> to vector<16xf32>
        %add3A_217 = arith.addf %get3A_212, %get3A_216 : vector<16xf32>
        %swap3A_218 = arith.index_cast %add3A_154 : i32 to index
        %swap3A_219 = arith.constant 64 : index
        %swap3A_220 = tpu.vector_load %arg13[%swap3A_218, %swap3A_219] {strides = array<i32>} : memref<80x128xf32, #tpu.memory_space<vmem>>, vector<1x16xf32>,
        %swap3A_221 = vector.shape_cast %swap3A_220 : vector<1x16xf32> to vector<16xf32>
        %swap3A_222 = vector.shape_cast %add3A_217 : vector<16xf32> to vector<1x16xf32>
        tpu.vector_store %arg13[%swap3A_218, %swap3A_219], %swap3A_222 {strides = array<i32>} : memref<80x128xf32, #tpu.memory_space<vmem>>, vector<1x16xf32>,
        %get3A_223 = arith.index_cast %add3A_154 : i32 to index
        %get3A_224 = arith.constant 80 : index
        %get3A_225 = tpu.vector_load %arg13[%get3A_223, %get3A_224] {strides = array<i32>} : memref<80x128xf32, #tpu.memory_space<vmem>>, vector<1x16xf32>,
        %get3A_226 = vector.shape_cast %get3A_225 : vector<1x16xf32> to vector<16xf32>
        %get3A_227 = arith.index_cast %add3A_154 : i32 to index
        %get3A_228 = arith.constant 80 : index
        %get3A_229 = tpu.vector_load %arg14[%get3A_227, %get3A_228] {strides = array<i32>} : memref<80x128xf32, #tpu.memory_space<vmem>>, vector<1x16xf32>,
        %get3A_230 = vector.shape_cast %get3A_229 : vector<1x16xf32> to vector<16xf32>
        %add3A_231 = arith.addf %get3A_226, %get3A_230 : vector<16xf32>
        %swap3A_232 = arith.index_cast %add3A_154 : i32 to index
        %swap3A_233 = arith.constant 80 : index
        %swap3A_234 = tpu.vector_load %arg13[%swap3A_232, %swap3A_233] {strides = array<i32>} : memref<80x128xf32, #tpu.memory_space<vmem>>, vector<1x16xf32>,
        %swap3A_235 = vector.shape_cast %swap3A_234 : vector<1x16xf32> to vector<16xf32>
        %swap3A_236 = vector.shape_cast %add3A_231 : vector<16xf32> to vector<1x16xf32>
        tpu.vector_store %arg13[%swap3A_232, %swap3A_233], %swap3A_236 {strides = array<i32>} : memref<80x128xf32, #tpu.memory_space<vmem>>, vector<1x16xf32>,
        %get3A_237 = arith.index_cast %add3A_154 : i32 to index
        %get3A_238 = arith.constant 96 : index
        %get3A_239 = tpu.vector_load %arg13[%get3A_237, %get3A_238] {strides = array<i32>} : memref<80x128xf32, #tpu.memory_space<vmem>>, vector<1x16xf32>,
        %get3A_240 = vector.shape_cast %get3A_239 : vector<1x16xf32> to vector<16xf32>
        %get3A_241 = arith.index_cast %add3A_154 : i32 to index
        %get3A_242 = arith.constant 96 : index
        %get3A_243 = tpu.vector_load %arg14[%get3A_241, %get3A_242] {strides = array<i32>} : memref<80x128xf32, #tpu.memory_space<vmem>>, vector<1x16xf32>,
        %get3A_244 = vector.shape_cast %get3A_243 : vector<1x16xf32> to vector<16xf32>
        %add3A_245 = arith.addf %get3A_240, %get3A_244 : vector<16xf32>
        %swap3A_246 = arith.index_cast %add3A_154 : i32 to index
        %swap3A_247 = arith.constant 96 : index
        %swap3A_248 = tpu.vector_load %arg13[%swap3A_246, %swap3A_247] {strides = array<i32>} : memref<80x128xf32, #tpu.memory_space<vmem>>, vector<1x16xf32>,
        %swap3A_249 = vector.shape_cast %swap3A_248 : vector<1x16xf32> to vector<16xf32>
        %swap3A_250 = vector.shape_cast %add3A_245 : vector<16xf32> to vector<1x16xf32>
        tpu.vector_store %arg13[%swap3A_246, %swap3A_247], %swap3A_250 {strides = array<i32>} : memref<80x128xf32, #tpu.memory_space<vmem>>, vector<1x16xf32>,
        %get3A_251 = arith.index_cast %add3A_154 : i32 to index
        %get3A_252 = arith.constant 112 : index
        %get3A_253 = tpu.vector_load %arg13[%get3A_251, %get3A_252] {strides = array<i32>} : memref<80x128xf32, #tpu.memory_space<vmem>>, vector<1x16xf32>,
        %get3A_254 = vector.shape_cast %get3A_253 : vector<1x16xf32> to vector<16xf32>
        %get3A_255 = arith.index_cast %add3A_154 : i32 to index
        %get3A_256 = arith.constant 112 : index
        %get3A_257 = tpu.vector_load %arg14[%get3A_255, %get3A_256] {strides = array<i32>} : memref<80x128xf32, #tpu.memory_space<vmem>>, vector<1x16xf32>,
        %get3A_258 = vector.shape_cast %get3A_257 : vector<1x16xf32> to vector<16xf32>
        %add3A_259 = arith.addf %get3A_254, %get3A_258 : vector<16xf32>
        %swap3A_260 = arith.index_cast %add3A_154 : i32 to index
        %swap3A_261 = arith.constant 112 : index
        %swap3A_262 = tpu.vector_load %arg13[%swap3A_260, %swap3A_261] {strides = array<i32>} : memref<80x128xf32, #tpu.memory_space<vmem>>, vector<1x16xf32>,
        %swap3A_263 = vector.shape_cast %swap3A_262 : vector<1x16xf32> to vector<16xf32>
        %swap3A_264 = vector.shape_cast %add3A_259 : vector<16xf32> to vector<1x16xf32>
        tpu.vector_store %arg13[%swap3A_260, %swap3A_261], %swap3A_264 {strides = array<i32>} : memref<80x128xf32, #tpu.memory_space<vmem>>, vector<1x16xf32>,
      }
      %scan3A_87 = arith.constant 80 : i32
      "tpu.region"() ({
        %run_scoped3A = tpu.sem_alloc : memref<!tpu.dma_semaphore, #tpu.memory_space<semaphore_mem>>
        %dma_start3A_150 = arith.constant 0 : i32
        %dma_start3A_151 = tpu.memref_slice %arg6[%multiple_of3A_76, %dma_start3A_150] : memref<320000x128xf32, #tpu.memory_space<hbm>> -> memref<80x128xf32, #tpu.memory_space<hbm>>
        %dma_start3A_152 = arith.constant 0 : i32
        %dma_start3A_153 = tpu.memref_slice %arg6[%multiple_of3A_76, %dma_start3A_152] : memref<320000x128xf32, #tpu.memory_space<hbm>> -> memref<80x128xf32, #tpu.memory_space<hbm>>
        tpu.enqueue_dma source(%arg13 : memref<80x128xf32, #tpu.memory_space<vmem>>) target(%dma_start3A_153 : memref<80x128xf32, #tpu.memory_space<hbm>>) target_semaphore(%run_scoped3A : memref<!tpu.dma_semaphore, #tpu.memory_space<semaphore_mem>>)
        %dma_wait3A_154 = arith.constant 0 : i32
        %dma_wait3A_155 = tpu.memref_slice %arg6[%multiple_of3A_76, %dma_wait3A_154] : memref<320000x128xf32, #tpu.memory_space<hbm>> -> memref<80x128xf32, #tpu.memory_space<hbm>>
        %dma_wait3A_156 = arith.constant 0 : i32
        %dma_wait3A_157 = tpu.memref_slice %arg6[%multiple_of3A_76, %dma_wait3A_156] : memref<320000x128xf32, #tpu.memory_space<hbm>> -> memref<80x128xf32, #tpu.memory_space<hbm>>
        tpu.wait_dma2 semaphore(%run_scoped3A : memref<!tpu.dma_semaphore, #tpu.memory_space<semaphore_mem>>) src(%arg13 : memref<80x128xf32, #tpu.memory_space<vmem>>) dst(%dma_wait3A_157 : memref<80x128xf32, #tpu.memory_space<hbm>>)
        tpu.yield
      }) : () -> ()
      %add3A_88 = arith.constant 1 : i32
      %add3A_89 = arith.addi %mul3A_56, %add3A_88 : i32
      %add3A_90 = arith.constant 2 : i32
      %add3A_91 = arith.addi %add3A_89, %add3A_90 : i32
      %mul3A_92 = arith.constant 80 : i32
      %mul3A_93 = arith.muli %add3A_91, %mul3A_92 : i32
      %add3A_94 = arith.addi %mul3A_2, %mul3A_93 : i32
      %multiple_of3A_95 = tpu.assume_multiple %add3A_94, 8 : i32
      "tpu.region"() ({
        %run_scoped3A = tpu.sem_alloc : memref<!tpu.dma_semaphore, #tpu.memory_space<semaphore_mem>>
        %dma_start3A_150 = tpu.memref_slice %arg4[%multiple_of3A_95] : memref<320000xi32, #tpu.memory_space<hbm>> -> memref<80xi32, #tpu.memory_space<hbm>>
        %dma_start3A_151 = tpu.memref_slice %arg4[%multiple_of3A_95] : memref<320000xi32, #tpu.memory_space<hbm>> -> memref<80xi32, #tpu.memory_space<hbm>>
        tpu.enqueue_dma source(%dma_start3A_151 : memref<80xi32, #tpu.memory_space<hbm>>) target(%arg7 : memref<80xi32, #tpu.memory_space<vmem>>) target_semaphore(%run_scoped3A : memref<!tpu.dma_semaphore, #tpu.memory_space<semaphore_mem>>)
        %dma_wait3A_152 = tpu.memref_slice %arg4[%multiple_of3A_95] : memref<320000xi32, #tpu.memory_space<hbm>> -> memref<80xi32, #tpu.memory_space<hbm>>
        %dma_wait3A_153 = tpu.memref_slice %arg4[%multiple_of3A_95] : memref<320000xi32, #tpu.memory_space<hbm>> -> memref<80xi32, #tpu.memory_space<hbm>>
        tpu.wait_dma2 semaphore(%run_scoped3A : memref<!tpu.dma_semaphore, #tpu.memory_space<semaphore_mem>>) src(%dma_wait3A_153 : memref<80xi32, #tpu.memory_space<hbm>>) dst(%arg7 : memref<80xi32, #tpu.memory_space<vmem>>)
        tpu.yield
      }) : () -> ()
      "tpu.region"() ({
        %run_scoped3A = tpu.sem_alloc : memref<!tpu.dma_semaphore, #tpu.memory_space<semaphore_mem>>
        %dma_start3A_150 = tpu.memref_slice %arg5[%multiple_of3A_95] : memref<320000xi32, #tpu.memory_space<hbm>> -> memref<80xi32, #tpu.memory_space<hbm>>
        %dma_start3A_151 = tpu.memref_slice %arg5[%multiple_of3A_95] : memref<320000xi32, #tpu.memory_space<hbm>> -> memref<80xi32, #tpu.memory_space<hbm>>
        tpu.enqueue_dma source(%dma_start3A_151 : memref<80xi32, #tpu.memory_space<hbm>>) target(%arg8 : memref<80xi32, #tpu.memory_space<vmem>>) target_semaphore(%run_scoped3A : memref<!tpu.dma_semaphore, #tpu.memory_space<semaphore_mem>>)
        %dma_wait3A_152 = tpu.memref_slice %arg5[%multiple_of3A_95] : memref<320000xi32, #tpu.memory_space<hbm>> -> memref<80xi32, #tpu.memory_space<hbm>>
        %dma_wait3A_153 = tpu.memref_slice %arg5[%multiple_of3A_95] : memref<320000xi32, #tpu.memory_space<hbm>> -> memref<80xi32, #tpu.memory_space<hbm>>
        tpu.wait_dma2 semaphore(%run_scoped3A : memref<!tpu.dma_semaphore, #tpu.memory_space<semaphore_mem>>) src(%dma_wait3A_153 : memref<80xi32, #tpu.memory_space<hbm>>) dst(%arg8 : memref<80xi32, #tpu.memory_space<vmem>>)
        tpu.yield
      }) : () -> ()
      %dma_start3A_96 = arith.constant 0 : i32
      %dma_start3A_97 = arith.constant 0 : i32
      %dma_start3A_98 = tpu.memref_slice %arg2[%dma_start3A_96, %dma_start3A_97] : memref<10000x128xf32, #tpu.memory_space<hbm>> -> memref<10000x128xf32, #tpu.memory_space<hbm>>
      tpu.enqueue_indirect_dma source(%dma_start3A_98 : memref<10000x128xf32, #tpu.memory_space<hbm>>) target(%arg13 : memref<80x128xf32, #tpu.memory_space<vmem>>) offsets(%arg7 : memref<80xi32, #tpu.memory_space<vmem>>) semaphore(%arg19 : memref<!tpu.dma_semaphore, #tpu.memory_space<semaphore_mem>>)
      %dma_start3A_99 = arith.constant 0 : i32
      %dma_start3A_100 = arith.constant 0 : i32
      %dma_start3A_101 = tpu.memref_slice %arg3[%dma_start3A_99, %dma_start3A_100] : memref<10000x128xf32, #tpu.memory_space<hbm>> -> memref<10000x128xf32, #tpu.memory_space<hbm>>
      tpu.enqueue_indirect_dma source(%dma_start3A_101 : memref<10000x128xf32, #tpu.memory_space<hbm>>) target(%arg14 : memref<80x128xf32, #tpu.memory_space<vmem>>) offsets(%arg8 : memref<80xi32, #tpu.memory_space<vmem>>) semaphore(%arg20 : memref<!tpu.dma_semaphore, #tpu.memory_space<semaphore_mem>>)
      %add3A_102 = arith.constant 1 : i32
      %add3A_103 = arith.addi %mul3A_56, %add3A_102 : i32
      %mul3A_104 = arith.constant 80 : i32
      %mul3A_105 = arith.muli %add3A_103, %mul3A_104 : i32
      %add3A_106 = arith.addi %mul3A_2, %mul3A_105 : i32
      %multiple_of3A_107 = tpu.assume_multiple %add3A_106, 8 : i32
      %dma_wait3A_108 = arith.constant 0 : i32
      %dma_wait3A_109 = arith.constant 0 : i32
      %dma_wait3A_110 = tpu.memref_slice %arg2[%dma_wait3A_108, %dma_wait3A_109] : memref<10000x128xf32, #tpu.memory_space<hbm>> -> memref<10000x128xf32, #tpu.memory_space<hbm>>
      tpu.wait_indirect_dma semaphore(%arg21 : memref<!tpu.dma_semaphore, #tpu.memory_space<semaphore_mem>>) src(%dma_wait3A_110 : memref<10000x128xf32, #tpu.memory_space<hbm>>) dst(%arg15 : memref<80x128xf32, #tpu.memory_space<vmem>>)
      %dma_wait3A_111 = arith.constant 0 : i32
      %dma_wait3A_112 = arith.constant 0 : i32
      %dma_wait3A_113 = tpu.memref_slice %arg3[%dma_wait3A_111, %dma_wait3A_112] : memref<10000x128xf32, #tpu.memory_space<hbm>> -> memref<10000x128xf32, #tpu.memory_space<hbm>>
      tpu.wait_indirect_dma semaphore(%arg22 : memref<!tpu.dma_semaphore, #tpu.memory_space<semaphore_mem>>) src(%dma_wait3A_113 : memref<10000x128xf32, #tpu.memory_space<hbm>>) dst(%arg16 : memref<80x128xf32, #tpu.memory_space<vmem>>)
      %scan3A_114 = arith.constant 0 : i32
      %scan3A_115 = arith.constant 80 : i32
      %scan3A_116 = arith.addi %scan3A_114, %scan3A_115 : i32
      %scan3A_117 = arith.constant 1 : i32
      scf.for %scan3A_150 = %scan3A_114 to %scan3A_116 step %scan3A_117  : i32 {
        %mul3A_151 = arith.constant 1 : i32
        %mul3A_152 = arith.muli %scan3A_150, %mul3A_151 : i32
        %add3A_153 = arith.constant 0 : i32
        %add3A_154 = arith.addi %add3A_153, %mul3A_152 : i32
        %get3A = arith.index_cast %add3A_154 : i32 to index
        %get3A_155 = arith.constant 0 : index
        %get3A_156 = tpu.vector_load %arg15[%get3A, %get3A_155] {strides = array<i32>} : memref<80x128xf32, #tpu.memory_space<vmem>>, vector<1x16xf32>,
        %get3A_157 = vector.shape_cast %get3A_156 : vector<1x16xf32> to vector<16xf32>
        %get3A_158 = arith.index_cast %add3A_154 : i32 to index
        %get3A_159 = arith.constant 0 : index
        %get3A_160 = tpu.vector_load %arg16[%get3A_158, %get3A_159] {strides = array<i32>} : memref<80x128xf32, #tpu.memory_space<vmem>>, vector<1x16xf32>,
        %get3A_161 = vector.shape_cast %get3A_160 : vector<1x16xf32> to vector<16xf32>
        %add3A_162 = arith.addf %get3A_157, %get3A_161 : vector<16xf32>
        %swap3A = arith.index_cast %add3A_154 : i32 to index
        %swap3A_163 = arith.constant 0 : index
        %swap3A_164 = tpu.vector_load %arg15[%swap3A, %swap3A_163] {strides = array<i32>} : memref<80x128xf32, #tpu.memory_space<vmem>>, vector<1x16xf32>,
        %swap3A_165 = vector.shape_cast %swap3A_164 : vector<1x16xf32> to vector<16xf32>
        %swap3A_166 = vector.shape_cast %add3A_162 : vector<16xf32> to vector<1x16xf32>
        tpu.vector_store %arg15[%swap3A, %swap3A_163], %swap3A_166 {strides = array<i32>} : memref<80x128xf32, #tpu.memory_space<vmem>>, vector<1x16xf32>,
        %get3A_167 = arith.index_cast %add3A_154 : i32 to index
        %get3A_168 = arith.constant 16 : index
        %get3A_169 = tpu.vector_load %arg15[%get3A_167, %get3A_168] {strides = array<i32>} : memref<80x128xf32, #tpu.memory_space<vmem>>, vector<1x16xf32>,
        %get3A_170 = vector.shape_cast %get3A_169 : vector<1x16xf32> to vector<16xf32>
        %get3A_171 = arith.index_cast %add3A_154 : i32 to index
        %get3A_172 = arith.constant 16 : index
        %get3A_173 = tpu.vector_load %arg16[%get3A_171, %get3A_172] {strides = array<i32>} : memref<80x128xf32, #tpu.memory_space<vmem>>, vector<1x16xf32>,
        %get3A_174 = vector.shape_cast %get3A_173 : vector<1x16xf32> to vector<16xf32>
        %add3A_175 = arith.addf %get3A_170, %get3A_174 : vector<16xf32>
        %swap3A_176 = arith.index_cast %add3A_154 : i32 to index
        %swap3A_177 = arith.constant 16 : index
        %swap3A_178 = tpu.vector_load %arg15[%swap3A_176, %swap3A_177] {strides = array<i32>} : memref<80x128xf32, #tpu.memory_space<vmem>>, vector<1x16xf32>,
        %swap3A_179 = vector.shape_cast %swap3A_178 : vector<1x16xf32> to vector<16xf32>
        %swap3A_180 = vector.shape_cast %add3A_175 : vector<16xf32> to vector<1x16xf32>
        tpu.vector_store %arg15[%swap3A_176, %swap3A_177], %swap3A_180 {strides = array<i32>} : memref<80x128xf32, #tpu.memory_space<vmem>>, vector<1x16xf32>,
        %get3A_181 = arith.index_cast %add3A_154 : i32 to index
        %get3A_182 = arith.constant 32 : index
        %get3A_183 = tpu.vector_load %arg15[%get3A_181, %get3A_182] {strides = array<i32>} : memref<80x128xf32, #tpu.memory_space<vmem>>, vector<1x16xf32>,
        %get3A_184 = vector.shape_cast %get3A_183 : vector<1x16xf32> to vector<16xf32>
        %get3A_185 = arith.index_cast %add3A_154 : i32 to index
        %get3A_186 = arith.constant 32 : index
        %get3A_187 = tpu.vector_load %arg16[%get3A_185, %get3A_186] {strides = array<i32>} : memref<80x128xf32, #tpu.memory_space<vmem>>, vector<1x16xf32>,
        %get3A_188 = vector.shape_cast %get3A_187 : vector<1x16xf32> to vector<16xf32>
        %add3A_189 = arith.addf %get3A_184, %get3A_188 : vector<16xf32>
        %swap3A_190 = arith.index_cast %add3A_154 : i32 to index
        %swap3A_191 = arith.constant 32 : index
        %swap3A_192 = tpu.vector_load %arg15[%swap3A_190, %swap3A_191] {strides = array<i32>} : memref<80x128xf32, #tpu.memory_space<vmem>>, vector<1x16xf32>,
        %swap3A_193 = vector.shape_cast %swap3A_192 : vector<1x16xf32> to vector<16xf32>
        %swap3A_194 = vector.shape_cast %add3A_189 : vector<16xf32> to vector<1x16xf32>
        tpu.vector_store %arg15[%swap3A_190, %swap3A_191], %swap3A_194 {strides = array<i32>} : memref<80x128xf32, #tpu.memory_space<vmem>>, vector<1x16xf32>,
        %get3A_195 = arith.index_cast %add3A_154 : i32 to index
        %get3A_196 = arith.constant 48 : index
        %get3A_197 = tpu.vector_load %arg15[%get3A_195, %get3A_196] {strides = array<i32>} : memref<80x128xf32, #tpu.memory_space<vmem>>, vector<1x16xf32>,
        %get3A_198 = vector.shape_cast %get3A_197 : vector<1x16xf32> to vector<16xf32>
        %get3A_199 = arith.index_cast %add3A_154 : i32 to index
        %get3A_200 = arith.constant 48 : index
        %get3A_201 = tpu.vector_load %arg16[%get3A_199, %get3A_200] {strides = array<i32>} : memref<80x128xf32, #tpu.memory_space<vmem>>, vector<1x16xf32>,
        %get3A_202 = vector.shape_cast %get3A_201 : vector<1x16xf32> to vector<16xf32>
        %add3A_203 = arith.addf %get3A_198, %get3A_202 : vector<16xf32>
        %swap3A_204 = arith.index_cast %add3A_154 : i32 to index
        %swap3A_205 = arith.constant 48 : index
        %swap3A_206 = tpu.vector_load %arg15[%swap3A_204, %swap3A_205] {strides = array<i32>} : memref<80x128xf32, #tpu.memory_space<vmem>>, vector<1x16xf32>,
        %swap3A_207 = vector.shape_cast %swap3A_206 : vector<1x16xf32> to vector<16xf32>
        %swap3A_208 = vector.shape_cast %add3A_203 : vector<16xf32> to vector<1x16xf32>
        tpu.vector_store %arg15[%swap3A_204, %swap3A_205], %swap3A_208 {strides = array<i32>} : memref<80x128xf32, #tpu.memory_space<vmem>>, vector<1x16xf32>,
        %get3A_209 = arith.index_cast %add3A_154 : i32 to index
        %get3A_210 = arith.constant 64 : index
        %get3A_211 = tpu.vector_load %arg15[%get3A_209, %get3A_210] {strides = array<i32>} : memref<80x128xf32, #tpu.memory_space<vmem>>, vector<1x16xf32>,
        %get3A_212 = vector.shape_cast %get3A_211 : vector<1x16xf32> to vector<16xf32>
        %get3A_213 = arith.index_cast %add3A_154 : i32 to index
        %get3A_214 = arith.constant 64 : index
        %get3A_215 = tpu.vector_load %arg16[%get3A_213, %get3A_214] {strides = array<i32>} : memref<80x128xf32, #tpu.memory_space<vmem>>, vector<1x16xf32>,
        %get3A_216 = vector.shape_cast %get3A_215 : vector<1x16xf32> to vector<16xf32>
        %add3A_217 = arith.addf %get3A_212, %get3A_216 : vector<16xf32>
        %swap3A_218 = arith.index_cast %add3A_154 : i32 to index
        %swap3A_219 = arith.constant 64 : index
        %swap3A_220 = tpu.vector_load %arg15[%swap3A_218, %swap3A_219] {strides = array<i32>} : memref<80x128xf32, #tpu.memory_space<vmem>>, vector<1x16xf32>,
        %swap3A_221 = vector.shape_cast %swap3A_220 : vector<1x16xf32> to vector<16xf32>
        %swap3A_222 = vector.shape_cast %add3A_217 : vector<16xf32> to vector<1x16xf32>
        tpu.vector_store %arg15[%swap3A_218, %swap3A_219], %swap3A_222 {strides = array<i32>} : memref<80x128xf32, #tpu.memory_space<vmem>>, vector<1x16xf32>,
        %get3A_223 = arith.index_cast %add3A_154 : i32 to index
        %get3A_224 = arith.constant 80 : index
        %get3A_225 = tpu.vector_load %arg15[%get3A_223, %get3A_224] {strides = array<i32>} : memref<80x128xf32, #tpu.memory_space<vmem>>, vector<1x16xf32>,
        %get3A_226 = vector.shape_cast %get3A_225 : vector<1x16xf32> to vector<16xf32>
        %get3A_227 = arith.index_cast %add3A_154 : i32 to index
        %get3A_228 = arith.constant 80 : index
        %get3A_229 = tpu.vector_load %arg16[%get3A_227, %get3A_228] {strides = array<i32>} : memref<80x128xf32, #tpu.memory_space<vmem>>, vector<1x16xf32>,
        %get3A_230 = vector.shape_cast %get3A_229 : vector<1x16xf32> to vector<16xf32>
        %add3A_231 = arith.addf %get3A_226, %get3A_230 : vector<16xf32>
        %swap3A_232 = arith.index_cast %add3A_154 : i32 to index
        %swap3A_233 = arith.constant 80 : index
        %swap3A_234 = tpu.vector_load %arg15[%swap3A_232, %swap3A_233] {strides = array<i32>} : memref<80x128xf32, #tpu.memory_space<vmem>>, vector<1x16xf32>,
        %swap3A_235 = vector.shape_cast %swap3A_234 : vector<1x16xf32> to vector<16xf32>
        %swap3A_236 = vector.shape_cast %add3A_231 : vector<16xf32> to vector<1x16xf32>
        tpu.vector_store %arg15[%swap3A_232, %swap3A_233], %swap3A_236 {strides = array<i32>} : memref<80x128xf32, #tpu.memory_space<vmem>>, vector<1x16xf32>,
        %get3A_237 = arith.index_cast %add3A_154 : i32 to index
        %get3A_238 = arith.constant 96 : index
        %get3A_239 = tpu.vector_load %arg15[%get3A_237, %get3A_238] {strides = array<i32>} : memref<80x128xf32, #tpu.memory_space<vmem>>, vector<1x16xf32>,
        %get3A_240 = vector.shape_cast %get3A_239 : vector<1x16xf32> to vector<16xf32>
        %get3A_241 = arith.index_cast %add3A_154 : i32 to index
        %get3A_242 = arith.constant 96 : index
        %get3A_243 = tpu.vector_load %arg16[%get3A_241, %get3A_242] {strides = array<i32>} : memref<80x128xf32, #tpu.memory_space<vmem>>, vector<1x16xf32>,
        %get3A_244 = vector.shape_cast %get3A_243 : vector<1x16xf32> to vector<16xf32>
        %add3A_245 = arith.addf %get3A_240, %get3A_244 : vector<16xf32>
        %swap3A_246 = arith.index_cast %add3A_154 : i32 to index
        %swap3A_247 = arith.constant 96 : index
        %swap3A_248 = tpu.vector_load %arg15[%swap3A_246, %swap3A_247] {strides = array<i32>} : memref<80x128xf32, #tpu.memory_space<vmem>>, vector<1x16xf32>,
        %swap3A_249 = vector.shape_cast %swap3A_248 : vector<1x16xf32> to vector<16xf32>
        %swap3A_250 = vector.shape_cast %add3A_245 : vector<16xf32> to vector<1x16xf32>
        tpu.vector_store %arg15[%swap3A_246, %swap3A_247], %swap3A_250 {strides = array<i32>} : memref<80x128xf32, #tpu.memory_space<vmem>>, vector<1x16xf32>,
        %get3A_251 = arith.index_cast %add3A_154 : i32 to index
        %get3A_252 = arith.constant 112 : index
        %get3A_253 = tpu.vector_load %arg15[%get3A_251, %get3A_252] {strides = array<i32>} : memref<80x128xf32, #tpu.memory_space<vmem>>, vector<1x16xf32>,
        %get3A_254 = vector.shape_cast %get3A_253 : vector<1x16xf32> to vector<16xf32>
        %get3A_255 = arith.index_cast %add3A_154 : i32 to index
        %get3A_256 = arith.constant 112 : index
        %get3A_257 = tpu.vector_load %arg16[%get3A_255, %get3A_256] {strides = array<i32>} : memref<80x128xf32, #tpu.memory_space<vmem>>, vector<1x16xf32>,
        %get3A_258 = vector.shape_cast %get3A_257 : vector<1x16xf32> to vector<16xf32>
        %add3A_259 = arith.addf %get3A_254, %get3A_258 : vector<16xf32>
        %swap3A_260 = arith.index_cast %add3A_154 : i32 to index
        %swap3A_261 = arith.constant 112 : index
        %swap3A_262 = tpu.vector_load %arg15[%swap3A_260, %swap3A_261] {strides = array<i32>} : memref<80x128xf32, #tpu.memory_space<vmem>>, vector<1x16xf32>,
        %swap3A_263 = vector.shape_cast %swap3A_262 : vector<1x16xf32> to vector<16xf32>
        %swap3A_264 = vector.shape_cast %add3A_259 : vector<16xf32> to vector<1x16xf32>
        tpu.vector_store %arg15[%swap3A_260, %swap3A_261], %swap3A_264 {strides = array<i32>} : memref<80x128xf32, #tpu.memory_space<vmem>>, vector<1x16xf32>,
      }
      %scan3A_118 = arith.constant 80 : i32
      "tpu.region"() ({
        %run_scoped3A = tpu.sem_alloc : memref<!tpu.dma_semaphore, #tpu.memory_space<semaphore_mem>>
        %dma_start3A_150 = arith.constant 0 : i32
        %dma_start3A_151 = tpu.memref_slice %arg6[%multiple_of3A_107, %dma_start3A_150] : memref<320000x128xf32, #tpu.memory_space<hbm>> -> memref<80x128xf32, #tpu.memory_space<hbm>>
        %dma_start3A_152 = arith.constant 0 : i32
        %dma_start3A_153 = tpu.memref_slice %arg6[%multiple_of3A_107, %dma_start3A_152] : memref<320000x128xf32, #tpu.memory_space<hbm>> -> memref<80x128xf32, #tpu.memory_space<hbm>>
        tpu.enqueue_dma source(%arg15 : memref<80x128xf32, #tpu.memory_space<vmem>>) target(%dma_start3A_153 : memref<80x128xf32, #tpu.memory_space<hbm>>) target_semaphore(%run_scoped3A : memref<!tpu.dma_semaphore, #tpu.memory_space<semaphore_mem>>)
        %dma_wait3A_154 = arith.constant 0 : i32
        %dma_wait3A_155 = tpu.memref_slice %arg6[%multiple_of3A_107, %dma_wait3A_154] : memref<320000x128xf32, #tpu.memory_space<hbm>> -> memref<80x128xf32, #tpu.memory_space<hbm>>
        %dma_wait3A_156 = arith.constant 0 : i32
        %dma_wait3A_157 = tpu.memref_slice %arg6[%multiple_of3A_107, %dma_wait3A_156] : memref<320000x128xf32, #tpu.memory_space<hbm>> -> memref<80x128xf32, #tpu.memory_space<hbm>>
        tpu.wait_dma2 semaphore(%run_scoped3A : memref<!tpu.dma_semaphore, #tpu.memory_space<semaphore_mem>>) src(%arg15 : memref<80x128xf32, #tpu.memory_space<vmem>>) dst(%dma_wait3A_157 : memref<80x128xf32, #tpu.memory_space<hbm>>)
        tpu.yield
      }) : () -> ()
      %add3A_119 = arith.constant 2 : i32
      %add3A_120 = arith.addi %mul3A_56, %add3A_119 : i32
      %add3A_121 = arith.constant 2 : i32
      %add3A_122 = arith.addi %add3A_120, %add3A_121 : i32
      %mul3A_123 = arith.constant 80 : i32
      %mul3A_124 = arith.muli %add3A_122, %mul3A_123 : i32
      %add3A_125 = arith.addi %mul3A_2, %mul3A_124 : i32
      %multiple_of3A_126 = tpu.assume_multiple %add3A_125, 8 : i32
      "tpu.region"() ({
        %run_scoped3A = tpu.sem_alloc : memref<!tpu.dma_semaphore, #tpu.memory_space<semaphore_mem>>
        %dma_start3A_150 = tpu.memref_slice %arg4[%multiple_of3A_126] : memref<320000xi32, #tpu.memory_space<hbm>> -> memref<80xi32, #tpu.memory_space<hbm>>
        %dma_start3A_151 = tpu.memref_slice %arg4[%multiple_of3A_126] : memref<320000xi32, #tpu.memory_space<hbm>> -> memref<80xi32, #tpu.memory_space<hbm>>
        tpu.enqueue_dma source(%dma_start3A_151 : memref<80xi32, #tpu.memory_space<hbm>>) target(%arg9 : memref<80xi32, #tpu.memory_space<vmem>>) target_semaphore(%run_scoped3A : memref<!tpu.dma_semaphore, #tpu.memory_space<semaphore_mem>>)
        %dma_wait3A_152 = tpu.memref_slice %arg4[%multiple_of3A_126] : memref<320000xi32, #tpu.memory_space<hbm>> -> memref<80xi32, #tpu.memory_space<hbm>>
        %dma_wait3A_153 = tpu.memref_slice %arg4[%multiple_of3A_126] : memref<320000xi32, #tpu.memory_space<hbm>> -> memref<80xi32, #tpu.memory_space<hbm>>
        tpu.wait_dma2 semaphore(%run_scoped3A : memref<!tpu.dma_semaphore, #tpu.memory_space<semaphore_mem>>) src(%dma_wait3A_153 : memref<80xi32, #tpu.memory_space<hbm>>) dst(%arg9 : memref<80xi32, #tpu.memory_space<vmem>>)
        tpu.yield
      }) : () -> ()
      "tpu.region"() ({
        %run_scoped3A = tpu.sem_alloc : memref<!tpu.dma_semaphore, #tpu.memory_space<semaphore_mem>>
        %dma_start3A_150 = tpu.memref_slice %arg5[%multiple_of3A_126] : memref<320000xi32, #tpu.memory_space<hbm>> -> memref<80xi32, #tpu.memory_space<hbm>>
        %dma_start3A_151 = tpu.memref_slice %arg5[%multiple_of3A_126] : memref<320000xi32, #tpu.memory_space<hbm>> -> memref<80xi32, #tpu.memory_space<hbm>>
        tpu.enqueue_dma source(%dma_start3A_151 : memref<80xi32, #tpu.memory_space<hbm>>) target(%arg10 : memref<80xi32, #tpu.memory_space<vmem>>) target_semaphore(%run_scoped3A : memref<!tpu.dma_semaphore, #tpu.memory_space<semaphore_mem>>)
        %dma_wait3A_152 = tpu.memref_slice %arg5[%multiple_of3A_126] : memref<320000xi32, #tpu.memory_space<hbm>> -> memref<80xi32, #tpu.memory_space<hbm>>
        %dma_wait3A_153 = tpu.memref_slice %arg5[%multiple_of3A_126] : memref<320000xi32, #tpu.memory_space<hbm>> -> memref<80xi32, #tpu.memory_space<hbm>>
        tpu.wait_dma2 semaphore(%run_scoped3A : memref<!tpu.dma_semaphore, #tpu.memory_space<semaphore_mem>>) src(%dma_wait3A_153 : memref<80xi32, #tpu.memory_space<hbm>>) dst(%arg10 : memref<80xi32, #tpu.memory_space<vmem>>)
        tpu.yield
      }) : () -> ()
      %dma_start3A_127 = arith.constant 0 : i32
      %dma_start3A_128 = arith.constant 0 : i32
      %dma_start3A_129 = tpu.memref_slice %arg2[%dma_start3A_127, %dma_start3A_128] : memref<10000x128xf32, #tpu.memory_space<hbm>> -> memref<10000x128xf32, #tpu.memory_space<hbm>>
      tpu.enqueue_indirect_dma source(%dma_start3A_129 : memref<10000x128xf32, #tpu.memory_space<hbm>>) target(%arg15 : memref<80x128xf32, #tpu.memory_space<vmem>>) offsets(%arg9 : memref<80xi32, #tpu.memory_space<vmem>>) semaphore(%arg21 : memref<!tpu.dma_semaphore, #tpu.memory_space<semaphore_mem>>)
      %dma_start3A_130 = arith.constant 0 : i32
      %dma_start3A_131 = arith.constant 0 : i32
      %dma_start3A_132 = tpu.memref_slice %arg3[%dma_start3A_130, %dma_start3A_131] : memref<10000x128xf32, #tpu.memory_space<hbm>> -> memref<10000x128xf32, #tpu.memory_space<hbm>>
      tpu.enqueue_indirect_dma source(%dma_start3A_132 : memref<10000x128xf32, #tpu.memory_space<hbm>>) target(%arg16 : memref<80x128xf32, #tpu.memory_space<vmem>>) offsets(%arg10 : memref<80xi32, #tpu.memory_space<vmem>>) semaphore(%arg22 : memref<!tpu.dma_semaphore, #tpu.memory_space<semaphore_mem>>)
      %add3A_133 = arith.constant 2 : i32
      %add3A_134 = arith.addi %mul3A_56, %add3A_133 : i32
      %mul3A_135 = arith.constant 80 : i32
      %mul3A_136 = arith.muli %add3A_134, %mul3A_135 : i32
      %add3A_137 = arith.addi %mul3A_2, %mul3A_136 : i32
      %multiple_of3A_138 = tpu.assume_multiple %add3A_137, 8 : i32
      %dma_wait3A_139 = arith.constant 0 : i32
      %dma_wait3A_140 = arith.constant 0 : i32
      %dma_wait3A_141 = tpu.memref_slice %arg2[%dma_wait3A_139, %dma_wait3A_140] : memref<10000x128xf32, #tpu.memory_space<hbm>> -> memref<10000x128xf32, #tpu.memory_space<hbm>>
      tpu.wait_indirect_dma semaphore(%arg23 : memref<!tpu.dma_semaphore, #tpu.memory_space<semaphore_mem>>) src(%dma_wait3A_141 : memref<10000x128xf32, #tpu.memory_space<hbm>>) dst(%arg17 : memref<80x128xf32, #tpu.memory_space<vmem>>)
      %dma_wait3A_142 = arith.constant 0 : i32
      %dma_wait3A_143 = arith.constant 0 : i32
      %dma_wait3A_144 = tpu.memref_slice %arg3[%dma_wait3A_142, %dma_wait3A_143] : memref<10000x128xf32, #tpu.memory_space<hbm>> -> memref<10000x128xf32, #tpu.memory_space<hbm>>
      tpu.wait_indirect_dma semaphore(%arg24 : memref<!tpu.dma_semaphore, #tpu.memory_space<semaphore_mem>>) src(%dma_wait3A_144 : memref<10000x128xf32, #tpu.memory_space<hbm>>) dst(%arg18 : memref<80x128xf32, #tpu.memory_space<vmem>>)
      %scan3A_145 = arith.constant 0 : i32
      %scan3A_146 = arith.constant 80 : i32
      %scan3A_147 = arith.addi %scan3A_145, %scan3A_146 : i32
      %scan3A_148 = arith.constant 1 : i32
      scf.for %scan3A_150 = %scan3A_145 to %scan3A_147 step %scan3A_148  : i32 {
        %mul3A_151 = arith.constant 1 : i32
        %mul3A_152 = arith.muli %scan3A_150, %mul3A_151 : i32
        %add3A_153 = arith.constant 0 : i32
        %add3A_154 = arith.addi %add3A_153, %mul3A_152 : i32
        %get3A = arith.index_cast %add3A_154 : i32 to index
        %get3A_155 = arith.constant 0 : index
        %get3A_156 = tpu.vector_load %arg17[%get3A, %get3A_155] {strides = array<i32>} : memref<80x128xf32, #tpu.memory_space<vmem>>, vector<1x16xf32>,
        %get3A_157 = vector.shape_cast %get3A_156 : vector<1x16xf32> to vector<16xf32>
        %get3A_158 = arith.index_cast %add3A_154 : i32 to index
        %get3A_159 = arith.constant 0 : index
        %get3A_160 = tpu.vector_load %arg18[%get3A_158, %get3A_159] {strides = array<i32>} : memref<80x128xf32, #tpu.memory_space<vmem>>, vector<1x16xf32>,
        %get3A_161 = vector.shape_cast %get3A_160 : vector<1x16xf32> to vector<16xf32>
        %add3A_162 = arith.addf %get3A_157, %get3A_161 : vector<16xf32>
        %swap3A = arith.index_cast %add3A_154 : i32 to index
        %swap3A_163 = arith.constant 0 : index
        %swap3A_164 = tpu.vector_load %arg17[%swap3A, %swap3A_163] {strides = array<i32>} : memref<80x128xf32, #tpu.memory_space<vmem>>, vector<1x16xf32>,
        %swap3A_165 = vector.shape_cast %swap3A_164 : vector<1x16xf32> to vector<16xf32>
        %swap3A_166 = vector.shape_cast %add3A_162 : vector<16xf32> to vector<1x16xf32>
        tpu.vector_store %arg17[%swap3A, %swap3A_163], %swap3A_166 {strides = array<i32>} : memref<80x128xf32, #tpu.memory_space<vmem>>, vector<1x16xf32>,
        %get3A_167 = arith.index_cast %add3A_154 : i32 to index
        %get3A_168 = arith.constant 16 : index
        %get3A_169 = tpu.vector_load %arg17[%get3A_167, %get3A_168] {strides = array<i32>} : memref<80x128xf32, #tpu.memory_space<vmem>>, vector<1x16xf32>,
        %get3A_170 = vector.shape_cast %get3A_169 : vector<1x16xf32> to vector<16xf32>
        %get3A_171 = arith.index_cast %add3A_154 : i32 to index
        %get3A_172 = arith.constant 16 : index
        %get3A_173 = tpu.vector_load %arg18[%get3A_171, %get3A_172] {strides = array<i32>} : memref<80x128xf32, #tpu.memory_space<vmem>>, vector<1x16xf32>,
        %get3A_174 = vector.shape_cast %get3A_173 : vector<1x16xf32> to vector<16xf32>
        %add3A_175 = arith.addf %get3A_170, %get3A_174 : vector<16xf32>
        %swap3A_176 = arith.index_cast %add3A_154 : i32 to index
        %swap3A_177 = arith.constant 16 : index
        %swap3A_178 = tpu.vector_load %arg17[%swap3A_176, %swap3A_177] {strides = array<i32>} : memref<80x128xf32, #tpu.memory_space<vmem>>, vector<1x16xf32>,
        %swap3A_179 = vector.shape_cast %swap3A_178 : vector<1x16xf32> to vector<16xf32>
        %swap3A_180 = vector.shape_cast %add3A_175 : vector<16xf32> to vector<1x16xf32>
        tpu.vector_store %arg17[%swap3A_176, %swap3A_177], %swap3A_180 {strides = array<i32>} : memref<80x128xf32, #tpu.memory_space<vmem>>, vector<1x16xf32>,
        %get3A_181 = arith.index_cast %add3A_154 : i32 to index
        %get3A_182 = arith.constant 32 : index
        %get3A_183 = tpu.vector_load %arg17[%get3A_181, %get3A_182] {strides = array<i32>} : memref<80x128xf32, #tpu.memory_space<vmem>>, vector<1x16xf32>,
        %get3A_184 = vector.shape_cast %get3A_183 : vector<1x16xf32> to vector<16xf32>
        %get3A_185 = arith.index_cast %add3A_154 : i32 to index
        %get3A_186 = arith.constant 32 : index
        %get3A_187 = tpu.vector_load %arg18[%get3A_185, %get3A_186] {strides = array<i32>} : memref<80x128xf32, #tpu.memory_space<vmem>>, vector<1x16xf32>,
        %get3A_188 = vector.shape_cast %get3A_187 : vector<1x16xf32> to vector<16xf32>
        %add3A_189 = arith.addf %get3A_184, %get3A_188 : vector<16xf32>
        %swap3A_190 = arith.index_cast %add3A_154 : i32 to index
        %swap3A_191 = arith.constant 32 : index
        %swap3A_192 = tpu.vector_load %arg17[%swap3A_190, %swap3A_191] {strides = array<i32>} : memref<80x128xf32, #tpu.memory_space<vmem>>, vector<1x16xf32>,
        %swap3A_193 = vector.shape_cast %swap3A_192 : vector<1x16xf32> to vector<16xf32>
        %swap3A_194 = vector.shape_cast %add3A_189 : vector<16xf32> to vector<1x16xf32>
        tpu.vector_store %arg17[%swap3A_190, %swap3A_191], %swap3A_194 {strides = array<i32>} : memref<80x128xf32, #tpu.memory_space<vmem>>, vector<1x16xf32>,
        %get3A_195 = arith.index_cast %add3A_154 : i32 to index
        %get3A_196 = arith.constant 48 : index
        %get3A_197 = tpu.vector_load %arg17[%get3A_195, %get3A_196] {strides = array<i32>} : memref<80x128xf32, #tpu.memory_space<vmem>>, vector<1x16xf32>,
        %get3A_198 = vector.shape_cast %get3A_197 : vector<1x16xf32> to vector<16xf32>
        %get3A_199 = arith.index_cast %add3A_154 : i32 to index
        %get3A_200 = arith.constant 48 : index
        %get3A_201 = tpu.vector_load %arg18[%get3A_199, %get3A_200] {strides = array<i32>} : memref<80x128xf32, #tpu.memory_space<vmem>>, vector<1x16xf32>,
        %get3A_202 = vector.shape_cast %get3A_201 : vector<1x16xf32> to vector<16xf32>
        %add3A_203 = arith.addf %get3A_198, %get3A_202 : vector<16xf32>
        %swap3A_204 = arith.index_cast %add3A_154 : i32 to index
        %swap3A_205 = arith.constant 48 : index
        %swap3A_206 = tpu.vector_load %arg17[%swap3A_204, %swap3A_205] {strides = array<i32>} : memref<80x128xf32, #tpu.memory_space<vmem>>, vector<1x16xf32>,
        %swap3A_207 = vector.shape_cast %swap3A_206 : vector<1x16xf32> to vector<16xf32>
        %swap3A_208 = vector.shape_cast %add3A_203 : vector<16xf32> to vector<1x16xf32>
        tpu.vector_store %arg17[%swap3A_204, %swap3A_205], %swap3A_208 {strides = array<i32>} : memref<80x128xf32, #tpu.memory_space<vmem>>, vector<1x16xf32>,
        %get3A_209 = arith.index_cast %add3A_154 : i32 to index
        %get3A_210 = arith.constant 64 : index
        %get3A_211 = tpu.vector_load %arg17[%get3A_209, %get3A_210] {strides = array<i32>} : memref<80x128xf32, #tpu.memory_space<vmem>>, vector<1x16xf32>,
        %get3A_212 = vector.shape_cast %get3A_211 : vector<1x16xf32> to vector<16xf32>
        %get3A_213 = arith.index_cast %add3A_154 : i32 to index
        %get3A_214 = arith.constant 64 : index
        %get3A_215 = tpu.vector_load %arg18[%get3A_213, %get3A_214] {strides = array<i32>} : memref<80x128xf32, #tpu.memory_space<vmem>>, vector<1x16xf32>,
        %get3A_216 = vector.shape_cast %get3A_215 : vector<1x16xf32> to vector<16xf32>
        %add3A_217 = arith.addf %get3A_212, %get3A_216 : vector<16xf32>
        %swap3A_218 = arith.index_cast %add3A_154 : i32 to index
        %swap3A_219 = arith.constant 64 : index
        %swap3A_220 = tpu.vector_load %arg17[%swap3A_218, %swap3A_219] {strides = array<i32>} : memref<80x128xf32, #tpu.memory_space<vmem>>, vector<1x16xf32>,
        %swap3A_221 = vector.shape_cast %swap3A_220 : vector<1x16xf32> to vector<16xf32>
        %swap3A_222 = vector.shape_cast %add3A_217 : vector<16xf32> to vector<1x16xf32>
        tpu.vector_store %arg17[%swap3A_218, %swap3A_219], %swap3A_222 {strides = array<i32>} : memref<80x128xf32, #tpu.memory_space<vmem>>, vector<1x16xf32>,
        %get3A_223 = arith.index_cast %add3A_154 : i32 to index
        %get3A_224 = arith.constant 80 : index
        %get3A_225 = tpu.vector_load %arg17[%get3A_223, %get3A_224] {strides = array<i32>} : memref<80x128xf32, #tpu.memory_space<vmem>>, vector<1x16xf32>,
        %get3A_226 = vector.shape_cast %get3A_225 : vector<1x16xf32> to vector<16xf32>
        %get3A_227 = arith.index_cast %add3A_154 : i32 to index
        %get3A_228 = arith.constant 80 : index
        %get3A_229 = tpu.vector_load %arg18[%get3A_227, %get3A_228] {strides = array<i32>} : memref<80x128xf32, #tpu.memory_space<vmem>>, vector<1x16xf32>,
        %get3A_230 = vector.shape_cast %get3A_229 : vector<1x16xf32> to vector<16xf32>
        %add3A_231 = arith.addf %get3A_226, %get3A_230 : vector<16xf32>
        %swap3A_232 = arith.index_cast %add3A_154 : i32 to index
        %swap3A_233 = arith.constant 80 : index
        %swap3A_234 = tpu.vector_load %arg17[%swap3A_232, %swap3A_233] {strides = array<i32>} : memref<80x128xf32, #tpu.memory_space<vmem>>, vector<1x16xf32>,
        %swap3A_235 = vector.shape_cast %swap3A_234 : vector<1x16xf32> to vector<16xf32>
        %swap3A_236 = vector.shape_cast %add3A_231 : vector<16xf32> to vector<1x16xf32>
        tpu.vector_store %arg17[%swap3A_232, %swap3A_233], %swap3A_236 {strides = array<i32>} : memref<80x128xf32, #tpu.memory_space<vmem>>, vector<1x16xf32>,
        %get3A_237 = arith.index_cast %add3A_154 : i32 to index
        %get3A_238 = arith.constant 96 : index
        %get3A_239 = tpu.vector_load %arg17[%get3A_237, %get3A_238] {strides = array<i32>} : memref<80x128xf32, #tpu.memory_space<vmem>>, vector<1x16xf32>,
        %get3A_240 = vector.shape_cast %get3A_239 : vector<1x16xf32> to vector<16xf32>
        %get3A_241 = arith.index_cast %add3A_154 : i32 to index
        %get3A_242 = arith.constant 96 : index
        %get3A_243 = tpu.vector_load %arg18[%get3A_241, %get3A_242] {strides = array<i32>} : memref<80x128xf32, #tpu.memory_space<vmem>>, vector<1x16xf32>,
        %get3A_244 = vector.shape_cast %get3A_243 : vector<1x16xf32> to vector<16xf32>
        %add3A_245 = arith.addf %get3A_240, %get3A_244 : vector<16xf32>
        %swap3A_246 = arith.index_cast %add3A_154 : i32 to index
        %swap3A_247 = arith.constant 96 : index
        %swap3A_248 = tpu.vector_load %arg17[%swap3A_246, %swap3A_247] {strides = array<i32>} : memref<80x128xf32, #tpu.memory_space<vmem>>, vector<1x16xf32>,
        %swap3A_249 = vector.shape_cast %swap3A_248 : vector<1x16xf32> to vector<16xf32>
        %swap3A_250 = vector.shape_cast %add3A_245 : vector<16xf32> to vector<1x16xf32>
        tpu.vector_store %arg17[%swap3A_246, %swap3A_247], %swap3A_250 {strides = array<i32>} : memref<80x128xf32, #tpu.memory_space<vmem>>, vector<1x16xf32>,
        %get3A_251 = arith.index_cast %add3A_154 : i32 to index
        %get3A_252 = arith.constant 112 : index
        %get3A_253 = tpu.vector_load %arg17[%get3A_251, %get3A_252] {strides = array<i32>} : memref<80x128xf32, #tpu.memory_space<vmem>>, vector<1x16xf32>,
        %get3A_254 = vector.shape_cast %get3A_253 : vector<1x16xf32> to vector<16xf32>
        %get3A_255 = arith.index_cast %add3A_154 : i32 to index
        %get3A_256 = arith.constant 112 : index
        %get3A_257 = tpu.vector_load %arg18[%get3A_255, %get3A_256] {strides = array<i32>} : memref<80x128xf32, #tpu.memory_space<vmem>>, vector<1x16xf32>,
        %get3A_258 = vector.shape_cast %get3A_257 : vector<1x16xf32> to vector<16xf32>
        %add3A_259 = arith.addf %get3A_254, %get3A_258 : vector<16xf32>
        %swap3A_260 = arith.index_cast %add3A_154 : i32 to index
        %swap3A_261 = arith.constant 112 : index
        %swap3A_262 = tpu.vector_load %arg17[%swap3A_260, %swap3A_261] {strides = array<i32>} : memref<80x128xf32, #tpu.memory_space<vmem>>, vector<1x16xf32>,
        %swap3A_263 = vector.shape_cast %swap3A_262 : vector<1x16xf32> to vector<16xf32>
        %swap3A_264 = vector.shape_cast %add3A_259 : vector<16xf32> to vector<1x16xf32>
        tpu.vector_store %arg17[%swap3A_260, %swap3A_261], %swap3A_264 {strides = array<i32>} : memref<80x128xf32, #tpu.memory_space<vmem>>, vector<1x16xf32>,
      }
      %scan3A_149 = arith.constant 80 : i32
      "tpu.region"() ({
        %run_scoped3A = tpu.sem_alloc : memref<!tpu.dma_semaphore, #tpu.memory_space<semaphore_mem>>
        %dma_start3A_150 = arith.constant 0 : i32
        %dma_start3A_151 = tpu.memref_slice %arg6[%multiple_of3A_138, %dma_start3A_150] : memref<320000x128xf32, #tpu.memory_space<hbm>> -> memref<80x128xf32, #tpu.memory_space<hbm>>
        %dma_start3A_152 = arith.constant 0 : i32
        %dma_start3A_153 = tpu.memref_slice %arg6[%multiple_of3A_138, %dma_start3A_152] : memref<320000x128xf32, #tpu.memory_space<hbm>> -> memref<80x128xf32, #tpu.memory_space<hbm>>
        tpu.enqueue_dma source(%arg17 : memref<80x128xf32, #tpu.memory_space<vmem>>) target(%dma_start3A_153 : memref<80x128xf32, #tpu.memory_space<hbm>>) target_semaphore(%run_scoped3A : memref<!tpu.dma_semaphore, #tpu.memory_space<semaphore_mem>>)
        %dma_wait3A_154 = arith.constant 0 : i32
        %dma_wait3A_155 = tpu.memref_slice %arg6[%multiple_of3A_138, %dma_wait3A_154] : memref<320000x128xf32, #tpu.memory_space<hbm>> -> memref<80x128xf32, #tpu.memory_space<hbm>>
        %dma_wait3A_156 = arith.constant 0 : i32
        %dma_wait3A_157 = tpu.memref_slice %arg6[%multiple_of3A_138, %dma_wait3A_156] : memref<320000x128xf32, #tpu.memory_space<hbm>> -> memref<80x128xf32, #tpu.memory_space<hbm>>
        tpu.wait_dma2 semaphore(%run_scoped3A : memref<!tpu.dma_semaphore, #tpu.memory_space<semaphore_mem>>) src(%arg17 : memref<80x128xf32, #tpu.memory_space<vmem>>) dst(%dma_wait3A_157 : memref<80x128xf32, #tpu.memory_space<hbm>>)
        tpu.yield
      }) : () -> ()
    }
    %scan3A_22 = arith.constant 41 : i32
    %add3A_23 = arith.constant 9840 : i32
    %add3A_24 = arith.addi %mul3A_2, %add3A_23 : i32
    %multiple_of3A_25 = tpu.assume_multiple %add3A_24, 8 : i32
    %dma_wait3A = arith.constant 0 : i32
    %dma_wait3A_26 = arith.constant 0 : i32
    %dma_wait3A_27 = tpu.memref_slice %arg2[%dma_wait3A, %dma_wait3A_26] : memref<10000x128xf32, #tpu.memory_space<hbm>> -> memref<10000x128xf32, #tpu.memory_space<hbm>>
    tpu.wait_indirect_dma semaphore(%arg19 : memref<!tpu.dma_semaphore, #tpu.memory_space<semaphore_mem>>) src(%dma_wait3A_27 : memref<10000x128xf32, #tpu.memory_space<hbm>>) dst(%arg13 : memref<80x128xf32, #tpu.memory_space<vmem>>)
    %dma_wait3A_28 = arith.constant 0 : i32
    %dma_wait3A_29 = arith.constant 0 : i32
    %dma_wait3A_30 = tpu.memref_slice %arg3[%dma_wait3A_28, %dma_wait3A_29] : memref<10000x128xf32, #tpu.memory_space<hbm>> -> memref<10000x128xf32, #tpu.memory_space<hbm>>
    tpu.wait_indirect_dma semaphore(%arg20 : memref<!tpu.dma_semaphore, #tpu.memory_space<semaphore_mem>>) src(%dma_wait3A_30 : memref<10000x128xf32, #tpu.memory_space<hbm>>) dst(%arg14 : memref<80x128xf32, #tpu.memory_space<vmem>>)
    %scan3A_31 = arith.constant 0 : i32
    %scan3A_32 = arith.constant 80 : i32
    %scan3A_33 = arith.addi %scan3A_31, %scan3A_32 : i32
    %scan3A_34 = arith.constant 1 : i32
    scf.for %scan3A_50 = %scan3A_31 to %scan3A_33 step %scan3A_34  : i32 {
      %mul3A_51 = arith.constant 1 : i32
      %mul3A_52 = arith.muli %scan3A_50, %mul3A_51 : i32
      %add3A_53 = arith.constant 0 : i32
      %add3A_54 = arith.addi %add3A_53, %mul3A_52 : i32
      %get3A = arith.index_cast %add3A_54 : i32 to index
      %get3A_55 = arith.constant 0 : index
      %get3A_56 = tpu.vector_load %arg13[%get3A, %get3A_55] {strides = array<i32>} : memref<80x128xf32, #tpu.memory_space<vmem>>, vector<1x16xf32>,
      %get3A_57 = vector.shape_cast %get3A_56 : vector<1x16xf32> to vector<16xf32>
      %get3A_58 = arith.index_cast %add3A_54 : i32 to index
      %get3A_59 = arith.constant 0 : index
      %get3A_60 = tpu.vector_load %arg14[%get3A_58, %get3A_59] {strides = array<i32>} : memref<80x128xf32, #tpu.memory_space<vmem>>, vector<1x16xf32>,
      %get3A_61 = vector.shape_cast %get3A_60 : vector<1x16xf32> to vector<16xf32>
      %add3A_62 = arith.addf %get3A_57, %get3A_61 : vector<16xf32>
      %swap3A = arith.index_cast %add3A_54 : i32 to index
      %swap3A_63 = arith.constant 0 : index
      %swap3A_64 = tpu.vector_load %arg13[%swap3A, %swap3A_63] {strides = array<i32>} : memref<80x128xf32, #tpu.memory_space<vmem>>, vector<1x16xf32>,
      %swap3A_65 = vector.shape_cast %swap3A_64 : vector<1x16xf32> to vector<16xf32>
      %swap3A_66 = vector.shape_cast %add3A_62 : vector<16xf32> to vector<1x16xf32>
      tpu.vector_store %arg13[%swap3A, %swap3A_63], %swap3A_66 {strides = array<i32>} : memref<80x128xf32, #tpu.memory_space<vmem>>, vector<1x16xf32>,
      %get3A_67 = arith.index_cast %add3A_54 : i32 to index
      %get3A_68 = arith.constant 16 : index
      %get3A_69 = tpu.vector_load %arg13[%get3A_67, %get3A_68] {strides = array<i32>} : memref<80x128xf32, #tpu.memory_space<vmem>>, vector<1x16xf32>,
      %get3A_70 = vector.shape_cast %get3A_69 : vector<1x16xf32> to vector<16xf32>
      %get3A_71 = arith.index_cast %add3A_54 : i32 to index
      %get3A_72 = arith.constant 16 : index
      %get3A_73 = tpu.vector_load %arg14[%get3A_71, %get3A_72] {strides = array<i32>} : memref<80x128xf32, #tpu.memory_space<vmem>>, vector<1x16xf32>,
      %get3A_74 = vector.shape_cast %get3A_73 : vector<1x16xf32> to vector<16xf32>
      %add3A_75 = arith.addf %get3A_70, %get3A_74 : vector<16xf32>
      %swap3A_76 = arith.index_cast %add3A_54 : i32 to index
      %swap3A_77 = arith.constant 16 : index
      %swap3A_78 = tpu.vector_load %arg13[%swap3A_76, %swap3A_77] {strides = array<i32>} : memref<80x128xf32, #tpu.memory_space<vmem>>, vector<1x16xf32>,
      %swap3A_79 = vector.shape_cast %swap3A_78 : vector<1x16xf32> to vector<16xf32>
      %swap3A_80 = vector.shape_cast %add3A_75 : vector<16xf32> to vector<1x16xf32>
      tpu.vector_store %arg13[%swap3A_76, %swap3A_77], %swap3A_80 {strides = array<i32>} : memref<80x128xf32, #tpu.memory_space<vmem>>, vector<1x16xf32>,
      %get3A_81 = arith.index_cast %add3A_54 : i32 to index
      %get3A_82 = arith.constant 32 : index
      %get3A_83 = tpu.vector_load %arg13[%get3A_81, %get3A_82] {strides = array<i32>} : memref<80x128xf32, #tpu.memory_space<vmem>>, vector<1x16xf32>,
      %get3A_84 = vector.shape_cast %get3A_83 : vector<1x16xf32> to vector<16xf32>
      %get3A_85 = arith.index_cast %add3A_54 : i32 to index
      %get3A_86 = arith.constant 32 : index
      %get3A_87 = tpu.vector_load %arg14[%get3A_85, %get3A_86] {strides = array<i32>} : memref<80x128xf32, #tpu.memory_space<vmem>>, vector<1x16xf32>,
      %get3A_88 = vector.shape_cast %get3A_87 : vector<1x16xf32> to vector<16xf32>
      %add3A_89 = arith.addf %get3A_84, %get3A_88 : vector<16xf32>
      %swap3A_90 = arith.index_cast %add3A_54 : i32 to index
      %swap3A_91 = arith.constant 32 : index
      %swap3A_92 = tpu.vector_load %arg13[%swap3A_90, %swap3A_91] {strides = array<i32>} : memref<80x128xf32, #tpu.memory_space<vmem>>, vector<1x16xf32>,
      %swap3A_93 = vector.shape_cast %swap3A_92 : vector<1x16xf32> to vector<16xf32>
      %swap3A_94 = vector.shape_cast %add3A_89 : vector<16xf32> to vector<1x16xf32>
      tpu.vector_store %arg13[%swap3A_90, %swap3A_91], %swap3A_94 {strides = array<i32>} : memref<80x128xf32, #tpu.memory_space<vmem>>, vector<1x16xf32>,
      %get3A_95 = arith.index_cast %add3A_54 : i32 to index
      %get3A_96 = arith.constant 48 : index
      %get3A_97 = tpu.vector_load %arg13[%get3A_95, %get3A_96] {strides = array<i32>} : memref<80x128xf32, #tpu.memory_space<vmem>>, vector<1x16xf32>,
      %get3A_98 = vector.shape_cast %get3A_97 : vector<1x16xf32> to vector<16xf32>
      %get3A_99 = arith.index_cast %add3A_54 : i32 to index
      %get3A_100 = arith.constant 48 : index
      %get3A_101 = tpu.vector_load %arg14[%get3A_99, %get3A_100] {strides = array<i32>} : memref<80x128xf32, #tpu.memory_space<vmem>>, vector<1x16xf32>,
      %get3A_102 = vector.shape_cast %get3A_101 : vector<1x16xf32> to vector<16xf32>
      %add3A_103 = arith.addf %get3A_98, %get3A_102 : vector<16xf32>
      %swap3A_104 = arith.index_cast %add3A_54 : i32 to index
      %swap3A_105 = arith.constant 48 : index
      %swap3A_106 = tpu.vector_load %arg13[%swap3A_104, %swap3A_105] {strides = array<i32>} : memref<80x128xf32, #tpu.memory_space<vmem>>, vector<1x16xf32>,
      %swap3A_107 = vector.shape_cast %swap3A_106 : vector<1x16xf32> to vector<16xf32>
      %swap3A_108 = vector.shape_cast %add3A_103 : vector<16xf32> to vector<1x16xf32>
      tpu.vector_store %arg13[%swap3A_104, %swap3A_105], %swap3A_108 {strides = array<i32>} : memref<80x128xf32, #tpu.memory_space<vmem>>, vector<1x16xf32>,
      %get3A_109 = arith.index_cast %add3A_54 : i32 to index
      %get3A_110 = arith.constant 64 : index
      %get3A_111 = tpu.vector_load %arg13[%get3A_109, %get3A_110] {strides = array<i32>} : memref<80x128xf32, #tpu.memory_space<vmem>>, vector<1x16xf32>,
      %get3A_112 = vector.shape_cast %get3A_111 : vector<1x16xf32> to vector<16xf32>
      %get3A_113 = arith.index_cast %add3A_54 : i32 to index
      %get3A_114 = arith.constant 64 : index
      %get3A_115 = tpu.vector_load %arg14[%get3A_113, %get3A_114] {strides = array<i32>} : memref<80x128xf32, #tpu.memory_space<vmem>>, vector<1x16xf32>,
      %get3A_116 = vector.shape_cast %get3A_115 : vector<1x16xf32> to vector<16xf32>
      %add3A_117 = arith.addf %get3A_112, %get3A_116 : vector<16xf32>
      %swap3A_118 = arith.index_cast %add3A_54 : i32 to index
      %swap3A_119 = arith.constant 64 : index
      %swap3A_120 = tpu.vector_load %arg13[%swap3A_118, %swap3A_119] {strides = array<i32>} : memref<80x128xf32, #tpu.memory_space<vmem>>, vector<1x16xf32>,
      %swap3A_121 = vector.shape_cast %swap3A_120 : vector<1x16xf32> to vector<16xf32>
      %swap3A_122 = vector.shape_cast %add3A_117 : vector<16xf32> to vector<1x16xf32>
      tpu.vector_store %arg13[%swap3A_118, %swap3A_119], %swap3A_122 {strides = array<i32>} : memref<80x128xf32, #tpu.memory_space<vmem>>, vector<1x16xf32>,
      %get3A_123 = arith.index_cast %add3A_54 : i32 to index
      %get3A_124 = arith.constant 80 : index
      %get3A_125 = tpu.vector_load %arg13[%get3A_123, %get3A_124] {strides = array<i32>} : memref<80x128xf32, #tpu.memory_space<vmem>>, vector<1x16xf32>,
      %get3A_126 = vector.shape_cast %get3A_125 : vector<1x16xf32> to vector<16xf32>
      %get3A_127 = arith.index_cast %add3A_54 : i32 to index
      %get3A_128 = arith.constant 80 : index
      %get3A_129 = tpu.vector_load %arg14[%get3A_127, %get3A_128] {strides = array<i32>} : memref<80x128xf32, #tpu.memory_space<vmem>>, vector<1x16xf32>,
      %get3A_130 = vector.shape_cast %get3A_129 : vector<1x16xf32> to vector<16xf32>
      %add3A_131 = arith.addf %get3A_126, %get3A_130 : vector<16xf32>
      %swap3A_132 = arith.index_cast %add3A_54 : i32 to index
      %swap3A_133 = arith.constant 80 : index
      %swap3A_134 = tpu.vector_load %arg13[%swap3A_132, %swap3A_133] {strides = array<i32>} : memref<80x128xf32, #tpu.memory_space<vmem>>, vector<1x16xf32>,
      %swap3A_135 = vector.shape_cast %swap3A_134 : vector<1x16xf32> to vector<16xf32>
      %swap3A_136 = vector.shape_cast %add3A_131 : vector<16xf32> to vector<1x16xf32>
      tpu.vector_store %arg13[%swap3A_132, %swap3A_133], %swap3A_136 {strides = array<i32>} : memref<80x128xf32, #tpu.memory_space<vmem>>, vector<1x16xf32>,
      %get3A_137 = arith.index_cast %add3A_54 : i32 to index
      %get3A_138 = arith.constant 96 : index
      %get3A_139 = tpu.vector_load %arg13[%get3A_137, %get3A_138] {strides = array<i32>} : memref<80x128xf32, #tpu.memory_space<vmem>>, vector<1x16xf32>,
      %get3A_140 = vector.shape_cast %get3A_139 : vector<1x16xf32> to vector<16xf32>
      %get3A_141 = arith.index_cast %add3A_54 : i32 to index
      %get3A_142 = arith.constant 96 : index
      %get3A_143 = tpu.vector_load %arg14[%get3A_141, %get3A_142] {strides = array<i32>} : memref<80x128xf32, #tpu.memory_space<vmem>>, vector<1x16xf32>,
      %get3A_144 = vector.shape_cast %get3A_143 : vector<1x16xf32> to vector<16xf32>
      %add3A_145 = arith.addf %get3A_140, %get3A_144 : vector<16xf32>
      %swap3A_146 = arith.index_cast %add3A_54 : i32 to index
      %swap3A_147 = arith.constant 96 : index
      %swap3A_148 = tpu.vector_load %arg13[%swap3A_146, %swap3A_147] {strides = array<i32>} : memref<80x128xf32, #tpu.memory_space<vmem>>, vector<1x16xf32>,
      %swap3A_149 = vector.shape_cast %swap3A_148 : vector<1x16xf32> to vector<16xf32>
      %swap3A_150 = vector.shape_cast %add3A_145 : vector<16xf32> to vector<1x16xf32>
      tpu.vector_store %arg13[%swap3A_146, %swap3A_147], %swap3A_150 {strides = array<i32>} : memref<80x128xf32, #tpu.memory_space<vmem>>, vector<1x16xf32>,
      %get3A_151 = arith.index_cast %add3A_54 : i32 to index
      %get3A_152 = arith.constant 112 : index
      %get3A_153 = tpu.vector_load %arg13[%get3A_151, %get3A_152] {strides = array<i32>} : memref<80x128xf32, #tpu.memory_space<vmem>>, vector<1x16xf32>,
      %get3A_154 = vector.shape_cast %get3A_153 : vector<1x16xf32> to vector<16xf32>
      %get3A_155 = arith.index_cast %add3A_54 : i32 to index
      %get3A_156 = arith.constant 112 : index
      %get3A_157 = tpu.vector_load %arg14[%get3A_155, %get3A_156] {strides = array<i32>} : memref<80x128xf32, #tpu.memory_space<vmem>>, vector<1x16xf32>,
      %get3A_158 = vector.shape_cast %get3A_157 : vector<1x16xf32> to vector<16xf32>
      %add3A_159 = arith.addf %get3A_154, %get3A_158 : vector<16xf32>
      %swap3A_160 = arith.index_cast %add3A_54 : i32 to index
      %swap3A_161 = arith.constant 112 : index
      %swap3A_162 = tpu.vector_load %arg13[%swap3A_160, %swap3A_161] {strides = array<i32>} : memref<80x128xf32, #tpu.memory_space<vmem>>, vector<1x16xf32>,
      %swap3A_163 = vector.shape_cast %swap3A_162 : vector<1x16xf32> to vector<16xf32>
      %swap3A_164 = vector.shape_cast %add3A_159 : vector<16xf32> to vector<1x16xf32>
      tpu.vector_store %arg13[%swap3A_160, %swap3A_161], %swap3A_164 {strides = array<i32>} : memref<80x128xf32, #tpu.memory_space<vmem>>, vector<1x16xf32>,
    }
    %scan3A_35 = arith.constant 80 : i32
    "tpu.region"() ({
      %run_scoped3A = tpu.sem_alloc : memref<!tpu.dma_semaphore, #tpu.memory_space<semaphore_mem>>
      %dma_start3A_50 = arith.constant 0 : i32
      %dma_start3A_51 = tpu.memref_slice %arg6[%multiple_of3A_25, %dma_start3A_50] : memref<320000x128xf32, #tpu.memory_space<hbm>> -> memref<80x128xf32, #tpu.memory_space<hbm>>
      %dma_start3A_52 = arith.constant 0 : i32
      %dma_start3A_53 = tpu.memref_slice %arg6[%multiple_of3A_25, %dma_start3A_52] : memref<320000x128xf32, #tpu.memory_space<hbm>> -> memref<80x128xf32, #tpu.memory_space<hbm>>
      tpu.enqueue_dma source(%arg13 : memref<80x128xf32, #tpu.memory_space<vmem>>) target(%dma_start3A_53 : memref<80x128xf32, #tpu.memory_space<hbm>>) target_semaphore(%run_scoped3A : memref<!tpu.dma_semaphore, #tpu.memory_space<semaphore_mem>>)
      %dma_wait3A_54 = arith.constant 0 : i32
      %dma_wait3A_55 = tpu.memref_slice %arg6[%multiple_of3A_25, %dma_wait3A_54] : memref<320000x128xf32, #tpu.memory_space<hbm>> -> memref<80x128xf32, #tpu.memory_space<hbm>>
      %dma_wait3A_56 = arith.constant 0 : i32
      %dma_wait3A_57 = tpu.memref_slice %arg6[%multiple_of3A_25, %dma_wait3A_56] : memref<320000x128xf32, #tpu.memory_space<hbm>> -> memref<80x128xf32, #tpu.memory_space<hbm>>
      tpu.wait_dma2 semaphore(%run_scoped3A : memref<!tpu.dma_semaphore, #tpu.memory_space<semaphore_mem>>) src(%arg13 : memref<80x128xf32, #tpu.memory_space<vmem>>) dst(%dma_wait3A_57 : memref<80x128xf32, #tpu.memory_space<hbm>>)
      tpu.yield
    }) : () -> ()
    %add3A_36 = arith.constant 9920 : i32
    %add3A_37 = arith.addi %mul3A_2, %add3A_36 : i32
    %multiple_of3A_38 = tpu.assume_multiple %add3A_37, 8 : i32
    %dma_wait3A_39 = arith.constant 0 : i32
    %dma_wait3A_40 = arith.constant 0 : i32
    %dma_wait3A_41 = tpu.memref_slice %arg2[%dma_wait3A_39, %dma_wait3A_40] : memref<10000x128xf32, #tpu.memory_space<hbm>> -> memref<10000x128xf32, #tpu.memory_space<hbm>>
    tpu.wait_indirect_dma semaphore(%arg21 : memref<!tpu.dma_semaphore, #tpu.memory_space<semaphore_mem>>) src(%dma_wait3A_41 : memref<10000x128xf32, #tpu.memory_space<hbm>>) dst(%arg15 : memref<80x128xf32, #tpu.memory_space<vmem>>)
    %dma_wait3A_42 = arith.constant 0 : i32
    %dma_wait3A_43 = arith.constant 0 : i32
    %dma_wait3A_44 = tpu.memref_slice %arg3[%dma_wait3A_42, %dma_wait3A_43] : memref<10000x128xf32, #tpu.memory_space<hbm>> -> memref<10000x128xf32, #tpu.memory_space<hbm>>
    tpu.wait_indirect_dma semaphore(%arg22 : memref<!tpu.dma_semaphore, #tpu.memory_space<semaphore_mem>>) src(%dma_wait3A_44 : memref<10000x128xf32, #tpu.memory_space<hbm>>) dst(%arg16 : memref<80x128xf32, #tpu.memory_space<vmem>>)
    %scan3A_45 = arith.constant 0 : i32
    %scan3A_46 = arith.constant 80 : i32
    %scan3A_47 = arith.addi %scan3A_45, %scan3A_46 : i32
    %scan3A_48 = arith.constant 1 : i32
    scf.for %scan3A_50 = %scan3A_45 to %scan3A_47 step %scan3A_48  : i32 {
      %mul3A_51 = arith.constant 1 : i32
      %mul3A_52 = arith.muli %scan3A_50, %mul3A_51 : i32
      %add3A_53 = arith.constant 0 : i32
      %add3A_54 = arith.addi %add3A_53, %mul3A_52 : i32
      %get3A = arith.index_cast %add3A_54 : i32 to index
      %get3A_55 = arith.constant 0 : index
      %get3A_56 = tpu.vector_load %arg15[%get3A, %get3A_55] {strides = array<i32>} : memref<80x128xf32, #tpu.memory_space<vmem>>, vector<1x16xf32>,
      %get3A_57 = vector.shape_cast %get3A_56 : vector<1x16xf32> to vector<16xf32>
      %get3A_58 = arith.index_cast %add3A_54 : i32 to index
      %get3A_59 = arith.constant 0 : index
      %get3A_60 = tpu.vector_load %arg16[%get3A_58, %get3A_59] {strides = array<i32>} : memref<80x128xf32, #tpu.memory_space<vmem>>, vector<1x16xf32>,
      %get3A_61 = vector.shape_cast %get3A_60 : vector<1x16xf32> to vector<16xf32>
      %add3A_62 = arith.addf %get3A_57, %get3A_61 : vector<16xf32>
      %swap3A = arith.index_cast %add3A_54 : i32 to index
      %swap3A_63 = arith.constant 0 : index
      %swap3A_64 = tpu.vector_load %arg15[%swap3A, %swap3A_63] {strides = array<i32>} : memref<80x128xf32, #tpu.memory_space<vmem>>, vector<1x16xf32>,
      %swap3A_65 = vector.shape_cast %swap3A_64 : vector<1x16xf32> to vector<16xf32>
      %swap3A_66 = vector.shape_cast %add3A_62 : vector<16xf32> to vector<1x16xf32>
      tpu.vector_store %arg15[%swap3A, %swap3A_63], %swap3A_66 {strides = array<i32>} : memref<80x128xf32, #tpu.memory_space<vmem>>, vector<1x16xf32>,
      %get3A_67 = arith.index_cast %add3A_54 : i32 to index
      %get3A_68 = arith.constant 16 : index
      %get3A_69 = tpu.vector_load %arg15[%get3A_67, %get3A_68] {strides = array<i32>} : memref<80x128xf32, #tpu.memory_space<vmem>>, vector<1x16xf32>,
      %get3A_70 = vector.shape_cast %get3A_69 : vector<1x16xf32> to vector<16xf32>
      %get3A_71 = arith.index_cast %add3A_54 : i32 to index
      %get3A_72 = arith.constant 16 : index
      %get3A_73 = tpu.vector_load %arg16[%get3A_71, %get3A_72] {strides = array<i32>} : memref<80x128xf32, #tpu.memory_space<vmem>>, vector<1x16xf32>,
      %get3A_74 = vector.shape_cast %get3A_73 : vector<1x16xf32> to vector<16xf32>
      %add3A_75 = arith.addf %get3A_70, %get3A_74 : vector<16xf32>
      %swap3A_76 = arith.index_cast %add3A_54 : i32 to index
      %swap3A_77 = arith.constant 16 : index
      %swap3A_78 = tpu.vector_load %arg15[%swap3A_76, %swap3A_77] {strides = array<i32>} : memref<80x128xf32, #tpu.memory_space<vmem>>, vector<1x16xf32>,
      %swap3A_79 = vector.shape_cast %swap3A_78 : vector<1x16xf32> to vector<16xf32>
      %swap3A_80 = vector.shape_cast %add3A_75 : vector<16xf32> to vector<1x16xf32>
      tpu.vector_store %arg15[%swap3A_76, %swap3A_77], %swap3A_80 {strides = array<i32>} : memref<80x128xf32, #tpu.memory_space<vmem>>, vector<1x16xf32>,
      %get3A_81 = arith.index_cast %add3A_54 : i32 to index
      %get3A_82 = arith.constant 32 : index
      %get3A_83 = tpu.vector_load %arg15[%get3A_81, %get3A_82] {strides = array<i32>} : memref<80x128xf32, #tpu.memory_space<vmem>>, vector<1x16xf32>,
      %get3A_84 = vector.shape_cast %get3A_83 : vector<1x16xf32> to vector<16xf32>
      %get3A_85 = arith.index_cast %add3A_54 : i32 to index
      %get3A_86 = arith.constant 32 : index
      %get3A_87 = tpu.vector_load %arg16[%get3A_85, %get3A_86] {strides = array<i32>} : memref<80x128xf32, #tpu.memory_space<vmem>>, vector<1x16xf32>,
      %get3A_88 = vector.shape_cast %get3A_87 : vector<1x16xf32> to vector<16xf32>
      %add3A_89 = arith.addf %get3A_84, %get3A_88 : vector<16xf32>
      %swap3A_90 = arith.index_cast %add3A_54 : i32 to index
      %swap3A_91 = arith.constant 32 : index
      %swap3A_92 = tpu.vector_load %arg15[%swap3A_90, %swap3A_91] {strides = array<i32>} : memref<80x128xf32, #tpu.memory_space<vmem>>, vector<1x16xf32>,
      %swap3A_93 = vector.shape_cast %swap3A_92 : vector<1x16xf32> to vector<16xf32>
      %swap3A_94 = vector.shape_cast %add3A_89 : vector<16xf32> to vector<1x16xf32>
      tpu.vector_store %arg15[%swap3A_90, %swap3A_91], %swap3A_94 {strides = array<i32>} : memref<80x128xf32, #tpu.memory_space<vmem>>, vector<1x16xf32>,
      %get3A_95 = arith.index_cast %add3A_54 : i32 to index
      %get3A_96 = arith.constant 48 : index
      %get3A_97 = tpu.vector_load %arg15[%get3A_95, %get3A_96] {strides = array<i32>} : memref<80x128xf32, #tpu.memory_space<vmem>>, vector<1x16xf32>,
      %get3A_98 = vector.shape_cast %get3A_97 : vector<1x16xf32> to vector<16xf32>
      %get3A_99 = arith.index_cast %add3A_54 : i32 to index
      %get3A_100 = arith.constant 48 : index
      %get3A_101 = tpu.vector_load %arg16[%get3A_99, %get3A_100] {strides = array<i32>} : memref<80x128xf32, #tpu.memory_space<vmem>>, vector<1x16xf32>,
      %get3A_102 = vector.shape_cast %get3A_101 : vector<1x16xf32> to vector<16xf32>
      %add3A_103 = arith.addf %get3A_98, %get3A_102 : vector<16xf32>
      %swap3A_104 = arith.index_cast %add3A_54 : i32 to index
      %swap3A_105 = arith.constant 48 : index
      %swap3A_106 = tpu.vector_load %arg15[%swap3A_104, %swap3A_105] {strides = array<i32>} : memref<80x128xf32, #tpu.memory_space<vmem>>, vector<1x16xf32>,
      %swap3A_107 = vector.shape_cast %swap3A_106 : vector<1x16xf32> to vector<16xf32>
      %swap3A_108 = vector.shape_cast %add3A_103 : vector<16xf32> to vector<1x16xf32>
      tpu.vector_store %arg15[%swap3A_104, %swap3A_105], %swap3A_108 {strides = array<i32>} : memref<80x128xf32, #tpu.memory_space<vmem>>, vector<1x16xf32>,
      %get3A_109 = arith.index_cast %add3A_54 : i32 to index
      %get3A_110 = arith.constant 64 : index
      %get3A_111 = tpu.vector_load %arg15[%get3A_109, %get3A_110] {strides = array<i32>} : memref<80x128xf32, #tpu.memory_space<vmem>>, vector<1x16xf32>,
      %get3A_112 = vector.shape_cast %get3A_111 : vector<1x16xf32> to vector<16xf32>
      %get3A_113 = arith.index_cast %add3A_54 : i32 to index
      %get3A_114 = arith.constant 64 : index
      %get3A_115 = tpu.vector_load %arg16[%get3A_113, %get3A_114] {strides = array<i32>} : memref<80x128xf32, #tpu.memory_space<vmem>>, vector<1x16xf32>,
      %get3A_116 = vector.shape_cast %get3A_115 : vector<1x16xf32> to vector<16xf32>
      %add3A_117 = arith.addf %get3A_112, %get3A_116 : vector<16xf32>
      %swap3A_118 = arith.index_cast %add3A_54 : i32 to index
      %swap3A_119 = arith.constant 64 : index
      %swap3A_120 = tpu.vector_load %arg15[%swap3A_118, %swap3A_119] {strides = array<i32>} : memref<80x128xf32, #tpu.memory_space<vmem>>, vector<1x16xf32>,
      %swap3A_121 = vector.shape_cast %swap3A_120 : vector<1x16xf32> to vector<16xf32>
      %swap3A_122 = vector.shape_cast %add3A_117 : vector<16xf32> to vector<1x16xf32>
      tpu.vector_store %arg15[%swap3A_118, %swap3A_119], %swap3A_122 {strides = array<i32>} : memref<80x128xf32, #tpu.memory_space<vmem>>, vector<1x16xf32>,
      %get3A_123 = arith.index_cast %add3A_54 : i32 to index
      %get3A_124 = arith.constant 80 : index
      %get3A_125 = tpu.vector_load %arg15[%get3A_123, %get3A_124] {strides = array<i32>} : memref<80x128xf32, #tpu.memory_space<vmem>>, vector<1x16xf32>,
      %get3A_126 = vector.shape_cast %get3A_125 : vector<1x16xf32> to vector<16xf32>
      %get3A_127 = arith.index_cast %add3A_54 : i32 to index
      %get3A_128 = arith.constant 80 : index
      %get3A_129 = tpu.vector_load %arg16[%get3A_127, %get3A_128] {strides = array<i32>} : memref<80x128xf32, #tpu.memory_space<vmem>>, vector<1x16xf32>,
      %get3A_130 = vector.shape_cast %get3A_129 : vector<1x16xf32> to vector<16xf32>
      %add3A_131 = arith.addf %get3A_126, %get3A_130 : vector<16xf32>
      %swap3A_132 = arith.index_cast %add3A_54 : i32 to index
      %swap3A_133 = arith.constant 80 : index
      %swap3A_134 = tpu.vector_load %arg15[%swap3A_132, %swap3A_133] {strides = array<i32>} : memref<80x128xf32, #tpu.memory_space<vmem>>, vector<1x16xf32>,
      %swap3A_135 = vector.shape_cast %swap3A_134 : vector<1x16xf32> to vector<16xf32>
      %swap3A_136 = vector.shape_cast %add3A_131 : vector<16xf32> to vector<1x16xf32>
      tpu.vector_store %arg15[%swap3A_132, %swap3A_133], %swap3A_136 {strides = array<i32>} : memref<80x128xf32, #tpu.memory_space<vmem>>, vector<1x16xf32>,
      %get3A_137 = arith.index_cast %add3A_54 : i32 to index
      %get3A_138 = arith.constant 96 : index
      %get3A_139 = tpu.vector_load %arg15[%get3A_137, %get3A_138] {strides = array<i32>} : memref<80x128xf32, #tpu.memory_space<vmem>>, vector<1x16xf32>,
      %get3A_140 = vector.shape_cast %get3A_139 : vector<1x16xf32> to vector<16xf32>
      %get3A_141 = arith.index_cast %add3A_54 : i32 to index
      %get3A_142 = arith.constant 96 : index
      %get3A_143 = tpu.vector_load %arg16[%get3A_141, %get3A_142] {strides = array<i32>} : memref<80x128xf32, #tpu.memory_space<vmem>>, vector<1x16xf32>,
      %get3A_144 = vector.shape_cast %get3A_143 : vector<1x16xf32> to vector<16xf32>
      %add3A_145 = arith.addf %get3A_140, %get3A_144 : vector<16xf32>
      %swap3A_146 = arith.index_cast %add3A_54 : i32 to index
      %swap3A_147 = arith.constant 96 : index
      %swap3A_148 = tpu.vector_load %arg15[%swap3A_146, %swap3A_147] {strides = array<i32>} : memref<80x128xf32, #tpu.memory_space<vmem>>, vector<1x16xf32>,
      %swap3A_149 = vector.shape_cast %swap3A_148 : vector<1x16xf32> to vector<16xf32>
      %swap3A_150 = vector.shape_cast %add3A_145 : vector<16xf32> to vector<1x16xf32>
      tpu.vector_store %arg15[%swap3A_146, %swap3A_147], %swap3A_150 {strides = array<i32>} : memref<80x128xf32, #tpu.memory_space<vmem>>, vector<1x16xf32>,
      %get3A_151 = arith.index_cast %add3A_54 : i32 to index
      %get3A_152 = arith.constant 112 : index
      %get3A_153 = tpu.vector_load %arg15[%get3A_151, %get3A_152] {strides = array<i32>} : memref<80x128xf32, #tpu.memory_space<vmem>>, vector<1x16xf32>,
      %get3A_154 = vector.shape_cast %get3A_153 : vector<1x16xf32> to vector<16xf32>
      %get3A_155 = arith.index_cast %add3A_54 : i32 to index
      %get3A_156 = arith.constant 112 : index
      %get3A_157 = tpu.vector_load %arg16[%get3A_155, %get3A_156] {strides = array<i32>} : memref<80x128xf32, #tpu.memory_space<vmem>>, vector<1x16xf32>,
      %get3A_158 = vector.shape_cast %get3A_157 : vector<1x16xf32> to vector<16xf32>
      %add3A_159 = arith.addf %get3A_154, %get3A_158 : vector<16xf32>
      %swap3A_160 = arith.index_cast %add3A_54 : i32 to index
      %swap3A_161 = arith.constant 112 : index
      %swap3A_162 = tpu.vector_load %arg15[%swap3A_160, %swap3A_161] {strides = array<i32>} : memref<80x128xf32, #tpu.memory_space<vmem>>, vector<1x16xf32>,
      %swap3A_163 = vector.shape_cast %swap3A_162 : vector<1x16xf32> to vector<16xf32>
      %swap3A_164 = vector.shape_cast %add3A_159 : vector<16xf32> to vector<1x16xf32>
      tpu.vector_store %arg15[%swap3A_160, %swap3A_161], %swap3A_164 {strides = array<i32>} : memref<80x128xf32, #tpu.memory_space<vmem>>, vector<1x16xf32>,
    }
    %scan3A_49 = arith.constant 80 : i32
    "tpu.region"() ({
      %run_scoped3A = tpu.sem_alloc : memref<!tpu.dma_semaphore, #tpu.memory_space<semaphore_mem>>
      %dma_start3A_50 = arith.constant 0 : i32
      %dma_start3A_51 = tpu.memref_slice %arg6[%multiple_of3A_38, %dma_start3A_50] : memref<320000x128xf32, #tpu.memory_space<hbm>> -> memref<80x128xf32, #tpu.memory_space<hbm>>
      %dma_start3A_52 = arith.constant 0 : i32
      %dma_start3A_53 = tpu.memref_slice %arg6[%multiple_of3A_38, %dma_start3A_52] : memref<320000x128xf32, #tpu.memory_space<hbm>> -> memref<80x128xf32, #tpu.memory_space<hbm>>
      tpu.enqueue_dma source(%arg15 : memref<80x128xf32, #tpu.memory_space<vmem>>) target(%dma_start3A_53 : memref<80x128xf32, #tpu.memory_space<hbm>>) target_semaphore(%run_scoped3A : memref<!tpu.dma_semaphore, #tpu.memory_space<semaphore_mem>>)
      %dma_wait3A_54 = arith.constant 0 : i32
      %dma_wait3A_55 = tpu.memref_slice %arg6[%multiple_of3A_38, %dma_wait3A_54] : memref<320000x128xf32, #tpu.memory_space<hbm>> -> memref<80x128xf32, #tpu.memory_space<hbm>>
      %dma_wait3A_56 = arith.constant 0 : i32
      %dma_wait3A_57 = tpu.memref_slice %arg6[%multiple_of3A_38, %dma_wait3A_56] : memref<320000x128xf32, #tpu.memory_space<hbm>> -> memref<80x128xf32, #tpu.memory_space<hbm>>
      tpu.wait_dma2 semaphore(%run_scoped3A : memref<!tpu.dma_semaphore, #tpu.memory_space<semaphore_mem>>) src(%arg15 : memref<80x128xf32, #tpu.memory_space<vmem>>) dst(%dma_wait3A_57 : memref<80x128xf32, #tpu.memory_space<hbm>>)
      tpu.yield
    }) : () -> ()
    return
  }
}

module attributes {stable_mosaic.version = 14 : i64} {
  func.func @_proj_body(%arg0: i32, %arg1: memref<2000x128xf32, #tpu.memory_space<vmem>>, %arg2: memref<128x128xf32, #tpu.memory_space<vmem>>, %arg3: memref<128x128xf32, #tpu.memory_space<vmem>>, %arg4: memref<2000x128xf32, #tpu.memory_space<vmem>>, %arg5: memref<2000x128xf32, #tpu.memory_space<vmem>>) attributes {dimension_semantics = [#tpu.dimension_semantics<parallel>], iteration_bounds = array<i64: 5>, scalar_prefetch = 0 : i64, scratch_operands = 0 : i64, tpu.core_type = #tpu.core_type<tc>, window_params = [{transform_indices = @transform_0, window_bounds = array<i64: 2000, 128>}, {pipeline_mode = #tpu.pipeline_mode<synchronous>, transform_indices = @transform_1, window_bounds = array<i64: 128, 128>}, {pipeline_mode = #tpu.pipeline_mode<synchronous>, transform_indices = @transform_2, window_bounds = array<i64: 128, 128>}, {transform_indices = @transform_3, window_bounds = array<i64: 2000, 128>}, {transform_indices = @transform_4, window_bounds = array<i64: 2000, 128>}]} {
    %get3A = arith.constant 0 : index
    %get3A_0 = arith.constant 0 : index
    %get3A_1 = vector.load %arg1[%get3A, %get3A_0] : memref<2000x128xf32, #tpu.memory_space<vmem>>, vector<2000x128xf32>
    %get3A_2 = arith.constant 0 : index
    %get3A_3 = arith.constant 0 : index
    %get3A_4 = vector.load %arg2[%get3A_2, %get3A_3] : memref<128x128xf32, #tpu.memory_space<vmem>>, vector<128x128xf32>
    %dot_general3A = arith.constant dense<0.000000e+00> : vector<2000x128xf32>
    %dot_general3A_5 = tpu.matmul %get3A_1, %get3A_4, %dot_general3A {dimension_numbers = #tpu.dot_dimension_numbers<[1], [0], [0], [1], [0, 0, 1, 1], [], []>, transpose_lhs_hint = false} : vector<2000x128xf32>, vector<128x128xf32>, vector<2000x128xf32> -> vector<2000x128xf32>
    %swap3A = arith.constant 0 : index
    %swap3A_6 = arith.constant 0 : index
    %swap3A_7 = vector.load %arg4[%swap3A, %swap3A_6] : memref<2000x128xf32, #tpu.memory_space<vmem>>, vector<2000x128xf32>
    tpu.vector_store %arg4[%swap3A, %swap3A_6], %dot_general3A_5 {strides = array<i32>} : memref<2000x128xf32, #tpu.memory_space<vmem>>, vector<2000x128xf32>,
    %get3A_8 = arith.constant 0 : index
    %get3A_9 = arith.constant 0 : index
    %get3A_10 = vector.load %arg3[%get3A_8, %get3A_9] : memref<128x128xf32, #tpu.memory_space<vmem>>, vector<128x128xf32>
    %dot_general3A_11 = arith.constant dense<0.000000e+00> : vector<2000x128xf32>
    %dot_general3A_12 = tpu.matmul %get3A_1, %get3A_10, %dot_general3A_11 {dimension_numbers = #tpu.dot_dimension_numbers<[1], [0], [0], [1], [0, 0, 1, 1], [], []>, transpose_lhs_hint = false} : vector<2000x128xf32>, vector<128x128xf32>, vector<2000x128xf32> -> vector<2000x128xf32>
    %swap3A_13 = arith.constant 0 : index
    %swap3A_14 = arith.constant 0 : index
    %swap3A_15 = vector.load %arg5[%swap3A_13, %swap3A_14] : memref<2000x128xf32, #tpu.memory_space<vmem>>, vector<2000x128xf32>
    tpu.vector_store %arg5[%swap3A_13, %swap3A_14], %dot_general3A_12 {strides = array<i32>} : memref<2000x128xf32, #tpu.memory_space<vmem>>, vector<2000x128xf32>,
    return
  }
  func.func @transform_0(%arg0: i32) -> (i32, i32) {
    %c0_i32 = arith.constant 0 : i32
    %c0_i32_0 = arith.constant 0 : i32
    return %arg0, %c0_i32 : i32, i32
  }
  func.func @transform_1(%arg0: i32) -> (i32, i32) {
    %c0_i32 = arith.constant 0 : i32
    %c0_i32_0 = arith.constant 0 : i32
    %c0_i32_1 = arith.constant 0 : i32
    return %c0_i32, %c0_i32_0 : i32, i32
  }
  func.func @transform_2(%arg0: i32) -> (i32, i32) {
    %c0_i32 = arith.constant 0 : i32
    %c0_i32_0 = arith.constant 0 : i32
    %c0_i32_1 = arith.constant 0 : i32
    return %c0_i32, %c0_i32_0 : i32, i32
  }
  func.func @transform_3(%arg0: i32) -> (i32, i32) {
    %c0_i32 = arith.constant 0 : i32
    %c0_i32_0 = arith.constant 0 : i32
    return %arg0, %c0_i32 : i32, i32
  }
  func.func @transform_4(%arg0: i32) -> (i32, i32) {
    %c0_i32 = arith.constant 0 : i32
    %c0_i32_0 = arith.constant 0 : i32
    return %arg0, %c0_i32 : i32, i32
  }
}

module attributes {stable_mosaic.version = 14 : i64} {
  func.func @_edge_body(%arg0: i32, %arg1: memref<2560x128xf32, #tpu.memory_space<vmem>>, %arg2: memref<2560x128xf32, #tpu.memory_space<vmem>>, %arg3: memref<128x128xf32, #tpu.memory_space<vmem>>, %arg4: memref<1x128xf32, #tpu.memory_space<vmem>>, %arg5: memref<128x128xf32, #tpu.memory_space<vmem>>, %arg6: memref<1x128xf32, #tpu.memory_space<vmem>>, %arg7: memref<128x128xf32, #tpu.memory_space<vmem>>, %arg8: memref<1x128xf32, #tpu.memory_space<vmem>>, %arg9: memref<128x128xf32, #tpu.memory_space<vmem>>, %arg10: memref<1x128xf32, #tpu.memory_space<vmem>>, %arg11: memref<2560x128xf32, #tpu.memory_space<vmem>>, %arg12: memref<2560x128xf32, #tpu.memory_space<vmem>>) attributes {dimension_semantics = [#tpu.dimension_semantics<parallel>], iteration_bounds = array<i64: 125>, scalar_prefetch = 0 : i64, scratch_operands = 0 : i64, tpu.core_type = #tpu.core_type<tc>, window_params = [{transform_indices = @transform_0, window_bounds = array<i64: 2560, 128>}, {transform_indices = @transform_1, window_bounds = array<i64: 2560, 128>}, {pipeline_mode = #tpu.pipeline_mode<synchronous>, transform_indices = @transform_2, window_bounds = array<i64: 128, 128>}, {pipeline_mode = #tpu.pipeline_mode<synchronous>, transform_indices = @transform_3, window_bounds = array<i64: 1, 128>}, {pipeline_mode = #tpu.pipeline_mode<synchronous>, transform_indices = @transform_4, window_bounds = array<i64: 128, 128>}, {pipeline_mode = #tpu.pipeline_mode<synchronous>, transform_indices = @transform_5, window_bounds = array<i64: 1, 128>}, {pipeline_mode = #tpu.pipeline_mode<synchronous>, transform_indices = @transform_6, window_bounds = array<i64: 128, 128>}, {pipeline_mode = #tpu.pipeline_mode<synchronous>, transform_indices = @transform_7, window_bounds = array<i64: 1, 128>}, {pipeline_mode = #tpu.pipeline_mode<synchronous>, transform_indices = @transform_8, window_bounds = array<i64: 128, 128>}, {pipeline_mode = #tpu.pipeline_mode<synchronous>, transform_indices = @transform_9, window_bounds = array<i64: 1, 128>}, {transform_indices = @transform_10, window_bounds = array<i64: 2560, 128>}, {transform_indices = @transform_11, window_bounds = array<i64: 2560, 128>}]} {
    %get3A = arith.constant 0 : index
    %get3A_0 = arith.constant 0 : index
    %get3A_1 = vector.load %arg2[%get3A, %get3A_0] : memref<2560x128xf32, #tpu.memory_space<vmem>>, vector<2560x128xf32>
    %get3A_2 = arith.constant 0 : index
    %get3A_3 = arith.constant 0 : index
    %get3A_4 = vector.load %arg1[%get3A_2, %get3A_3] : memref<2560x128xf32, #tpu.memory_space<vmem>>, vector<2560x128xf32>
    %get3A_5 = arith.constant 0 : index
    %get3A_6 = arith.constant 0 : index
    %get3A_7 = vector.load %arg3[%get3A_5, %get3A_6] : memref<128x128xf32, #tpu.memory_space<vmem>>, vector<128x128xf32>
    %dot_general3A = arith.constant dense<0.000000e+00> : vector<2560x128xf32>
    %dot_general3A_8 = tpu.matmul %get3A_1, %get3A_7, %dot_general3A {dimension_numbers = #tpu.dot_dimension_numbers<[1], [0], [0], [1], [0, 0, 1, 1], [], []>, transpose_lhs_hint = false} : vector<2560x128xf32>, vector<128x128xf32>, vector<2560x128xf32> -> vector<2560x128xf32>
    %add3A = arith.addf %get3A_4, %dot_general3A_8 : vector<2560x128xf32>
    %get3A_9 = arith.constant 0 : index
    %get3A_10 = arith.constant 0 : index
    %get3A_11 = vector.load %arg4[%get3A_9, %get3A_10] : memref<1x128xf32, #tpu.memory_space<vmem>>, vector<1x128xf32>
    %add3A_12 = vector.broadcast %get3A_11 : vector<1x128xf32> to vector<2560x128xf32>
    %add3A_13 = arith.addf %add3A, %add3A_12 : vector<2560x128xf32>
    %logistic3A = arith.negf %add3A_13 : vector<2560x128xf32>
    %logistic3A_14 = math.exp %logistic3A : vector<2560x128xf32>
    %logistic3A_15 = arith.constant 1.000000e+00 : f32
    %logistic3A_16 = vector.broadcast %logistic3A_15 : f32 to vector<2560x128xf32>
    %logistic3A_17 = arith.addf %logistic3A_16, %logistic3A_14 : vector<2560x128xf32>
    %logistic3A_18 = arith.divf %logistic3A_16, %logistic3A_17 : vector<2560x128xf32>
    %mul3A = arith.mulf %add3A_13, %logistic3A_18 : vector<2560x128xf32>
    %get3A_19 = arith.constant 0 : index
    %get3A_20 = arith.constant 0 : index
    %get3A_21 = vector.load %arg5[%get3A_19, %get3A_20] : memref<128x128xf32, #tpu.memory_space<vmem>>, vector<128x128xf32>
    %dot_general3A_22 = arith.constant dense<0.000000e+00> : vector<2560x128xf32>
    %dot_general3A_23 = tpu.matmul %mul3A, %get3A_21, %dot_general3A_22 {dimension_numbers = #tpu.dot_dimension_numbers<[1], [0], [0], [1], [0, 0, 1, 1], [], []>, transpose_lhs_hint = false} : vector<2560x128xf32>, vector<128x128xf32>, vector<2560x128xf32> -> vector<2560x128xf32>
    %get3A_24 = arith.constant 0 : index
    %get3A_25 = arith.constant 0 : index
    %get3A_26 = vector.load %arg6[%get3A_24, %get3A_25] : memref<1x128xf32, #tpu.memory_space<vmem>>, vector<1x128xf32>
    %add3A_27 = vector.broadcast %get3A_26 : vector<1x128xf32> to vector<2560x128xf32>
    %add3A_28 = arith.addf %dot_general3A_23, %add3A_27 : vector<2560x128xf32>
    %swap3A = arith.constant 0 : index
    %swap3A_29 = arith.constant 0 : index
    %swap3A_30 = vector.load %arg11[%swap3A, %swap3A_29] : memref<2560x128xf32, #tpu.memory_space<vmem>>, vector<2560x128xf32>
    tpu.vector_store %arg11[%swap3A, %swap3A_29], %add3A_28 {strides = array<i32>} : memref<2560x128xf32, #tpu.memory_space<vmem>>, vector<2560x128xf32>,
    %get3A_31 = arith.constant 0 : index
    %get3A_32 = arith.constant 0 : index
    %get3A_33 = vector.load %arg7[%get3A_31, %get3A_32] : memref<128x128xf32, #tpu.memory_space<vmem>>, vector<128x128xf32>
    %dot_general3A_34 = arith.constant dense<0.000000e+00> : vector<2560x128xf32>
    %dot_general3A_35 = tpu.matmul %add3A_28, %get3A_33, %dot_general3A_34 {dimension_numbers = #tpu.dot_dimension_numbers<[1], [0], [0], [1], [0, 0, 1, 1], [], []>, transpose_lhs_hint = false} : vector<2560x128xf32>, vector<128x128xf32>, vector<2560x128xf32> -> vector<2560x128xf32>
    %get3A_36 = arith.constant 0 : index
    %get3A_37 = arith.constant 0 : index
    %get3A_38 = vector.load %arg8[%get3A_36, %get3A_37] : memref<1x128xf32, #tpu.memory_space<vmem>>, vector<1x128xf32>
    %add3A_39 = vector.broadcast %get3A_38 : vector<1x128xf32> to vector<2560x128xf32>
    %add3A_40 = arith.addf %dot_general3A_35, %add3A_39 : vector<2560x128xf32>
    %logistic3A_41 = arith.negf %add3A_40 : vector<2560x128xf32>
    %logistic3A_42 = math.exp %logistic3A_41 : vector<2560x128xf32>
    %logistic3A_43 = arith.constant 1.000000e+00 : f32
    %logistic3A_44 = vector.broadcast %logistic3A_43 : f32 to vector<2560x128xf32>
    %logistic3A_45 = arith.addf %logistic3A_44, %logistic3A_42 : vector<2560x128xf32>
    %logistic3A_46 = arith.divf %logistic3A_44, %logistic3A_45 : vector<2560x128xf32>
    %mul3A_47 = arith.mulf %add3A_40, %logistic3A_46 : vector<2560x128xf32>
    %get3A_48 = arith.constant 0 : index
    %get3A_49 = arith.constant 0 : index
    %get3A_50 = vector.load %arg9[%get3A_48, %get3A_49] : memref<128x128xf32, #tpu.memory_space<vmem>>, vector<128x128xf32>
    %dot_general3A_51 = arith.constant dense<0.000000e+00> : vector<2560x128xf32>
    %dot_general3A_52 = tpu.matmul %mul3A_47, %get3A_50, %dot_general3A_51 {dimension_numbers = #tpu.dot_dimension_numbers<[1], [0], [0], [1], [0, 0, 1, 1], [], []>, transpose_lhs_hint = false} : vector<2560x128xf32>, vector<128x128xf32>, vector<2560x128xf32> -> vector<2560x128xf32>
    %add3A_53 = arith.addf %get3A_1, %dot_general3A_52 : vector<2560x128xf32>
    %get3A_54 = arith.constant 0 : index
    %get3A_55 = arith.constant 0 : index
    %get3A_56 = vector.load %arg10[%get3A_54, %get3A_55] : memref<1x128xf32, #tpu.memory_space<vmem>>, vector<1x128xf32>
    %add3A_57 = vector.broadcast %get3A_56 : vector<1x128xf32> to vector<2560x128xf32>
    %add3A_58 = arith.addf %add3A_53, %add3A_57 : vector<2560x128xf32>
    %swap3A_59 = arith.constant 0 : index
    %swap3A_60 = arith.constant 0 : index
    %swap3A_61 = vector.load %arg12[%swap3A_59, %swap3A_60] : memref<2560x128xf32, #tpu.memory_space<vmem>>, vector<2560x128xf32>
    tpu.vector_store %arg12[%swap3A_59, %swap3A_60], %add3A_58 {strides = array<i32>} : memref<2560x128xf32, #tpu.memory_space<vmem>>, vector<2560x128xf32>,
    return
  }
  func.func @transform_0(%arg0: i32) -> (i32, i32) {
    %c0_i32 = arith.constant 0 : i32
    %c0_i32_0 = arith.constant 0 : i32
    return %arg0, %c0_i32 : i32, i32
  }
  func.func @transform_1(%arg0: i32) -> (i32, i32) {
    %c0_i32 = arith.constant 0 : i32
    %c0_i32_0 = arith.constant 0 : i32
    return %arg0, %c0_i32 : i32, i32
  }
  func.func @transform_2(%arg0: i32) -> (i32, i32) {
    %c0_i32 = arith.constant 0 : i32
    %c0_i32_0 = arith.constant 0 : i32
    %c0_i32_1 = arith.constant 0 : i32
    return %c0_i32, %c0_i32_0 : i32, i32
  }
  func.func @transform_3(%arg0: i32) -> (i32, i32) {
    %c0_i32 = arith.constant 0 : i32
    %c0_i32_0 = arith.constant 0 : i32
    %c0_i32_1 = arith.constant 0 : i32
    return %c0_i32, %c0_i32_0 : i32, i32
  }
  func.func @transform_4(%arg0: i32) -> (i32, i32) {
    %c0_i32 = arith.constant 0 : i32
    %c0_i32_0 = arith.constant 0 : i32
    %c0_i32_1 = arith.constant 0 : i32
    return %c0_i32, %c0_i32_0 : i32, i32
  }
  func.func @transform_5(%arg0: i32) -> (i32, i32) {
    %c0_i32 = arith.constant 0 : i32
    %c0_i32_0 = arith.constant 0 : i32
    %c0_i32_1 = arith.constant 0 : i32
    return %c0_i32, %c0_i32_0 : i32, i32
  }
  func.func @transform_6(%arg0: i32) -> (i32, i32) {
    %c0_i32 = arith.constant 0 : i32
    %c0_i32_0 = arith.constant 0 : i32
    %c0_i32_1 = arith.constant 0 : i32
    return %c0_i32, %c0_i32_0 : i32, i32
  }
  func.func @transform_7(%arg0: i32) -> (i32, i32) {
    %c0_i32 = arith.constant 0 : i32
    %c0_i32_0 = arith.constant 0 : i32
    %c0_i32_1 = arith.constant 0 : i32
    return %c0_i32, %c0_i32_0 : i32, i32
  }
  func.func @transform_8(%arg0: i32) -> (i32, i32) {
    %c0_i32 = arith.constant 0 : i32
    %c0_i32_0 = arith.constant 0 : i32
    %c0_i32_1 = arith.constant 0 : i32
    return %c0_i32, %c0_i32_0 : i32, i32
  }
  func.func @transform_9(%arg0: i32) -> (i32, i32) {
    %c0_i32 = arith.constant 0 : i32
    %c0_i32_0 = arith.constant 0 : i32
    %c0_i32_1 = arith.constant 0 : i32
    return %c0_i32, %c0_i32_0 : i32, i32
  }
  func.func @transform_10(%arg0: i32) -> (i32, i32) {
    %c0_i32 = arith.constant 0 : i32
    %c0_i32_0 = arith.constant 0 : i32
    return %arg0, %c0_i32 : i32, i32
  }
  func.func @transform_11(%arg0: i32) -> (i32, i32) {
    %c0_i32 = arith.constant 0 : i32
    %c0_i32_0 = arith.constant 0 : i32
    return %arg0, %c0_i32 : i32, i32
  }
}

module attributes {stable_mosaic.version = 14 : i64} {
  func.func @_node_body(%arg0: i32, %arg1: memref<2000x128xf32, #tpu.memory_space<vmem>>, %arg2: memref<2000x128xf32, #tpu.memory_space<vmem>>, %arg3: memref<2000x128xf32, #tpu.memory_space<vmem>>, %arg4: memref<128x128xf32, #tpu.memory_space<vmem>>, %arg5: memref<1x128xf32, #tpu.memory_space<vmem>>, %arg6: memref<128x128xf32, #tpu.memory_space<vmem>>, %arg7: memref<1x128xf32, #tpu.memory_space<vmem>>, %arg8: memref<1x128xf32, #tpu.memory_space<vmem>>, %arg9: memref<1x128xf32, #tpu.memory_space<vmem>>, %arg10: memref<2000x128xf32, #tpu.memory_space<vmem>>) attributes {dimension_semantics = [#tpu.dimension_semantics<parallel>], iteration_bounds = array<i64: 5>, scalar_prefetch = 0 : i64, scratch_operands = 0 : i64, tpu.core_type = #tpu.core_type<tc>, window_params = [{transform_indices = @transform_0, window_bounds = array<i64: 2000, 128>}, {transform_indices = @transform_1, window_bounds = array<i64: 2000, 128>}, {transform_indices = @transform_2, window_bounds = array<i64: 2000, 128>}, {pipeline_mode = #tpu.pipeline_mode<synchronous>, transform_indices = @transform_3, window_bounds = array<i64: 128, 128>}, {pipeline_mode = #tpu.pipeline_mode<synchronous>, transform_indices = @transform_4, window_bounds = array<i64: 1, 128>}, {pipeline_mode = #tpu.pipeline_mode<synchronous>, transform_indices = @transform_5, window_bounds = array<i64: 128, 128>}, {pipeline_mode = #tpu.pipeline_mode<synchronous>, transform_indices = @transform_6, window_bounds = array<i64: 1, 128>}, {pipeline_mode = #tpu.pipeline_mode<synchronous>, transform_indices = @transform_7, window_bounds = array<i64: 1, 128>}, {pipeline_mode = #tpu.pipeline_mode<synchronous>, transform_indices = @transform_8, window_bounds = array<i64: 1, 128>}, {transform_indices = @transform_9, window_bounds = array<i64: 2000, 128>}]} {
    %get3A = arith.constant 0 : index
    %get3A_0 = arith.constant 0 : index
    %get3A_1 = vector.load %arg2[%get3A, %get3A_0] : memref<2000x128xf32, #tpu.memory_space<vmem>>, vector<2000x1xf32>
    %max3A = arith.constant 1.000000e+00 : f32
    %max3A_2 = vector.broadcast %max3A : f32 to vector<2000x1xf32>
    %max3A_3 = arith.maximumf %get3A_1, %max3A_2 : vector<2000x1xf32>
    %get3A_4 = arith.constant 0 : index
    %get3A_5 = arith.constant 0 : index
    %get3A_6 = vector.load %arg1[%get3A_4, %get3A_5] : memref<2000x128xf32, #tpu.memory_space<vmem>>, vector<2000x128xf32>
    %div3A = vector.broadcast %max3A_3 : vector<2000x1xf32> to vector<2000x128xf32>
    %div3A_7 = arith.divf %get3A_6, %div3A : vector<2000x128xf32>
    %get3A_8 = arith.constant 0 : index
    %get3A_9 = arith.constant 0 : index
    %get3A_10 = vector.load %arg4[%get3A_8, %get3A_9] : memref<128x128xf32, #tpu.memory_space<vmem>>, vector<128x128xf32>
    %dot_general3A = arith.constant dense<0.000000e+00> : vector<2000x128xf32>
    %dot_general3A_11 = tpu.matmul %div3A_7, %get3A_10, %dot_general3A {dimension_numbers = #tpu.dot_dimension_numbers<[1], [0], [0], [1], [0, 0, 1, 1], [], []>, transpose_lhs_hint = false} : vector<2000x128xf32>, vector<128x128xf32>, vector<2000x128xf32> -> vector<2000x128xf32>
    %get3A_12 = arith.constant 0 : index
    %get3A_13 = arith.constant 0 : index
    %get3A_14 = vector.load %arg5[%get3A_12, %get3A_13] : memref<1x128xf32, #tpu.memory_space<vmem>>, vector<1x128xf32>
    %add3A = vector.broadcast %get3A_14 : vector<1x128xf32> to vector<2000x128xf32>
    %add3A_15 = arith.addf %dot_general3A_11, %add3A : vector<2000x128xf32>
    %logistic3A = arith.negf %add3A_15 : vector<2000x128xf32>
    %logistic3A_16 = math.exp %logistic3A : vector<2000x128xf32>
    %logistic3A_17 = arith.constant 1.000000e+00 : f32
    %logistic3A_18 = vector.broadcast %logistic3A_17 : f32 to vector<2000x128xf32>
    %logistic3A_19 = arith.addf %logistic3A_18, %logistic3A_16 : vector<2000x128xf32>
    %logistic3A_20 = arith.divf %logistic3A_18, %logistic3A_19 : vector<2000x128xf32>
    %mul3A = arith.mulf %add3A_15, %logistic3A_20 : vector<2000x128xf32>
    %get3A_21 = arith.constant 0 : index
    %get3A_22 = arith.constant 0 : index
    %get3A_23 = vector.load %arg3[%get3A_21, %get3A_22] : memref<2000x128xf32, #tpu.memory_space<vmem>>, vector<2000x128xf32>
    %get3A_24 = arith.constant 0 : index
    %get3A_25 = arith.constant 0 : index
    %get3A_26 = vector.load %arg6[%get3A_24, %get3A_25] : memref<128x128xf32, #tpu.memory_space<vmem>>, vector<128x128xf32>
    %dot_general3A_27 = arith.constant dense<0.000000e+00> : vector<2000x128xf32>
    %dot_general3A_28 = tpu.matmul %mul3A, %get3A_26, %dot_general3A_27 {dimension_numbers = #tpu.dot_dimension_numbers<[1], [0], [0], [1], [0, 0, 1, 1], [], []>, transpose_lhs_hint = false} : vector<2000x128xf32>, vector<128x128xf32>, vector<2000x128xf32> -> vector<2000x128xf32>
    %add3A_29 = arith.addf %get3A_23, %dot_general3A_28 : vector<2000x128xf32>
    %get3A_30 = arith.constant 0 : index
    %get3A_31 = arith.constant 0 : index
    %get3A_32 = vector.load %arg7[%get3A_30, %get3A_31] : memref<1x128xf32, #tpu.memory_space<vmem>>, vector<1x128xf32>
    %add3A_33 = vector.broadcast %get3A_32 : vector<1x128xf32> to vector<2000x128xf32>
    %add3A_34 = arith.addf %add3A_29, %add3A_33 : vector<2000x128xf32>
    %reduce_sum3A = arith.constant dense<0.000000e+00> : vector<2000xf32>
    %reduce_sum3A_35 = vector.multi_reduction <add>, %add3A_34, %reduce_sum3A [1] : vector<2000x128xf32> to vector<2000xf32>
    %broadcast_in_dim3A = vector.shape_cast %reduce_sum3A_35 : vector<2000xf32> to vector<2000x1xf32>
    %div3A_36 = arith.constant 1.280000e+02 : f32
    %div3A_37 = vector.broadcast %div3A_36 : f32 to vector<2000x1xf32>
    %div3A_38 = arith.divf %broadcast_in_dim3A, %div3A_37 : vector<2000x1xf32>
    %sub3A = vector.broadcast %div3A_38 : vector<2000x1xf32> to vector<2000x128xf32>
    %sub3A_39 = arith.subf %add3A_34, %sub3A : vector<2000x128xf32>
    %integer_pow3A = arith.mulf %sub3A_39, %sub3A_39 : vector<2000x128xf32>
    %reduce_sum3A_40 = arith.constant dense<0.000000e+00> : vector<2000xf32>
    %reduce_sum3A_41 = vector.multi_reduction <add>, %integer_pow3A, %reduce_sum3A_40 [1] : vector<2000x128xf32> to vector<2000xf32>
    %broadcast_in_dim3A_42 = vector.shape_cast %reduce_sum3A_41 : vector<2000xf32> to vector<2000x1xf32>
    %div3A_43 = arith.constant 1.280000e+02 : f32
    %div3A_44 = vector.broadcast %div3A_43 : f32 to vector<2000x1xf32>
    %div3A_45 = arith.divf %broadcast_in_dim3A_42, %div3A_44 : vector<2000x1xf32>
    %sub3A_46 = vector.broadcast %div3A_38 : vector<2000x1xf32> to vector<2000x128xf32>
    %sub3A_47 = arith.subf %add3A_34, %sub3A_46 : vector<2000x128xf32>
    %add3A_48 = arith.constant 9.99999974E-6 : f32
    %add3A_49 = vector.broadcast %add3A_48 : f32 to vector<2000x1xf32>
    %add3A_50 = arith.addf %div3A_45, %add3A_49 : vector<2000x1xf32>
    %rsqrt3A = math.rsqrt %add3A_50 : vector<2000x1xf32>
    %mul3A_51 = vector.broadcast %rsqrt3A : vector<2000x1xf32> to vector<2000x128xf32>
    %mul3A_52 = arith.mulf %sub3A_47, %mul3A_51 : vector<2000x128xf32>
    %get3A_53 = arith.constant 0 : index
    %get3A_54 = arith.constant 0 : index
    %get3A_55 = vector.load %arg8[%get3A_53, %get3A_54] : memref<1x128xf32, #tpu.memory_space<vmem>>, vector<1x128xf32>
    %mul3A_56 = vector.broadcast %get3A_55 : vector<1x128xf32> to vector<2000x128xf32>
    %mul3A_57 = arith.mulf %mul3A_52, %mul3A_56 : vector<2000x128xf32>
    %get3A_58 = arith.constant 0 : index
    %get3A_59 = arith.constant 0 : index
    %get3A_60 = vector.load %arg9[%get3A_58, %get3A_59] : memref<1x128xf32, #tpu.memory_space<vmem>>, vector<1x128xf32>
    %add3A_61 = vector.broadcast %get3A_60 : vector<1x128xf32> to vector<2000x128xf32>
    %add3A_62 = arith.addf %mul3A_57, %add3A_61 : vector<2000x128xf32>
    %swap3A = arith.constant 0 : index
    %swap3A_63 = arith.constant 0 : index
    %swap3A_64 = vector.load %arg10[%swap3A, %swap3A_63] : memref<2000x128xf32, #tpu.memory_space<vmem>>, vector<2000x128xf32>
    tpu.vector_store %arg10[%swap3A, %swap3A_63], %add3A_62 {strides = array<i32>} : memref<2000x128xf32, #tpu.memory_space<vmem>>, vector<2000x128xf32>,
    return
  }
  func.func @transform_0(%arg0: i32) -> (i32, i32) {
    %c0_i32 = arith.constant 0 : i32
    %c0_i32_0 = arith.constant 0 : i32
    return %arg0, %c0_i32 : i32, i32
  }
  func.func @transform_1(%arg0: i32) -> (i32, i32) {
    %c0_i32 = arith.constant 0 : i32
    %c0_i32_0 = arith.constant 0 : i32
    return %arg0, %c0_i32 : i32, i32
  }
  func.func @transform_2(%arg0: i32) -> (i32, i32) {
    %c0_i32 = arith.constant 0 : i32
    %c0_i32_0 = arith.constant 0 : i32
    return %arg0, %c0_i32 : i32, i32
  }
  func.func @transform_3(%arg0: i32) -> (i32, i32) {
    %c0_i32 = arith.constant 0 : i32
    %c0_i32_0 = arith.constant 0 : i32
    %c0_i32_1 = arith.constant 0 : i32
    return %c0_i32, %c0_i32_0 : i32, i32
  }
  func.func @transform_4(%arg0: i32) -> (i32, i32) {
    %c0_i32 = arith.constant 0 : i32
    %c0_i32_0 = arith.constant 0 : i32
    %c0_i32_1 = arith.constant 0 : i32
    return %c0_i32, %c0_i32_0 : i32, i32
  }
  func.func @transform_5(%arg0: i32) -> (i32, i32) {
    %c0_i32 = arith.constant 0 : i32
    %c0_i32_0 = arith.constant 0 : i32
    %c0_i32_1 = arith.constant 0 : i32
    return %c0_i32, %c0_i32_0 : i32, i32
  }
  func.func @transform_6(%arg0: i32) -> (i32, i32) {
    %c0_i32 = arith.constant 0 : i32
    %c0_i32_0 = arith.constant 0 : i32
    %c0_i32_1 = arith.constant 0 : i32
    return %c0_i32, %c0_i32_0 : i32, i32
  }
  func.func @transform_7(%arg0: i32) -> (i32, i32) {
    %c0_i32 = arith.constant 0 : i32
    %c0_i32_0 = arith.constant 0 : i32
    %c0_i32_1 = arith.constant 0 : i32
    return %c0_i32, %c0_i32_0 : i32, i32
  }
  func.func @transform_8(%arg0: i32) -> (i32, i32) {
    %c0_i32 = arith.constant 0 : i32
    %c0_i32_0 = arith.constant 0 : i32
    %c0_i32_1 = arith.constant 0 : i32
    return %c0_i32, %c0_i32_0 : i32, i32
  }
  func.func @transform_9(%arg0: i32) -> (i32, i32) {
    %c0_i32 = arith.constant 0 : i32
    %c0_i32_0 = arith.constant 0 : i32
    return %arg0, %c0_i32 : i32, i32
  }
}

</mosaic_0001>

<sc_bundles>
// kernel: kernel.11.cloned.1.call-start
scs
__scs_entry_jumppad:
0x0: {  	(pc) =	sbr.rel $0x88, $3  }
0x1: {  	(tag) =	ssettag $0x0;
	lr =	simm.s32 $0x1  }
0x2: {  	[smem:$0x3F90] =	sst lr;
	_ =	strace $0xD0000000  }
0x3: {  	_ = 	snop  }
0x4: {  	_ = 	snop  }
0x5: {  	_ = 	snop  }
0x6: {  	_ = 	snop  }
0x7: {  	_ = 	snop  }
__scs_overlays_trampoline_lowered:
0x8: {  	[smem:$0x3F9F] =	sst s0  }
0x9: {  	[smem:$0x3FA0] =	sst s1  }
0xa: {  	[smem:$0x3FA1] =	sst s2  }
0xb: {  	[smem:$0x3FA2] =	sst s3  }
0xc: {  	[smem:$0x3FA3] =	sst s4  }
0xd: {  	[smem:$0x3FA4] =	sst s5  }
0xe: {  	[smem:$0x3FA5] =	sst s6  }
0xf: {  	[smem:$0x3FA6] =	sst s7  }
0x10: {  	[smem:$0x3FA7] =	sst s8  }
0x11: {  	[smem:$0x3FA8] =	sst s9;
	s0 =	simm.s32 @!p0 $0x0  }
0x12: {  	s1 =	sld [smem:$0x3F8E];
	s0 =	simm.s32 @p0 $0x1  }
0x13: {  	[smem:$0x3FA9] =	sst s0;
	s0 =	simm.s32 @!p1 $0x0  }
0x14: {  	s2 =	sld [smem:$0x3F8D];
	s0 =	simm.s32 @p1 $0x1  }
0x15: {  	[smem:$0x3FAA] =	sst s0;
	s0 =	simm.s32 @!p2 $0x0  }
0x16: {  	s3 =	sld [smem:$0x3FDB];
	s0 =	simm.s32 @p2 $0x1  }
0x17: {  	s4 =	simm.s32 $0x1BF5;
	[smem:$0x3FAC] =	sst s0  }
0x18: {  	s0 =	sld [smem:$0x3F8F];
	_ =	swait.ge [sflag:s4], $0x0  }
0x19: {  	s7 =	sld [smem:$0x3F90]  }
0x1a: {  	s8 =	sadd.s32 $0xFFFFE003, lr  }
0x1b: {  	s9 =	sadd.s32 $0xFFFFFEF7, lr;
	s5 =	simm.s32 $0xFFFFFFFF;
	p2 =	slt.u32 s8, $0xFFFFF086  }
0x1c: {  	p1 =	slt.u32 s9, $0xF7A;
	s5 =	simm.s32 @!p2 $0x0  }
0x1d: {  	s5 =	simm.s32 @p1 $0x1;
	p0 =	seq.s32 s7, s2  }
0x1e: {  	s7 =	smul.u32 @!p0 $0xF7A, s2;
	p2 =	seq.s32 @!p0 s5, $0x0  }
0x1f: {  	s9 =	smul.u32 $0xF7A, s1;
	s8 =	simm.s32 @!p0 $0x1BF5;
	p2 =	por !p2, p0  }
0x20: {  	[sflag:s8] =	ssyncset.s32 @!p0 $0xFFFFF086;
	s6 =	sadd.s32 @!p0 s3, s7;
	s7 =	simm.s32 @!p0 $0x108  }
0x21: {  	s3 =	sadd.s32 s3, s9;
	s6 =	sadd.s32 @!p0 $0x88, s6;
	s7 =	simm.s32 @p2 $0x1082  }
0x22: {  	[simem:s7], [sflag:s8] =	dma.local @!p0 [hbm:s6], $0xF7A  }
0x23: {  	s9 =	sor.u32 $0xD0000000, s2;
	s6 =	simm.s32 $0x108;
	_ =	swait.ge @!p0 [sflag:s8], $0x0  }
0x24: {  	s3 =	sadd.s32 $0x88, s3;
	s6 =	simm.s32 @!p1 $0x1082;
	[sflag:s4] =	ssyncset.s32 $0xFFFFF086  }
0x25: {  	[simem:s6], [sflag:s4] =	dma.local [hbm:s3], $0xF7A  }
0x26: {  	[smem:$0x3F90] =	sst s1;
	(tag) =	ssettag s2;
	_ =	strace s9  }
0x27: {  	s1 =	sld [smem:$0x3FA0]  }
0x28: {  	s2 =	sld [smem:$0x3FA1]  }
0x29: {  	s4 =	sld [smem:$0x3FA3]  }
0x2a: {  	p0 =	seq.s32 s5, $0x0;
	s5 =	sld [smem:$0x3FA4]  }
0x2b: {  	s6 =	sld [smem:$0x3FA5]  }
0x2c: {  	s7 =	sld [smem:$0x3FA6]  }
0x2d: {  	s3 =	simm.s32 $0x108;
	s8 =	sld [smem:$0x3FA7]  }
0x2e: {  	s3 =	simm.s32 @!p0 $0x1082;
	s9 =	sld [smem:$0x3FA8]  }
0x2f: {  	lr =	sadd.s32 s0, s3;
	s0 =	sld [smem:$0x3F9F]  }
0x30: {  	s3 =	sld [smem:$0x3FA2]  }
0x31: {  	[smem:$0x3FAB] =	sst s10  }
0x32: {  	s10 =	sld [smem:$0x3FA9];
	_ =	sdelay $0x3  }
0x33: {  	p0 =	seq.s32 s10, $0x1;
	s10 =	sld [smem:$0x3FAB];
	_ =	sdelay $0x3  }
0x34: {  	[smem:$0x3FAB] =	sst s10  }
0x35: {  	s10 =	sld [smem:$0x3FAA];
	_ =	sdelay $0x3  }
0x36: {  	p1 =	seq.s32 s10, $0x1;
	s10 =	sld [smem:$0x3FAB];
	_ =	sdelay $0x3  }
0x37: {  	[smem:$0x3FAB] =	sst s10  }
0x38: {  	s10 =	sld [smem:$0x3FAC]  }
0x39: {  	_ = 	snop;
	(pc) =	sbr.ind lr, $3  }
0x3a: {  	_ = 	snop  }
0x3b: {  	_ = 	snop  }
0x3c: {  	p2 =	seq.s32 s10, $0x1;
	s10 =	sld [smem:$0x3FAB]  }
0x3d: {  	_ =	shalt  }
0x3e: {  	_ =	shalt  }
0x3f: {  	_ =	shalt  }
0x40: {  	_ =	shalt  }
0x41: {  	_ =	shalt  }
0x42: {  	_ =	shalt  }
0x43: {  	_ =	shalt  }
0x44: {  	_ =	shalt  }
0x45: {  	_ =	shalt  }
0x46: {  	_ =	shalt  }
0x47: {  	_ =	shalt  }
0x48: {  	_ =	shalt  }
0x49: {  	_ =	shalt  }
0x4a: {  	_ =	shalt  }
0x4b: {  	_ =	shalt  }
0x4c: {  	_ =	shalt  }
0x4d: {  	_ =	shalt  }
0x4e: {  	_ =	shalt  }
0x4f: {  	_ =	shalt  }
0x50: {  	_ =	shalt  }
0x51: {  	_ =	shalt  }
0x52: {  	_ =	shalt  }
0x53: {  	_ =	shalt  }
0x54: {  	_ =	shalt  }
0x55: {  	_ =	shalt  }
0x56: {  	_ =	shalt  }
0x57: {  	_ =	shalt  }
0x58: {  	_ =	shalt  }
0x59: {  	_ =	shalt  }
0x5a: {  	_ =	shalt  }
0x5b: {  	_ =	shalt  }
0x5c: {  	_ =	shalt  }
0x5d: {  	_ =	shalt  }
0x5e: {  	_ =	shalt  }
0x5f: {  	_ =	shalt  }
0x60: {  	_ =	shalt  }
0x61: {  	_ =	shalt  }
0x62: {  	_ =	shalt  }
0x63: {  	_ =	shalt  }
0x64: {  	_ =	shalt  }
0x65: {  	_ =	shalt  }
0x66: {  	_ =	shalt  }
0x67: {  	_ =	shalt  }
0x68: {  	_ =	shalt  }
0x69: {  	_ =	shalt  }
0x6a: {  	_ =	shalt  }
0x6b: {  	_ =	shalt  }
0x6c: {  	_ =	shalt  }
0x6d: {  	_ =	shalt  }
0x6e: {  	_ =	shalt  }
0x6f: {  	_ =	shalt  }
0x70: {  	_ =	shalt  }
0x71: {  	_ =	shalt  }
0x72: {  	_ =	shalt  }
0x73: {  	_ =	shalt  }
0x74: {  	_ =	shalt  }
0x75: {  	_ =	shalt  }
0x76: {  	_ =	shalt  }
0x77: {  	_ =	shalt  }
0x78: {  	_ =	shalt  }
0x79: {  	_ =	shalt  }
0x7a: {  	_ =	shalt  }
0x7b: {  	_ =	shalt  }
0x7c: {  	_ =	shalt  }
0x7d: {  	_ =	shalt  }
0x7e: {  	_ =	shalt  }
0x7f: {  	_ =	shalt  }
0x80: {  	_ =	shalt  }
0x81: {  	_ =	shalt  }
0x82: {  	_ =	shalt  }
0x83: {  	_ =	shalt  }
0x84: {  	_ =	shalt  }
0x85: {  	_ =	shalt  }
0x86: {  	_ =	shalt  }
0x87: {  	_ =	shalt  }
.Lfunc_end0:
.L_simem_size_0:
called_computation.1_lowered:
.L_overlay_start_0:
0x88: {  	s2 =	sld [smem:$0x3FD9]  }
0x89: {  	s3 =	sld [smem:$0x3FFE];
	_ =	sdelay $0x1  }
0x8a: {  	s1 =	srdreg.scid  }
0x8b: {  	s0 =	sand.u32 $0x1, s1  }
0x8c: {  	s17 =	sshll.u32 s0, $0xA;
	s2 =	sadd.s32 s3, s2  }
0x8d: {  	s2 =	sadd.s32 s2, s17  }
0x8e: {  	[smem:$0x3FB7] =	sst s2  }
0x8f: {  	_ = 	snop  }
0x90: {  	(tm) =	ssettm $0x1  }
0x91: {  	s18 =	sld [smem:$0x3FFB];
	_ =	sdelay $0x3  }
0x92: {  	_ =	strace s18  }
0x93: {  	s2 =	sld [smem:$0x3FFC];
	_ =	sdelay $0x3  }
0x94: {  	_ =	strace s2  }
0x95: {  	s2 =	sld [smem:$0x3FFD];
	_ =	sdelay $0x3  }
0x96: {  	_ =	strace s2  }
0x97: {  	_ =	strace $0x8FFFFFFF  }
0x98: {  	s19 =	sld [smem:$0x3FDB];
	_ =	sdelay $0x1  }
0x99: {  	s20 =	simm.s32 $_scs_section_size  }
0x9a: {  	s4 =	simm.s32 $_size__tile_overlayer_lowered;
	s5 =	simm.s32 $_tile_overlayer_lowered  }
0x9b: {  	s6 =	simm.s32 $0x1BFF;
	s21 =	sshll.u32 s5, $0x1;
	s3 =	sadd.s32 s20, s19  }
0x9c: {  	s22 =	simm.s32 $0x0;
	s4 =	sshll.u32 s4, $0x1;
	s5 =	sadd.s32 s21, s3  }
0x9d: {  	[timem:s22], [sflag:s6] =	dma.local [hbm:s5], s4  }
0x9e: {  	_ =	swait.ge [sflag:s6], s4  }
0x9f: {  	s4 =	ssub.s32 $0x0, s4;
	[sflag:s6] =	ssyncset.done $0x0  }
0xa0: {  	[sflag:s6] =	ssyncadd.s32 s4;
	_ =	sdelay $0x1  }
0xa1: {  	s23 =	simm.s32 $0x1B8B  }
0xa2: {  	_ =	swait.ge [sflag:s23], $0x1  }
0xa3: {  	[sflag:s23] =	ssyncset.done $0x0  }
0xa4: {  	[sflag:s23] =	ssyncadd.s32 $0xFFFFFFFF  }
0xa5: {  	s4 =	sld [smem:$0x0]  }
0xa6: {  	s5 =	sand.u32 $0xFFFFFFFE, s1  }
0xa7: {  	p0 =	sne.s32 s1, s5  }
0xa8: {  	s5 =	sshll.u32 @p0 s5, $0xE  }
0xa9: {  	s5 =	sadd.s32 @p0 $0x11B8D, s5;
	s6 =	sshll.u32 @p0 s4, $0x11  }
0xaa: {  	s5 =	sor.u32 @p0 s6, s5  }
0xab: {  	[sflag:s5] =	ssyncadd.remote.s32 @p0 $0x1;
	_ =	sdelay $0x1  }
0xac: {  	s5 =	simm.s32 @p0 $0x1B8D  }
0xad: {  	_ =	swait.eq @p0 [sflag:s5], $0x1  }
0xae: {  	[sflag:s5] =	ssyncadd.s32 @p0 $0xFFFFFFFF  }
0xaf: {  	s6 =	sshll.u32 @!p0 s1, $0xE  }
0xb0: {  	s6 =	sor.u32 @!p0 $0x4000, s6;
	s5 =	simm.s32 @!p0 $0x1B8D  }
0xb1: {  	s4 =	sshll.u32 @!p0 s4, $0x11;
	s6 =	sadd.s32 @!p0 $0x11B8D, s6;
	_ =	swait.eq @!p0 [sflag:s5], $0x1  }
0xb2: {  	s4 =	sor.u32 @!p0 s4, s6;
	[sflag:s5] =	ssyncadd.s32 @!p0 $0xFFFFFFFF  }
0xb3: {  	s25 =	simm.s32 $0x1B8E;
	s24 =	sld [smem:$0x3FFE];
	[sflag:s4] =	ssyncadd.remote.s32 @!p0 $0x1  }
0xb4: {  	s26 =	simm.s32 $execute0_lowered;
	[smem:$0x3FD2] =	sst s25  }
0xb5: {  	s5 =	sshll.u32 s26, $0x1;
	_ =	strace $0x80000049;
	[dreg:$0x1] =	wrdreg $0xFFFFFFFF  }
0xb6: {  	s28 =	simm.s32 $_size_execute0_lowered;
	s3 =	sadd.s32 s3, s5;
	[dreg:$0x0] =	wrdreg $0x0  }
0xb7: {  	s5 =	sshll.u32 s28, $0x1;
	[dreg:$0x2] =	wrdreg s3  }
0xb8: {  	[dreg:$0x3] =	wrdreg s5  }
0xb9: {  	[dreg:$0x4] =	wrdreg $0xC0  }
0xba: {  	_ =	task [dreg:s22], $0x5FFFF  }
0xbb: {  	[dreg:$0x1] =	wrdreg $0xFFFFFFFF  }
0xbc: {  	[dreg:$0x0] =	wrdreg $0x60  }
0xbd: {  	[dreg:$0x2] =	wrdreg s24  }
0xbe: {  	[dreg:$0x3] =	wrdreg $0x26000  }
0xbf: {  	[dreg:$0x4] =	wrdreg $0x9  }
0xc0: {  	_ =	task.clear_ibuf [dreg:s22], $0x5FFFF;
	_ =	strace $0x90000049  }
0xc1: {  	s29 =	simm.s32 $0x9;
	_ =	strace $0x8000004B  }
0xc2: {  	_ =	swait.ge [sflag:s29], $0x1  }
0xc3: {  	[sflag:s29] =	ssyncadd.s32 $0xFFFFFFFF  }
0xc4: {  	_ =	strace $0x9000004B  }
0xc5: {  	_ =	sfence  }
0xc6: {  	s30 =	sld [smem:$0x0];
	_ =	sdelay $0x2  }
0xc7: {  	s31 =	sshll.u32 s1, $0xD;
	s1 =	sshrl.u32 s1, $0x2  }
0xc8: {  	s4 =	sand.u32 $0x4000, s31;
	s1 =	sadd.s32 s1, s30  }
0xc9: {  	s0 =	sor.u32 s4, s0;
	s1 =	sshll.u32 s1, $0x11  }
0xca: {  	s0 =	sor.u32 s1, s0  }
0xcb: {  	s0 =	sadd.s32 $0x8F2B, s0  }
0xcc: {  	[sflag:s0] =	ssyncadd.remote.s32 $0x1  }
0xcd: {  	_ =	sfence.sel $0xFFFF  }
0xce: {  	[dreg:$0x0] =	wrdreg $0xFFFFFFFF;
	(pc) =	sbr.abs _section_cstart, $3  }
0xcf: {  	[dreg:$0x1] =	wrdreg $0xFFFFFFFF  }
0xd0: {  	_ =	task.clear_ibuf [dreg:s22], $0x2FFFF;
	_ =	strace $0x9FFFFFFF  }
0xd1: {  	(tm) =	ssettm $0x7FFFFFFF  }
tec
execute0_lowered:
.L_overlay_start_1:
0x0: {  	(tag) =	ssettag $0x1  }
0x1: {  	s0 =	rddreg [dreg:$0x0]  }
0x2: {  	s1 =	rddreg [dreg:$0x1];
	s2 =	simm.s32 $0x0  }
0x3: {  	s3 =	srdreg.scid;
	s17 =	simm.s32 $0x2000;
	s18 =	simm.s32 $0x40  }
0x4: {  	s19 =	simm.s32 $0x2200;
	s20 =	simm.s32 $0x2280;
	s21 =	simm.s32 $0x2300  }
0x5: {  	s22 =	simm.s32 $0x2380;
	s23 =	simm.s32 $0x2400;
	s24 =	simm.s32 $0x2480  }
0x6: {  	s25 =	simm.s32 $0x2500;
	s28 =	simm.s32 $0x1;
	s29 =	simm.s32 $0x0  }
0x7: {  	[smem:$0x7FF] =	sst s2;
	s6 =	sand.u32 $0x1, s3;
	s4 =	sadd.s32 $0xE000, s0  }
0x8: {  	s3 =	stileid.u32;
	s0 =	sadd.s32 $0x4F9E00, s0;
	_ =	strace $0x8000004A  }
0x9: {  	s5 =	ssub.s32 $0x2, s6;
	s9 =	sshll.u32 s3, $0xD;
	s26 =	smul.u32 $0x1388, s6  }
0xa: {  	s13 =	smul.u32 $0x9E000, s6;
	p0 =	seq.s32 s3, $0xF;
	s7 =	sshrl.u32 s5, $0x1  }
0xb: {  	s11 =	sor.u32 $0x20000, s9;
	s12 =	sor.u32 $0x40000, s9;
	s14 =	sor.u32 $0x60000, s9  }
0xc: {  	s16 =	sor.u32 $0x80000, s9;
	s10 =	ssub.s32 s5, s7;
	s5 =	sadd.s32 s9, s1  }
0xd: {  	s6 =	sadd.s32 s11, s1;
	s7 =	sadd.s32 s12, s1;
	s8 =	sadd.s32 s14, s1  }
0xe: {  	s15 =	sadd.s32 s9, s13;
	s11 =	sadd.s32 s13, s11;
	s9 =	sadd.s32 s16, s1  }
0xf: {  	s12 =	sadd.s32 s13, s12;
	s14 =	sadd.s32 s13, s14;
	s13 =	sadd.s32 s13, s16  }
.Ltmp0:
0x10: {  	s16 =	simm.s32 $0x2;
	v0 =	vmov s26;
	s26 =	simm.s32 $0x2580;
	(pc) =	sbr.rel .LBB2_1-.Ltmp0, $4  }
0x11: {  	s15 =	sshrl.u32 s15, $0x3;
	s11 =	sshrl.u32 s11, $0x3;
	s12 =	sshrl.u32 s12, $0x3  }
0x12: {  	s14 =	sshrl.u32 s14, $0x3;
	s31 =	sshrl.u32 s13, $0x3;
	s15 =	sadd.s32 s0, s15  }
0x13: {  	s11 =	sadd.s32 s0, s11;
	s12 =	sadd.s32 s0, s12;
	s13 =	sadd.s32 s0, s14  }
0x14: {  	v1 =	vimm.f32 $0.0e+00;
	v2 =	vimm.f32 $1.000000000e+00;
	s14 =	sadd.s32 s0, s31;
	[dreg:$0x3] =	wrdreg s15;
	s15 =	smax.u32 s10, $0x1  }
.LBB2_11:
0x15: {  	s0 =	sshll.u32 s3, $0x6;
	[bflag:$0x0] =	sbarrier.arrive $0xFFFF  }
0x16: {  	s10 =	sshrl.u32 s5, $0x3;
	s0 =	sor.u32 $0x1C02, s0;
	s30 =	rddreg [dreg:$0x3]  }
0x17: {  	[hbm:s30], [sflag:s0] =	dma.local [spmem:s10], $0x400  }
0x18: {  	_ =	swait.ge [sflag:s16], $0x400  }
0x19: {  	[sflag:s16] =	ssyncset.done $0x0  }
0x1a: {  	s31 =	sshrl.u32 s6, $0x3;
	[sflag:s16] =	ssyncadd.s32 $0xFFFFFC00  }
0x1b: {  	[hbm:s11], [sflag:s0] =	dma.local [spmem:s31], $0x400  }
0x1c: {  	_ =	swait.ge [sflag:s16], $0x400  }
0x1d: {  	[sflag:s16] =	ssyncset.done $0x0  }
0x1e: {  	s30 =	sshrl.u32 s7, $0x3;
	[sflag:s16] =	ssyncadd.s32 $0xFFFFFC00  }
0x1f: {  	[hbm:s12], [sflag:s0] =	dma.local [spmem:s30], $0x400  }
0x20: {  	_ =	swait.ge [sflag:s16], $0x400  }
0x21: {  	[sflag:s16] =	ssyncset.done $0x0  }
0x22: {  	s31 =	sshrl.u32 s8, $0x3;
	[sflag:s16] =	ssyncadd.s32 $0xFFFFFC00  }
0x23: {  	[hbm:s13], [sflag:s0] =	dma.local [spmem:s31], $0x400  }
0x24: {  	_ =	swait.ge [sflag:s16], $0x400  }
0x25: {  	s29 =	sadd.s32 $0x1, s29;
	[sflag:s16] =	ssyncset.done $0x0  }
0x26: {  	p1 =	sne.s32 s29, s15;
	s10 =	sshrl.u32 @!p0 s9, $0x3;
	[sflag:s16] =	ssyncadd.s32 $0xFFFFFC00  }
0x27: {  	[hbm:s14], [sflag:s0] =	dma.local @!p0 [spmem:s10], $0x400  }
.Ltmp1:
0x28: {  	_ = 	snop;
	(pc) =	sbr.rel @!p1 .LBB2_12-.Ltmp1, $4  }
0x29: {  	s0 =	simm.s32 @!p0 $0x2  }
0x2a: {  	_ =	swait.ge @!p0 [sflag:s0], $0x400  }
0x2b: {  	[sflag:s0] =	ssyncset.done @!p0 $0x0  }
0x2c: {  	[sflag:s0] =	ssyncadd.s32 @!p0 $0xFFFFFC00  }
.LBB2_1:
0x2d: {  	s0 =	simm.s32 $0x0;
	s10 =	simm.s32 $0x200  }
.LBB2_2:
0x2e: {  	p1 =	sne.s32 s10, $0x7E00;
	[tilespmem:s0+$0x70] =	vst v1  }
0x2f: {  	[tilespmem:s0+$0x0] =	vst v1  }
0x30: {  	[tilespmem:s0+$0x10] =	vst v1  }
.Ltmp2:
0x31: {  	[tilespmem:s0+$0x20] =	vst v1;
	(pc) =	sbr.rel @p1 .LBB2_2-.Ltmp2, $4  }
0x32: {  	[tilespmem:s0+$0x30] =	vst v1  }
0x33: {  	[tilespmem:s0+$0x40] =	vst v1  }
0x34: {  	[tilespmem:s0+$0x50] =	vst v1  }
0x35: {  	[tilespmem:s0+$0x60] =	vst v1;
	s0 =	sshra.s32 s10, $0x2;
	s10 =	sadd.s32 $0x200, s10  }
0x36: {  	[tilespmem:s0+$0x70] =	vst v1  }
0x37: {  	[tilespmem:s0+$0x0] =	vst v1  }
0x38: {  	[tilespmem:s0+$0x10] =	vst v1  }
0x39: {  	[tilespmem:s0+$0x20] =	vst v1  }
0x3a: {  	[tilespmem:s0+$0x30] =	vst v1  }
0x3b: {  	[tilespmem:s0+$0x40] =	vst v1  }
0x3c: {  	[tilespmem:s0+$0x50] =	vst v1  }
0x3d: {  	[tilespmem:s0+$0x60] =	vst v1  }
0x3e: {  	[spmem:s5] =	stream.linear.scatter [tilespmem:s2], [sflag:$0x2], $0x2000, $0x38;
	[tilespmem:$0xC400] =	vst v63  }
0x3f: {  	_ =	swait.ge [sflag:s16], $0x2000  }
0x40: {  	[sflag:s16] =	ssyncset.done $0x0  }
0x41: {  	[sflag:s16] =	ssyncadd.s32 $0xFFFFE000  }
0x42: {  	[spmem:s6] =	stream.linear.scatter [tilespmem:s2], [sflag:$0x2], $0x2000, $0x38;
	[tilespmem:$0xC400] =	vst v63  }
0x43: {  	_ =	swait.ge [sflag:s16], $0x2000  }
0x44: {  	[sflag:s16] =	ssyncset.done $0x0  }
0x45: {  	[sflag:s16] =	ssyncadd.s32 $0xFFFFE000  }
0x46: {  	[spmem:s7] =	stream.linear.scatter [tilespmem:s2], [sflag:$0x2], $0x2000, $0x38;
	[tilespmem:$0xC400] =	vst v63  }
0x47: {  	_ =	swait.ge [sflag:s16], $0x2000  }
0x48: {  	[sflag:s16] =	ssyncset.done $0x0  }
0x49: {  	[sflag:s16] =	ssyncadd.s32 $0xFFFFE000  }
0x4a: {  	[spmem:s8] =	stream.linear.scatter [tilespmem:s2], [sflag:$0x2], $0x2000, $0x38;
	[tilespmem:$0xC400] =	vst v63  }
0x4b: {  	_ =	swait.ge [sflag:s16], $0x2000  }
0x4c: {  	[sflag:s16] =	ssyncset.done $0x0  }
0x4d: {  	s0 =	simm.s32 @!p0 $0x0;
	[sflag:s16] =	ssyncadd.s32 $0xFFFFE000  }
0x4e: {  	[spmem:s9] =	stream.linear.scatter @!p0 [tilespmem:s0], [sflag:$0x2], $0x2000, $0x38;
	[tilespmem:$0xC400] =	vst v63  }
0x4f: {  	s0 =	simm.s32 @!p0 $0x2  }
0x50: {  	_ =	swait.ge @!p0 [sflag:s0], $0x2000  }
0x51: {  	[sflag:s0] =	ssyncset.done @!p0 $0x0  }
0x52: {  	s10 =	simm.s32 $0x200;
	[sflag:s0] =	ssyncadd.s32 @!p0 $0xFFFFE000;
	s0 =	simm.s32 $0x0  }
.LBB2_4:
0x53: {  	p1 =	sne.s32 s10, $0x7E00;
	[tilespmem:s0+$0x70] =	vst v2  }
0x54: {  	[tilespmem:s0+$0x0] =	vst v2  }
0x55: {  	[tilespmem:s0+$0x10] =	vst v2  }
.Ltmp3:
0x56: {  	[tilespmem:s0+$0x20] =	vst v2;
	(pc) =	sbr.rel @p1 .LBB2_4-.Ltmp3, $4  }
0x57: {  	[tilespmem:s0+$0x30] =	vst v2  }
0x58: {  	[tilespmem:s0+$0x40] =	vst v2  }
0x59: {  	[tilespmem:s0+$0x50] =	vst v2  }
0x5a: {  	[tilespmem:s0+$0x60] =	vst v2;
	s0 =	sshra.s32 s10, $0x2;
	s10 =	sadd.s32 $0x200, s10  }
0x5b: {  	[tilespmem:s0+$0x70] =	vst v2  }
0x5c: {  	[tilespmem:s0+$0x0] =	vst v2  }
0x5d: {  	[tilespmem:s0+$0x10] =	vst v2  }
0x5e: {  	[tilespmem:s0+$0x20] =	vst v2  }
0x5f: {  	[tilespmem:s0+$0x30] =	vst v2  }
.Ltmp4:
0x60: {  	[tilespmem:s0+$0x40] =	vst v2;
	(pc) =	sbr.rel .LBB2_6-.Ltmp4, $4  }
0x61: {  	[tilespmem:s0+$0x50] =	vst v2  }
0x62: {  	[tilespmem:s0+$0x60] =	vst v2  }
0x63: {  	[bflag:$0x0] =	sbarrier.arrive $0xFFFF  }
0x64: {  	s30 =	simm.s32 $0x0  }
.LBB2_10:
0x65: {  	s30 =	sadd.s32 $0x1, s30  }
0x66: {  	p1 =	sne.s32 s30, $0x28  }
.Ltmp5:
0x67: {  	_ = 	snop;
	(pc) =	sbr.rel @!p1 .LBB2_11-.Ltmp5, $1  }
0x68: {  	_ =	sdelay $0x3  }
.LBB2_6:
0x69: {  	s0 =	sshll.u32 s30, $0x4  }
0x6a: {  	s0 =	sor.u32 s3, s0  }
0x6b: {  	p1 =	sgt.u32 s0, $0x270  }
.Ltmp6:
0x6c: {  	_ = 	snop;
	(pc) =	sbr.rel @p1 .LBB2_10-.Ltmp6, $1  }
0x6d: {  	_ =	sdelay $0x3  }
0x6e: {  	s0 =	sshll.u32 s0, $0x6  }
0x6f: {  	s10 =	simm.s32 $0x0;
	s0 =	sadd.s32 s4, s0  }
0x70: {  	[tilespmem:s17], [sflag:$0x2] =	stream.linear.gather [hbm4b:s0+s10], $0x200, $0x38;
	[tilespmem:$0xC400] =	vst v63  }
0x71: {  	_ =	swait.ge [sflag:s16], $0x200  }
0x72: {  	[sflag:s16] =	ssyncset.done $0x0  }
0x73: {  	s10 =	simm.s32 $0x0;
	[sflag:s16] =	ssyncadd.s32 $0xFFFFFE00  }
0x74: {  	v3 =	vld [tilespmem:s10+$0x2000];
	_ =	sdelay $0x4  }
0x75: {  	v4 =	vsub.s32 v3, v0;
	v3 =	vand.u32 $0xF, v3  }
0x76: {  	vm0 =	vlt.u32 v4, $0x1388;
	v3 =	vadd.s32 $0x1388, v3  }
0x77: {  	s31 =	simm.s32 $0x2220;
	v3 =	vsel vm0, v4, v3  }
0x78: {  	[tilespmem:s31+$0xFFFFFFE0] =	vst v3  }
0x79: {  	v3 =	vld [tilespmem:s10+$0x2010];
	_ =	sdelay $0x4  }
0x7a: {  	v61 =	vsub.s32 v3, v0;
	v3 =	vand.u32 $0xF, v3  }
0x7b: {  	vm13 =	vlt.u32 v61, $0x1388;
	v3 =	vadd.s32 $0x1388, v3  }
0x7c: {  	v3 =	vsel vm13, v61, v3  }
0x7d: {  	[tilespmem:s31+$0xFFFFFFF0] =	vst v3  }
0x7e: {  	v3 =	vld [tilespmem:s10+$0x2020];
	_ =	sdelay $0x4  }
0x7f: {  	v62 =	vsub.s32 v3, v0;
	v3 =	vand.u32 $0xF, v3  }
0x80: {  	vm14 =	vlt.u32 v62, $0x1388;
	v3 =	vadd.s32 $0x1388, v3  }
0x81: {  	v3 =	vsel vm14, v62, v3  }
0x82: {  	[tilespmem:s31+$0x0] =	vst v3  }
0x83: {  	v3 =	vld [tilespmem:s10+$0x2030];
	_ =	sdelay $0x4  }
0x84: {  	v63 =	vsub.s32 v3, v0;
	v3 =	vand.u32 $0xF, v3  }
0x85: {  	vm15 =	vlt.u32 v63, $0x1388;
	v3 =	vadd.s32 $0x1388, v3  }
0x86: {  	v3 =	vsel vm15, v63, v3  }
0x87: {  	s0 =	simm.s32 $0x40;
	s10 =	simm.s32 $0x200;
	[tilespmem:s31+$0x10] =	vst v3  }
.LBB2_8:
0x88: {  	p1 =	sne.s32 s10, $0x700;
	v3 =	vld [tilespmem:s0+$0x2000];
	_ =	sdelay $0x4  }
0x89: {  	v4 =	vsub.s32 v3, v0;
	v3 =	vand.u32 $0xF, v3  }
0x8a: {  	vm0 =	vlt.u32 v4, $0x1388;
	v3 =	vadd.s32 $0x1388, v3  }
0x8b: {  	s31 =	sadd.s32 $0x80, s31;
	v3 =	vsel vm0, v4, v3  }
0x8c: {  	[tilespmem:s31+$0xFFFFFFE0] =	vst v3  }
0x8d: {  	v3 =	vld [tilespmem:s0+$0x2010];
	_ =	sdelay $0x4  }
0x8e: {  	v4 =	vsub.s32 v3, v0;
	v3 =	vand.u32 $0xF, v3  }
0x8f: {  	vm0 =	vlt.u32 v4, $0x1388;
	v3 =	vadd.s32 $0x1388, v3  }
0x90: {  	v3 =	vsel vm0, v4, v3  }
0x91: {  	[tilespmem:s31+$0xFFFFFFF0] =	vst v3  }
0x92: {  	v3 =	vld [tilespmem:s0+$0x2020];
	_ =	sdelay $0x4  }
0x93: {  	v4 =	vsub.s32 v3, v0;
	v3 =	vand.u32 $0xF, v3  }
0x94: {  	vm0 =	vlt.u32 v4, $0x1388;
	v3 =	vadd.s32 $0x1388, v3  }
0x95: {  	v3 =	vsel vm0, v4, v3  }
0x96: {  	[tilespmem:s31+$0x0] =	vst v3  }
0x97: {  	v3 =	vld [tilespmem:s0+$0x2030];
	_ =	sdelay $0x3  }
.Ltmp7:
0x98: {  	(pc) =	sbr.rel @p1 .LBB2_8-.Ltmp7, $4  }
0x99: {  	v4 =	vsub.s32 v3, v0;
	v3 =	vand.u32 $0xF, v3  }
0x9a: {  	vm0 =	vlt.u32 v4, $0x1388;
	v3 =	vadd.s32 $0x1388, v3  }
0x9b: {  	v3 =	vsel vm0, v4, v3  }
0x9c: {  	s0 =	sshra.s32 s10, $0x2;
	s10 =	sadd.s32 $0x100, s10;
	[tilespmem:s31+$0x10] =	vst v3  }
0x9d: {  	v3 =	vld [tilespmem:s0+$0x2000];
	_ =	sdelay $0x4  }
0x9e: {  	v4 =	vsub.s32 v3, v0;
	v3 =	vand.u32 $0xF, v3  }
0x9f: {  	vm0 =	vlt.u32 v4, $0x1388;
	v3 =	vadd.s32 $0x1388, v3  }
0xa0: {  	s10 =	sadd.s32 $0x80, s31;
	v3 =	vsel vm0, v4, v3  }
0xa1: {  	[tilespmem:s10+$0xFFFFFFE0] =	vst v3  }
0xa2: {  	v3 =	vld [tilespmem:s0+$0x2010];
	_ =	sdelay $0x4  }
0xa3: {  	v61 =	vsub.s32 v3, v0;
	v3 =	vand.u32 $0xF, v3  }
0xa4: {  	vm13 =	vlt.u32 v61, $0x1388;
	v3 =	vadd.s32 $0x1388, v3  }
0xa5: {  	v3 =	vsel vm13, v61, v3  }
0xa6: {  	[tilespmem:s10+$0xFFFFFFF0] =	vst v3  }
0xa7: {  	v3 =	vld [tilespmem:s0+$0x2020];
	_ =	sdelay $0x4  }
0xa8: {  	v62 =	vsub.s32 v3, v0;
	v3 =	vand.u32 $0xF, v3  }
0xa9: {  	vm14 =	vlt.u32 v62, $0x1388;
	v3 =	vadd.s32 $0x1388, v3  }
0xaa: {  	v3 =	vsel vm14, v62, v3  }
0xab: {  	[tilespmem:s10+$0x0] =	vst v3  }
0xac: {  	v3 =	vld [tilespmem:s0+$0x2030];
	_ =	sdelay $0x4  }
0xad: {  	v63 =	vsub.s32 v3, v0;
	v3 =	vand.u32 $0xF, v3  }
0xae: {  	vm15 =	vlt.u32 v63, $0x1388;
	v3 =	vadd.s32 $0x1388, v3  }
0xaf: {  	v3 =	vsel vm15, v63, v3  }
0xb0: {  	[tilespmem:s10+$0x10] =	vst v3  }
0xb1: {  	[spmem:s1] =	stream.indirect.scatter.add.f32 [tilespmem:s2], [sflag:$0x1], $0x80, s19, s18, $0xb8;
	[tilespmem:$0xC400] =	vst v63  }
0xb2: {  	_ = 	snop  }
0xb3: {  	[spmem:s1] =	stream.indirect.scatter.add.f32 [tilespmem:s2], [sflag:$0x1], $0x80, s20, s18, $0xb8;
	[tilespmem:$0xC400] =	vst v63  }
0xb4: {  	_ = 	snop  }
0xb5: {  	[spmem:s1] =	stream.indirect.scatter.add.f32 [tilespmem:s2], [sflag:$0x1], $0x80, s21, s18, $0xb8;
	[tilespmem:$0xC400] =	vst v63  }
0xb6: {  	_ = 	snop  }
0xb7: {  	[spmem:s1] =	stream.indirect.scatter.add.f32 [tilespmem:s2], [sflag:$0x1], $0x80, s22, s18, $0xb8;
	[tilespmem:$0xC400] =	vst v63  }
0xb8: {  	_ = 	snop  }
0xb9: {  	[spmem:s1] =	stream.indirect.scatter.add.f32 [tilespmem:s2], [sflag:$0x1], $0x80, s23, s18, $0xb8;
	[tilespmem:$0xC400] =	vst v63  }
0xba: {  	_ = 	snop  }
0xbb: {  	[spmem:s1] =	stream.indirect.scatter.add.f32 [tilespmem:s2], [sflag:$0x1], $0x80, s24, s18, $0xb8;
	[tilespmem:$0xC400] =	vst v63  }
0xbc: {  	_ = 	snop  }
0xbd: {  	[spmem:s1] =	stream.indirect.scatter.add.f32 [tilespmem:s2], [sflag:$0x1], $0x80, s25, s18, $0xb8;
	[tilespmem:$0xC400] =	vst v63  }
0xbe: {  	_ = 	snop  }
0xbf: {  	[spmem:s1] =	stream.indirect.scatter.add.f32 [tilespmem:s2], [sflag:$0x1], $0x80, s26, s18, $0xb8;
	[tilespmem:$0xC400] =	vst v63  }
0xc0: {  	_ =	swait.ge [sflag:s28], $0x2000  }
0xc1: {  	[sflag:s28] =	ssyncset.done $0x0  }
0xc2: {  	[sflag:s28] =	ssyncadd.s32 $0xFFFFE000  }
0xc3: {  	_ =	swait.ge [sflag:s28], $0x2000  }
0xc4: {  	[sflag:s28] =	ssyncset.done $0x0  }
0xc5: {  	[sflag:s28] =	ssyncadd.s32 $0xFFFFE000  }
0xc6: {  	_ =	swait.ge [sflag:s28], $0x2000  }
0xc7: {  	[sflag:s28] =	ssyncset.done $0x0  }
0xc8: {  	[sflag:s28] =	ssyncadd.s32 $0xFFFFE000  }
0xc9: {  	_ =	swait.ge [sflag:s28], $0x2000  }
0xca: {  	[sflag:s28] =	ssyncset.done $0x0  }
0xcb: {  	[sflag:s28] =	ssyncadd.s32 $0xFFFFE000  }
0xcc: {  	_ =	swait.ge [sflag:s28], $0x2000  }
0xcd: {  	[sflag:s28] =	ssyncset.done $0x0  }
0xce: {  	[sflag:s28] =	ssyncadd.s32 $0xFFFFE000  }
0xcf: {  	_ =	swait.ge [sflag:s28], $0x2000  }
0xd0: {  	[sflag:s28] =	ssyncset.done $0x0  }
0xd1: {  	[sflag:s28] =	ssyncadd.s32 $0xFFFFE000  }
0xd2: {  	_ =	swait.ge [sflag:s28], $0x2000  }
.Ltmp8:
0xd3: {  	[sflag:s28] =	ssyncset.done $0x0;
	(pc) =	sbr.rel .LBB2_10-.Ltmp8, $4  }
0xd4: {  	[sflag:s28] =	ssyncadd.s32 $0xFFFFE000  }
0xd5: {  	_ =	swait.ge [sflag:s28], $0x2000  }
0xd6: {  	[sflag:s28] =	ssyncset.done $0x0  }
0xd7: {  	[sflag:s28] =	ssyncadd.s32 $0xFFFFE000  }
.LBB2_12:
0xd8: {  	_ =	sfence.sel $0x180000  }
0xd9: {  	[bflag:$0x0] =	sbarrier.arrive $0xFFFF  }
0xda: {  	_ =	strace $0x9000004A  }
0xdb: {  	[bflag:$0x2] =	sbarrier.arrive $0xFFFF  }
0xdc: {  	p0 =	sne.s32 s3, $0x0;
	s0 =	rddreg [dreg:$0x2]  }
0xdd: {  	s0 =	sadd.s32 @!p0 $0x100000, s0  }
0xde: {  	[sflag:s0] =	ssyncadd.tile.s32 @!p0 $0x1;
	_ =	shalt  }
.Lfunc_end2:
_tile_overlayer_lowered:
.L_overlay_start_2:
0xdf: {  	(tag) =	ssettag $0x2  }
0xe0: {  	s0 =	rddreg [dreg:$0x0];
	s2 =	stileid.u32  }
0xe1: {  	s1 =	rddreg [dreg:$0x1];
	p0 =	sne.s32 s2, $0x0  }
0xe2: {  	s3 =	rddreg [dreg:$0x2];
	[bflag:$0x3] =	sbarrier.arrive $0xFFFF;
	s2 =	simm.s32 @!p0 $0x1C02  }
0xe3: {  	[timem:s3], [sflag:s2] =	dma.local @!p0 [hbm:s0], s1  }
0xe4: {  	s0 =	simm.s32 @!p0 $0x2  }
0xe5: {  	_ =	swait.ge @!p0 [sflag:s0], s1  }
0xe6: {  	s1 =	ssub.s32 @!p0 $0x0, s1;
	[sflag:s0] =	ssyncset.done @!p0 $0x0  }
0xe7: {  	[sflag:s0] =	ssyncadd.s32 @!p0 s1  }
0xe8: {  	[bflag:$0x3] =	sbarrier.arrive $0xFFFF  }
0xe9: {  	_ =	shalt  }

// kernel: kernel.14.cloned.1.call-start
scs
__scs_entry_jumppad:
0x0: {  	(pc) =	sbr.rel $0x88, $3  }
0x1: {  	(tag) =	ssettag $0x0;
	lr =	simm.s32 $0x1  }
0x2: {  	[smem:$0x3F90] =	sst lr;
	_ =	strace $0xD0000000  }
0x3: {  	_ = 	snop  }
0x4: {  	_ = 	snop  }
0x5: {  	_ = 	snop  }
0x6: {  	_ = 	snop  }
0x7: {  	_ = 	snop  }
__scs_overlays_trampoline_lowered:
0x8: {  	[smem:$0x3F9F] =	sst s0  }
0x9: {  	[smem:$0x3FA0] =	sst s1  }
0xa: {  	[smem:$0x3FA1] =	sst s2  }
0xb: {  	[smem:$0x3FA2] =	sst s3  }
0xc: {  	[smem:$0x3FA3] =	sst s4  }
0xd: {  	[smem:$0x3FA4] =	sst s5  }
0xe: {  	[smem:$0x3FA5] =	sst s6  }
0xf: {  	[smem:$0x3FA6] =	sst s7  }
0x10: {  	[smem:$0x3FA7] =	sst s8  }
0x11: {  	[smem:$0x3FA8] =	sst s9;
	s0 =	simm.s32 @!p0 $0x0  }
0x12: {  	s1 =	sld [smem:$0x3F8E];
	s0 =	simm.s32 @p0 $0x1  }
0x13: {  	[smem:$0x3FA9] =	sst s0;
	s0 =	simm.s32 @!p1 $0x0  }
0x14: {  	s2 =	sld [smem:$0x3F8D];
	s0 =	simm.s32 @p1 $0x1  }
0x15: {  	[smem:$0x3FAA] =	sst s0;
	s0 =	simm.s32 @!p2 $0x0  }
0x16: {  	s3 =	sld [smem:$0x3FDB];
	s0 =	simm.s32 @p2 $0x1  }
0x17: {  	s4 =	simm.s32 $0x1BF5;
	[smem:$0x3FAC] =	sst s0  }
0x18: {  	s0 =	sld [smem:$0x3F8F];
	_ =	swait.ge [sflag:s4], $0x0  }
0x19: {  	s7 =	sld [smem:$0x3F90]  }
0x1a: {  	s8 =	sadd.s32 $0xFFFFE003, lr  }
0x1b: {  	s9 =	sadd.s32 $0xFFFFFEF7, lr;
	s5 =	simm.s32 $0xFFFFFFFF;
	p2 =	slt.u32 s8, $0xFFFFF086  }
0x1c: {  	p1 =	slt.u32 s9, $0xF7A;
	s5 =	simm.s32 @!p2 $0x0  }
0x1d: {  	s5 =	simm.s32 @p1 $0x1;
	p0 =	seq.s32 s7, s2  }
0x1e: {  	s7 =	smul.u32 @!p0 $0xF7A, s2;
	p2 =	seq.s32 @!p0 s5, $0x0  }
0x1f: {  	s9 =	smul.u32 $0xF7A, s1;
	s8 =	simm.s32 @!p0 $0x1BF5;
	p2 =	por !p2, p0  }
0x20: {  	[sflag:s8] =	ssyncset.s32 @!p0 $0xFFFFF086;
	s6 =	sadd.s32 @!p0 s3, s7;
	s7 =	simm.s32 @!p0 $0x108  }
0x21: {  	s3 =	sadd.s32 s3, s9;
	s6 =	sadd.s32 @!p0 $0x88, s6;
	s7 =	simm.s32 @p2 $0x1082  }
0x22: {  	[simem:s7], [sflag:s8] =	dma.local @!p0 [hbm:s6], $0xF7A  }
0x23: {  	s9 =	sor.u32 $0xD0000000, s2;
	s6 =	simm.s32 $0x108;
	_ =	swait.ge @!p0 [sflag:s8], $0x0  }
0x24: {  	s3 =	sadd.s32 $0x88, s3;
	s6 =	simm.s32 @!p1 $0x1082;
	[sflag:s4] =	ssyncset.s32 $0xFFFFF086  }
0x25: {  	[simem:s6], [sflag:s4] =	dma.local [hbm:s3], $0xF7A  }
0x26: {  	[smem:$0x3F90] =	sst s1;
	(tag) =	ssettag s2;
	_ =	strace s9  }
0x27: {  	s1 =	sld [smem:$0x3FA0]  }
0x28: {  	s2 =	sld [smem:$0x3FA1]  }
0x29: {  	s4 =	sld [smem:$0x3FA3]  }
0x2a: {  	p0 =	seq.s32 s5, $0x0;
	s5 =	sld [smem:$0x3FA4]  }
0x2b: {  	s6 =	sld [smem:$0x3FA5]  }
0x2c: {  	s7 =	sld [smem:$0x3FA6]  }
0x2d: {  	s3 =	simm.s32 $0x108;
	s8 =	sld [smem:$0x3FA7]  }
0x2e: {  	s3 =	simm.s32 @!p0 $0x1082;
	s9 =	sld [smem:$0x3FA8]  }
0x2f: {  	lr =	sadd.s32 s0, s3;
	s0 =	sld [smem:$0x3F9F]  }
0x30: {  	s3 =	sld [smem:$0x3FA2]  }
0x31: {  	[smem:$0x3FAB] =	sst s10  }
0x32: {  	s10 =	sld [smem:$0x3FA9];
	_ =	sdelay $0x3  }
0x33: {  	p0 =	seq.s32 s10, $0x1;
	s10 =	sld [smem:$0x3FAB];
	_ =	sdelay $0x3  }
0x34: {  	[smem:$0x3FAB] =	sst s10  }
0x35: {  	s10 =	sld [smem:$0x3FAA];
	_ =	sdelay $0x3  }
0x36: {  	p1 =	seq.s32 s10, $0x1;
	s10 =	sld [smem:$0x3FAB];
	_ =	sdelay $0x3  }
0x37: {  	[smem:$0x3FAB] =	sst s10  }
0x38: {  	s10 =	sld [smem:$0x3FAC]  }
0x39: {  	_ = 	snop;
	(pc) =	sbr.ind lr, $3  }
0x3a: {  	_ = 	snop  }
0x3b: {  	_ = 	snop  }
0x3c: {  	p2 =	seq.s32 s10, $0x1;
	s10 =	sld [smem:$0x3FAB]  }
0x3d: {  	_ =	shalt  }
0x3e: {  	_ =	shalt  }
0x3f: {  	_ =	shalt  }
0x40: {  	_ =	shalt  }
0x41: {  	_ =	shalt  }
0x42: {  	_ =	shalt  }
0x43: {  	_ =	shalt  }
0x44: {  	_ =	shalt  }
0x45: {  	_ =	shalt  }
0x46: {  	_ =	shalt  }
0x47: {  	_ =	shalt  }
0x48: {  	_ =	shalt  }
0x49: {  	_ =	shalt  }
0x4a: {  	_ =	shalt  }
0x4b: {  	_ =	shalt  }
0x4c: {  	_ =	shalt  }
0x4d: {  	_ =	shalt  }
0x4e: {  	_ =	shalt  }
0x4f: {  	_ =	shalt  }
0x50: {  	_ =	shalt  }
0x51: {  	_ =	shalt  }
0x52: {  	_ =	shalt  }
0x53: {  	_ =	shalt  }
0x54: {  	_ =	shalt  }
0x55: {  	_ =	shalt  }
0x56: {  	_ =	shalt  }
0x57: {  	_ =	shalt  }
0x58: {  	_ =	shalt  }
0x59: {  	_ =	shalt  }
0x5a: {  	_ =	shalt  }
0x5b: {  	_ =	shalt  }
0x5c: {  	_ =	shalt  }
0x5d: {  	_ =	shalt  }
0x5e: {  	_ =	shalt  }
0x5f: {  	_ =	shalt  }
0x60: {  	_ =	shalt  }
0x61: {  	_ =	shalt  }
0x62: {  	_ =	shalt  }
0x63: {  	_ =	shalt  }
0x64: {  	_ =	shalt  }
0x65: {  	_ =	shalt  }
0x66: {  	_ =	shalt  }
0x67: {  	_ =	shalt  }
0x68: {  	_ =	shalt  }
0x69: {  	_ =	shalt  }
0x6a: {  	_ =	shalt  }
0x6b: {  	_ =	shalt  }
0x6c: {  	_ =	shalt  }
0x6d: {  	_ =	shalt  }
0x6e: {  	_ =	shalt  }
0x6f: {  	_ =	shalt  }
0x70: {  	_ =	shalt  }
0x71: {  	_ =	shalt  }
0x72: {  	_ =	shalt  }
0x73: {  	_ =	shalt  }
0x74: {  	_ =	shalt  }
0x75: {  	_ =	shalt  }
0x76: {  	_ =	shalt  }
0x77: {  	_ =	shalt  }
0x78: {  	_ =	shalt  }
0x79: {  	_ =	shalt  }
0x7a: {  	_ =	shalt  }
0x7b: {  	_ =	shalt  }
0x7c: {  	_ =	shalt  }
0x7d: {  	_ =	shalt  }
0x7e: {  	_ =	shalt  }
0x7f: {  	_ =	shalt  }
0x80: {  	_ =	shalt  }
0x81: {  	_ =	shalt  }
0x82: {  	_ =	shalt  }
0x83: {  	_ =	shalt  }
0x84: {  	_ =	shalt  }
0x85: {  	_ =	shalt  }
0x86: {  	_ =	shalt  }
0x87: {  	_ =	shalt  }
.Lfunc_end0:
.L_simem_size_0:
called_computation.2_lowered:
.L_overlay_start_0:
0x88: {  	s2 =	sld [smem:$0x3FD9]  }
0x89: {  	s3 =	sld [smem:$0x3FFE];
	_ =	sdelay $0x1  }
0x8a: {  	s1 =	srdreg.scid  }
0x8b: {  	s0 =	sand.u32 $0x1, s1  }
0x8c: {  	s17 =	sshll.u32 s0, $0xA;
	s2 =	sadd.s32 s3, s2  }
0x8d: {  	s2 =	sadd.s32 s2, s17  }
0x8e: {  	[smem:$0x3FB7] =	sst s2  }
0x8f: {  	_ = 	snop  }
0x90: {  	(tm) =	ssettm $0x1  }
0x91: {  	s18 =	sld [smem:$0x3FFB];
	_ =	sdelay $0x3  }
0x92: {  	_ =	strace s18  }
0x93: {  	s2 =	sld [smem:$0x3FFC];
	_ =	sdelay $0x3  }
0x94: {  	_ =	strace s2  }
0x95: {  	s2 =	sld [smem:$0x3FFD];
	_ =	sdelay $0x3  }
0x96: {  	_ =	strace s2  }
0x97: {  	_ =	strace $0x8FFFFFFF  }
0x98: {  	s19 =	sld [smem:$0x3FDB];
	_ =	sdelay $0x1  }
0x99: {  	s20 =	simm.s32 $_scs_section_size  }
0x9a: {  	s4 =	simm.s32 $_size__tile_overlayer_lowered;
	s5 =	simm.s32 $_tile_overlayer_lowered  }
0x9b: {  	s6 =	simm.s32 $0x1BFF;
	s21 =	sshll.u32 s5, $0x1;
	s3 =	sadd.s32 s20, s19  }
0x9c: {  	s22 =	simm.s32 $0x0;
	s4 =	sshll.u32 s4, $0x1;
	s5 =	sadd.s32 s21, s3  }
0x9d: {  	[timem:s22], [sflag:s6] =	dma.local [hbm:s5], s4  }
0x9e: {  	_ =	swait.ge [sflag:s6], s4  }
0x9f: {  	s4 =	ssub.s32 $0x0, s4;
	[sflag:s6] =	ssyncset.done $0x0  }
0xa0: {  	[sflag:s6] =	ssyncadd.s32 s4;
	_ =	sdelay $0x1  }
0xa1: {  	s23 =	simm.s32 $0x1B8B  }
0xa2: {  	_ =	swait.ge [sflag:s23], $0x1  }
0xa3: {  	[sflag:s23] =	ssyncset.done $0x0  }
0xa4: {  	[sflag:s23] =	ssyncadd.s32 $0xFFFFFFFF  }
0xa5: {  	s4 =	sld [smem:$0x0]  }
0xa6: {  	s5 =	sand.u32 $0xFFFFFFFE, s1  }
0xa7: {  	p0 =	sne.s32 s1, s5  }
0xa8: {  	s5 =	sshll.u32 @p0 s5, $0xE  }
0xa9: {  	s5 =	sadd.s32 @p0 $0x11B8D, s5;
	s6 =	sshll.u32 @p0 s4, $0x11  }
0xaa: {  	s5 =	sor.u32 @p0 s6, s5  }
0xab: {  	[sflag:s5] =	ssyncadd.remote.s32 @p0 $0x1;
	_ =	sdelay $0x1  }
0xac: {  	s5 =	simm.s32 @p0 $0x1B8D  }
0xad: {  	_ =	swait.eq @p0 [sflag:s5], $0x1  }
0xae: {  	[sflag:s5] =	ssyncadd.s32 @p0 $0xFFFFFFFF  }
0xaf: {  	s6 =	sshll.u32 @!p0 s1, $0xE  }
0xb0: {  	s6 =	sor.u32 @!p0 $0x4000, s6;
	s5 =	simm.s32 @!p0 $0x1B8D  }
0xb1: {  	s4 =	sshll.u32 @!p0 s4, $0x11;
	s6 =	sadd.s32 @!p0 $0x11B8D, s6;
	_ =	swait.eq @!p0 [sflag:s5], $0x1  }
0xb2: {  	s4 =	sor.u32 @!p0 s4, s6;
	[sflag:s5] =	ssyncadd.s32 @!p0 $0xFFFFFFFF  }
0xb3: {  	s25 =	simm.s32 $0x1B8E;
	s24 =	sld [smem:$0x3FFE];
	[sflag:s4] =	ssyncadd.remote.s32 @!p0 $0x1  }
0xb4: {  	s26 =	simm.s32 $execute0_lowered;
	[smem:$0x3FD2] =	sst s25  }
0xb5: {  	s5 =	sshll.u32 s26, $0x1;
	_ =	strace $0x8000004C;
	[dreg:$0x1] =	wrdreg $0xFFFFFFFF  }
0xb6: {  	s28 =	simm.s32 $_size_execute0_lowered;
	s3 =	sadd.s32 s3, s5;
	[dreg:$0x0] =	wrdreg $0x0  }
0xb7: {  	s5 =	sshll.u32 s28, $0x1;
	[dreg:$0x2] =	wrdreg s3  }
0xb8: {  	[dreg:$0x3] =	wrdreg s5  }
0xb9: {  	[dreg:$0x4] =	wrdreg $0xC0  }
0xba: {  	_ =	task [dreg:s22], $0x5FFFF  }
0xbb: {  	[dreg:$0x1] =	wrdreg $0xFFFFFFFF  }
0xbc: {  	[dreg:$0x0] =	wrdreg $0x60  }
0xbd: {  	[dreg:$0x2] =	wrdreg s24  }
0xbe: {  	[dreg:$0x3] =	wrdreg $0x21000  }
0xbf: {  	[dreg:$0x4] =	wrdreg $0xA  }
0xc0: {  	_ =	task.clear_ibuf [dreg:s22], $0x5FFFF;
	_ =	strace $0x9000004C  }
0xc1: {  	s29 =	simm.s32 $0xA;
	_ =	strace $0x8000004E  }
0xc2: {  	_ =	swait.ge [sflag:s29], $0x1  }
0xc3: {  	[sflag:s29] =	ssyncadd.s32 $0xFFFFFFFF  }
0xc4: {  	_ =	strace $0x9000004E  }
0xc5: {  	_ =	sfence  }
0xc6: {  	s30 =	sld [smem:$0x0];
	_ =	sdelay $0x2  }
0xc7: {  	s31 =	sshll.u32 s1, $0xD;
	s1 =	sshrl.u32 s1, $0x2  }
0xc8: {  	s4 =	sand.u32 $0x4000, s31;
	s1 =	sadd.s32 s1, s30  }
0xc9: {  	s0 =	sor.u32 s4, s0;
	s1 =	sshll.u32 s1, $0x11  }
0xca: {  	s0 =	sor.u32 s1, s0  }
0xcb: {  	s0 =	sadd.s32 $0x8F2B, s0  }
0xcc: {  	[sflag:s0] =	ssyncadd.remote.s32 $0x1  }
0xcd: {  	_ =	sfence.sel $0xFFFF  }
0xce: {  	[dreg:$0x0] =	wrdreg $0xFFFFFFFF;
	(pc) =	sbr.abs _section_cstart, $3  }
0xcf: {  	[dreg:$0x1] =	wrdreg $0xFFFFFFFF  }
0xd0: {  	_ =	task.clear_ibuf [dreg:s22], $0x2FFFF;
	_ =	strace $0x9FFFFFFF  }
0xd1: {  	(tm) =	ssettm $0x7FFFFFFF  }
tec
execute0_lowered:
.L_overlay_start_1:
0x0: {  	(tag) =	ssettag $0x1  }
0x1: {  	s4 =	rddreg [dreg:$0x0]  }
0x2: {  	s1 =	rddreg [dreg:$0x1]  }
0x3: {  	s0 =	rddreg [dreg:$0x2];
	s3 =	simm.s32 $0x0;
	s2 =	stileid.u32  }
0x4: {  	s5 =	srdreg.scid;
	[smem:$0x7FF] =	sst s3;
	s6 =	sshll.u32 s2, $0xA  }
0x5: {  	s7 =	sshll.u32 s2, $0x3;
	s5 =	sand.u32 $0x1, s5;
	s13 =	sadd.s32 $0x17E00, s4  }
0x6: {  	s8 =	sshll.u32 s2, $0xD;
	p0 =	seq.s32 s2, $0xF;
	_ =	strace $0x8000004D  }
0x7: {  	s16 =	sadd.s32 s6, s4;
	s15 =	sadd.s32 s7, s4;
	s30 =	ssub.s32 $0x2, s5  }
0x8: {  	s17 =	smul.u32 $0xFFFFEC78, s5;
	s4 =	sadd.s32 s8, s1;
	s9 =	sor.u32 $0x20000, s8  }
0x9: {  	s11 =	sor.u32 $0x40000, s8;
	s12 =	smul.u32 $0x9E000, s5;
	s18 =	sor.u32 $0x60000, s8  }
0xa: {  	s19 =	sor.u32 $0x80000, s8;
	s31 =	sshrl.u32 s30, $0x1;
	s5 =	sadd.s32 s9, s1  }
0xb: {  	s6 =	sadd.s32 s11, s1;
	s7 =	sadd.s32 s18, s1;
	s15 =	sadd.s32 $0xE000, s15  }
0xc: {  	s16 =	sadd.s32 $0x521600, s16;
	s14 =	ssub.s32 s30, s31;
	s10 =	sadd.s32 s8, s12  }
0xd: {  	s9 =	sadd.s32 s12, s9;
	s8 =	sadd.s32 s19, s1;
	s11 =	sadd.s32 s12, s11  }
0xe: {  	s18 =	sadd.s32 s12, s18;
	s12 =	sadd.s32 s12, s19;
	v0 =	vmov s17;
	s17 =	simm.s32 $0x1  }
0xf: {  	s10 =	sshrl.u32 s10, $0x3;
	s20 =	sshrl.u32 s9, $0x3;
	s11 =	sshrl.u32 s11, $0x3  }
0x10: {  	s18 =	sshrl.u32 s18, $0x3;
	s19 =	sshrl.u32 s12, $0x3;
	s14 =	smax.u32 s14, $0x1  }
0x11: {  	s9 =	sadd.s32 s13, s10;
	s10 =	sadd.s32 s13, s20;
	s11 =	sadd.s32 s13, s11  }
0x12: {  	v1 =	vimm.f32 $0.0e+00;
	s12 =	sadd.s32 s13, s18;
	s13 =	sadd.s32 s13, s19;
	s18 =	simm.s32 $0x0  }
.LBB2_1:
0x13: {  	s19 =	simm.s32 $0x0;
	s20 =	simm.s32 $0x200  }
.LBB2_2:
0x14: {  	p1 =	sne.s32 s20, $0x7E00;
	[tilespmem:s19+$0x70] =	vst v1  }
0x15: {  	[tilespmem:s19+$0x0] =	vst v1  }
0x16: {  	[tilespmem:s19+$0x10] =	vst v1  }
.Ltmp0:
0x17: {  	[tilespmem:s19+$0x20] =	vst v1;
	(pc) =	sbr.rel @p1 .LBB2_2-.Ltmp0, $4  }
0x18: {  	[tilespmem:s19+$0x30] =	vst v1  }
0x19: {  	[tilespmem:s19+$0x40] =	vst v1  }
0x1a: {  	[tilespmem:s19+$0x50] =	vst v1  }
0x1b: {  	[tilespmem:s19+$0x60] =	vst v1;
	s19 =	sshra.s32 s20, $0x2;
	s20 =	sadd.s32 $0x200, s20  }
0x1c: {  	[tilespmem:s19+$0x70] =	vst v1  }
0x1d: {  	[tilespmem:s19+$0x0] =	vst v1  }
0x1e: {  	[tilespmem:s19+$0x10] =	vst v1  }
0x1f: {  	[tilespmem:s19+$0x20] =	vst v1  }
0x20: {  	[tilespmem:s19+$0x30] =	vst v1  }
0x21: {  	[tilespmem:s19+$0x40] =	vst v1  }
0x22: {  	[tilespmem:s19+$0x50] =	vst v1  }
0x23: {  	[tilespmem:s19+$0x60] =	vst v1  }
0x24: {  	[spmem:s4] =	stream.linear.scatter [tilespmem:s3], [sflag:$0x1], $0x2000, $0x38;
	[tilespmem:$0xBF00] =	vst v63  }
0x25: {  	_ =	swait.ge [sflag:s17], $0x2000  }
0x26: {  	[sflag:s17] =	ssyncset.done $0x0  }
0x27: {  	[sflag:s17] =	ssyncadd.s32 $0xFFFFE000  }
0x28: {  	[spmem:s5] =	stream.linear.scatter [tilespmem:s3], [sflag:$0x1], $0x2000, $0x38;
	[tilespmem:$0xBF00] =	vst v63  }
0x29: {  	_ =	swait.ge [sflag:s17], $0x2000  }
0x2a: {  	[sflag:s17] =	ssyncset.done $0x0  }
0x2b: {  	[sflag:s17] =	ssyncadd.s32 $0xFFFFE000  }
0x2c: {  	[spmem:s6] =	stream.linear.scatter [tilespmem:s3], [sflag:$0x1], $0x2000, $0x38;
	[tilespmem:$0xBF00] =	vst v63  }
0x2d: {  	_ =	swait.ge [sflag:s17], $0x2000  }
0x2e: {  	[sflag:s17] =	ssyncset.done $0x0  }
0x2f: {  	[sflag:s17] =	ssyncadd.s32 $0xFFFFE000  }
0x30: {  	[spmem:s7] =	stream.linear.scatter [tilespmem:s3], [sflag:$0x1], $0x2000, $0x38;
	[tilespmem:$0xBF00] =	vst v63  }
0x31: {  	_ =	swait.ge [sflag:s17], $0x2000  }
0x32: {  	[sflag:s17] =	ssyncset.done $0x0  }
0x33: {  	s19 =	simm.s32 @!p0 $0x0;
	[sflag:s17] =	ssyncadd.s32 $0xFFFFE000  }
0x34: {  	[spmem:s8] =	stream.linear.scatter @!p0 [tilespmem:s19], [sflag:$0x1], $0x2000, $0x38;
	[tilespmem:$0xBF00] =	vst v63  }
0x35: {  	s19 =	simm.s32 @!p0 $0x1  }
0x36: {  	s31 =	sadd.s32 $0x0, s2;
	_ =	swait.ge @!p0 [sflag:s19], $0x2000  }
0x37: {  	p2 =	sgt.u32 s31, $0x1387;
	[sflag:s19] =	ssyncset.done @!p0 $0x0  }
0x38: {  	s20 =	simm.s32 @!p2 $0x2000;
	[sflag:s19] =	ssyncadd.s32 @!p0 $0xFFFFE000  }
0x39: {  	s21 =	simm.s32 @!p2 $0x2;
	s19 =	simm.s32 @!p2 $0x0;
	[bflag:$0x0] =	sbarrier.arrive $0xFFFF  }
0x3a: {  	[tilespmem:s20], [sflag:$0x2] =	stream.linear.gather @!p2 [hbm4b:s15+s19], $0x40, $0x38;
	[tilespmem:$0xBF00] =	vst v63  }
0x3b: {  	_ =	swait.ge @!p2 [sflag:s21], $0x40  }
0x3c: {  	p1 =	por p2, p2;
	[sflag:s21] =	ssyncset.done @!p2 $0x0  }
0x3d: {  	[sflag:s21] =	ssyncadd.s32 @!p1 $0xFFFFFFC0  }
0x3e: {  	[tilespmem:s19], [sflag:$0x2] =	stream.linear.gather @!p1 [hbm4b:s16+s19], $0x2000, $0x38;
	[tilespmem:$0xBF00] =	vst v63  }
0x3f: {  	_ =	swait.ge @!p1 [sflag:s21], $0x2000  }
0x40: {  	[sflag:s21] =	ssyncset.done @!p1 $0x0  }
0x41: {  	[sflag:s21] =	ssyncadd.s32 @!p1 $0xFFFFE000  }
0x42: {  	v2 =	vld @!p1 [tilespmem:$0x2030]  }
0x43: {  	v3 =	vld @!p1 [tilespmem:$0x2020]  }
0x44: {  	v4 =	vld @!p1 [tilespmem:$0x2010]  }
0x45: {  	v5 =	vld @!p1 [tilespmem:$0x2000];
	_ =	sdelay $0x1  }
0x46: {  	v2 =	vadd.s32 @!p1 v0, v2  }
0x47: {  	v3 =	vadd.s32 @!p1 v0, v3;
	vm0 =	vlt.u32 @!p1 v2, $0x1388  }
0x48: {  	v4 =	vadd.s32 @!p1 v0, v4;
	vm1 =	vlt.u32 @!p1 v3, $0x1388;
	v2 =	vnsel @!p1 vm0, $0xFFFFFFFF, v2  }
0x49: {  	v5 =	vadd.s32 @!p1 v0, v5;
	vm0 =	vlt.u32 @!p1 v4, $0x1388;
	v3 =	vnsel @!p1 vm1, $0xFFFFFFFF, v3;
	[tilespmem:$0x20B0] =	vst @!p1 v2  }
0x4a: {  	vm1 =	vlt.u32 @!p1 v5, $0x1388;
	v2 =	vnsel @!p1 vm0, $0xFFFFFFFF, v4;
	[tilespmem:$0x20A0] =	vst @!p1 v3  }
0x4b: {  	s22 =	sadd.s32 $0x4000, s16;
	s23 =	simm.s32 @!p2 $0x40;
	v3 =	vnsel @!p1 vm1, $0xFFFFFFFF, v5;
	[tilespmem:$0x2090] =	vst @!p1 v2  }
0x4c: {  	s24 =	simm.s32 @!p2 $0x2080;
	s20 =	simm.s32 $0x10;
	s21 =	sadd.s32 $0x80, s15;
	[tilespmem:$0x2080] =	vst @!p1 v3  }
.LBB2_4:
0x4d: {  	s25 =	sadd.s32 s20, s2;
	(ifvalue) =	ssetifvalue @!p1 $0xFFFFFFFF;
	s26 =	simm.s32 @!p1 $0x1  }
0x4e: {  	[spmem:s1] =	stream.indirect.scatter.add.f32 @!p1 [tilespmem:s19], [sflag:$0x1], $0x80, s24, s23, $0x40b8;
	[tilespmem:$0xBF00] =	vst v63  }
0x4f: {  	s20 =	sadd.s32 $0x10, s20;
	p3 =	sgt.u32 s25, $0x1387;
	_ =	swait.ge @!p1 [sflag:s26], $0x2000  }
0x50: {  	s19 =	simm.s32 @!p3 $0x0;
	s24 =	simm.s32 @!p3 $0x2000;
	[sflag:s26] =	ssyncset.done @!p1 $0x0  }
0x51: {  	s25 =	simm.s32 @!p3 $0x2;
	s23 =	simm.s32 @!p3 $0x40;
	[sflag:s26] =	ssyncadd.s32 @!p1 $0xFFFFE000  }
0x52: {  	[tilespmem:s24], [sflag:$0x2] =	stream.linear.gather @!p3 [hbm4b:s21+s19], $0x40, $0x38;
	[tilespmem:$0xBF00] =	vst v63  }
0x53: {  	p2 =	sne.s32 s20, $0x1390;
	s24 =	simm.s32 @!p3 $0x2080;
	_ =	swait.ge @!p3 [sflag:s25], $0x40  }
0x54: {  	p1 =	por p3, p3;
	[sflag:s25] =	ssyncset.done @!p3 $0x0  }
0x55: {  	[sflag:s25] =	ssyncadd.s32 @!p1 $0xFFFFFFC0  }
0x56: {  	[tilespmem:s19], [sflag:$0x2] =	stream.linear.gather @!p1 [hbm4b:s22+s19], $0x2000, $0x38;
	[tilespmem:$0xBF00] =	vst v63  }
0x57: {  	_ =	swait.ge @!p1 [sflag:s25], $0x2000  }
0x58: {  	[sflag:s25] =	ssyncset.done @!p1 $0x0  }
0x59: {  	[sflag:s25] =	ssyncadd.s32 @!p1 $0xFFFFE000  }
0x5a: {  	v2 =	vld @!p1 [tilespmem:$0x2030]  }
0x5b: {  	v3 =	vld @!p1 [tilespmem:$0x2020]  }
0x5c: {  	v4 =	vld @!p1 [tilespmem:$0x2010]  }
0x5d: {  	v5 =	vld @!p1 [tilespmem:$0x2000];
	_ =	sdelay $0x1  }
0x5e: {  	v2 =	vadd.s32 @!p1 v0, v2  }
0x5f: {  	v3 =	vadd.s32 @!p1 v0, v3;
	vm0 =	vlt.u32 @!p1 v2, $0x1388  }
.Ltmp1:
0x60: {  	v4 =	vadd.s32 @!p1 v0, v4;
	vm1 =	vlt.u32 @!p1 v3, $0x1388;
	v2 =	vnsel @!p1 vm0, $0xFFFFFFFF, v2;
	(pc) =	sbr.rel @p2 .LBB2_4-.Ltmp1, $4  }
0x61: {  	v5 =	vadd.s32 @!p1 v0, v5;
	vm0 =	vlt.u32 @!p1 v4, $0x1388;
	v3 =	vnsel @!p1 vm1, $0xFFFFFFFF, v3;
	[tilespmem:$0x20B0] =	vst @!p1 v2  }
0x62: {  	vm1 =	vlt.u32 @!p1 v5, $0x1388;
	v2 =	vnsel @!p1 vm0, $0xFFFFFFFF, v4;
	[tilespmem:$0x20A0] =	vst @!p1 v3  }
0x63: {  	v3 =	vnsel @!p1 vm1, $0xFFFFFFFF, v5;
	[tilespmem:$0x2090] =	vst @!p1 v2  }
0x64: {  	s21 =	sadd.s32 $0x80, s21;
	s22 =	sadd.s32 $0x4000, s22;
	[tilespmem:$0x2080] =	vst @!p1 v3  }
0x65: {  	(ifvalue) =	ssetifvalue @!p1 $0xFFFFFFFF;
	s20 =	simm.s32 @!p1 $0x1  }
0x66: {  	[spmem:s1] =	stream.indirect.scatter.add.f32 @!p1 [tilespmem:s19], [sflag:$0x1], $0x80, s24, s23, $0x40b8;
	[tilespmem:$0xBF00] =	vst v63  }
0x67: {  	_ =	swait.ge @!p1 [sflag:s20], $0x2000  }
0x68: {  	[sflag:s20] =	ssyncset.done @!p1 $0x0  }
0x69: {  	s26 =	sshll.u32 s2, $0x6;
	[sflag:s20] =	ssyncadd.s32 @!p1 $0xFFFFE000  }
0x6a: {  	s28 =	sshrl.u32 s4, $0x3;
	s19 =	sor.u32 $0x1C01, s26;
	[bflag:$0x0] =	sbarrier.arrive $0xFFFF  }
0x6b: {  	[hbm:s9], [sflag:s19] =	dma.local [spmem:s28], $0x400  }
0x6c: {  	_ =	swait.ge [sflag:s17], $0x400  }
0x6d: {  	[sflag:s17] =	ssyncset.done $0x0  }
0x6e: {  	s29 =	sshrl.u32 s5, $0x3;
	[sflag:s17] =	ssyncadd.s32 $0xFFFFFC00  }
0x6f: {  	[hbm:s10], [sflag:s19] =	dma.local [spmem:s29], $0x400  }
0x70: {  	_ =	swait.ge [sflag:s17], $0x400  }
0x71: {  	[sflag:s17] =	ssyncset.done $0x0  }
0x72: {  	s30 =	sshrl.u32 s6, $0x3;
	[sflag:s17] =	ssyncadd.s32 $0xFFFFFC00  }
0x73: {  	[hbm:s11], [sflag:s19] =	dma.local [spmem:s30], $0x400  }
0x74: {  	_ =	swait.ge [sflag:s17], $0x400  }
0x75: {  	[sflag:s17] =	ssyncset.done $0x0  }
0x76: {  	s31 =	sshrl.u32 s7, $0x3;
	[sflag:s17] =	ssyncadd.s32 $0xFFFFFC00  }
0x77: {  	[hbm:s12], [sflag:s19] =	dma.local [spmem:s31], $0x400  }
0x78: {  	_ =	swait.ge [sflag:s17], $0x400  }
0x79: {  	s18 =	sadd.s32 $0x1, s18;
	[sflag:s17] =	ssyncset.done $0x0  }
0x7a: {  	s20 =	sshrl.u32 @!p0 s8, $0x3;
	p1 =	sne.s32 s18, s14;
	[sflag:s17] =	ssyncadd.s32 $0xFFFFFC00  }
0x7b: {  	[hbm:s13], [sflag:s19] =	dma.local @!p0 [spmem:s20], $0x400  }
.Ltmp2:
0x7c: {  	_ = 	snop;
	(pc) =	sbr.rel @p1 .LBB2_1-.Ltmp2, $4  }
0x7d: {  	s19 =	simm.s32 @!p0 $0x1  }
0x7e: {  	_ =	swait.ge @!p0 [sflag:s19], $0x400  }
0x7f: {  	[sflag:s19] =	ssyncset.done @!p0 $0x0  }
0x80: {  	[sflag:s19] =	ssyncadd.s32 @!p0 $0xFFFFFC00  }
0x81: {  	_ =	sfence.sel $0x180000  }
0x82: {  	[bflag:$0x0] =	sbarrier.arrive $0xFFFF  }
0x83: {  	p0 =	sne.s32 s2, $0x0;
	_ =	strace $0x9000004D  }
0x84: {  	s0 =	sadd.s32 @!p0 $0x100000, s0;
	[bflag:$0x2] =	sbarrier.arrive $0xFFFF  }
0x85: {  	[sflag:s0] =	ssyncadd.tile.s32 @!p0 $0x1;
	_ =	shalt  }
.Lfunc_end2:
_tile_overlayer_lowered:
.L_overlay_start_2:
0x86: {  	(tag) =	ssettag $0x2  }
0x87: {  	s0 =	rddreg [dreg:$0x0];
	s2 =	stileid.u32  }
0x88: {  	s1 =	rddreg [dreg:$0x1];
	p0 =	sne.s32 s2, $0x0  }
0x89: {  	s3 =	rddreg [dreg:$0x2];
	[bflag:$0x3] =	sbarrier.arrive $0xFFFF;
	s2 =	simm.s32 @!p0 $0x1C01  }
0x8a: {  	[timem:s3], [sflag:s2] =	dma.local @!p0 [hbm:s0], s1  }
0x8b: {  	s0 =	simm.s32 @!p0 $0x1  }
0x8c: {  	_ =	swait.ge @!p0 [sflag:s0], s1  }
0x8d: {  	s1 =	ssub.s32 @!p0 $0x0, s1;
	[sflag:s0] =	ssyncset.done @!p0 $0x0  }
0x8e: {  	[sflag:s0] =	ssyncadd.s32 @!p0 s1  }
0x8f: {  	[bflag:$0x3] =	sbarrier.arrive $0xFFFF  }
0x90: {  	_ =	shalt  }

// kernel: kernel.8.cloned.1.call-start
scs
__scs_entry_jumppad:
0x0: {  	(pc) =	sbr.rel $0x88, $3  }
0x1: {  	(tag) =	ssettag $0x0;
	lr =	simm.s32 $0x1  }
0x2: {  	[smem:$0x3F90] =	sst lr;
	_ =	strace $0xD0000000  }
0x3: {  	_ = 	snop  }
0x4: {  	_ = 	snop  }
0x5: {  	_ = 	snop  }
0x6: {  	_ = 	snop  }
0x7: {  	_ = 	snop  }
__scs_overlays_trampoline_lowered:
0x8: {  	[smem:$0x3F9F] =	sst s0  }
0x9: {  	[smem:$0x3FA0] =	sst s1  }
0xa: {  	[smem:$0x3FA1] =	sst s2  }
0xb: {  	[smem:$0x3FA2] =	sst s3  }
0xc: {  	[smem:$0x3FA3] =	sst s4  }
0xd: {  	[smem:$0x3FA4] =	sst s5  }
0xe: {  	[smem:$0x3FA5] =	sst s6  }
0xf: {  	[smem:$0x3FA6] =	sst s7  }
0x10: {  	[smem:$0x3FA7] =	sst s8  }
0x11: {  	[smem:$0x3FA8] =	sst s9;
	s0 =	simm.s32 @!p0 $0x0  }
0x12: {  	s1 =	sld [smem:$0x3F8E];
	s0 =	simm.s32 @p0 $0x1  }
0x13: {  	[smem:$0x3FA9] =	sst s0;
	s0 =	simm.s32 @!p1 $0x0  }
0x14: {  	s2 =	sld [smem:$0x3F8D];
	s0 =	simm.s32 @p1 $0x1  }
0x15: {  	[smem:$0x3FAA] =	sst s0;
	s0 =	simm.s32 @!p2 $0x0  }
0x16: {  	s3 =	sld [smem:$0x3FDB];
	s0 =	simm.s32 @p2 $0x1  }
0x17: {  	s4 =	simm.s32 $0x1BF5;
	[smem:$0x3FAC] =	sst s0  }
0x18: {  	s0 =	sld [smem:$0x3F8F];
	_ =	swait.ge [sflag:s4], $0x0  }
0x19: {  	s7 =	sld [smem:$0x3F90]  }
0x1a: {  	s8 =	sadd.s32 $0xFFFFE003, lr  }
0x1b: {  	s9 =	sadd.s32 $0xFFFFFEF7, lr;
	s5 =	simm.s32 $0xFFFFFFFF;
	p2 =	slt.u32 s8, $0xFFFFF086  }
0x1c: {  	p1 =	slt.u32 s9, $0xF7A;
	s5 =	simm.s32 @!p2 $0x0  }
0x1d: {  	s5 =	simm.s32 @p1 $0x1;
	p0 =	seq.s32 s7, s2  }
0x1e: {  	s7 =	smul.u32 @!p0 $0xF7A, s2;
	p2 =	seq.s32 @!p0 s5, $0x0  }
0x1f: {  	s9 =	smul.u32 $0xF7A, s1;
	s8 =	simm.s32 @!p0 $0x1BF5;
	p2 =	por !p2, p0  }
0x20: {  	[sflag:s8] =	ssyncset.s32 @!p0 $0xFFFFF086;
	s6 =	sadd.s32 @!p0 s3, s7;
	s7 =	simm.s32 @!p0 $0x108  }
0x21: {  	s3 =	sadd.s32 s3, s9;
	s6 =	sadd.s32 @!p0 $0x88, s6;
	s7 =	simm.s32 @p2 $0x1082  }
0x22: {  	[simem:s7], [sflag:s8] =	dma.local @!p0 [hbm:s6], $0xF7A  }
0x23: {  	s9 =	sor.u32 $0xD0000000, s2;
	s6 =	simm.s32 $0x108;
	_ =	swait.ge @!p0 [sflag:s8], $0x0  }
0x24: {  	s3 =	sadd.s32 $0x88, s3;
	s6 =	simm.s32 @!p1 $0x1082;
	[sflag:s4] =	ssyncset.s32 $0xFFFFF086  }
0x25: {  	[simem:s6], [sflag:s4] =	dma.local [hbm:s3], $0xF7A  }
0x26: {  	[smem:$0x3F90] =	sst s1;
	(tag) =	ssettag s2;
	_ =	strace s9  }
0x27: {  	s1 =	sld [smem:$0x3FA0]  }
0x28: {  	s2 =	sld [smem:$0x3FA1]  }
0x29: {  	s4 =	sld [smem:$0x3FA3]  }
0x2a: {  	p0 =	seq.s32 s5, $0x0;
	s5 =	sld [smem:$0x3FA4]  }
0x2b: {  	s6 =	sld [smem:$0x3FA5]  }
0x2c: {  	s7 =	sld [smem:$0x3FA6]  }
0x2d: {  	s3 =	simm.s32 $0x108;
	s8 =	sld [smem:$0x3FA7]  }
0x2e: {  	s3 =	simm.s32 @!p0 $0x1082;
	s9 =	sld [smem:$0x3FA8]  }
0x2f: {  	lr =	sadd.s32 s0, s3;
	s0 =	sld [smem:$0x3F9F]  }
0x30: {  	s3 =	sld [smem:$0x3FA2]  }
0x31: {  	[smem:$0x3FAB] =	sst s10  }
0x32: {  	s10 =	sld [smem:$0x3FA9];
	_ =	sdelay $0x3  }
0x33: {  	p0 =	seq.s32 s10, $0x1;
	s10 =	sld [smem:$0x3FAB];
	_ =	sdelay $0x3  }
0x34: {  	[smem:$0x3FAB] =	sst s10  }
0x35: {  	s10 =	sld [smem:$0x3FAA];
	_ =	sdelay $0x3  }
0x36: {  	p1 =	seq.s32 s10, $0x1;
	s10 =	sld [smem:$0x3FAB];
	_ =	sdelay $0x3  }
0x37: {  	[smem:$0x3FAB] =	sst s10  }
0x38: {  	s10 =	sld [smem:$0x3FAC]  }
0x39: {  	_ = 	snop;
	(pc) =	sbr.ind lr, $3  }
0x3a: {  	_ = 	snop  }
0x3b: {  	_ = 	snop  }
0x3c: {  	p2 =	seq.s32 s10, $0x1;
	s10 =	sld [smem:$0x3FAB]  }
0x3d: {  	_ =	shalt  }
0x3e: {  	_ =	shalt  }
0x3f: {  	_ =	shalt  }
0x40: {  	_ =	shalt  }
0x41: {  	_ =	shalt  }
0x42: {  	_ =	shalt  }
0x43: {  	_ =	shalt  }
0x44: {  	_ =	shalt  }
0x45: {  	_ =	shalt  }
0x46: {  	_ =	shalt  }
0x47: {  	_ =	shalt  }
0x48: {  	_ =	shalt  }
0x49: {  	_ =	shalt  }
0x4a: {  	_ =	shalt  }
0x4b: {  	_ =	shalt  }
0x4c: {  	_ =	shalt  }
0x4d: {  	_ =	shalt  }
0x4e: {  	_ =	shalt  }
0x4f: {  	_ =	shalt  }
0x50: {  	_ =	shalt  }
0x51: {  	_ =	shalt  }
0x52: {  	_ =	shalt  }
0x53: {  	_ =	shalt  }
0x54: {  	_ =	shalt  }
0x55: {  	_ =	shalt  }
0x56: {  	_ =	shalt  }
0x57: {  	_ =	shalt  }
0x58: {  	_ =	shalt  }
0x59: {  	_ =	shalt  }
0x5a: {  	_ =	shalt  }
0x5b: {  	_ =	shalt  }
0x5c: {  	_ =	shalt  }
0x5d: {  	_ =	shalt  }
0x5e: {  	_ =	shalt  }
0x5f: {  	_ =	shalt  }
0x60: {  	_ =	shalt  }
0x61: {  	_ =	shalt  }
0x62: {  	_ =	shalt  }
0x63: {  	_ =	shalt  }
0x64: {  	_ =	shalt  }
0x65: {  	_ =	shalt  }
0x66: {  	_ =	shalt  }
0x67: {  	_ =	shalt  }
0x68: {  	_ =	shalt  }
0x69: {  	_ =	shalt  }
0x6a: {  	_ =	shalt  }
0x6b: {  	_ =	shalt  }
0x6c: {  	_ =	shalt  }
0x6d: {  	_ =	shalt  }
0x6e: {  	_ =	shalt  }
0x6f: {  	_ =	shalt  }
0x70: {  	_ =	shalt  }
0x71: {  	_ =	shalt  }
0x72: {  	_ =	shalt  }
0x73: {  	_ =	shalt  }
0x74: {  	_ =	shalt  }
0x75: {  	_ =	shalt  }
0x76: {  	_ =	shalt  }
0x77: {  	_ =	shalt  }
0x78: {  	_ =	shalt  }
0x79: {  	_ =	shalt  }
0x7a: {  	_ =	shalt  }
0x7b: {  	_ =	shalt  }
0x7c: {  	_ =	shalt  }
0x7d: {  	_ =	shalt  }
0x7e: {  	_ =	shalt  }
0x7f: {  	_ =	shalt  }
0x80: {  	_ =	shalt  }
0x81: {  	_ =	shalt  }
0x82: {  	_ =	shalt  }
0x83: {  	_ =	shalt  }
0x84: {  	_ =	shalt  }
0x85: {  	_ =	shalt  }
0x86: {  	_ =	shalt  }
0x87: {  	_ =	shalt  }
.Lfunc_end0:
.L_simem_size_0:
called_computation_lowered:
.L_overlay_start_0:
0x88: {  	s2 =	sld [smem:$0x3FD9]  }
0x89: {  	s3 =	sld [smem:$0x3FFE];
	_ =	sdelay $0x1  }
0x8a: {  	s1 =	srdreg.scid  }
0x8b: {  	s0 =	sand.u32 $0x1, s1  }
0x8c: {  	s14 =	sshll.u32 s0, $0xA;
	s2 =	sadd.s32 s3, s2  }
0x8d: {  	s2 =	sadd.s32 s2, s14  }
0x8e: {  	[smem:$0x3FB7] =	sst s2  }
0x8f: {  	_ = 	snop  }
0x90: {  	s2 =	sld [smem:$0x3FD0];
	_ =	sdelay $0x2  }
0x91: {  	s15 =	simm.s32 $0xB;
	s4 =	simm.s32 $0x10  }
0x92: {  	[smem:s4], [sflag:s15] =	dma.local [hbm:s2], $0x1  }
0x93: {  	_ =	swait.eq [sflag:s15], $0x1  }
0x94: {  	[sflag:s15] =	ssyncset.done $0x0  }
0x95: {  	s16 =	sld [smem:$0x10];
	[sflag:s15] =	ssyncadd.s32 $0xFFFFFFFF  }
0x96: {  	s17 =	sld [smem:$0x11];
	(tm) =	ssettm $0x1  }
0x97: {  	s18 =	sld [smem:$0x3FFB];
	_ =	sdelay $0x3  }
0x98: {  	_ =	strace s18  }
0x99: {  	s4 =	sld [smem:$0x3FFC];
	_ =	sdelay $0x3  }
0x9a: {  	_ =	strace s4  }
0x9b: {  	s4 =	sld [smem:$0x3FFD];
	_ =	sdelay $0x3  }
0x9c: {  	_ =	strace s4  }
0x9d: {  	_ =	strace $0x8FFFFFFF  }
0x9e: {  	s19 =	sld [smem:$0x3FDB];
	_ =	sdelay $0x1  }
0x9f: {  	s5 =	simm.s32 $_scs_section_size  }
0xa0: {  	s6 =	simm.s32 $_size__tile_overlayer_lowered;
	s7 =	simm.s32 $_tile_overlayer_lowered  }
0xa1: {  	s22 =	simm.s32 $0x1BFF;
	s21 =	sshll.u32 s7, $0x1;
	s4 =	sadd.s32 s5, s19  }
0xa2: {  	s8 =	simm.s32 $0x0;
	s20 =	sshll.u32 s6, $0x1;
	s6 =	sadd.s32 s21, s4  }
0xa3: {  	[timem:s8], [sflag:s22] =	dma.local [hbm:s6], s20  }
0xa4: {  	_ =	swait.ge [sflag:s22], s20  }
0xa5: {  	s5 =	ssub.s32 $0x0, s20;
	[sflag:s22] =	ssyncset.done $0x0  }
0xa6: {  	[sflag:s22] =	ssyncadd.s32 s5;
	_ =	sdelay $0x1  }
0xa7: {  	s23 =	simm.s32 $0x1B8B  }
0xa8: {  	_ =	swait.ge [sflag:s23], $0x1  }
0xa9: {  	[sflag:s23] =	ssyncset.done $0x0  }
0xaa: {  	s25 =	simm.s32 $0x1B8E;
	s24 =	sld [smem:$0x3FFE];
	[sflag:s23] =	ssyncadd.s32 $0xFFFFFFFF  }
0xab: {  	s26 =	simm.s32 $execute0_lowered;
	[smem:$0x3FD2] =	sst s25  }
0xac: {  	s6 =	sshll.u32 s26, $0x1;
	_ =	strace $0x80000046;
	[dreg:$0x1] =	wrdreg $0xFFFFFFFF  }
0xad: {  	s28 =	simm.s32 $_size_execute0_lowered;
	s4 =	sadd.s32 s4, s6;
	[dreg:$0x0] =	wrdreg $0x0  }
0xae: {  	s6 =	sshll.u32 s28, $0x1;
	[dreg:$0x2] =	wrdreg s4  }
0xaf: {  	[dreg:$0x3] =	wrdreg s6  }
0xb0: {  	[dreg:$0x4] =	wrdreg $0xC0  }
0xb1: {  	_ =	task [dreg:s8], $0x5FFFF  }
0xb2: {  	[dreg:$0x1] =	wrdreg $0xFFFFFFFF  }
0xb3: {  	[dreg:$0x0] =	wrdreg $0x60  }
0xb4: {  	[dreg:$0x2] =	wrdreg s16  }
0xb5: {  	[dreg:$0x3] =	wrdreg s17  }
0xb6: {  	[dreg:$0x4] =	wrdreg s24  }
0xb7: {  	[dreg:$0x5] =	wrdreg $0xA  }
0xb8: {  	_ =	task.clear_ibuf [dreg:s8], $0x6FFFF;
	_ =	strace $0x90000046  }
0xb9: {  	s29 =	simm.s32 $0xA;
	_ =	strace $0x80000048  }
0xba: {  	_ =	swait.ge [sflag:s29], $0x1  }
0xbb: {  	[sflag:s29] =	ssyncadd.s32 $0xFFFFFFFF  }
0xbc: {  	_ =	strace $0x90000048  }
0xbd: {  	_ =	sfence  }
0xbe: {  	s30 =	sld [smem:$0x0];
	_ =	sdelay $0x2  }
0xbf: {  	s31 =	sshll.u32 s1, $0xD;
	s1 =	sshrl.u32 s1, $0x2  }
0xc0: {  	s3 =	sand.u32 $0x4000, s31;
	s1 =	sadd.s32 s1, s30  }
0xc1: {  	s0 =	sor.u32 s3, s0;
	s1 =	sshll.u32 s1, $0x11  }
0xc2: {  	s0 =	sor.u32 s1, s0  }
0xc3: {  	s0 =	sadd.s32 $0x8F2B, s0  }
0xc4: {  	[sflag:s0] =	ssyncadd.remote.s32 $0x1  }
0xc5: {  	_ =	sfence.sel $0xFFFF  }
0xc6: {  	[dreg:$0x0] =	wrdreg $0xFFFFFFFF;
	(pc) =	sbr.abs _section_cstart, $3  }
0xc7: {  	[dreg:$0x1] =	wrdreg $0xFFFFFFFF  }
0xc8: {  	_ =	task.clear_ibuf [dreg:s8], $0x2FFFF;
	_ =	strace $0x9FFFFFFF  }
0xc9: {  	(tm) =	ssettm $0x7FFFFFFF  }
tec
execute0_lowered:
.L_overlay_start_1:
0x0: {  	(tag) =	ssettag $0x1  }
0x1: {  	s1 =	rddreg [dreg:$0x0]  }
0x2: {  	s2 =	rddreg [dreg:$0x1]  }
0x3: {  	s0 =	rddreg [dreg:$0x2];
	s24 =	simm.s32 $0x0  }
0x4: {  	s3 =	srdreg.scid;
	s4 =	stileid.u32;
	s28 =	simm.s32 $0x5300  }
0x5: {  	s30 =	simm.s32 $0x200;
	s31 =	simm.s32 $0x280;
	s11 =	simm.s32 $0x2  }
0x6: {  	s12 =	simm.s32 $0x3;
	s13 =	simm.s32 $0x4;
	s17 =	simm.s32 $0x5  }
0x7: {  	s18 =	simm.s32 $0x6;
	s3 =	sand.u32 $0x1, s3;
	s4 =	sshll.u32 s4, $0x1  }
0x8: {  	[smem:$0x7FF] =	sst s24;
	s9 =	ssub.s32 $0x2, s3;
	s3 =	sor.u32 s3, s4  }
0x9: {  	s5 =	sadd.s32 $0x4200, s0;
	s7 =	sadd.s32 $0xE000, s0;
	s6 =	smul.u32 $0x2710, s3  }
0xa: {  	s8 =	sadd.s32 $0x17E00, s0;
	s20 =	sshrl.u32 s9, $0x1;
	s3 =	smul.u32 $0x138800, s3  }
0xb: {  	_ =	strace $0x80000047;
	s21 =	ssub.s32 s9, s20;
	s20 =	simm.s32 $0x7  }
0xc: {  	s22 =	sshrl.u32 s6, $0x3;
	s23 =	sadd.s32 $0x50, s6;
	s3 =	sshrl.u32 s3, $0x3  }
0xd: {  	s26 =	sadd.s32 $0xA0, s6;
	s15 =	sadd.s32 $0xF0, s6;
	s16 =	sadd.s32 $0x140, s6  }
0xe: {  	s0 =	smax.u32 s21, $0x1;
	s21 =	simm.s32 $0x80;
	s10 =	sadd.s32 s5, s22  }
0xf: {  	s4 =	sadd.s32 s7, s22;
	s14 =	smov.u32 s23;
	[dreg:$0x8] =	wrdreg s26  }
0x10: {  	s25 =	sshrl.u32 s23, $0x3;
	s3 =	sadd.s32 s8, s3;
	[dreg:$0xb] =	wrdreg s0  }
0x11: {  	s22 =	simm.s32 $0x50;
	s23 =	simm.s32 $0x300;
	[dreg:$0x4] =	wrdreg s10  }
0x12: {  	s26 =	simm.s32 $0x180;
	[dreg:$0x5] =	wrdreg s4;
	s9 =	sadd.s32 s5, s25  }
0x13: {  	s0 =	simm.s32 $0xA300;
	s4 =	sadd.s32 s7, s25;
	[dreg:$0x6] =	wrdreg s9  }
0x14: {  	s29 =	sadd.s32 $0x26700, s3;
	s3 =	sadd.s32 $0x26C00, s3;
	[dreg:$0x7] =	wrdreg s4  }
0x15: {  	s25 =	simm.s32 $0x100;
	s10 =	simm.s32 $0x1;
	[dreg:$0x9] =	wrdreg s29  }
0x16: {  	s9 =	smov.u32 s6;
	[dreg:$0xa] =	wrdreg s3;
	s4 =	simm.s32 $0x0  }
.LBB2_1:
0x17: {  	[dreg:$0xc] =	wrdreg s4  }
0x18: {  	s3 =	rddreg [dreg:$0x4]  }
0x19: {  	[tilespmem:s24], [sflag:$0x7] =	stream.linear.gather [hbm4b:s3+s24], $0x50, $0x38;
	[tilespmem:$0xF300] =	vst v63  }
0x1a: {  	_ =	swait.ge [sflag:s20], $0x50  }
0x1b: {  	[sflag:s20] =	ssyncset.done $0x0  }
0x1c: {  	s29 =	rddreg [dreg:$0x5];
	[sflag:s20] =	ssyncadd.s32 $0xFFFFFFB0  }
0x1d: {  	[tilespmem:s21], [sflag:$0x7] =	stream.linear.gather [hbm4b:s29+s24], $0x50, $0x38;
	[tilespmem:$0xF300] =	vst v63  }
0x1e: {  	_ =	swait.ge [sflag:s20], $0x50  }
0x1f: {  	[sflag:s20] =	ssyncset.done $0x0  }
0x20: {  	[sflag:s20] =	ssyncadd.s32 $0xFFFFFFB0  }
0x21: {  	[tilespmem:s23], [sflag:$0x1] =	stream.indirect.gather [hbm4b:s1+s22], $0x80, s24, s22, $0xb8;
	[tilespmem:$0xF300] =	vst v63  }
0x22: {  	s4 =	simm.s32 $0x2B00  }
0x23: {  	[tilespmem:s4], [sflag:$0x2] =	stream.indirect.gather [hbm4b:s2+s22], $0x80, s21, s22, $0xb8;
	[tilespmem:$0xF300] =	vst v63  }
0x24: {  	s6 =	rddreg [dreg:$0x6]  }
0x25: {  	[tilespmem:s25], [sflag:$0x7] =	stream.linear.gather [hbm4b:s6+s24], $0x50, $0x38;
	[tilespmem:$0xF300] =	vst v63  }
0x26: {  	_ =	swait.ge [sflag:s20], $0x50  }
0x27: {  	[sflag:s20] =	ssyncset.done $0x0  }
0x28: {  	s19 =	rddreg [dreg:$0x7];
	[sflag:s20] =	ssyncadd.s32 $0xFFFFFFB0  }
0x29: {  	[tilespmem:s26], [sflag:$0x7] =	stream.linear.gather [hbm4b:s19+s24], $0x50, $0x38;
	[tilespmem:$0xF300] =	vst v63  }
0x2a: {  	_ =	swait.ge [sflag:s20], $0x50  }
0x2b: {  	[sflag:s20] =	ssyncset.done $0x0  }
0x2c: {  	[sflag:s20] =	ssyncadd.s32 $0xFFFFFFB0  }
0x2d: {  	[tilespmem:s28], [sflag:$0x3] =	stream.indirect.gather [hbm4b:s1+s22], $0x80, s25, s22, $0xb8;
	[tilespmem:$0xF300] =	vst v63  }
0x2e: {  	s29 =	simm.s32 $0x7B00;
	s19 =	simm.s32 $0x0  }
0x2f: {  	[tilespmem:s29], [sflag:$0x4] =	stream.indirect.gather [hbm4b:s2+s22], $0x80, s26, s22, $0xb8;
	[tilespmem:$0xF300] =	vst v63  }
.LBB2_2:
0x30: {  	s24 =	smul.u32 $0xF0, s19  }
0x31: {  	s3 =	rddreg [dreg:$0x8]  }
0x32: {  	s3 =	sadd.s32 s24, s3  }
0x33: {  	s4 =	sshrl.u32 s3, $0x3  }
0x34: {  	s6 =	simm.s32 $0x0;
	s29 =	sadd.s32 s5, s4  }
0x35: {  	[tilespmem:s30], [sflag:$0x7] =	stream.linear.gather [hbm4b:s29+s6], $0x50, $0x38;
	[tilespmem:$0xF300] =	vst v63  }
0x36: {  	_ =	swait.ge [sflag:s20], $0x50  }
0x37: {  	[sflag:s20] =	ssyncset.done $0x0  }
0x38: {  	s4 =	sadd.s32 s7, s4;
	[sflag:s20] =	ssyncadd.s32 $0xFFFFFFB0  }
0x39: {  	[tilespmem:s31], [sflag:$0x7] =	stream.linear.gather [hbm4b:s4+s6], $0x50, $0x38;
	[tilespmem:$0xF300] =	vst v63  }
0x3a: {  	_ =	swait.ge [sflag:s20], $0x50  }
0x3b: {  	[sflag:s20] =	ssyncset.done $0x0  }
0x3c: {  	[sflag:s20] =	ssyncadd.s32 $0xFFFFFFB0  }
0x3d: {  	[tilespmem:s0], [sflag:$0x5] =	stream.indirect.gather [hbm4b:s1+s22], $0x80, s30, s22, $0xb8;
	[tilespmem:$0xF300] =	vst v63  }
0x3e: {  	s6 =	simm.s32 $0xCB00  }
0x3f: {  	[tilespmem:s6], [sflag:$0x6] =	stream.indirect.gather [hbm4b:s2+s22], $0x80, s31, s22, $0xb8;
	[tilespmem:$0xF300] =	vst v63  }
0x40: {  	_ =	swait.ge [sflag:s10], $0x2800  }
0x41: {  	[sflag:s10] =	ssyncset.done $0x0  }
0x42: {  	[sflag:s10] =	ssyncadd.s32 $0xFFFFD800  }
0x43: {  	_ =	swait.ge [sflag:s11], $0x2800  }
0x44: {  	[sflag:s11] =	ssyncset.done $0x0  }
0x45: {  	s29 =	simm.s32 $0x0;
	[sflag:s11] =	ssyncadd.s32 $0xFFFFD800  }
0x46: {  	v7 =	vld [tilespmem:s29+$0x2B00]  }
0x47: {  	v11 =	vld [tilespmem:s29+$0x2B10]  }
0x48: {  	v5 =	vld [tilespmem:s29+$0x2B20]  }
0x49: {  	v4 =	vld [tilespmem:s29+$0x2B30]  }
0x4a: {  	v3 =	vld [tilespmem:s29+$0x2B40]  }
0x4b: {  	v2 =	vld [tilespmem:s29+$0x2B50]  }
0x4c: {  	v1 =	vld [tilespmem:s29+$0x2B60]  }
0x4d: {  	v0 =	vld [tilespmem:s29+$0x2B70]  }
0x4e: {  	v12 =	vld [tilespmem:s29+$0x300]  }
0x4f: {  	v13 =	vld [tilespmem:s29+$0x310]  }
0x50: {  	v10 =	vld [tilespmem:s29+$0x320]  }
0x51: {  	v9 =	vld [tilespmem:s29+$0x330]  }
0x52: {  	v8 =	vld [tilespmem:s29+$0x340]  }
0x53: {  	v6 =	vld [tilespmem:s29+$0x350];
	v12 =	vadd.f32 v7, v12  }
0x54: {  	s4 =	simm.s32 $0x200;
	v11 =	vadd.f32 v11, v13;
	v7 =	vld [tilespmem:s29+$0x360]  }
.LBB2_3:
0x55: {  	s6 =	sshra.s32 s4, $0x2;
	p0 =	sne.s32 s4, $0x9E00;
	[tilespmem:s29+$0x300] =	vst v12;
	v5 =	vadd.f32 v5, v10;
	v10 =	vld [tilespmem:s29+$0x370]  }
0x56: {  	v12 =	vld [tilespmem:s6+$0x2B00];
	[tilespmem:s29+$0x310] =	vst v11;
	v4 =	vadd.f32 v4, v9  }
0x57: {  	v11 =	vld [tilespmem:s6+$0x2B10];
	[tilespmem:s29+$0x320] =	vst v5;
	v3 =	vadd.f32 v3, v8  }
0x58: {  	v5 =	vld [tilespmem:s6+$0x2B20];
	[tilespmem:s29+$0x330] =	vst v4;
	v2 =	vadd.f32 v2, v6  }
0x59: {  	v4 =	vld [tilespmem:s6+$0x2B30];
	[tilespmem:s29+$0x340] =	vst v3;
	v1 =	vadd.f32 v1, v7  }
0x5a: {  	v3 =	vld [tilespmem:s6+$0x2B40];
	[tilespmem:s29+$0x350] =	vst v2;
	v0 =	vadd.f32 v0, v10  }
0x5b: {  	v2 =	vld [tilespmem:s6+$0x2B50];
	[tilespmem:s29+$0x360] =	vst v1  }
0x5c: {  	v1 =	vld [tilespmem:s6+$0x2B60];
	[tilespmem:s29+$0x370] =	vst v0;
	s29 =	smov.u32 s6  }
0x5d: {  	v0 =	vld [tilespmem:s29+$0x2B70]  }
0x5e: {  	v6 =	vld [tilespmem:s29+$0x300]  }
0x5f: {  	v7 =	vld [tilespmem:s29+$0x310]  }
.Ltmp0:
0x60: {  	v10 =	vld [tilespmem:s29+$0x320];
	(pc) =	sbr.rel @p0 .LBB2_3-.Ltmp0, $4  }
0x61: {  	v9 =	vld [tilespmem:s29+$0x330]  }
0x62: {  	v8 =	vld [tilespmem:s29+$0x340]  }
0x63: {  	v12 =	vadd.f32 v12, v6;
	v6 =	vld [tilespmem:s29+$0x350]  }
0x64: {  	s4 =	sadd.s32 $0x200, s4;
	v11 =	vadd.f32 v11, v7;
	v7 =	vld [tilespmem:s29+$0x360]  }
0x65: {  	[tilespmem:s29+$0x300] =	vst v12;
	v5 =	vadd.f32 v5, v10;
	v10 =	vld [tilespmem:s29+$0x370]  }
0x66: {  	[tilespmem:s29+$0x310] =	vst v11;
	v4 =	vadd.f32 v4, v9  }
0x67: {  	[tilespmem:s29+$0x320] =	vst v5;
	v3 =	vadd.f32 v3, v8  }
0x68: {  	[tilespmem:s29+$0x330] =	vst v4;
	v2 =	vadd.f32 v2, v6  }
0x69: {  	[tilespmem:s29+$0x340] =	vst v3;
	v1 =	vadd.f32 v1, v7  }
0x6a: {  	s4 =	sadd.s32 s9, s24;
	[tilespmem:s29+$0x350] =	vst v2;
	v0 =	vadd.f32 v0, v10  }
0x6b: {  	s4 =	sshll.u32 s4, $0x4;
	[tilespmem:s29+$0x360] =	vst v1  }
0x6c: {  	s6 =	simm.s32 $0x0;
	s4 =	sadd.s32 s8, s4;
	[tilespmem:s29+$0x370] =	vst v0  }
0x6d: {  	[hbm4b:s4+s6] =	stream.linear.scatter [tilespmem:s23], [sflag:$0x7], $0x2800, $0x38;
	[tilespmem:$0xF300] =	vst v63  }
0x6e: {  	s4 =	sadd.s32 s24, s15;
	_ =	swait.ge [sflag:s20], $0x2800  }
0x6f: {  	s4 =	sshrl.u32 s4, $0x3;
	[sflag:s20] =	ssyncset.done $0x0  }
0x70: {  	s29 =	sadd.s32 s5, s4;
	[sflag:s20] =	ssyncadd.s32 $0xFFFFD800  }
0x71: {  	[tilespmem:s6], [sflag:$0x7] =	stream.linear.gather [hbm4b:s29+s6], $0x50, $0x38;
	[tilespmem:$0xF300] =	vst v63  }
0x72: {  	_ =	swait.ge [sflag:s20], $0x50  }
0x73: {  	[sflag:s20] =	ssyncset.done $0x0  }
0x74: {  	s4 =	sadd.s32 s7, s4;
	[sflag:s20] =	ssyncadd.s32 $0xFFFFFFB0  }
0x75: {  	[tilespmem:s21], [sflag:$0x7] =	stream.linear.gather [hbm4b:s4+s6], $0x50, $0x38;
	[tilespmem:$0xF300] =	vst v63  }
0x76: {  	_ =	swait.ge [sflag:s20], $0x50  }
0x77: {  	[sflag:s20] =	ssyncset.done $0x0  }
0x78: {  	[sflag:s20] =	ssyncadd.s32 $0xFFFFFFB0  }
0x79: {  	[tilespmem:s23], [sflag:$0x1] =	stream.indirect.gather [hbm4b:s1+s22], $0x80, s6, s22, $0xb8;
	[tilespmem:$0xF300] =	vst v63  }
0x7a: {  	s6 =	simm.s32 $0x2B00  }
0x7b: {  	[tilespmem:s6], [sflag:$0x2] =	stream.indirect.gather [hbm4b:s2+s22], $0x80, s21, s22, $0xb8;
	[tilespmem:$0xF300] =	vst v63  }
0x7c: {  	_ =	swait.ge [sflag:s12], $0x2800  }
0x7d: {  	[sflag:s12] =	ssyncset.done $0x0  }
0x7e: {  	[sflag:s12] =	ssyncadd.s32 $0xFFFFD800  }
0x7f: {  	_ =	swait.ge [sflag:s13], $0x2800  }
0x80: {  	[sflag:s13] =	ssyncset.done $0x0  }
0x81: {  	s29 =	simm.s32 $0x0;
	[sflag:s13] =	ssyncadd.s32 $0xFFFFD800  }
0x82: {  	v7 =	vld [tilespmem:s29+$0x7B00]  }
0x83: {  	v11 =	vld [tilespmem:s29+$0x7B10]  }
0x84: {  	v5 =	vld [tilespmem:s29+$0x7B20]  }
0x85: {  	v4 =	vld [tilespmem:s29+$0x7B30]  }
0x86: {  	v3 =	vld [tilespmem:s29+$0x7B40]  }
0x87: {  	v2 =	vld [tilespmem:s29+$0x7B50]  }
0x88: {  	v1 =	vld [tilespmem:s29+$0x7B60]  }
0x89: {  	v0 =	vld [tilespmem:s29+$0x7B70]  }
0x8a: {  	v12 =	vld [tilespmem:s29+$0x5300]  }
0x8b: {  	v13 =	vld [tilespmem:s29+$0x5310]  }
0x8c: {  	v10 =	vld [tilespmem:s29+$0x5320]  }
0x8d: {  	v9 =	vld [tilespmem:s29+$0x5330]  }
0x8e: {  	v8 =	vld [tilespmem:s29+$0x5340]  }
0x8f: {  	v6 =	vld [tilespmem:s29+$0x5350];
	v12 =	vadd.f32 v7, v12  }
0x90: {  	s4 =	simm.s32 $0x200;
	v11 =	vadd.f32 v11, v13;
	v7 =	vld [tilespmem:s29+$0x5360]  }
.LBB2_5:
0x91: {  	s6 =	sshra.s32 s4, $0x2;
	p0 =	sne.s32 s4, $0x9E00;
	[tilespmem:s29+$0x5300] =	vst v12;
	v5 =	vadd.f32 v5, v10;
	v10 =	vld [tilespmem:s29+$0x5370]  }
0x92: {  	v12 =	vld [tilespmem:s6+$0x7B00];
	[tilespmem:s29+$0x5310] =	vst v11;
	v4 =	vadd.f32 v4, v9  }
0x93: {  	v11 =	vld [tilespmem:s6+$0x7B10];
	[tilespmem:s29+$0x5320] =	vst v5;
	v3 =	vadd.f32 v3, v8  }
0x94: {  	v5 =	vld [tilespmem:s6+$0x7B20];
	[tilespmem:s29+$0x5330] =	vst v4;
	v2 =	vadd.f32 v2, v6  }
0x95: {  	v4 =	vld [tilespmem:s6+$0x7B30];
	[tilespmem:s29+$0x5340] =	vst v3;
	v1 =	vadd.f32 v1, v7  }
0x96: {  	v3 =	vld [tilespmem:s6+$0x7B40];
	[tilespmem:s29+$0x5350] =	vst v2;
	v0 =	vadd.f32 v0, v10  }
0x97: {  	v2 =	vld [tilespmem:s6+$0x7B50];
	[tilespmem:s29+$0x5360] =	vst v1  }
0x98: {  	v1 =	vld [tilespmem:s6+$0x7B60];
	[tilespmem:s29+$0x5370] =	vst v0;
	s29 =	smov.u32 s6  }
0x99: {  	v0 =	vld [tilespmem:s29+$0x7B70]  }
0x9a: {  	v6 =	vld [tilespmem:s29+$0x5300]  }
0x9b: {  	v7 =	vld [tilespmem:s29+$0x5310]  }
.Ltmp1:
0x9c: {  	v10 =	vld [tilespmem:s29+$0x5320];
	(pc) =	sbr.rel @p0 .LBB2_5-.Ltmp1, $4  }
0x9d: {  	v9 =	vld [tilespmem:s29+$0x5330]  }
0x9e: {  	v8 =	vld [tilespmem:s29+$0x5340]  }
0x9f: {  	v12 =	vadd.f32 v12, v6;
	v6 =	vld [tilespmem:s29+$0x5350]  }
0xa0: {  	s4 =	sadd.s32 $0x200, s4;
	v11 =	vadd.f32 v11, v7;
	v7 =	vld [tilespmem:s29+$0x5360]  }
0xa1: {  	[tilespmem:s29+$0x5300] =	vst v12;
	v5 =	vadd.f32 v5, v10;
	v10 =	vld [tilespmem:s29+$0x5370]  }
0xa2: {  	[tilespmem:s29+$0x5310] =	vst v11;
	v4 =	vadd.f32 v4, v9  }
0xa3: {  	[tilespmem:s29+$0x5320] =	vst v5;
	v3 =	vadd.f32 v3, v8  }
0xa4: {  	[tilespmem:s29+$0x5330] =	vst v4;
	v2 =	vadd.f32 v2, v6  }
0xa5: {  	[tilespmem:s29+$0x5340] =	vst v3;
	v1 =	vadd.f32 v1, v7  }
0xa6: {  	s4 =	sadd.s32 s24, s14;
	[tilespmem:s29+$0x5350] =	vst v2;
	v0 =	vadd.f32 v0, v10  }
0xa7: {  	s4 =	sshll.u32 s4, $0x4;
	[tilespmem:s29+$0x5360] =	vst v1  }
0xa8: {  	s6 =	simm.s32 $0x0;
	s4 =	sadd.s32 s8, s4;
	[tilespmem:s29+$0x5370] =	vst v0  }
0xa9: {  	[hbm4b:s4+s6] =	stream.linear.scatter [tilespmem:s28], [sflag:$0x7], $0x2800, $0x38;
	[tilespmem:$0xF300] =	vst v63  }
0xaa: {  	s24 =	sadd.s32 s24, s16;
	_ =	swait.ge [sflag:s20], $0x2800  }
0xab: {  	s4 =	sshrl.u32 s24, $0x3;
	[sflag:s20] =	ssyncset.done $0x0  }
0xac: {  	s29 =	sadd.s32 s5, s4;
	[sflag:s20] =	ssyncadd.s32 $0xFFFFD800  }
0xad: {  	[tilespmem:s25], [sflag:$0x7] =	stream.linear.gather [hbm4b:s29+s6], $0x50, $0x38;
	[tilespmem:$0xF300] =	vst v63  }
0xae: {  	_ =	swait.ge [sflag:s20], $0x50  }
0xaf: {  	[sflag:s20] =	ssyncset.done $0x0  }
0xb0: {  	s4 =	sadd.s32 s7, s4;
	[sflag:s20] =	ssyncadd.s32 $0xFFFFFFB0  }
0xb1: {  	[tilespmem:s26], [sflag:$0x7] =	stream.linear.gather [hbm4b:s4+s6], $0x50, $0x38;
	[tilespmem:$0xF300] =	vst v63  }
0xb2: {  	_ =	swait.ge [sflag:s20], $0x50  }
0xb3: {  	[sflag:s20] =	ssyncset.done $0x0  }
0xb4: {  	[sflag:s20] =	ssyncadd.s32 $0xFFFFFFB0  }
0xb5: {  	[tilespmem:s28], [sflag:$0x3] =	stream.indirect.gather [hbm4b:s1+s22], $0x80, s25, s22, $0xb8;
	[tilespmem:$0xF300] =	vst v63  }
0xb6: {  	s29 =	simm.s32 $0x7B00  }
0xb7: {  	[tilespmem:s29], [sflag:$0x4] =	stream.indirect.gather [hbm4b:s2+s22], $0x80, s26, s22, $0xb8;
	[tilespmem:$0xF300] =	vst v63  }
0xb8: {  	_ =	swait.ge [sflag:s17], $0x2800  }
0xb9: {  	[sflag:s17] =	ssyncset.done $0x0  }
0xba: {  	[sflag:s17] =	ssyncadd.s32 $0xFFFFD800  }
0xbb: {  	_ =	swait.ge [sflag:s18], $0x2800  }
0xbc: {  	[sflag:s18] =	ssyncset.done $0x0  }
0xbd: {  	s24 =	simm.s32 $0x0;
	[sflag:s18] =	ssyncadd.s32 $0xFFFFD800  }
0xbe: {  	v7 =	vld [tilespmem:s24+$0xCB00]  }
0xbf: {  	v11 =	vld [tilespmem:s24+$0xCB10]  }
0xc0: {  	v5 =	vld [tilespmem:s24+$0xCB20]  }
0xc1: {  	v4 =	vld [tilespmem:s24+$0xCB30]  }
0xc2: {  	v3 =	vld [tilespmem:s24+$0xCB40]  }
0xc3: {  	v2 =	vld [tilespmem:s24+$0xCB50]  }
0xc4: {  	v1 =	vld [tilespmem:s24+$0xCB60]  }
0xc5: {  	v0 =	vld [tilespmem:s24+$0xCB70]  }
0xc6: {  	v12 =	vld [tilespmem:s24+$0xA300]  }
0xc7: {  	v13 =	vld [tilespmem:s24+$0xA310]  }
0xc8: {  	v10 =	vld [tilespmem:s24+$0xA320]  }
0xc9: {  	v9 =	vld [tilespmem:s24+$0xA330]  }
0xca: {  	v8 =	vld [tilespmem:s24+$0xA340]  }
0xcb: {  	v6 =	vld [tilespmem:s24+$0xA350];
	v12 =	vadd.f32 v7, v12  }
0xcc: {  	s4 =	simm.s32 $0x200;
	v11 =	vadd.f32 v11, v13;
	v7 =	vld [tilespmem:s24+$0xA360]  }
.LBB2_7:
0xcd: {  	s6 =	sshra.s32 s4, $0x2;
	p0 =	sne.s32 s4, $0x9E00;
	[tilespmem:s24+$0xA300] =	vst v12;
	v5 =	vadd.f32 v5, v10;
	v10 =	vld [tilespmem:s24+$0xA370]  }
0xce: {  	v12 =	vld [tilespmem:s6+$0xCB00];
	[tilespmem:s24+$0xA310] =	vst v11;
	v4 =	vadd.f32 v4, v9  }
0xcf: {  	v11 =	vld [tilespmem:s6+$0xCB10];
	[tilespmem:s24+$0xA320] =	vst v5;
	v3 =	vadd.f32 v3, v8  }
0xd0: {  	v5 =	vld [tilespmem:s6+$0xCB20];
	[tilespmem:s24+$0xA330] =	vst v4;
	v2 =	vadd.f32 v2, v6  }
0xd1: {  	v4 =	vld [tilespmem:s6+$0xCB30];
	[tilespmem:s24+$0xA340] =	vst v3;
	v1 =	vadd.f32 v1, v7  }
0xd2: {  	v3 =	vld [tilespmem:s6+$0xCB40];
	[tilespmem:s24+$0xA350] =	vst v2;
	v0 =	vadd.f32 v0, v10  }
0xd3: {  	v2 =	vld [tilespmem:s6+$0xCB50];
	[tilespmem:s24+$0xA360] =	vst v1  }
0xd4: {  	v1 =	vld [tilespmem:s6+$0xCB60];
	[tilespmem:s24+$0xA370] =	vst v0;
	s24 =	smov.u32 s6  }
0xd5: {  	v0 =	vld [tilespmem:s24+$0xCB70]  }
0xd6: {  	v6 =	vld [tilespmem:s24+$0xA300]  }
0xd7: {  	v7 =	vld [tilespmem:s24+$0xA310]  }
.Ltmp2:
0xd8: {  	v10 =	vld [tilespmem:s24+$0xA320];
	(pc) =	sbr.rel @p0 .LBB2_7-.Ltmp2, $4  }
0xd9: {  	v9 =	vld [tilespmem:s24+$0xA330]  }
0xda: {  	v8 =	vld [tilespmem:s24+$0xA340]  }
0xdb: {  	v12 =	vadd.f32 v12, v6;
	v6 =	vld [tilespmem:s24+$0xA350]  }
0xdc: {  	s4 =	sadd.s32 $0x200, s4;
	v11 =	vadd.f32 v11, v7;
	v7 =	vld [tilespmem:s24+$0xA360]  }
0xdd: {  	[tilespmem:s24+$0xA300] =	vst v12;
	v5 =	vadd.f32 v5, v10;
	v63 =	vld [tilespmem:s24+$0xA370]  }
0xde: {  	[tilespmem:s24+$0xA310] =	vst v11;
	v4 =	vadd.f32 v4, v9  }
0xdf: {  	[tilespmem:s24+$0xA320] =	vst v5;
	v3 =	vadd.f32 v3, v8  }
0xe0: {  	[tilespmem:s24+$0xA330] =	vst v4;
	v2 =	vadd.f32 v2, v6  }
0xe1: {  	[tilespmem:s24+$0xA340] =	vst v3;
	v1 =	vadd.f32 v1, v7  }
0xe2: {  	s19 =	sadd.s32 $0x1, s19;
	[tilespmem:s24+$0xA350] =	vst v2;
	v0 =	vadd.f32 v0, v63  }
0xe3: {  	s3 =	sshll.u32 s3, $0x4;
	p0 =	sne.s32 s19, $0x29;
	[tilespmem:s24+$0xA360] =	vst v1  }
.Ltmp3:
0xe4: {  	s3 =	sadd.s32 s8, s3;
	[tilespmem:s24+$0xA370] =	vst v0;
	s24 =	simm.s32 $0x0;
	(pc) =	sbr.rel @p0 .LBB2_2-.Ltmp3, $4  }
0xe5: {  	[hbm4b:s3+s24] =	stream.linear.scatter [tilespmem:s0], [sflag:$0x7], $0x2800, $0x38;
	[tilespmem:$0xF300] =	vst v63  }
0xe6: {  	_ =	swait.ge [sflag:s20], $0x2800  }
0xe7: {  	[sflag:s20] =	ssyncset.done $0x0  }
0xe8: {  	[sflag:s20] =	ssyncadd.s32 $0xFFFFD800  }
0xe9: {  	_ =	swait.ge [sflag:s10], $0x2800  }
0xea: {  	[sflag:s10] =	ssyncset.done $0x0  }
0xeb: {  	[sflag:s10] =	ssyncadd.s32 $0xFFFFD800  }
0xec: {  	_ =	swait.ge [sflag:s11], $0x2800  }
0xed: {  	[sflag:s11] =	ssyncset.done $0x0  }
0xee: {  	s3 =	simm.s32 $0x0;
	[sflag:s11] =	ssyncadd.s32 $0xFFFFD800  }
0xef: {  	v7 =	vld [tilespmem:s3+$0x2B00]  }
0xf0: {  	v11 =	vld [tilespmem:s3+$0x2B10]  }
0xf1: {  	v5 =	vld [tilespmem:s3+$0x2B20]  }
0xf2: {  	v4 =	vld [tilespmem:s3+$0x2B30]  }
0xf3: {  	v3 =	vld [tilespmem:s3+$0x2B40]  }
0xf4: {  	v2 =	vld [tilespmem:s3+$0x2B50]  }
0xf5: {  	v1 =	vld [tilespmem:s3+$0x2B60]  }
0xf6: {  	v0 =	vld [tilespmem:s3+$0x2B70]  }
0xf7: {  	v12 =	vld [tilespmem:s3+$0x300]  }
0xf8: {  	v13 =	vld [tilespmem:s3+$0x310]  }
0xf9: {  	v10 =	vld [tilespmem:s3+$0x320]  }
0xfa: {  	v9 =	vld [tilespmem:s3+$0x330]  }
0xfb: {  	v8 =	vld [tilespmem:s3+$0x340]  }
0xfc: {  	v6 =	vld [tilespmem:s3+$0x350];
	v12 =	vadd.f32 v7, v12  }
0xfd: {  	s4 =	simm.s32 $0x200;
	v11 =	vadd.f32 v11, v13;
	v7 =	vld [tilespmem:s3+$0x360]  }
.LBB2_10:
0xfe: {  	s6 =	sshra.s32 s4, $0x2;
	p0 =	sne.s32 s4, $0x9E00;
	[tilespmem:s3+$0x300] =	vst v12;
	v5 =	vadd.f32 v5, v10;
	v10 =	vld [tilespmem:s3+$0x370]  }
0xff: {  	v12 =	vld [tilespmem:s6+$0x2B00];
	[tilespmem:s3+$0x310] =	vst v11;
	v4 =	vadd.f32 v4, v9  }
0x100: {  	v11 =	vld [tilespmem:s6+$0x2B10];
	[tilespmem:s3+$0x320] =	vst v5;
	v3 =	vadd.f32 v3, v8  }
0x101: {  	v5 =	vld [tilespmem:s6+$0x2B20];
	[tilespmem:s3+$0x330] =	vst v4;
	v2 =	vadd.f32 v2, v6  }
0x102: {  	v4 =	vld [tilespmem:s6+$0x2B30];
	[tilespmem:s3+$0x340] =	vst v3;
	v1 =	vadd.f32 v1, v7  }
0x103: {  	v3 =	vld [tilespmem:s6+$0x2B40];
	[tilespmem:s3+$0x350] =	vst v2;
	v0 =	vadd.f32 v0, v10  }
0x104: {  	v2 =	vld [tilespmem:s6+$0x2B50];
	[tilespmem:s3+$0x360] =	vst v1  }
0x105: {  	v1 =	vld [tilespmem:s6+$0x2B60];
	[tilespmem:s3+$0x370] =	vst v0;
	s3 =	smov.u32 s6  }
0x106: {  	v0 =	vld [tilespmem:s3+$0x2B70]  }
0x107: {  	v6 =	vld [tilespmem:s3+$0x300]  }
0x108: {  	v7 =	vld [tilespmem:s3+$0x310]  }
.Ltmp4:
0x109: {  	v10 =	vld [tilespmem:s3+$0x320];
	(pc) =	sbr.rel @p0 .LBB2_10-.Ltmp4, $4  }
0x10a: {  	v9 =	vld [tilespmem:s3+$0x330]  }
0x10b: {  	v8 =	vld [tilespmem:s3+$0x340]  }
0x10c: {  	v12 =	vadd.f32 v12, v6;
	v6 =	vld [tilespmem:s3+$0x350]  }
0x10d: {  	s4 =	sadd.s32 $0x200, s4;
	v11 =	vadd.f32 v11, v7;
	v7 =	vld [tilespmem:s3+$0x360]  }
0x10e: {  	[tilespmem:s3+$0x300] =	vst v12;
	v5 =	vadd.f32 v5, v10;
	v10 =	vld [tilespmem:s3+$0x370]  }
0x10f: {  	[tilespmem:s3+$0x310] =	vst v11;
	v4 =	vadd.f32 v4, v9  }
0x110: {  	[tilespmem:s3+$0x320] =	vst v5;
	v3 =	vadd.f32 v3, v8  }
0x111: {  	[tilespmem:s3+$0x330] =	vst v4;
	v2 =	vadd.f32 v2, v6  }
0x112: {  	[tilespmem:s3+$0x340] =	vst v3;
	v1 =	vadd.f32 v1, v7  }
0x113: {  	[tilespmem:s3+$0x350] =	vst v2;
	v0 =	vadd.f32 v0, v10  }
0x114: {  	[tilespmem:s3+$0x360] =	vst v1  }
0x115: {  	s29 =	simm.s32 $0x0;
	s4 =	rddreg [dreg:$0x9];
	[tilespmem:s3+$0x370] =	vst v0  }
0x116: {  	[hbm4b:s4+s29] =	stream.linear.scatter [tilespmem:s23], [sflag:$0x7], $0x2800, $0x38;
	[tilespmem:$0xF300] =	vst v63  }
0x117: {  	_ =	swait.ge [sflag:s20], $0x2800  }
0x118: {  	[sflag:s20] =	ssyncset.done $0x0  }
0x119: {  	[sflag:s20] =	ssyncadd.s32 $0xFFFFD800  }
0x11a: {  	_ =	swait.ge [sflag:s12], $0x2800  }
0x11b: {  	[sflag:s12] =	ssyncset.done $0x0  }
0x11c: {  	[sflag:s12] =	ssyncadd.s32 $0xFFFFD800  }
0x11d: {  	_ =	swait.ge [sflag:s13], $0x2800  }
0x11e: {  	[sflag:s13] =	ssyncset.done $0x0  }
0x11f: {  	s3 =	simm.s32 $0x0;
	[sflag:s13] =	ssyncadd.s32 $0xFFFFD800  }
0x120: {  	v7 =	vld [tilespmem:s3+$0x7B00]  }
0x121: {  	v11 =	vld [tilespmem:s3+$0x7B10]  }
0x122: {  	v5 =	vld [tilespmem:s3+$0x7B20]  }
0x123: {  	v4 =	vld [tilespmem:s3+$0x7B30]  }
0x124: {  	v3 =	vld [tilespmem:s3+$0x7B40]  }
0x125: {  	v2 =	vld [tilespmem:s3+$0x7B50]  }
0x126: {  	v1 =	vld [tilespmem:s3+$0x7B60]  }
0x127: {  	v0 =	vld [tilespmem:s3+$0x7B70]  }
0x128: {  	v12 =	vld [tilespmem:s3+$0x5300]  }
0x129: {  	v13 =	vld [tilespmem:s3+$0x5310]  }
0x12a: {  	v10 =	vld [tilespmem:s3+$0x5320]  }
0x12b: {  	v9 =	vld [tilespmem:s3+$0x5330]  }
0x12c: {  	v8 =	vld [tilespmem:s3+$0x5340]  }
0x12d: {  	v6 =	vld [tilespmem:s3+$0x5350];
	v12 =	vadd.f32 v7, v12  }
0x12e: {  	s4 =	simm.s32 $0x200;
	v11 =	vadd.f32 v11, v13;
	v7 =	vld [tilespmem:s3+$0x5360]  }
.LBB2_12:
0x12f: {  	s6 =	sshra.s32 s4, $0x2;
	p0 =	sne.s32 s4, $0x9E00;
	[tilespmem:s3+$0x5300] =	vst v12;
	v5 =	vadd.f32 v5, v10;
	v10 =	vld [tilespmem:s3+$0x5370]  }
0x130: {  	v12 =	vld [tilespmem:s6+$0x7B00];
	[tilespmem:s3+$0x5310] =	vst v11;
	v4 =	vadd.f32 v4, v9  }
0x131: {  	v11 =	vld [tilespmem:s6+$0x7B10];
	[tilespmem:s3+$0x5320] =	vst v5;
	v3 =	vadd.f32 v3, v8  }
0x132: {  	v5 =	vld [tilespmem:s6+$0x7B20];
	[tilespmem:s3+$0x5330] =	vst v4;
	v2 =	vadd.f32 v2, v6  }
0x133: {  	v4 =	vld [tilespmem:s6+$0x7B30];
	[tilespmem:s3+$0x5340] =	vst v3;
	v1 =	vadd.f32 v1, v7  }
0x134: {  	v3 =	vld [tilespmem:s6+$0x7B40];
	[tilespmem:s3+$0x5350] =	vst v2;
	v0 =	vadd.f32 v0, v10  }
0x135: {  	v2 =	vld [tilespmem:s6+$0x7B50];
	[tilespmem:s3+$0x5360] =	vst v1  }
0x136: {  	v1 =	vld [tilespmem:s6+$0x7B60];
	[tilespmem:s3+$0x5370] =	vst v0;
	s3 =	smov.u32 s6  }
0x137: {  	v0 =	vld [tilespmem:s3+$0x7B70]  }
0x138: {  	v6 =	vld [tilespmem:s3+$0x5300]  }
0x139: {  	v7 =	vld [tilespmem:s3+$0x5310]  }
.Ltmp5:
0x13a: {  	v10 =	vld [tilespmem:s3+$0x5320];
	(pc) =	sbr.rel @p0 .LBB2_12-.Ltmp5, $4  }
0x13b: {  	v9 =	vld [tilespmem:s3+$0x5330]  }
0x13c: {  	v8 =	vld [tilespmem:s3+$0x5340]  }
0x13d: {  	v12 =	vadd.f32 v12, v6;
	v6 =	vld [tilespmem:s3+$0x5350]  }
0x13e: {  	s4 =	sadd.s32 $0x200, s4;
	v11 =	vadd.f32 v11, v7;
	v7 =	vld [tilespmem:s3+$0x5360]  }
0x13f: {  	[tilespmem:s3+$0x5300] =	vst v12;
	v5 =	vadd.f32 v5, v10;
	v63 =	vld [tilespmem:s3+$0x5370]  }
0x140: {  	[tilespmem:s3+$0x5310] =	vst v11;
	v4 =	vadd.f32 v4, v9  }
0x141: {  	[tilespmem:s3+$0x5320] =	vst v5;
	v3 =	vadd.f32 v3, v8  }
0x142: {  	[tilespmem:s3+$0x5330] =	vst v4;
	v2 =	vadd.f32 v2, v6  }
0x143: {  	[tilespmem:s3+$0x5340] =	vst v3;
	v1 =	vadd.f32 v1, v7  }
0x144: {  	[tilespmem:s3+$0x5350] =	vst v2;
	v0 =	vadd.f32 v0, v63  }
0x145: {  	[tilespmem:s3+$0x5360] =	vst v1  }
0x146: {  	s19 =	rddreg [dreg:$0xa];
	[tilespmem:s3+$0x5370] =	vst v0  }
0x147: {  	[hbm4b:s19+s24] =	stream.linear.scatter [tilespmem:s28], [sflag:$0x7], $0x2800, $0x38;
	[tilespmem:$0xF300] =	vst v63  }
0x148: {  	_ =	swait.ge [sflag:s20], $0x2800  }
0x149: {  	s4 =	rddreg [dreg:$0xc]  }
0x14a: {  	s29 =	rddreg [dreg:$0xb];
	s4 =	sadd.s32 $0x1, s4  }
0x14b: {  	p0 =	sne.s32 s4, s29  }
.Ltmp6:
0x14c: {  	_ = 	snop;
	(pc) =	sbr.rel @p0 .LBB2_1-.Ltmp6, $3  }
0x14d: {  	_ =	sdelay $0x1  }
0x14e: {  	[sflag:s20] =	ssyncset.done $0x0  }
0x14f: {  	[sflag:s20] =	ssyncadd.s32 $0xFFFFD800  }
0x150: {  	_ =	sfence.sel $0x180000  }
0x151: {  	[bflag:$0x0] =	sbarrier.arrive $0xFFFF  }
0x152: {  	_ =	strace $0x90000047  }
0x153: {  	s0 =	stileid.u32;
	[bflag:$0x2] =	sbarrier.arrive $0xFFFF  }
0x154: {  	p0 =	sne.s32 s0, $0x0;
	s0 =	rddreg [dreg:$0x3]  }
0x155: {  	s0 =	sadd.s32 @!p0 $0x100000, s0  }
0x156: {  	[sflag:s0] =	ssyncadd.tile.s32 @!p0 $0x1;
	_ =	shalt  }
.Lfunc_end2:
_tile_overlayer_lowered:
.L_overlay_start_2:
0x157: {  	(tag) =	ssettag $0x2  }
0x158: {  	s0 =	rddreg [dreg:$0x0];
	s2 =	stileid.u32  }
0x159: {  	s1 =	rddreg [dreg:$0x1];
	p0 =	sne.s32 s2, $0x0  }
0x15a: {  	s3 =	rddreg [dreg:$0x2];
	[bflag:$0x3] =	sbarrier.arrive $0xFFFF;
	s2 =	simm.s32 @!p0 $0x1C07  }
0x15b: {  	[timem:s3], [sflag:s2] =	dma.local @!p0 [hbm:s0], s1  }
0x15c: {  	s0 =	simm.s32 @!p0 $0x7  }
0x15d: {  	_ =	swait.ge @!p0 [sflag:s0], s1  }
0x15e: {  	s1 =	ssub.s32 @!p0 $0x0, s1;
	[sflag:s0] =	ssyncset.done @!p0 $0x0  }
0x15f: {  	[sflag:s0] =	ssyncadd.s32 @!p0 s1  }
0x160: {  	[bflag:$0x3] =	sbarrier.arrive $0xFFFF  }
0x161: {  	_ =	shalt  }

</sc_bundles>
